<compile_context>
chip_gen: v7x
topology: tpu7x:2x2x1
jax: 0.10.2.dev20260603
libtpu: 0.0.44.dev20260713+nightly
codegen_flags: <defaults>
</compile_context>

<pallas_src>
import functools

import jax
import jax.numpy as jnp
from jax import lax
from jax.experimental import pallas as pl
from jax.experimental.pallas import tpu as pltpu, tpu_sc as plsc

B, D, LTM, M, CD = 4096, 256, 256, 100000, 8
AUG = LTM + 128
BM = 512


def _mlp_body(keys_ref, vals_ref, w1a_ref, w1b_ref, b1_ref, w2_ref, b2_ref,
              c1_ref, cb1_ref, c2_ref, cb2_ref, c3_ref, cb3_ref, aug_ref):
    k = keys_ref[...]
    v = vals_ref[...]
    h = jnp.maximum(
        jnp.dot(k, w1a_ref[...], preferred_element_type=jnp.float32)
        + jnp.dot(v, w1b_ref[...], preferred_element_type=jnp.float32)
        + b1_ref[...], 0.0)
    cons = jnp.dot(h, w2_ref[...], preferred_element_type=jnp.float32) + b2_ref[...]
    ck = jnp.maximum(jnp.dot(k, c1_ref[...], preferred_element_type=jnp.float32) + cb1_ref[...], 0.0)
    ck = jnp.maximum(jnp.dot(ck, c2_ref[...], preferred_element_type=jnp.float32) + cb2_ref[...], 0.0)
    comp = jnp.dot(ck, c3_ref[...], preferred_element_type=jnp.float32) + cb3_ref[...]
    aug_ref[...] = jnp.concatenate(
        [cons, comp, jnp.zeros((BM, AUG - LTM - CD), jnp.float32)], axis=1)


def _tc_mlp(keys, values, W1, b1, W2, b2, C1, cb1, C2, cb2, C3, cb3):
    full = lambda shape: pl.BlockSpec(shape, lambda i: (0, 0))
    return pl.pallas_call(
        _mlp_body,
        grid=(B // BM,),
        in_specs=[
            pl.BlockSpec((BM, D), lambda i: (i, 0)),
            pl.BlockSpec((BM, D), lambda i: (i, 0)),
            full((D, LTM)), full((D, LTM)), full((1, LTM)),
            full((LTM, LTM)), full((1, LTM)),
            full((D, D // 2)), full((1, D // 2)),
            full((D // 2, D // 4)), full((1, D // 4)),
            full((D // 4, CD)), full((1, CD)),
        ],
        out_specs=pl.BlockSpec((BM, AUG), lambda i: (i, 0)),
        out_shape=jax.ShapeDtypeStruct((B, AUG), jnp.float32),
    )(keys, values, W1[:D], W1[D:], b1.reshape(1, -1), W2, b2.reshape(1, -1),
      C1, cb1.reshape(1, -1), C2, cb2.reshape(1, -1), C3, cb3.reshape(1, -1))


SC_R = 200
SC_NW = 32
SC_NSUB = M // SC_R
SC_BASE = SC_NSUB // SC_NW
SC_EXTRA = SC_NSUB % SC_NW
SC_SG = 16
SC_GD = 8
PADL = 4112
RZCAP = 256


def _sc_body(aug_hbm, idx_hbm, mem_out, ki_out,
             idx_v, mlist, bsub, lsub, gbuf, st_a, st_b, sk_a, sk_b,
             rzl_a, rzl_b, rzn_a, rzn_b, gsem, osem_a, osem_b):
    wid = lax.axis_index("s") * 2 + lax.axis_index("c")
    lanes = lax.iota(jnp.int32, 16)
    zero16 = jnp.zeros((16,), jnp.float32)
    izero16 = jnp.zeros((16,), jnp.int32)
    nt = jnp.where(wid < SC_EXTRA, SC_BASE + 1, SC_BASE)

    def z_b(j, _):
        bsub[pl.ds(j * 16, 16)] = izero16
        return 0
    lax.fori_loop(0, PADL // 16, z_b, 0)
    rzn_a[pl.ds(0, 16)] = izero16 + (RZCAP + 1)
    rzn_b[pl.ds(0, 16)] = izero16 + (RZCAP + 1)

    pltpu.sync_copy(idx_hbm, idx_v)

    def bin_body(v, cnt):
        iv = idx_v[pl.ds(v * 16, 16)]
        sv = iv // SC_R
        m = (sv & (SC_NW - 1)) == wid
        enc = sv * 1048576 + (iv - sv * SC_R) * 4096 + (v * 16 + lanes)
        pos = cnt + plsc.cumsum(m.astype(jnp.int32)) - 1
        pos = jnp.where(m, pos, 0)
        plsc.store_scatter(mlist, [pos], enc, mask=m)
        return cnt + plsc.all_reduce_population_count(m)[0]
    k = lax.fori_loop(0, B // 16, bin_body, 0)
    nvr = (k + 15) // 16

    def do_filt(c):
        def filt(g, cnt2):
            ev = mlist[pl.ds(g * 16, 16)]
            mm = ((g * 16 + lanes) < k) & ((ev >> 20) == c)
            pos = cnt2 + plsc.cumsum(mm.astype(jnp.int32)) - 1
            pos = jnp.where(mm, pos, 0)
            plsc.store_scatter(bsub, [pos], ev & 4095, mask=mm)
            plsc.store_scatter(lsub, [pos], (ev >> 12) & 255, mask=mm)
            return cnt2 + plsc.all_reduce_population_count(mm)[0]
        return lax.fori_loop(0, nvr, filt, 0)

    def fire_g(base, ng):
        def fire(gi, _):
            pltpu.async_copy(
                aug_hbm.at[bsub.at[pl.ds(base + gi * SC_GD, SC_GD)]],
                gbuf.at[pl.ds(gi * SC_GD, SC_GD)], gsem)
            return 0
        lax.fori_loop(0, ng, fire, 0)

    def drain_g(base, ng):
        def drain(gi, _):
            pltpu.make_async_copy(
                aug_hbm.at[bsub.at[pl.ds(base + gi * SC_GD, SC_GD)]],
                gbuf.at[pl.ds(gi * SC_GD, SC_GD)], gsem).wait()
            return 0
        lax.fori_loop(0, ng, drain, 0)

    def half(t, st, sk, osem, rzl, rzn):
        c = wid + SC_NW * t
        kc = do_filt(c)
        ng0 = jnp.minimum((kc + SC_GD - 1) // SC_GD, SC_SG // SC_GD)
        fire_g(0, ng0)

        @pl.when((t >= 2) & (t - 2 < nt))
        def _():
            pltpu.make_async_copy(st, mem_out.at[pl.ds(0, SC_R)], osem).wait()
            pltpu.make_async_copy(sk.at[pl.ds(0, SC_R * CD)],
                                  ki_out.at[pl.ds(0, SC_R * CD)], osem).wait()

        kprev = rzn[pl.ds(0, 16)][0]

        @pl.when(kprev > RZCAP)
        def _():
            def zr(r, _):
                for v in range(LTM // 16):
                    st[r, pl.ds(v * 16, 16)] = zero16
                return 0
            lax.fori_loop(0, SC_R, zr, 0)

            def zk(j, _):
                sk[pl.ds(j * 16, 16)] = zero16
                return 0
            lax.fori_loop(0, SC_R * CD // 16, zk, 0)

        @pl.when(kprev <= RZCAP)
        def _():
            def rz1(jj, _):
                l = rzl[pl.ds(jj, 16)][0]
                for v in range(LTM // 16):
                    st[l, pl.ds(v * 16, 16)] = zero16
                plsc.store_scatter(sk, [l * CD + lanes], zero16,
                                   mask=lanes < CD)
                return 0
            lax.fori_loop(0, kprev, rz1, 0)

        def sg_body(sg, _):
            base = sg * SC_SG
            nrem = jnp.minimum(kc - base, SC_SG)
            ng = (nrem + SC_GD - 1) // SC_GD

            @pl.when(sg > 0)
            def _():
                fire_g(base, ng)
            drain_g(base, ng)

            def place(jj, _):
                l = lsub[pl.ds(base + jj, 16)][0]
                for v in range(LTM // 16):
                    st[l, pl.ds(v * 16, 16)] = gbuf[jj, pl.ds(v * 16, 16)]
                kv = gbuf[jj, pl.ds(LTM, 16)]
                plsc.store_scatter(sk, [l * CD + lanes], kv, mask=lanes < CD)
                return 0
            lax.fori_loop(0, nrem, place, 0)
            return 0
        lax.fori_loop(0, (kc + SC_SG - 1) // SC_SG, sg_body, 0)

        def cpr(i, _):
            rzl[pl.ds(i * 16, 16)] = lsub[pl.ds(i * 16, 16)]
            return 0
        lax.fori_loop(0, (jnp.minimum(kc, RZCAP) + 15) // 16, cpr, 0)
        rzn[pl.ds(0, 16)] = kc + lanes * 0

        @pl.when(t < nt)
        def _():
            pltpu.async_copy(st, mem_out.at[pl.ds(c * SC_R, SC_R)], osem)
            pltpu.async_copy(sk.at[pl.ds(0, SC_R * CD)],
                             ki_out.at[pl.ds(c * SC_R * CD, SC_R * CD)], osem)

    def pair(tp, _):
        half(2 * tp, st_a, sk_a, osem_a, rzl_a, rzn_a)
        half(2 * tp + 1, st_b, sk_b, osem_b, rzl_b, rzn_b)
        return 0
    lax.fori_loop(0, (SC_BASE + 1 + 2 + 1) // 2, pair, 0)


def _sc_scatter(aug, idx):
    f = pl.kernel(
        _sc_body,
        out_type=[jax.ShapeDtypeStruct((M, LTM), jnp.float32),
                  jax.ShapeDtypeStruct((M * CD,), jnp.float32)],
        mesh=plsc.VectorSubcoreMesh(core_axis_name="c", subcore_axis_name="s"),
        compiler_params=pltpu.CompilerParams(needs_layout_passes=False),
        scratch_types=[
            pltpu.VMEM((B,), jnp.int32),
            pltpu.VMEM((PADL,), jnp.int32),
            pltpu.VMEM((PADL,), jnp.int32),
            pltpu.VMEM((PADL,), jnp.int32),
            pltpu.VMEM((SC_SG, AUG), jnp.float32),
            pltpu.VMEM((SC_R, LTM), jnp.float32),
            pltpu.VMEM((SC_R, LTM), jnp.float32),
            pltpu.VMEM((SC_R * CD,), jnp.float32),
            pltpu.VMEM((SC_R * CD,), jnp.float32),
            pltpu.VMEM((RZCAP + 16,), jnp.int32),
            pltpu.VMEM((RZCAP + 16,), jnp.int32),
            pltpu.VMEM((16,), jnp.int32),
            pltpu.VMEM((16,), jnp.int32),
            pltpu.SemaphoreType.DMA,
            pltpu.SemaphoreType.DMA,
            pltpu.SemaphoreType.DMA,
        ],
    )
    nm, nk = f(aug, idx)
    return nm, nk.reshape(M, CD)


def kernel(keys, values, mem, key_index, idx, W1, b1, W2, b2, C1, cb1, C2, cb2, C3, cb3):
    aug = _tc_mlp(keys, values, W1, b1, W2, b2, C1, cb1, C2, cb2, C3, cb3)
    new_mem, new_ki = _sc_scatter(aug, idx)
    return new_mem, new_ki

# --- scband reference (transcript-rebuilt; emitter-appended) ---
"""Pipeline reference for scband-memory-consolidator-16801912062744 (READ-ONLY COPY).

The authoritative reference and input builder live on the scoring server;
editing this copy changes nothing except your own understanding.
"""

import jax, jax.numpy as jnp
import numpy as np

B, D, LTM_DIM, M, CD = 4096, 256, 256, 100000, 8


def setup_inputs(seed: int = 0) -> dict:
    key = jax.random.key(seed)
    ks = jax.random.split(key, 16)
    inp = {}
    inp['keys'] = jax.random.normal(ks[0], (B, D), dtype=jnp.float32)
    inp['values'] = jax.random.normal(ks[1], (B, D), dtype=jnp.float32)
    inp['mem'] = jnp.zeros((M, LTM_DIM), dtype=jnp.float32)
    inp['key_index'] = jnp.zeros((M, CD), dtype=jnp.float32)
    inp['idx'] = jax.random.randint(ks[2], (B,), 0, M, dtype=jnp.int32)
    # consolidation_network: Linear(2D, LTM_DIM) -> ReLU -> Linear(LTM_DIM, LTM_DIM)
    inp['W1'] = jax.random.normal(ks[3], (2 * D, LTM_DIM), dtype=jnp.float32) * 0.02
    inp['b1'] = jnp.zeros((LTM_DIM,), dtype=jnp.float32)
    inp['W2'] = jax.random.normal(ks[4], (LTM_DIM, LTM_DIM), dtype=jnp.float32) * 0.02
    inp['b2'] = jnp.zeros((LTM_DIM,), dtype=jnp.float32)
    # LTM compressor: Linear(D, D//2) -> ReLU -> Linear(D//2, D//4) -> ReLU -> Linear(D//4, CD)
    inp['C1'] = jax.random.normal(ks[5], (D, D // 2), dtype=jnp.float32) * 0.02
    inp['cb1'] = jnp.zeros((D // 2,), dtype=jnp.float32)
    inp['C2'] = jax.random.normal(ks[6], (D // 2, D // 4), dtype=jnp.float32) * 0.02
    inp['cb2'] = jnp.zeros((D // 4,), dtype=jnp.float32)
    inp['C3'] = jax.random.normal(ks[7], (D // 4, CD), dtype=jnp.float32) * 0.02
    inp['cb3'] = jnp.zeros((CD,), dtype=jnp.float32)
    return inp


def reference(keys, values, mem, key_index, idx, W1, b1, W2, b2, C1, cb1, C2, cb2, C3, cb3):
    # MemoryConsolidator.consolidate: combined = cat([key, value], -1); consolidated = consolidation_network(combined)
    combined = jnp.concatenate([keys, values], axis=-1)
    h = jax.nn.relu(combined @ W1 + b1)
    consolidated = h @ W2 + b2
    # LongTermMemory.consolidate: compressed_key = compressor(key); store (scatter-overwrite into memory slots)
    ck = jax.nn.relu(keys @ C1 + cb1)
    ck = jax.nn.relu(ck @ C2 + cb2)
    compressed_key = ck @ C3 + cb3
    new_mem = mem.at[idx].set(consolidated)
    new_key_index = key_index.at[idx].set(compressed_key)
    return new_mem, new_key_index

if __name__ == "__main__":
    import jax
    _d = setup_inputs()
    print(jax.jit(kernel)(*tuple(_d.values())))

</pallas_src>

<mosaic_0001>
#map = affine_map<(d0, d1) -> (0, 0)>
#map1 = affine_map<(d0, d1) -> (0)>
module attributes {stable_mosaic.version = 14 : i64} {
  func.func @_sc_body(%arg0: i32, %arg1: i32, %arg2: memref<4096x384xf32, #tpu.memory_space<hbm>>, %arg3: memref<4096xi32, #tpu.memory_space<hbm>>, %arg4: memref<100000x256xf32, #tpu.memory_space<hbm>>, %arg5: memref<800000xf32, #tpu.memory_space<hbm>>, %arg6: memref<4096xi32, #tpu.memory_space<vmem>>, %arg7: memref<4112xi32, #tpu.memory_space<vmem>>, %arg8: memref<4112xi32, #tpu.memory_space<vmem>>, %arg9: memref<4112xi32, #tpu.memory_space<vmem>>, %arg10: memref<16x384xf32, #tpu.memory_space<vmem>>, %arg11: memref<200x256xf32, #tpu.memory_space<vmem>>, %arg12: memref<200x256xf32, #tpu.memory_space<vmem>>, %arg13: memref<1600xf32, #tpu.memory_space<vmem>>, %arg14: memref<1600xf32, #tpu.memory_space<vmem>>, %arg15: memref<272xi32, #tpu.memory_space<vmem>>, %arg16: memref<272xi32, #tpu.memory_space<vmem>>, %arg17: memref<16xi32, #tpu.memory_space<vmem>>, %arg18: memref<16xi32, #tpu.memory_space<vmem>>, %arg19: memref<!tpu.dma_semaphore, #tpu.memory_space<semaphore_mem>>, %arg20: memref<!tpu.dma_semaphore, #tpu.memory_space<semaphore_mem>>, %arg21: memref<!tpu.dma_semaphore, #tpu.memory_space<semaphore_mem>>) attributes {dimension_semantics = [#tpu.dimension_semantics<core_parallel>, #tpu.dimension_semantics<subcore_parallel>], iteration_bounds = array<i64: 2, 16>, scalar_prefetch = 0 : i64, scratch_operands = 16 : i64, tpu.core_type = #tpu.core_type<sc_vector_subcore>, window_params = [{transform_indices = #map}, {transform_indices = #map1}, {transform_indices = #map}, {transform_indices = #map1}]} {
    %mul3A = arith.constant 2 : i32
    %mul3A_0 = arith.muli %arg1, %mul3A : i32
    %add3A = arith.addi %mul3A_0, %arg0 : i32
    %iota3A = tpu.iota {dimensions = array<i32: 0>} : vector<16xi32>
    %broadcast_in_dim3A = arith.constant 0.000000e+00 : f32
    %broadcast_in_dim3A_1 = vector.broadcast %broadcast_in_dim3A : f32 to vector<16xf32>
    %broadcast_in_dim3A_2 = arith.constant 0 : i32
    %broadcast_in_dim3A_3 = vector.broadcast %broadcast_in_dim3A_2 : i32 to vector<16xi32>
    %lt3A = arith.constant 20 : i32
    %lt3A_4 = arith.cmpi slt, %add3A, %lt3A : i32
    %jit3A = arith.constant 16 : i32
    %jit3A_5 = arith.constant 15 : i32
    %select_n3A = arith.select %lt3A_4, %jit3A, %jit3A_5 : i32
    %scan3A = arith.constant 0 : i32
    %scan3A_6 = arith.constant 0 : i32
    %scan3A_7 = arith.constant 257 : i32
    %scan3A_8 = arith.addi %scan3A_6, %scan3A_7 : i32
    %scan3A_9 = arith.constant 1 : i32
    %scan3A_10 = scf.for %scan3A_55 = %scan3A_6 to %scan3A_8 step %scan3A_9 iter_args(%scan3A_56 = %scan3A) -> (i32)  : i32 {
      %mul3A_57 = arith.constant 16 : i32
      %mul3A_58 = arith.muli %scan3A_55, %mul3A_57 : i32
      %swap3A_59 = arith.index_cast %mul3A_58 : i32 to index
      %swap3A_60 = tpu.vector_load %arg8[%swap3A_59] {strides = array<i32>} : memref<4112xi32, #tpu.memory_space<vmem>>, vector<16xi32>,
      tpu.vector_store %arg8[%swap3A_59], %broadcast_in_dim3A_3 {strides = array<i32>} : memref<4112xi32, #tpu.memory_space<vmem>>, vector<16xi32>,
      %scan3A_61 = arith.constant 0 : i32
      scf.yield %scan3A_61 : i32
    }
    %scan3A_11 = arith.constant 257 : i32
    %add3A_12 = arith.constant 257 : i32
    %add3A_13 = vector.broadcast %add3A_12 : i32 to vector<16xi32>
    %add3A_14 = arith.addi %broadcast_in_dim3A_3, %add3A_13 : vector<16xi32>
    %swap3A = arith.constant 0 : index
    %swap3A_15 = tpu.vector_load %arg17[%swap3A] {strides = array<i32>} : memref<16xi32, #tpu.memory_space<vmem>>, vector<16xi32>,
    tpu.vector_store %arg17[%swap3A], %add3A_14 {strides = array<i32>} : memref<16xi32, #tpu.memory_space<vmem>>, vector<16xi32>,
    %add3A_16 = arith.constant 257 : i32
    %add3A_17 = vector.broadcast %add3A_16 : i32 to vector<16xi32>
    %add3A_18 = arith.addi %broadcast_in_dim3A_3, %add3A_17 : vector<16xi32>
    %swap3A_19 = arith.constant 0 : index
    %swap3A_20 = tpu.vector_load %arg18[%swap3A_19] {strides = array<i32>} : memref<16xi32, #tpu.memory_space<vmem>>, vector<16xi32>,
    tpu.vector_store %arg18[%swap3A_19], %add3A_18 {strides = array<i32>} : memref<16xi32, #tpu.memory_space<vmem>>, vector<16xi32>,
    "tpu.region"() ({
      %run_scoped3A = tpu.sem_alloc : memref<!tpu.dma_semaphore, #tpu.memory_space<semaphore_mem>>
      tpu.enqueue_dma source(%arg3 : memref<4096xi32, #tpu.memory_space<hbm>>) target(%arg6 : memref<4096xi32, #tpu.memory_space<vmem>>) target_semaphore(%run_scoped3A : memref<!tpu.dma_semaphore, #tpu.memory_space<semaphore_mem>>)
      tpu.wait_dma2 semaphore(%run_scoped3A : memref<!tpu.dma_semaphore, #tpu.memory_space<semaphore_mem>>) src(%arg3 : memref<4096xi32, #tpu.memory_space<hbm>>) dst(%arg6 : memref<4096xi32, #tpu.memory_space<vmem>>)
      tpu.yield
    }) : () -> ()
    %scan3A_21 = arith.constant 0 : i32
    %scan3A_22 = arith.constant 0 : i32
    %scan3A_23 = arith.constant 256 : i32
    %scan3A_24 = arith.addi %scan3A_22, %scan3A_23 : i32
    %scan3A_25 = arith.constant 1 : i32
    %scan3A_26 = scf.for %scan3A_55 = %scan3A_22 to %scan3A_24 step %scan3A_25 iter_args(%scan3A_56 = %scan3A_21) -> (i32)  : i32 {
      %mul3A_57 = arith.constant 16 : i32
      %mul3A_58 = arith.muli %scan3A_55, %mul3A_57 : i32
      %get3A = arith.index_cast %mul3A_58 : i32 to index
      %get3A_59 = tpu.vector_load %arg6[%get3A] {strides = array<i32>} : memref<4096xi32, #tpu.memory_space<vmem>>, vector<16xi32>,
      %jit3A_60 = arith.constant 200 : i32
      %div3A_61 = vector.broadcast %jit3A_60 : i32 to vector<16xi32>
      %div3A_62 = arith.divsi %get3A_59, %div3A_61 : vector<16xi32>
      %sign3A_63 = arith.constant 0 : i32
      %sign3A_64 = vector.broadcast %sign3A_63 : i32 to vector<16xi32>
      %sign3A_65 = arith.cmpi sgt, %get3A_59, %sign3A_64 : vector<16xi32>
      %sign3A_66 = arith.extui %sign3A_65 : vector<16xi1> to vector<16xi32>
      %sign3A_67 = arith.constant 0 : i32
      %sign3A_68 = vector.broadcast %sign3A_67 : i32 to vector<16xi32>
      %sign3A_69 = arith.cmpi slt, %get3A_59, %sign3A_68 : vector<16xi32>
      %sign3A_70 = arith.extui %sign3A_69 : vector<16xi1> to vector<16xi32>
      %sign3A_71 = arith.subi %sign3A_66, %sign3A_70 : vector<16xi32>
      %sign3A_72 = arith.constant 0 : i32
      %sign3A_73 = arith.cmpi sgt, %jit3A_60, %sign3A_72 : i32
      %sign3A_74 = arith.extui %sign3A_73 : i1 to i32
      %sign3A_75 = arith.constant 0 : i32
      %sign3A_76 = arith.cmpi slt, %jit3A_60, %sign3A_75 : i32
      %sign3A_77 = arith.extui %sign3A_76 : i1 to i32
      %sign3A_78 = arith.subi %sign3A_74, %sign3A_77 : i32
      %ne3A_79 = vector.broadcast %sign3A_78 : i32 to vector<16xi32>
      %ne3A_80 = arith.cmpi ne, %sign3A_71, %ne3A_79 : vector<16xi32>
      %rem3A_81 = vector.broadcast %jit3A_60 : i32 to vector<16xi32>
      %rem3A_82 = arith.remsi %get3A_59, %rem3A_81 : vector<16xi32>
      %ne3A_83 = arith.constant 0 : i32
      %ne3A_84 = vector.broadcast %ne3A_83 : i32 to vector<16xi32>
      %ne3A_85 = arith.cmpi ne, %rem3A_82, %ne3A_84 : vector<16xi32>
      %and3A_86 = arith.andi %ne3A_80, %ne3A_85 : vector<16xi1>
      %sub3A_87 = arith.constant 1 : i32
      %sub3A_88 = vector.broadcast %sub3A_87 : i32 to vector<16xi32>
      %sub3A_89 = arith.subi %div3A_62, %sub3A_88 : vector<16xi32>
      %select_n3A_90 = arith.select %and3A_86, %sub3A_89, %div3A_62 : vector<16xi1>, vector<16xi32>
      %and3A_91 = arith.constant 31 : i32
      %and3A_92 = vector.broadcast %and3A_91 : i32 to vector<16xi32>
      %and3A_93 = arith.andi %select_n3A_90, %and3A_92 : vector<16xi32>
      %eq3A = vector.broadcast %add3A : i32 to vector<16xi32>
      %eq3A_94 = arith.cmpi eq, %and3A_93, %eq3A : vector<16xi32>
      %mul3A_95 = arith.constant 1048576 : i32
      %mul3A_96 = vector.broadcast %mul3A_95 : i32 to vector<16xi32>
      %mul3A_97 = arith.muli %select_n3A_90, %mul3A_96 : vector<16xi32>
      %mul3A_98 = arith.constant 200 : i32
      %mul3A_99 = vector.broadcast %mul3A_98 : i32 to vector<16xi32>
      %mul3A_100 = arith.muli %select_n3A_90, %mul3A_99 : vector<16xi32>
      %sub3A_101 = arith.subi %get3A_59, %mul3A_100 : vector<16xi32>
      %mul3A_102 = arith.constant 4096 : i32
      %mul3A_103 = vector.broadcast %mul3A_102 : i32 to vector<16xi32>
      %mul3A_104 = arith.muli %sub3A_101, %mul3A_103 : vector<16xi32>
      %add3A_105 = arith.addi %mul3A_97, %mul3A_104 : vector<16xi32>
      %mul3A_106 = arith.constant 16 : i32
      %mul3A_107 = arith.muli %scan3A_55, %mul3A_106 : i32
      %add3A_108 = vector.broadcast %mul3A_107 : i32 to vector<16xi32>
      %add3A_109 = arith.addi %add3A_108, %iota3A : vector<16xi32>
      %add3A_110 = arith.addi %add3A_105, %add3A_109 : vector<16xi32>
      %convert_element_type3A = arith.extui %eq3A_94 : vector<16xi1> to vector<16xi32>
      %broadcast_in_dim3A_111 = arith.constant true
      %broadcast_in_dim3A_112 = vector.broadcast %broadcast_in_dim3A_111 : i1 to vector<16xi1>
      %masked_cumsum3A = tpu.scan <sum>, %convert_element_type3A masked %broadcast_in_dim3A_112 : vector<16xi32>, vector<16xi1> -> vector<16xi32>
      %add3A_113 = vector.broadcast %scan3A_56 : i32 to vector<16xi32>
      %add3A_114 = arith.addi %add3A_113, %masked_cumsum3A : vector<16xi32>
      %sub3A_115 = arith.constant 1 : i32
      %sub3A_116 = vector.broadcast %sub3A_115 : i32 to vector<16xi32>
      %sub3A_117 = arith.subi %add3A_114, %sub3A_116 : vector<16xi32>
      %jit3A_118 = arith.constant 0 : i32
      %broadcast_in_dim3A_119 = vector.broadcast %jit3A_118 : i32 to vector<16xi32>
      %select_n3A_120 = arith.select %eq3A_94, %sub3A_117, %broadcast_in_dim3A_119 : vector<16xi1>, vector<16xi32>
      tpu.vector_store_idx %arg7[%select_n3A_120], %add3A_110 masked %eq3A_94 : memref<4112xi32, #tpu.memory_space<vmem>>[vector<16xi32>], vector<16xi32>, vector<16xi1>
      %all_reduce_population_count3A = tpu.all_reduce %eq3A_94 {dim = 0 : i64, kind = #tpu.reduction_kind<sum>} : vector<16xi1> -> vector<16xi32>
      %slice3A = vector.extract_strided_slice %all_reduce_population_count3A {offsets = [0], sizes = [1], strides = [1]} : vector<16xi32> to vector<1xi32>
      %squeeze3A = vector.extract %slice3A[0] : i32 from vector<1xi32>
      %add3A_121 = arith.addi %scan3A_56, %squeeze3A : i32
      scf.yield %add3A_121 : i32
    }
    %scan3A_27 = arith.constant 256 : i32
    %add3A_28 = arith.constant 15 : i32
    %add3A_29 = arith.addi %scan3A_26, %add3A_28 : i32
    %jit3A_30 = arith.constant 16 : i32
    %div3A = arith.divsi %add3A_29, %jit3A_30 : i32
    %sign3A = arith.constant 0 : i32
    %sign3A_31 = arith.cmpi sgt, %add3A_29, %sign3A : i32
    %sign3A_32 = arith.extui %sign3A_31 : i1 to i32
    %sign3A_33 = arith.constant 0 : i32
    %sign3A_34 = arith.cmpi slt, %add3A_29, %sign3A_33 : i32
    %sign3A_35 = arith.extui %sign3A_34 : i1 to i32
    %sign3A_36 = arith.subi %sign3A_32, %sign3A_35 : i32
    %sign3A_37 = arith.constant 0 : i32
    %sign3A_38 = arith.cmpi sgt, %jit3A_30, %sign3A_37 : i32
    %sign3A_39 = arith.extui %sign3A_38 : i1 to i32
    %sign3A_40 = arith.constant 0 : i32
    %sign3A_41 = arith.cmpi slt, %jit3A_30, %sign3A_40 : i32
    %sign3A_42 = arith.extui %sign3A_41 : i1 to i32
    %sign3A_43 = arith.subi %sign3A_39, %sign3A_42 : i32
    %ne3A = arith.cmpi ne, %sign3A_36, %sign3A_43 : i32
    %rem3A = arith.remsi %add3A_29, %jit3A_30 : i32
    %ne3A_44 = arith.constant 0 : i32
    %ne3A_45 = arith.cmpi ne, %rem3A, %ne3A_44 : i32
    %and3A = arith.andi %ne3A, %ne3A_45 : i1
    %sub3A = arith.constant 1 : i32
    %sub3A_46 = arith.subi %div3A, %sub3A : i32
    %select_n3A_47 = arith.select %and3A, %sub3A_46, %div3A : i32
    %scan3A_48 = arith.constant 0 : i32
    %scan3A_49 = arith.constant 0 : i32
    %scan3A_50 = arith.constant 9 : i32
    %scan3A_51 = arith.addi %scan3A_49, %scan3A_50 : i32
    %scan3A_52 = arith.constant 1 : i32
    %scan3A_53 = scf.for %scan3A_55 = %scan3A_49 to %scan3A_51 step %scan3A_52 iter_args(%scan3A_56 = %scan3A_48) -> (i32)  : i32 {
      %mul3A_57 = arith.constant 2 : i32
      %mul3A_58 = arith.muli %mul3A_57, %scan3A_55 : i32
      %mul3A_59 = arith.constant 32 : i32
      %mul3A_60 = arith.muli %mul3A_59, %mul3A_58 : i32
      %add3A_61 = arith.addi %add3A, %mul3A_60 : i32
      %while3A = arith.constant 0 : i32
      %while3A_62 = arith.constant 0 : i32
      %while3A_63 = arith.subi %select_n3A_47, %while3A : i32
      %while3A_64 = arith.addi %while3A, %while3A_63 : i32
      %while3A_65 = arith.constant 1 : i32
      %while3A_66 = arith.divsi %while3A_63, %while3A_65 : i32
      %while3A_67 = arith.muli %while3A_66, %while3A_65 : i32
      %while3A_68 = arith.addi %while3A, %while3A_67 : i32
      %while3A_69 = arith.constant 1 : i32
      %while3A_70 = scf.for %while3A_396 = %while3A to %while3A_68 step %while3A_69 iter_args(%while3A_397 = %while3A_62) -> (i32)  : i32 {
        %mul3A_398 = arith.constant 16 : i32
        %mul3A_399 = arith.muli %while3A_396, %mul3A_398 : i32
        %get3A_400 = arith.index_cast %mul3A_399 : i32 to index
        %get3A_401 = tpu.vector_load %arg7[%get3A_400] {strides = array<i32>} : memref<4112xi32, #tpu.memory_space<vmem>>, vector<16xi32>,
        %mul3A_402 = arith.constant 16 : i32
        %mul3A_403 = arith.muli %while3A_396, %mul3A_402 : i32
        %add3A_404 = vector.broadcast %mul3A_403 : i32 to vector<16xi32>
        %add3A_405 = arith.addi %add3A_404, %iota3A : vector<16xi32>
        %lt3A_406 = vector.broadcast %scan3A_26 : i32 to vector<16xi32>
        %lt3A_407 = arith.cmpi slt, %add3A_405, %lt3A_406 : vector<16xi32>
        %shift_right_arithmetic3A = arith.constant 20 : i32
        %shift_right_arithmetic3A_408 = vector.broadcast %shift_right_arithmetic3A : i32 to vector<16xi32>
        %shift_right_arithmetic3A_409 = arith.shrsi %get3A_401, %shift_right_arithmetic3A_408 : vector<16xi32>
        %eq3A = vector.broadcast %add3A_61 : i32 to vector<16xi32>
        %eq3A_410 = arith.cmpi eq, %shift_right_arithmetic3A_409, %eq3A : vector<16xi32>
        %and3A_411 = arith.andi %lt3A_407, %eq3A_410 : vector<16xi1>
        %convert_element_type3A_412 = arith.extui %and3A_411 : vector<16xi1> to vector<16xi32>
        %broadcast_in_dim3A_413 = arith.constant true
        %broadcast_in_dim3A_414 = vector.broadcast %broadcast_in_dim3A_413 : i1 to vector<16xi1>
        %masked_cumsum3A = tpu.scan <sum>, %convert_element_type3A_412 masked %broadcast_in_dim3A_414 : vector<16xi32>, vector<16xi1> -> vector<16xi32>
        %add3A_415 = vector.broadcast %while3A_397 : i32 to vector<16xi32>
        %add3A_416 = arith.addi %add3A_415, %masked_cumsum3A : vector<16xi32>
        %sub3A_417 = arith.constant 1 : i32
        %sub3A_418 = vector.broadcast %sub3A_417 : i32 to vector<16xi32>
        %sub3A_419 = arith.subi %add3A_416, %sub3A_418 : vector<16xi32>
        %jit3A_420 = arith.constant 0 : i32
        %broadcast_in_dim3A_421 = vector.broadcast %jit3A_420 : i32 to vector<16xi32>
        %select_n3A_422 = arith.select %and3A_411, %sub3A_419, %broadcast_in_dim3A_421 : vector<16xi1>, vector<16xi32>
        %and3A_423 = arith.constant 4095 : i32
        %and3A_424 = vector.broadcast %and3A_423 : i32 to vector<16xi32>
        %and3A_425 = arith.andi %get3A_401, %and3A_424 : vector<16xi32>
        tpu.vector_store_idx %arg8[%select_n3A_422], %and3A_425 masked %and3A_411 : memref<4112xi32, #tpu.memory_space<vmem>>[vector<16xi32>], vector<16xi32>, vector<16xi1>
        %shift_right_arithmetic3A_426 = arith.constant 12 : i32
        %shift_right_arithmetic3A_427 = vector.broadcast %shift_right_arithmetic3A_426 : i32 to vector<16xi32>
        %shift_right_arithmetic3A_428 = arith.shrsi %get3A_401, %shift_right_arithmetic3A_427 : vector<16xi32>
        %and3A_429 = arith.constant 255 : i32
        %and3A_430 = vector.broadcast %and3A_429 : i32 to vector<16xi32>
        %and3A_431 = arith.andi %shift_right_arithmetic3A_428, %and3A_430 : vector<16xi32>
        tpu.vector_store_idx %arg9[%select_n3A_422], %and3A_431 masked %and3A_411 : memref<4112xi32, #tpu.memory_space<vmem>>[vector<16xi32>], vector<16xi32>, vector<16xi1>
        %all_reduce_population_count3A = tpu.all_reduce %and3A_411 {dim = 0 : i64, kind = #tpu.reduction_kind<sum>} : vector<16xi1> -> vector<16xi32>
        %slice3A_432 = vector.extract_strided_slice %all_reduce_population_count3A {offsets = [0], sizes = [1], strides = [1]} : vector<16xi32> to vector<1xi32>
        %squeeze3A_433 = vector.extract %slice3A_432[0] : i32 from vector<1xi32>
        %add3A_434 = arith.addi %while3A_397, %squeeze3A_433 : i32
        scf.yield %add3A_434 : i32
      }
      %while3A_71 = arith.constant 1 : i32
      %while3A_72 = scf.for %while3A_396 = %while3A_68 to %while3A_64 step %while3A_71 iter_args(%while3A_397 = %while3A_70) -> (i32)  : i32 {
        %mul3A_398 = arith.constant 16 : i32
        %mul3A_399 = arith.muli %while3A_396, %mul3A_398 : i32
        %get3A_400 = arith.index_cast %mul3A_399 : i32 to index
        %get3A_401 = tpu.vector_load %arg7[%get3A_400] {strides = array<i32>} : memref<4112xi32, #tpu.memory_space<vmem>>, vector<16xi32>,
        %mul3A_402 = arith.constant 16 : i32
        %mul3A_403 = arith.muli %while3A_396, %mul3A_402 : i32
        %add3A_404 = vector.broadcast %mul3A_403 : i32 to vector<16xi32>
        %add3A_405 = arith.addi %add3A_404, %iota3A : vector<16xi32>
        %lt3A_406 = vector.broadcast %scan3A_26 : i32 to vector<16xi32>
        %lt3A_407 = arith.cmpi slt, %add3A_405, %lt3A_406 : vector<16xi32>
        %shift_right_arithmetic3A = arith.constant 20 : i32
        %shift_right_arithmetic3A_408 = vector.broadcast %shift_right_arithmetic3A : i32 to vector<16xi32>
        %shift_right_arithmetic3A_409 = arith.shrsi %get3A_401, %shift_right_arithmetic3A_408 : vector<16xi32>
        %eq3A = vector.broadcast %add3A_61 : i32 to vector<16xi32>
        %eq3A_410 = arith.cmpi eq, %shift_right_arithmetic3A_409, %eq3A : vector<16xi32>
        %and3A_411 = arith.andi %lt3A_407, %eq3A_410 : vector<16xi1>
        %convert_element_type3A_412 = arith.extui %and3A_411 : vector<16xi1> to vector<16xi32>
        %broadcast_in_dim3A_413 = arith.constant true
        %broadcast_in_dim3A_414 = vector.broadcast %broadcast_in_dim3A_413 : i1 to vector<16xi1>
        %masked_cumsum3A = tpu.scan <sum>, %convert_element_type3A_412 masked %broadcast_in_dim3A_414 : vector<16xi32>, vector<16xi1> -> vector<16xi32>
        %add3A_415 = vector.broadcast %while3A_397 : i32 to vector<16xi32>
        %add3A_416 = arith.addi %add3A_415, %masked_cumsum3A : vector<16xi32>
        %sub3A_417 = arith.constant 1 : i32
        %sub3A_418 = vector.broadcast %sub3A_417 : i32 to vector<16xi32>
        %sub3A_419 = arith.subi %add3A_416, %sub3A_418 : vector<16xi32>
        %jit3A_420 = arith.constant 0 : i32
        %broadcast_in_dim3A_421 = vector.broadcast %jit3A_420 : i32 to vector<16xi32>
        %select_n3A_422 = arith.select %and3A_411, %sub3A_419, %broadcast_in_dim3A_421 : vector<16xi1>, vector<16xi32>
        %and3A_423 = arith.constant 4095 : i32
        %and3A_424 = vector.broadcast %and3A_423 : i32 to vector<16xi32>
        %and3A_425 = arith.andi %get3A_401, %and3A_424 : vector<16xi32>
        tpu.vector_store_idx %arg8[%select_n3A_422], %and3A_425 masked %and3A_411 : memref<4112xi32, #tpu.memory_space<vmem>>[vector<16xi32>], vector<16xi32>, vector<16xi1>
        %shift_right_arithmetic3A_426 = arith.constant 12 : i32
        %shift_right_arithmetic3A_427 = vector.broadcast %shift_right_arithmetic3A_426 : i32 to vector<16xi32>
        %shift_right_arithmetic3A_428 = arith.shrsi %get3A_401, %shift_right_arithmetic3A_427 : vector<16xi32>
        %and3A_429 = arith.constant 255 : i32
        %and3A_430 = vector.broadcast %and3A_429 : i32 to vector<16xi32>
        %and3A_431 = arith.andi %shift_right_arithmetic3A_428, %and3A_430 : vector<16xi32>
        tpu.vector_store_idx %arg9[%select_n3A_422], %and3A_431 masked %and3A_411 : memref<4112xi32, #tpu.memory_space<vmem>>[vector<16xi32>], vector<16xi32>, vector<16xi1>
        %all_reduce_population_count3A = tpu.all_reduce %and3A_411 {dim = 0 : i64, kind = #tpu.reduction_kind<sum>} : vector<16xi1> -> vector<16xi32>
        %slice3A_432 = vector.extract_strided_slice %all_reduce_population_count3A {offsets = [0], sizes = [1], strides = [1]} : vector<16xi32> to vector<1xi32>
        %squeeze3A_433 = vector.extract %slice3A_432[0] : i32 from vector<1xi32>
        %add3A_434 = arith.addi %while3A_397, %squeeze3A_433 : i32
        scf.yield %add3A_434 : i32
      }
      %add3A_73 = arith.constant 8 : i32
      %add3A_74 = arith.addi %while3A_72, %add3A_73 : i32
      %sub3A_75 = arith.constant 1 : i32
      %sub3A_76 = arith.subi %add3A_74, %sub3A_75 : i32
      %jit3A_77 = arith.constant 8 : i32
      %div3A_78 = arith.divsi %sub3A_76, %jit3A_77 : i32
      %sign3A_79 = arith.constant 0 : i32
      %sign3A_80 = arith.cmpi sgt, %sub3A_76, %sign3A_79 : i32
      %sign3A_81 = arith.extui %sign3A_80 : i1 to i32
      %sign3A_82 = arith.constant 0 : i32
      %sign3A_83 = arith.cmpi slt, %sub3A_76, %sign3A_82 : i32
      %sign3A_84 = arith.extui %sign3A_83 : i1 to i32
      %sign3A_85 = arith.subi %sign3A_81, %sign3A_84 : i32
      %sign3A_86 = arith.constant 0 : i32
      %sign3A_87 = arith.cmpi sgt, %jit3A_77, %sign3A_86 : i32
      %sign3A_88 = arith.extui %sign3A_87 : i1 to i32
      %sign3A_89 = arith.constant 0 : i32
      %sign3A_90 = arith.cmpi slt, %jit3A_77, %sign3A_89 : i32
      %sign3A_91 = arith.extui %sign3A_90 : i1 to i32
      %sign3A_92 = arith.subi %sign3A_88, %sign3A_91 : i32
      %ne3A_93 = arith.cmpi ne, %sign3A_85, %sign3A_92 : i32
      %rem3A_94 = arith.remsi %sub3A_76, %jit3A_77 : i32
      %ne3A_95 = arith.constant 0 : i32
      %ne3A_96 = arith.cmpi ne, %rem3A_94, %ne3A_95 : i32
      %and3A_97 = arith.andi %ne3A_93, %ne3A_96 : i1
      %sub3A_98 = arith.constant 1 : i32
      %sub3A_99 = arith.subi %div3A_78, %sub3A_98 : i32
      %select_n3A_100 = arith.select %and3A_97, %sub3A_99, %div3A_78 : i32
      %min3A = arith.constant 2 : i32
      %min3A_101 = arith.minsi %select_n3A_100, %min3A : i32
      %while3A_102 = arith.constant 0 : i32
      %while3A_103 = arith.constant 0 : i32
      %while3A_104 = arith.subi %min3A_101, %while3A_102 : i32
      %while3A_105 = arith.addi %while3A_102, %while3A_104 : i32
      %while3A_106 = arith.constant 1 : i32
      %while3A_107 = arith.divsi %while3A_104, %while3A_106 : i32
      %while3A_108 = arith.muli %while3A_107, %while3A_106 : i32
      %while3A_109 = arith.addi %while3A_102, %while3A_108 : i32
      %while3A_110 = arith.constant 1 : i32
      %while3A_111 = scf.for %while3A_396 = %while3A_102 to %while3A_109 step %while3A_110 iter_args(%while3A_397 = %while3A_103) -> (i32)  : i32 {
        %mul3A_398 = arith.constant 8 : i32
        %mul3A_399 = arith.muli %while3A_396, %mul3A_398 : i32
        %add3A_400 = arith.constant 0 : i32
        %add3A_401 = arith.addi %add3A_400, %mul3A_399 : i32
        %mul3A_402 = arith.constant 8 : i32
        %mul3A_403 = arith.muli %while3A_396, %mul3A_402 : i32
        %dma_start3A = arith.constant 0 : i32
        %dma_start3A_404 = tpu.memref_slice %arg10[%mul3A_403, %dma_start3A] : memref<16x384xf32, #tpu.memory_space<vmem>> -> memref<8x384xf32, #tpu.memory_space<vmem>>
        %dma_start3A_405 = tpu.memref_slice %arg8[%add3A_401] : memref<4112xi32, #tpu.memory_space<vmem>> -> memref<8xi32, #tpu.memory_space<vmem>>
        %dma_start3A_406 = arith.constant 0 : i32
        %dma_start3A_407 = arith.constant 0 : i32
        %dma_start3A_408 = tpu.memref_slice %arg2[%dma_start3A_406, %dma_start3A_407] : memref<4096x384xf32, #tpu.memory_space<hbm>> -> memref<4096x384xf32, #tpu.memory_space<hbm>>
        tpu.enqueue_indirect_dma source(%dma_start3A_408 : memref<4096x384xf32, #tpu.memory_space<hbm>>) target(%dma_start3A_404 : memref<8x384xf32, #tpu.memory_space<vmem>>) offsets(%dma_start3A_405 : memref<8xi32, #tpu.memory_space<vmem>>) semaphore(%arg19 : memref<!tpu.dma_semaphore, #tpu.memory_space<semaphore_mem>>)
        %while3A_409 = arith.constant 0 : i32
        scf.yield %while3A_409 : i32
      }
      %while3A_112 = arith.constant 1 : i32
      %while3A_113 = scf.for %while3A_396 = %while3A_109 to %while3A_105 step %while3A_112 iter_args(%while3A_397 = %while3A_111) -> (i32)  : i32 {
        %mul3A_398 = arith.constant 8 : i32
        %mul3A_399 = arith.muli %while3A_396, %mul3A_398 : i32
        %add3A_400 = arith.constant 0 : i32
        %add3A_401 = arith.addi %add3A_400, %mul3A_399 : i32
        %mul3A_402 = arith.constant 8 : i32
        %mul3A_403 = arith.muli %while3A_396, %mul3A_402 : i32
        %dma_start3A = arith.constant 0 : i32
        %dma_start3A_404 = tpu.memref_slice %arg10[%mul3A_403, %dma_start3A] : memref<16x384xf32, #tpu.memory_space<vmem>> -> memref<8x384xf32, #tpu.memory_space<vmem>>
        %dma_start3A_405 = tpu.memref_slice %arg8[%add3A_401] : memref<4112xi32, #tpu.memory_space<vmem>> -> memref<8xi32, #tpu.memory_space<vmem>>
        %dma_start3A_406 = arith.constant 0 : i32
        %dma_start3A_407 = arith.constant 0 : i32
        %dma_start3A_408 = tpu.memref_slice %arg2[%dma_start3A_406, %dma_start3A_407] : memref<4096x384xf32, #tpu.memory_space<hbm>> -> memref<4096x384xf32, #tpu.memory_space<hbm>>
        tpu.enqueue_indirect_dma source(%dma_start3A_408 : memref<4096x384xf32, #tpu.memory_space<hbm>>) target(%dma_start3A_404 : memref<8x384xf32, #tpu.memory_space<vmem>>) offsets(%dma_start3A_405 : memref<8xi32, #tpu.memory_space<vmem>>) semaphore(%arg19 : memref<!tpu.dma_semaphore, #tpu.memory_space<semaphore_mem>>)
        %while3A_409 = arith.constant 0 : i32
        scf.yield %while3A_409 : i32
      }
      %ge3A = arith.constant 2 : i32
      %ge3A_114 = arith.cmpi sge, %mul3A_58, %ge3A : i32
      %sub3A_115 = arith.constant 2 : i32
      %sub3A_116 = arith.subi %mul3A_58, %sub3A_115 : i32
      %lt3A_117 = arith.cmpi slt, %sub3A_116, %select_n3A : i32
      %and3A_118 = arith.andi %ge3A_114, %lt3A_117 : i1
      %convert_element_type3A = arith.extui %and3A_118 : i1 to i32
      %cond3A = arith.constant 0 : i32
      %cond3A_119 = arith.cmpi ne, %convert_element_type3A, %cond3A : i32
      scf.if %cond3A_119 {
        %dma_wait3A = arith.constant 0 : i32
        %dma_wait3A_396 = arith.constant 0 : i32
        %dma_wait3A_397 = tpu.memref_slice %arg4[%dma_wait3A, %dma_wait3A_396] : memref<100000x256xf32, #tpu.memory_space<hbm>> -> memref<200x256xf32, #tpu.memory_space<hbm>>
        %dma_wait3A_398 = arith.constant 0 : i32
        %dma_wait3A_399 = arith.constant 0 : i32
        %dma_wait3A_400 = tpu.memref_slice %arg4[%dma_wait3A_398, %dma_wait3A_399] : memref<100000x256xf32, #tpu.memory_space<hbm>> -> memref<200x256xf32, #tpu.memory_space<hbm>>
        tpu.wait_dma2 semaphore(%arg20 : memref<!tpu.dma_semaphore, #tpu.memory_space<semaphore_mem>>) src(%arg11 : memref<200x256xf32, #tpu.memory_space<vmem>>) dst(%dma_wait3A_400 : memref<200x256xf32, #tpu.memory_space<hbm>>)
        %dma_wait3A_401 = arith.constant 0 : i32
        %dma_wait3A_402 = tpu.memref_slice %arg13[%dma_wait3A_401] : memref<1600xf32, #tpu.memory_space<vmem>> -> memref<1600xf32, #tpu.memory_space<vmem>>
        %dma_wait3A_403 = arith.constant 0 : i32
        %dma_wait3A_404 = tpu.memref_slice %arg5[%dma_wait3A_403] : memref<800000xf32, #tpu.memory_space<hbm>> -> memref<1600xf32, #tpu.memory_space<hbm>>
        %dma_wait3A_405 = arith.constant 0 : i32
        %dma_wait3A_406 = tpu.memref_slice %arg5[%dma_wait3A_405] : memref<800000xf32, #tpu.memory_space<hbm>> -> memref<1600xf32, #tpu.memory_space<hbm>>
        %dma_wait3A_407 = arith.constant 0 : i32
        %dma_wait3A_408 = tpu.memref_slice %arg13[%dma_wait3A_407] : memref<1600xf32, #tpu.memory_space<vmem>> -> memref<1600xf32, #tpu.memory_space<vmem>>
        tpu.wait_dma2 semaphore(%arg20 : memref<!tpu.dma_semaphore, #tpu.memory_space<semaphore_mem>>) src(%dma_wait3A_408 : memref<1600xf32, #tpu.memory_space<vmem>>) dst(%dma_wait3A_406 : memref<1600xf32, #tpu.memory_space<hbm>>)
      } else {
      }
      %get3A = arith.constant 0 : index
      %get3A_120 = tpu.vector_load %arg17[%get3A] {strides = array<i32>} : memref<16xi32, #tpu.memory_space<vmem>>, vector<16xi32>,
      %slice3A = vector.extract_strided_slice %get3A_120 {offsets = [0], sizes = [1], strides = [1]} : vector<16xi32> to vector<1xi32>
      %squeeze3A = vector.extract %slice3A[0] : i32 from vector<1xi32>
      %gt3A = arith.constant 256 : i32
      %gt3A_121 = arith.cmpi sgt, %squeeze3A, %gt3A : i32
      %convert_element_type3A_122 = arith.extui %gt3A_121 : i1 to i32
      %cond3A_123 = arith.constant 0 : i32
      %cond3A_124 = arith.cmpi ne, %convert_element_type3A_122, %cond3A_123 : i32
      scf.if %cond3A_124 {
        %scan3A_396 = arith.constant 0 : i32
        %scan3A_397 = arith.constant 0 : i32
        %scan3A_398 = arith.constant 200 : i32
        %scan3A_399 = arith.addi %scan3A_397, %scan3A_398 : i32
        %scan3A_400 = arith.constant 1 : i32
        %scan3A_401 = scf.for %scan3A_410 = %scan3A_397 to %scan3A_399 step %scan3A_400 iter_args(%scan3A_411 = %scan3A_396) -> (i32)  : i32 {
          %swap3A_412 = arith.index_cast %scan3A_410 : i32 to index
          %swap3A_413 = arith.constant 0 : index
          %swap3A_414 = tpu.vector_load %arg11[%swap3A_412, %swap3A_413] {strides = array<i32>} : memref<200x256xf32, #tpu.memory_space<vmem>>, vector<16xf32>,
          tpu.vector_store %arg11[%swap3A_412, %swap3A_413], %broadcast_in_dim3A_1 {strides = array<i32>} : memref<200x256xf32, #tpu.memory_space<vmem>>, vector<16xf32>,
          %swap3A_415 = arith.index_cast %scan3A_410 : i32 to index
          %swap3A_416 = arith.constant 16 : index
          %swap3A_417 = tpu.vector_load %arg11[%swap3A_415, %swap3A_416] {strides = array<i32>} : memref<200x256xf32, #tpu.memory_space<vmem>>, vector<16xf32>,
          tpu.vector_store %arg11[%swap3A_415, %swap3A_416], %broadcast_in_dim3A_1 {strides = array<i32>} : memref<200x256xf32, #tpu.memory_space<vmem>>, vector<16xf32>,
          %swap3A_418 = arith.index_cast %scan3A_410 : i32 to index
          %swap3A_419 = arith.constant 32 : index
          %swap3A_420 = tpu.vector_load %arg11[%swap3A_418, %swap3A_419] {strides = array<i32>} : memref<200x256xf32, #tpu.memory_space<vmem>>, vector<16xf32>,
          tpu.vector_store %arg11[%swap3A_418, %swap3A_419], %broadcast_in_dim3A_1 {strides = array<i32>} : memref<200x256xf32, #tpu.memory_space<vmem>>, vector<16xf32>,
          %swap3A_421 = arith.index_cast %scan3A_410 : i32 to index
          %swap3A_422 = arith.constant 48 : index
          %swap3A_423 = tpu.vector_load %arg11[%swap3A_421, %swap3A_422] {strides = array<i32>} : memref<200x256xf32, #tpu.memory_space<vmem>>, vector<16xf32>,
          tpu.vector_store %arg11[%swap3A_421, %swap3A_422], %broadcast_in_dim3A_1 {strides = array<i32>} : memref<200x256xf32, #tpu.memory_space<vmem>>, vector<16xf32>,
          %swap3A_424 = arith.index_cast %scan3A_410 : i32 to index
          %swap3A_425 = arith.constant 64 : index
          %swap3A_426 = tpu.vector_load %arg11[%swap3A_424, %swap3A_425] {strides = array<i32>} : memref<200x256xf32, #tpu.memory_space<vmem>>, vector<16xf32>,
          tpu.vector_store %arg11[%swap3A_424, %swap3A_425], %broadcast_in_dim3A_1 {strides = array<i32>} : memref<200x256xf32, #tpu.memory_space<vmem>>, vector<16xf32>,
          %swap3A_427 = arith.index_cast %scan3A_410 : i32 to index
          %swap3A_428 = arith.constant 80 : index
          %swap3A_429 = tpu.vector_load %arg11[%swap3A_427, %swap3A_428] {strides = array<i32>} : memref<200x256xf32, #tpu.memory_space<vmem>>, vector<16xf32>,
          tpu.vector_store %arg11[%swap3A_427, %swap3A_428], %broadcast_in_dim3A_1 {strides = array<i32>} : memref<200x256xf32, #tpu.memory_space<vmem>>, vector<16xf32>,
          %swap3A_430 = arith.index_cast %scan3A_410 : i32 to index
          %swap3A_431 = arith.constant 96 : index
          %swap3A_432 = tpu.vector_load %arg11[%swap3A_430, %swap3A_431] {strides = array<i32>} : memref<200x256xf32, #tpu.memory_space<vmem>>, vector<16xf32>,
          tpu.vector_store %arg11[%swap3A_430, %swap3A_431], %broadcast_in_dim3A_1 {strides = array<i32>} : memref<200x256xf32, #tpu.memory_space<vmem>>, vector<16xf32>,
          %swap3A_433 = arith.index_cast %scan3A_410 : i32 to index
          %swap3A_434 = arith.constant 112 : index
          %swap3A_435 = tpu.vector_load %arg11[%swap3A_433, %swap3A_434] {strides = array<i32>} : memref<200x256xf32, #tpu.memory_space<vmem>>, vector<16xf32>,
          tpu.vector_store %arg11[%swap3A_433, %swap3A_434], %broadcast_in_dim3A_1 {strides = array<i32>} : memref<200x256xf32, #tpu.memory_space<vmem>>, vector<16xf32>,
          %swap3A_436 = arith.index_cast %scan3A_410 : i32 to index
          %swap3A_437 = arith.constant 128 : index
          %swap3A_438 = tpu.vector_load %arg11[%swap3A_436, %swap3A_437] {strides = array<i32>} : memref<200x256xf32, #tpu.memory_space<vmem>>, vector<16xf32>,
          tpu.vector_store %arg11[%swap3A_436, %swap3A_437], %broadcast_in_dim3A_1 {strides = array<i32>} : memref<200x256xf32, #tpu.memory_space<vmem>>, vector<16xf32>,
          %swap3A_439 = arith.index_cast %scan3A_410 : i32 to index
          %swap3A_440 = arith.constant 144 : index
          %swap3A_441 = tpu.vector_load %arg11[%swap3A_439, %swap3A_440] {strides = array<i32>} : memref<200x256xf32, #tpu.memory_space<vmem>>, vector<16xf32>,
          tpu.vector_store %arg11[%swap3A_439, %swap3A_440], %broadcast_in_dim3A_1 {strides = array<i32>} : memref<200x256xf32, #tpu.memory_space<vmem>>, vector<16xf32>,
          %swap3A_442 = arith.index_cast %scan3A_410 : i32 to index
          %swap3A_443 = arith.constant 160 : index
          %swap3A_444 = tpu.vector_load %arg11[%swap3A_442, %swap3A_443] {strides = array<i32>} : memref<200x256xf32, #tpu.memory_space<vmem>>, vector<16xf32>,
          tpu.vector_store %arg11[%swap3A_442, %swap3A_443], %broadcast_in_dim3A_1 {strides = array<i32>} : memref<200x256xf32, #tpu.memory_space<vmem>>, vector<16xf32>,
          %swap3A_445 = arith.index_cast %scan3A_410 : i32 to index
          %swap3A_446 = arith.constant 176 : index
          %swap3A_447 = tpu.vector_load %arg11[%swap3A_445, %swap3A_446] {strides = array<i32>} : memref<200x256xf32, #tpu.memory_space<vmem>>, vector<16xf32>,
          tpu.vector_store %arg11[%swap3A_445, %swap3A_446], %broadcast_in_dim3A_1 {strides = array<i32>} : memref<200x256xf32, #tpu.memory_space<vmem>>, vector<16xf32>,
          %swap3A_448 = arith.index_cast %scan3A_410 : i32 to index
          %swap3A_449 = arith.constant 192 : index
          %swap3A_450 = tpu.vector_load %arg11[%swap3A_448, %swap3A_449] {strides = array<i32>} : memref<200x256xf32, #tpu.memory_space<vmem>>, vector<16xf32>,
          tpu.vector_store %arg11[%swap3A_448, %swap3A_449], %broadcast_in_dim3A_1 {strides = array<i32>} : memref<200x256xf32, #tpu.memory_space<vmem>>, vector<16xf32>,
          %swap3A_451 = arith.index_cast %scan3A_410 : i32 to index
          %swap3A_452 = arith.constant 208 : index
          %swap3A_453 = tpu.vector_load %arg11[%swap3A_451, %swap3A_452] {strides = array<i32>} : memref<200x256xf32, #tpu.memory_space<vmem>>, vector<16xf32>,
          tpu.vector_store %arg11[%swap3A_451, %swap3A_452], %broadcast_in_dim3A_1 {strides = array<i32>} : memref<200x256xf32, #tpu.memory_space<vmem>>, vector<16xf32>,
          %swap3A_454 = arith.index_cast %scan3A_410 : i32 to index
          %swap3A_455 = arith.constant 224 : index
          %swap3A_456 = tpu.vector_load %arg11[%swap3A_454, %swap3A_455] {strides = array<i32>} : memref<200x256xf32, #tpu.memory_space<vmem>>, vector<16xf32>,
          tpu.vector_store %arg11[%swap3A_454, %swap3A_455], %broadcast_in_dim3A_1 {strides = array<i32>} : memref<200x256xf32, #tpu.memory_space<vmem>>, vector<16xf32>,
          %swap3A_457 = arith.index_cast %scan3A_410 : i32 to index
          %swap3A_458 = arith.constant 240 : index
          %swap3A_459 = tpu.vector_load %arg11[%swap3A_457, %swap3A_458] {strides = array<i32>} : memref<200x256xf32, #tpu.memory_space<vmem>>, vector<16xf32>,
          tpu.vector_store %arg11[%swap3A_457, %swap3A_458], %broadcast_in_dim3A_1 {strides = array<i32>} : memref<200x256xf32, #tpu.memory_space<vmem>>, vector<16xf32>,
          %scan3A_460 = arith.constant 0 : i32
          scf.yield %scan3A_460 : i32
        }
        %scan3A_402 = arith.constant 200 : i32
        %scan3A_403 = arith.constant 0 : i32
        %scan3A_404 = arith.constant 0 : i32
        %scan3A_405 = arith.constant 100 : i32
        %scan3A_406 = arith.addi %scan3A_404, %scan3A_405 : i32
        %scan3A_407 = arith.constant 1 : i32
        %scan3A_408 = scf.for %scan3A_410 = %scan3A_404 to %scan3A_406 step %scan3A_407 iter_args(%scan3A_411 = %scan3A_403) -> (i32)  : i32 {
          %mul3A_412 = arith.constant 16 : i32
          %mul3A_413 = arith.muli %scan3A_410, %mul3A_412 : i32
          %swap3A_414 = arith.index_cast %mul3A_413 : i32 to index
          %swap3A_415 = tpu.vector_load %arg13[%swap3A_414] {strides = array<i32>} : memref<1600xf32, #tpu.memory_space<vmem>>, vector<16xf32>,
          tpu.vector_store %arg13[%swap3A_414], %broadcast_in_dim3A_1 {strides = array<i32>} : memref<1600xf32, #tpu.memory_space<vmem>>, vector<16xf32>,
          %scan3A_416 = arith.constant 0 : i32
          scf.yield %scan3A_416 : i32
        }
        %scan3A_409 = arith.constant 100 : i32
      } else {
      }
      %le3A = arith.constant 256 : i32
      %le3A_125 = arith.cmpi sle, %squeeze3A, %le3A : i32
      %convert_element_type3A_126 = arith.extui %le3A_125 : i1 to i32
      %cond3A_127 = arith.constant 0 : i32
      %cond3A_128 = arith.cmpi ne, %convert_element_type3A_126, %cond3A_127 : i32
      scf.if %cond3A_128 {
        %while3A_396 = arith.constant 0 : i32
        %while3A_397 = arith.constant 0 : i32
        %while3A_398 = arith.subi %squeeze3A, %while3A_396 : i32
        %while3A_399 = arith.addi %while3A_396, %while3A_398 : i32
        %while3A_400 = arith.constant 1 : i32
        %while3A_401 = arith.divsi %while3A_398, %while3A_400 : i32
        %while3A_402 = arith.muli %while3A_401, %while3A_400 : i32
        %while3A_403 = arith.addi %while3A_396, %while3A_402 : i32
        %while3A_404 = arith.constant 1 : i32
        %while3A_405 = scf.for %while3A_408 = %while3A_396 to %while3A_403 step %while3A_404 iter_args(%while3A_409 = %while3A_397) -> (i32)  : i32 {
          %get3A_410 = arith.index_cast %while3A_408 : i32 to index
          %get3A_411 = tpu.vector_load %arg15[%get3A_410] {strides = array<i32>} : memref<272xi32, #tpu.memory_space<vmem>>, vector<16xi32>,
          %slice3A_412 = vector.extract_strided_slice %get3A_411 {offsets = [0], sizes = [1], strides = [1]} : vector<16xi32> to vector<1xi32>
          %squeeze3A_413 = vector.extract %slice3A_412[0] : i32 from vector<1xi32>
          %swap3A_414 = arith.index_cast %squeeze3A_413 : i32 to index
          %swap3A_415 = arith.constant 0 : index
          %swap3A_416 = tpu.vector_load %arg11[%swap3A_414, %swap3A_415] {strides = array<i32>} : memref<200x256xf32, #tpu.memory_space<vmem>>, vector<16xf32>,
          tpu.vector_store %arg11[%swap3A_414, %swap3A_415], %broadcast_in_dim3A_1 {strides = array<i32>} : memref<200x256xf32, #tpu.memory_space<vmem>>, vector<16xf32>,
          %swap3A_417 = arith.index_cast %squeeze3A_413 : i32 to index
          %swap3A_418 = arith.constant 16 : index
          %swap3A_419 = tpu.vector_load %arg11[%swap3A_417, %swap3A_418] {strides = array<i32>} : memref<200x256xf32, #tpu.memory_space<vmem>>, vector<16xf32>,
          tpu.vector_store %arg11[%swap3A_417, %swap3A_418], %broadcast_in_dim3A_1 {strides = array<i32>} : memref<200x256xf32, #tpu.memory_space<vmem>>, vector<16xf32>,
          %swap3A_420 = arith.index_cast %squeeze3A_413 : i32 to index
          %swap3A_421 = arith.constant 32 : index
          %swap3A_422 = tpu.vector_load %arg11[%swap3A_420, %swap3A_421] {strides = array<i32>} : memref<200x256xf32, #tpu.memory_space<vmem>>, vector<16xf32>,
          tpu.vector_store %arg11[%swap3A_420, %swap3A_421], %broadcast_in_dim3A_1 {strides = array<i32>} : memref<200x256xf32, #tpu.memory_space<vmem>>, vector<16xf32>,
          %swap3A_423 = arith.index_cast %squeeze3A_413 : i32 to index
          %swap3A_424 = arith.constant 48 : index
          %swap3A_425 = tpu.vector_load %arg11[%swap3A_423, %swap3A_424] {strides = array<i32>} : memref<200x256xf32, #tpu.memory_space<vmem>>, vector<16xf32>,
          tpu.vector_store %arg11[%swap3A_423, %swap3A_424], %broadcast_in_dim3A_1 {strides = array<i32>} : memref<200x256xf32, #tpu.memory_space<vmem>>, vector<16xf32>,
          %swap3A_426 = arith.index_cast %squeeze3A_413 : i32 to index
          %swap3A_427 = arith.constant 64 : index
          %swap3A_428 = tpu.vector_load %arg11[%swap3A_426, %swap3A_427] {strides = array<i32>} : memref<200x256xf32, #tpu.memory_space<vmem>>, vector<16xf32>,
          tpu.vector_store %arg11[%swap3A_426, %swap3A_427], %broadcast_in_dim3A_1 {strides = array<i32>} : memref<200x256xf32, #tpu.memory_space<vmem>>, vector<16xf32>,
          %swap3A_429 = arith.index_cast %squeeze3A_413 : i32 to index
          %swap3A_430 = arith.constant 80 : index
          %swap3A_431 = tpu.vector_load %arg11[%swap3A_429, %swap3A_430] {strides = array<i32>} : memref<200x256xf32, #tpu.memory_space<vmem>>, vector<16xf32>,
          tpu.vector_store %arg11[%swap3A_429, %swap3A_430], %broadcast_in_dim3A_1 {strides = array<i32>} : memref<200x256xf32, #tpu.memory_space<vmem>>, vector<16xf32>,
          %swap3A_432 = arith.index_cast %squeeze3A_413 : i32 to index
          %swap3A_433 = arith.constant 96 : index
          %swap3A_434 = tpu.vector_load %arg11[%swap3A_432, %swap3A_433] {strides = array<i32>} : memref<200x256xf32, #tpu.memory_space<vmem>>, vector<16xf32>,
          tpu.vector_store %arg11[%swap3A_432, %swap3A_433], %broadcast_in_dim3A_1 {strides = array<i32>} : memref<200x256xf32, #tpu.memory_space<vmem>>, vector<16xf32>,
          %swap3A_435 = arith.index_cast %squeeze3A_413 : i32 to index
          %swap3A_436 = arith.constant 112 : index
          %swap3A_437 = tpu.vector_load %arg11[%swap3A_435, %swap3A_436] {strides = array<i32>} : memref<200x256xf32, #tpu.memory_space<vmem>>, vector<16xf32>,
          tpu.vector_store %arg11[%swap3A_435, %swap3A_436], %broadcast_in_dim3A_1 {strides = array<i32>} : memref<200x256xf32, #tpu.memory_space<vmem>>, vector<16xf32>,
          %swap3A_438 = arith.index_cast %squeeze3A_413 : i32 to index
          %swap3A_439 = arith.constant 128 : index
          %swap3A_440 = tpu.vector_load %arg11[%swap3A_438, %swap3A_439] {strides = array<i32>} : memref<200x256xf32, #tpu.memory_space<vmem>>, vector<16xf32>,
          tpu.vector_store %arg11[%swap3A_438, %swap3A_439], %broadcast_in_dim3A_1 {strides = array<i32>} : memref<200x256xf32, #tpu.memory_space<vmem>>, vector<16xf32>,
          %swap3A_441 = arith.index_cast %squeeze3A_413 : i32 to index
          %swap3A_442 = arith.constant 144 : index
          %swap3A_443 = tpu.vector_load %arg11[%swap3A_441, %swap3A_442] {strides = array<i32>} : memref<200x256xf32, #tpu.memory_space<vmem>>, vector<16xf32>,
          tpu.vector_store %arg11[%swap3A_441, %swap3A_442], %broadcast_in_dim3A_1 {strides = array<i32>} : memref<200x256xf32, #tpu.memory_space<vmem>>, vector<16xf32>,
          %swap3A_444 = arith.index_cast %squeeze3A_413 : i32 to index
          %swap3A_445 = arith.constant 160 : index
          %swap3A_446 = tpu.vector_load %arg11[%swap3A_444, %swap3A_445] {strides = array<i32>} : memref<200x256xf32, #tpu.memory_space<vmem>>, vector<16xf32>,
          tpu.vector_store %arg11[%swap3A_444, %swap3A_445], %broadcast_in_dim3A_1 {strides = array<i32>} : memref<200x256xf32, #tpu.memory_space<vmem>>, vector<16xf32>,
          %swap3A_447 = arith.index_cast %squeeze3A_413 : i32 to index
          %swap3A_448 = arith.constant 176 : index
          %swap3A_449 = tpu.vector_load %arg11[%swap3A_447, %swap3A_448] {strides = array<i32>} : memref<200x256xf32, #tpu.memory_space<vmem>>, vector<16xf32>,
          tpu.vector_store %arg11[%swap3A_447, %swap3A_448], %broadcast_in_dim3A_1 {strides = array<i32>} : memref<200x256xf32, #tpu.memory_space<vmem>>, vector<16xf32>,
          %swap3A_450 = arith.index_cast %squeeze3A_413 : i32 to index
          %swap3A_451 = arith.constant 192 : index
          %swap3A_452 = tpu.vector_load %arg11[%swap3A_450, %swap3A_451] {strides = array<i32>} : memref<200x256xf32, #tpu.memory_space<vmem>>, vector<16xf32>,
          tpu.vector_store %arg11[%swap3A_450, %swap3A_451], %broadcast_in_dim3A_1 {strides = array<i32>} : memref<200x256xf32, #tpu.memory_space<vmem>>, vector<16xf32>,
          %swap3A_453 = arith.index_cast %squeeze3A_413 : i32 to index
          %swap3A_454 = arith.constant 208 : index
          %swap3A_455 = tpu.vector_load %arg11[%swap3A_453, %swap3A_454] {strides = array<i32>} : memref<200x256xf32, #tpu.memory_space<vmem>>, vector<16xf32>,
          tpu.vector_store %arg11[%swap3A_453, %swap3A_454], %broadcast_in_dim3A_1 {strides = array<i32>} : memref<200x256xf32, #tpu.memory_space<vmem>>, vector<16xf32>,
          %swap3A_456 = arith.index_cast %squeeze3A_413 : i32 to index
          %swap3A_457 = arith.constant 224 : index
          %swap3A_458 = tpu.vector_load %arg11[%swap3A_456, %swap3A_457] {strides = array<i32>} : memref<200x256xf32, #tpu.memory_space<vmem>>, vector<16xf32>,
          tpu.vector_store %arg11[%swap3A_456, %swap3A_457], %broadcast_in_dim3A_1 {strides = array<i32>} : memref<200x256xf32, #tpu.memory_space<vmem>>, vector<16xf32>,
          %swap3A_459 = arith.index_cast %squeeze3A_413 : i32 to index
          %swap3A_460 = arith.constant 240 : index
          %swap3A_461 = tpu.vector_load %arg11[%swap3A_459, %swap3A_460] {strides = array<i32>} : memref<200x256xf32, #tpu.memory_space<vmem>>, vector<16xf32>,
          tpu.vector_store %arg11[%swap3A_459, %swap3A_460], %broadcast_in_dim3A_1 {strides = array<i32>} : memref<200x256xf32, #tpu.memory_space<vmem>>, vector<16xf32>,
          %mul3A_462 = arith.constant 8 : i32
          %mul3A_463 = arith.muli %squeeze3A_413, %mul3A_462 : i32
          %add3A_464 = vector.broadcast %mul3A_463 : i32 to vector<16xi32>
          %add3A_465 = arith.addi %add3A_464, %iota3A : vector<16xi32>
          %lt3A_466 = arith.constant 8 : i32
          %lt3A_467 = vector.broadcast %lt3A_466 : i32 to vector<16xi32>
          %lt3A_468 = arith.cmpi slt, %iota3A, %lt3A_467 : vector<16xi32>
          tpu.vector_store_idx %arg13[%add3A_465], %broadcast_in_dim3A_1 masked %lt3A_468 : memref<1600xf32, #tpu.memory_space<vmem>>[vector<16xi32>], vector<16xf32>, vector<16xi1>
          %while3A_469 = arith.constant 0 : i32
          scf.yield %while3A_469 : i32
        }
        %while3A_406 = arith.constant 1 : i32
        %while3A_407 = scf.for %while3A_408 = %while3A_403 to %while3A_399 step %while3A_406 iter_args(%while3A_409 = %while3A_405) -> (i32)  : i32 {
          %get3A_410 = arith.index_cast %while3A_408 : i32 to index
          %get3A_411 = tpu.vector_load %arg15[%get3A_410] {strides = array<i32>} : memref<272xi32, #tpu.memory_space<vmem>>, vector<16xi32>,
          %slice3A_412 = vector.extract_strided_slice %get3A_411 {offsets = [0], sizes = [1], strides = [1]} : vector<16xi32> to vector<1xi32>
          %squeeze3A_413 = vector.extract %slice3A_412[0] : i32 from vector<1xi32>
          %swap3A_414 = arith.index_cast %squeeze3A_413 : i32 to index
          %swap3A_415 = arith.constant 0 : index
          %swap3A_416 = tpu.vector_load %arg11[%swap3A_414, %swap3A_415] {strides = array<i32>} : memref<200x256xf32, #tpu.memory_space<vmem>>, vector<16xf32>,
          tpu.vector_store %arg11[%swap3A_414, %swap3A_415], %broadcast_in_dim3A_1 {strides = array<i32>} : memref<200x256xf32, #tpu.memory_space<vmem>>, vector<16xf32>,
          %swap3A_417 = arith.index_cast %squeeze3A_413 : i32 to index
          %swap3A_418 = arith.constant 16 : index
          %swap3A_419 = tpu.vector_load %arg11[%swap3A_417, %swap3A_418] {strides = array<i32>} : memref<200x256xf32, #tpu.memory_space<vmem>>, vector<16xf32>,
          tpu.vector_store %arg11[%swap3A_417, %swap3A_418], %broadcast_in_dim3A_1 {strides = array<i32>} : memref<200x256xf32, #tpu.memory_space<vmem>>, vector<16xf32>,
          %swap3A_420 = arith.index_cast %squeeze3A_413 : i32 to index
          %swap3A_421 = arith.constant 32 : index
          %swap3A_422 = tpu.vector_load %arg11[%swap3A_420, %swap3A_421] {strides = array<i32>} : memref<200x256xf32, #tpu.memory_space<vmem>>, vector<16xf32>,
          tpu.vector_store %arg11[%swap3A_420, %swap3A_421], %broadcast_in_dim3A_1 {strides = array<i32>} : memref<200x256xf32, #tpu.memory_space<vmem>>, vector<16xf32>,
          %swap3A_423 = arith.index_cast %squeeze3A_413 : i32 to index
          %swap3A_424 = arith.constant 48 : index
          %swap3A_425 = tpu.vector_load %arg11[%swap3A_423, %swap3A_424] {strides = array<i32>} : memref<200x256xf32, #tpu.memory_space<vmem>>, vector<16xf32>,
          tpu.vector_store %arg11[%swap3A_423, %swap3A_424], %broadcast_in_dim3A_1 {strides = array<i32>} : memref<200x256xf32, #tpu.memory_space<vmem>>, vector<16xf32>,
          %swap3A_426 = arith.index_cast %squeeze3A_413 : i32 to index
          %swap3A_427 = arith.constant 64 : index
          %swap3A_428 = tpu.vector_load %arg11[%swap3A_426, %swap3A_427] {strides = array<i32>} : memref<200x256xf32, #tpu.memory_space<vmem>>, vector<16xf32>,
          tpu.vector_store %arg11[%swap3A_426, %swap3A_427], %broadcast_in_dim3A_1 {strides = array<i32>} : memref<200x256xf32, #tpu.memory_space<vmem>>, vector<16xf32>,
          %swap3A_429 = arith.index_cast %squeeze3A_413 : i32 to index
          %swap3A_430 = arith.constant 80 : index
          %swap3A_431 = tpu.vector_load %arg11[%swap3A_429, %swap3A_430] {strides = array<i32>} : memref<200x256xf32, #tpu.memory_space<vmem>>, vector<16xf32>,
          tpu.vector_store %arg11[%swap3A_429, %swap3A_430], %broadcast_in_dim3A_1 {strides = array<i32>} : memref<200x256xf32, #tpu.memory_space<vmem>>, vector<16xf32>,
          %swap3A_432 = arith.index_cast %squeeze3A_413 : i32 to index
          %swap3A_433 = arith.constant 96 : index
          %swap3A_434 = tpu.vector_load %arg11[%swap3A_432, %swap3A_433] {strides = array<i32>} : memref<200x256xf32, #tpu.memory_space<vmem>>, vector<16xf32>,
          tpu.vector_store %arg11[%swap3A_432, %swap3A_433], %broadcast_in_dim3A_1 {strides = array<i32>} : memref<200x256xf32, #tpu.memory_space<vmem>>, vector<16xf32>,
          %swap3A_435 = arith.index_cast %squeeze3A_413 : i32 to index
          %swap3A_436 = arith.constant 112 : index
          %swap3A_437 = tpu.vector_load %arg11[%swap3A_435, %swap3A_436] {strides = array<i32>} : memref<200x256xf32, #tpu.memory_space<vmem>>, vector<16xf32>,
          tpu.vector_store %arg11[%swap3A_435, %swap3A_436], %broadcast_in_dim3A_1 {strides = array<i32>} : memref<200x256xf32, #tpu.memory_space<vmem>>, vector<16xf32>,
          %swap3A_438 = arith.index_cast %squeeze3A_413 : i32 to index
          %swap3A_439 = arith.constant 128 : index
          %swap3A_440 = tpu.vector_load %arg11[%swap3A_438, %swap3A_439] {strides = array<i32>} : memref<200x256xf32, #tpu.memory_space<vmem>>, vector<16xf32>,
          tpu.vector_store %arg11[%swap3A_438, %swap3A_439], %broadcast_in_dim3A_1 {strides = array<i32>} : memref<200x256xf32, #tpu.memory_space<vmem>>, vector<16xf32>,
          %swap3A_441 = arith.index_cast %squeeze3A_413 : i32 to index
          %swap3A_442 = arith.constant 144 : index
          %swap3A_443 = tpu.vector_load %arg11[%swap3A_441, %swap3A_442] {strides = array<i32>} : memref<200x256xf32, #tpu.memory_space<vmem>>, vector<16xf32>,
          tpu.vector_store %arg11[%swap3A_441, %swap3A_442], %broadcast_in_dim3A_1 {strides = array<i32>} : memref<200x256xf32, #tpu.memory_space<vmem>>, vector<16xf32>,
          %swap3A_444 = arith.index_cast %squeeze3A_413 : i32 to index
          %swap3A_445 = arith.constant 160 : index
          %swap3A_446 = tpu.vector_load %arg11[%swap3A_444, %swap3A_445] {strides = array<i32>} : memref<200x256xf32, #tpu.memory_space<vmem>>, vector<16xf32>,
          tpu.vector_store %arg11[%swap3A_444, %swap3A_445], %broadcast_in_dim3A_1 {strides = array<i32>} : memref<200x256xf32, #tpu.memory_space<vmem>>, vector<16xf32>,
          %swap3A_447 = arith.index_cast %squeeze3A_413 : i32 to index
          %swap3A_448 = arith.constant 176 : index
          %swap3A_449 = tpu.vector_load %arg11[%swap3A_447, %swap3A_448] {strides = array<i32>} : memref<200x256xf32, #tpu.memory_space<vmem>>, vector<16xf32>,
          tpu.vector_store %arg11[%swap3A_447, %swap3A_448], %broadcast_in_dim3A_1 {strides = array<i32>} : memref<200x256xf32, #tpu.memory_space<vmem>>, vector<16xf32>,
          %swap3A_450 = arith.index_cast %squeeze3A_413 : i32 to index
          %swap3A_451 = arith.constant 192 : index
          %swap3A_452 = tpu.vector_load %arg11[%swap3A_450, %swap3A_451] {strides = array<i32>} : memref<200x256xf32, #tpu.memory_space<vmem>>, vector<16xf32>,
          tpu.vector_store %arg11[%swap3A_450, %swap3A_451], %broadcast_in_dim3A_1 {strides = array<i32>} : memref<200x256xf32, #tpu.memory_space<vmem>>, vector<16xf32>,
          %swap3A_453 = arith.index_cast %squeeze3A_413 : i32 to index
          %swap3A_454 = arith.constant 208 : index
          %swap3A_455 = tpu.vector_load %arg11[%swap3A_453, %swap3A_454] {strides = array<i32>} : memref<200x256xf32, #tpu.memory_space<vmem>>, vector<16xf32>,
          tpu.vector_store %arg11[%swap3A_453, %swap3A_454], %broadcast_in_dim3A_1 {strides = array<i32>} : memref<200x256xf32, #tpu.memory_space<vmem>>, vector<16xf32>,
          %swap3A_456 = arith.index_cast %squeeze3A_413 : i32 to index
          %swap3A_457 = arith.constant 224 : index
          %swap3A_458 = tpu.vector_load %arg11[%swap3A_456, %swap3A_457] {strides = array<i32>} : memref<200x256xf32, #tpu.memory_space<vmem>>, vector<16xf32>,
          tpu.vector_store %arg11[%swap3A_456, %swap3A_457], %broadcast_in_dim3A_1 {strides = array<i32>} : memref<200x256xf32, #tpu.memory_space<vmem>>, vector<16xf32>,
          %swap3A_459 = arith.index_cast %squeeze3A_413 : i32 to index
          %swap3A_460 = arith.constant 240 : index
          %swap3A_461 = tpu.vector_load %arg11[%swap3A_459, %swap3A_460] {strides = array<i32>} : memref<200x256xf32, #tpu.memory_space<vmem>>, vector<16xf32>,
          tpu.vector_store %arg11[%swap3A_459, %swap3A_460], %broadcast_in_dim3A_1 {strides = array<i32>} : memref<200x256xf32, #tpu.memory_space<vmem>>, vector<16xf32>,
          %mul3A_462 = arith.constant 8 : i32
          %mul3A_463 = arith.muli %squeeze3A_413, %mul3A_462 : i32
          %add3A_464 = vector.broadcast %mul3A_463 : i32 to vector<16xi32>
          %add3A_465 = arith.addi %add3A_464, %iota3A : vector<16xi32>
          %lt3A_466 = arith.constant 8 : i32
          %lt3A_467 = vector.broadcast %lt3A_466 : i32 to vector<16xi32>
          %lt3A_468 = arith.cmpi slt, %iota3A, %lt3A_467 : vector<16xi32>
          tpu.vector_store_idx %arg13[%add3A_465], %broadcast_in_dim3A_1 masked %lt3A_468 : memref<1600xf32, #tpu.memory_space<vmem>>[vector<16xi32>], vector<16xf32>, vector<16xi1>
          %while3A_469 = arith.constant 0 : i32
          scf.yield %while3A_469 : i32
        }
      } else {
      }
      %add3A_129 = arith.constant 16 : i32
      %add3A_130 = arith.addi %while3A_72, %add3A_129 : i32
      %sub3A_131 = arith.constant 1 : i32
      %sub3A_132 = arith.subi %add3A_130, %sub3A_131 : i32
      %jit3A_133 = arith.constant 16 : i32
      %div3A_134 = arith.divsi %sub3A_132, %jit3A_133 : i32
      %sign3A_135 = arith.constant 0 : i32
      %sign3A_136 = arith.cmpi sgt, %sub3A_132, %sign3A_135 : i32
      %sign3A_137 = arith.extui %sign3A_136 : i1 to i32
      %sign3A_138 = arith.constant 0 : i32
      %sign3A_139 = arith.cmpi slt, %sub3A_132, %sign3A_138 : i32
      %sign3A_140 = arith.extui %sign3A_139 : i1 to i32
      %sign3A_141 = arith.subi %sign3A_137, %sign3A_140 : i32
      %sign3A_142 = arith.constant 0 : i32
      %sign3A_143 = arith.cmpi sgt, %jit3A_133, %sign3A_142 : i32
      %sign3A_144 = arith.extui %sign3A_143 : i1 to i32
      %sign3A_145 = arith.constant 0 : i32
      %sign3A_146 = arith.cmpi slt, %jit3A_133, %sign3A_145 : i32
      %sign3A_147 = arith.extui %sign3A_146 : i1 to i32
      %sign3A_148 = arith.subi %sign3A_144, %sign3A_147 : i32
      %ne3A_149 = arith.cmpi ne, %sign3A_141, %sign3A_148 : i32
      %rem3A_150 = arith.remsi %sub3A_132, %jit3A_133 : i32
      %ne3A_151 = arith.constant 0 : i32
      %ne3A_152 = arith.cmpi ne, %rem3A_150, %ne3A_151 : i32
      %and3A_153 = arith.andi %ne3A_149, %ne3A_152 : i1
      %sub3A_154 = arith.constant 1 : i32
      %sub3A_155 = arith.subi %div3A_134, %sub3A_154 : i32
      %select_n3A_156 = arith.select %and3A_153, %sub3A_155, %div3A_134 : i32
      %while3A_157 = arith.constant 0 : i32
      %while3A_158 = arith.constant 0 : i32
      %while3A_159 = arith.subi %select_n3A_156, %while3A_157 : i32
      %while3A_160 = arith.addi %while3A_157, %while3A_159 : i32
      %while3A_161 = arith.constant 1 : i32
      %while3A_162 = arith.divsi %while3A_159, %while3A_161 : i32
      %while3A_163 = arith.muli %while3A_162, %while3A_161 : i32
      %while3A_164 = arith.addi %while3A_157, %while3A_163 : i32
      %while3A_165 = arith.constant 1 : i32
      %while3A_166 = scf.for %while3A_396 = %while3A_157 to %while3A_164 step %while3A_165 iter_args(%while3A_397 = %while3A_158) -> (i32)  : i32 {
        %mul3A_398 = arith.constant 16 : i32
        %mul3A_399 = arith.muli %while3A_396, %mul3A_398 : i32
        %sub3A_400 = arith.subi %while3A_72, %mul3A_399 : i32
        %min3A_401 = arith.constant 16 : i32
        %min3A_402 = arith.minsi %sub3A_400, %min3A_401 : i32
        %add3A_403 = arith.constant 8 : i32
        %add3A_404 = arith.addi %min3A_402, %add3A_403 : i32
        %sub3A_405 = arith.constant 1 : i32
        %sub3A_406 = arith.subi %add3A_404, %sub3A_405 : i32
        %jit3A_407 = arith.constant 8 : i32
        %div3A_408 = arith.divsi %sub3A_406, %jit3A_407 : i32
        %sign3A_409 = arith.constant 0 : i32
        %sign3A_410 = arith.cmpi sgt, %sub3A_406, %sign3A_409 : i32
        %sign3A_411 = arith.extui %sign3A_410 : i1 to i32
        %sign3A_412 = arith.constant 0 : i32
        %sign3A_413 = arith.cmpi slt, %sub3A_406, %sign3A_412 : i32
        %sign3A_414 = arith.extui %sign3A_413 : i1 to i32
        %sign3A_415 = arith.subi %sign3A_411, %sign3A_414 : i32
        %sign3A_416 = arith.constant 0 : i32
        %sign3A_417 = arith.cmpi sgt, %jit3A_407, %sign3A_416 : i32
        %sign3A_418 = arith.extui %sign3A_417 : i1 to i32
        %sign3A_419 = arith.constant 0 : i32
        %sign3A_420 = arith.cmpi slt, %jit3A_407, %sign3A_419 : i32
        %sign3A_421 = arith.extui %sign3A_420 : i1 to i32
        %sign3A_422 = arith.subi %sign3A_418, %sign3A_421 : i32
        %ne3A_423 = arith.cmpi ne, %sign3A_415, %sign3A_422 : i32
        %rem3A_424 = arith.remsi %sub3A_406, %jit3A_407 : i32
        %ne3A_425 = arith.constant 0 : i32
        %ne3A_426 = arith.cmpi ne, %rem3A_424, %ne3A_425 : i32
        %and3A_427 = arith.andi %ne3A_423, %ne3A_426 : i1
        %sub3A_428 = arith.constant 1 : i32
        %sub3A_429 = arith.subi %div3A_408, %sub3A_428 : i32
        %select_n3A_430 = arith.select %and3A_427, %sub3A_429, %div3A_408 : i32
        %gt3A_431 = arith.constant 0 : i32
        %gt3A_432 = arith.cmpi sgt, %while3A_396, %gt3A_431 : i32
        %convert_element_type3A_433 = arith.extui %gt3A_432 : i1 to i32
        %cond3A_434 = arith.constant 0 : i32
        %cond3A_435 = arith.cmpi ne, %convert_element_type3A_433, %cond3A_434 : i32
        scf.if %cond3A_435 {
          %while3A_461 = arith.constant 0 : i32
          %while3A_462 = arith.constant 0 : i32
          %while3A_463 = arith.subi %select_n3A_430, %while3A_461 : i32
          %while3A_464 = arith.addi %while3A_461, %while3A_463 : i32
          %while3A_465 = arith.constant 1 : i32
          %while3A_466 = arith.divsi %while3A_463, %while3A_465 : i32
          %while3A_467 = arith.muli %while3A_466, %while3A_465 : i32
          %while3A_468 = arith.addi %while3A_461, %while3A_467 : i32
          %while3A_469 = arith.constant 1 : i32
          %while3A_470 = scf.for %while3A_473 = %while3A_461 to %while3A_468 step %while3A_469 iter_args(%while3A_474 = %while3A_462) -> (i32)  : i32 {
            %mul3A_475 = arith.constant 8 : i32
            %mul3A_476 = arith.muli %while3A_473, %mul3A_475 : i32
            %add3A_477 = arith.addi %mul3A_399, %mul3A_476 : i32
            %mul3A_478 = arith.constant 8 : i32
            %mul3A_479 = arith.muli %while3A_473, %mul3A_478 : i32
            %dma_start3A = arith.constant 0 : i32
            %dma_start3A_480 = tpu.memref_slice %arg10[%mul3A_479, %dma_start3A] : memref<16x384xf32, #tpu.memory_space<vmem>> -> memref<8x384xf32, #tpu.memory_space<vmem>>
            %dma_start3A_481 = tpu.memref_slice %arg8[%add3A_477] : memref<4112xi32, #tpu.memory_space<vmem>> -> memref<8xi32, #tpu.memory_space<vmem>>
            %dma_start3A_482 = arith.constant 0 : i32
            %dma_start3A_483 = arith.constant 0 : i32
            %dma_start3A_484 = tpu.memref_slice %arg2[%dma_start3A_482, %dma_start3A_483] : memref<4096x384xf32, #tpu.memory_space<hbm>> -> memref<4096x384xf32, #tpu.memory_space<hbm>>
            tpu.enqueue_indirect_dma source(%dma_start3A_484 : memref<4096x384xf32, #tpu.memory_space<hbm>>) target(%dma_start3A_480 : memref<8x384xf32, #tpu.memory_space<vmem>>) offsets(%dma_start3A_481 : memref<8xi32, #tpu.memory_space<vmem>>) semaphore(%arg19 : memref<!tpu.dma_semaphore, #tpu.memory_space<semaphore_mem>>)
            %while3A_485 = arith.constant 0 : i32
            scf.yield %while3A_485 : i32
          }
          %while3A_471 = arith.constant 1 : i32
          %while3A_472 = scf.for %while3A_473 = %while3A_468 to %while3A_464 step %while3A_471 iter_args(%while3A_474 = %while3A_470) -> (i32)  : i32 {
            %mul3A_475 = arith.constant 8 : i32
            %mul3A_476 = arith.muli %while3A_473, %mul3A_475 : i32
            %add3A_477 = arith.addi %mul3A_399, %mul3A_476 : i32
            %mul3A_478 = arith.constant 8 : i32
            %mul3A_479 = arith.muli %while3A_473, %mul3A_478 : i32
            %dma_start3A = arith.constant 0 : i32
            %dma_start3A_480 = tpu.memref_slice %arg10[%mul3A_479, %dma_start3A] : memref<16x384xf32, #tpu.memory_space<vmem>> -> memref<8x384xf32, #tpu.memory_space<vmem>>
            %dma_start3A_481 = tpu.memref_slice %arg8[%add3A_477] : memref<4112xi32, #tpu.memory_space<vmem>> -> memref<8xi32, #tpu.memory_space<vmem>>
            %dma_start3A_482 = arith.constant 0 : i32
            %dma_start3A_483 = arith.constant 0 : i32
            %dma_start3A_484 = tpu.memref_slice %arg2[%dma_start3A_482, %dma_start3A_483] : memref<4096x384xf32, #tpu.memory_space<hbm>> -> memref<4096x384xf32, #tpu.memory_space<hbm>>
            tpu.enqueue_indirect_dma source(%dma_start3A_484 : memref<4096x384xf32, #tpu.memory_space<hbm>>) target(%dma_start3A_480 : memref<8x384xf32, #tpu.memory_space<vmem>>) offsets(%dma_start3A_481 : memref<8xi32, #tpu.memory_space<vmem>>) semaphore(%arg19 : memref<!tpu.dma_semaphore, #tpu.memory_space<semaphore_mem>>)
            %while3A_485 = arith.constant 0 : i32
            scf.yield %while3A_485 : i32
          }
        } else {
        }
        %while3A_436 = arith.constant 0 : i32
        %while3A_437 = arith.constant 0 : i32
        %while3A_438 = arith.subi %select_n3A_430, %while3A_436 : i32
        %while3A_439 = arith.addi %while3A_436, %while3A_438 : i32
        %while3A_440 = arith.constant 1 : i32
        %while3A_441 = arith.divsi %while3A_438, %while3A_440 : i32
        %while3A_442 = arith.muli %while3A_441, %while3A_440 : i32
        %while3A_443 = arith.addi %while3A_436, %while3A_442 : i32
        %while3A_444 = arith.constant 1 : i32
        %while3A_445 = scf.for %while3A_461 = %while3A_436 to %while3A_443 step %while3A_444 iter_args(%while3A_462 = %while3A_437) -> (i32)  : i32 {
          %mul3A_463 = arith.constant 8 : i32
          %mul3A_464 = arith.muli %while3A_461, %mul3A_463 : i32
          %add3A_465 = arith.addi %mul3A_399, %mul3A_464 : i32
          %mul3A_466 = arith.constant 8 : i32
          %mul3A_467 = arith.muli %while3A_461, %mul3A_466 : i32
          %dma_wait3A = arith.constant 0 : i32
          %dma_wait3A_468 = tpu.memref_slice %arg10[%mul3A_467, %dma_wait3A] : memref<16x384xf32, #tpu.memory_space<vmem>> -> memref<8x384xf32, #tpu.memory_space<vmem>>
          %dma_wait3A_469 = tpu.memref_slice %arg8[%add3A_465] : memref<4112xi32, #tpu.memory_space<vmem>> -> memref<8xi32, #tpu.memory_space<vmem>>
          %dma_wait3A_470 = arith.constant 0 : i32
          %dma_wait3A_471 = arith.constant 0 : i32
          %dma_wait3A_472 = tpu.memref_slice %arg2[%dma_wait3A_470, %dma_wait3A_471] : memref<4096x384xf32, #tpu.memory_space<hbm>> -> memref<4096x384xf32, #tpu.memory_space<hbm>>
          tpu.wait_indirect_dma semaphore(%arg19 : memref<!tpu.dma_semaphore, #tpu.memory_space<semaphore_mem>>) src(%dma_wait3A_472 : memref<4096x384xf32, #tpu.memory_space<hbm>>) dst(%dma_wait3A_468 : memref<8x384xf32, #tpu.memory_space<vmem>>)
          %while3A_473 = arith.constant 0 : i32
          scf.yield %while3A_473 : i32
        }
        %while3A_446 = arith.constant 1 : i32
        %while3A_447 = scf.for %while3A_461 = %while3A_443 to %while3A_439 step %while3A_446 iter_args(%while3A_462 = %while3A_445) -> (i32)  : i32 {
          %mul3A_463 = arith.constant 8 : i32
          %mul3A_464 = arith.muli %while3A_461, %mul3A_463 : i32
          %add3A_465 = arith.addi %mul3A_399, %mul3A_464 : i32
          %mul3A_466 = arith.constant 8 : i32
          %mul3A_467 = arith.muli %while3A_461, %mul3A_466 : i32
          %dma_wait3A = arith.constant 0 : i32
          %dma_wait3A_468 = tpu.memref_slice %arg10[%mul3A_467, %dma_wait3A] : memref<16x384xf32, #tpu.memory_space<vmem>> -> memref<8x384xf32, #tpu.memory_space<vmem>>
          %dma_wait3A_469 = tpu.memref_slice %arg8[%add3A_465] : memref<4112xi32, #tpu.memory_space<vmem>> -> memref<8xi32, #tpu.memory_space<vmem>>
          %dma_wait3A_470 = arith.constant 0 : i32
          %dma_wait3A_471 = arith.constant 0 : i32
          %dma_wait3A_472 = tpu.memref_slice %arg2[%dma_wait3A_470, %dma_wait3A_471] : memref<4096x384xf32, #tpu.memory_space<hbm>> -> memref<4096x384xf32, #tpu.memory_space<hbm>>
          tpu.wait_indirect_dma semaphore(%arg19 : memref<!tpu.dma_semaphore, #tpu.memory_space<semaphore_mem>>) src(%dma_wait3A_472 : memref<4096x384xf32, #tpu.memory_space<hbm>>) dst(%dma_wait3A_468 : memref<8x384xf32, #tpu.memory_space<vmem>>)
          %while3A_473 = arith.constant 0 : i32
          scf.yield %while3A_473 : i32
        }
        %while3A_448 = arith.constant 0 : i32
        %while3A_449 = arith.constant 0 : i32
        %while3A_450 = arith.subi %min3A_402, %while3A_448 : i32
        %while3A_451 = arith.addi %while3A_448, %while3A_450 : i32
        %while3A_452 = arith.constant 1 : i32
        %while3A_453 = arith.divsi %while3A_450, %while3A_452 : i32
        %while3A_454 = arith.muli %while3A_453, %while3A_452 : i32
        %while3A_455 = arith.addi %while3A_448, %while3A_454 : i32
        %while3A_456 = arith.constant 1 : i32
        %while3A_457 = scf.for %while3A_461 = %while3A_448 to %while3A_455 step %while3A_456 iter_args(%while3A_462 = %while3A_449) -> (i32)  : i32 {
          %add3A_463 = arith.addi %mul3A_399, %while3A_461 : i32
          %get3A_464 = arith.index_cast %add3A_463 : i32 to index
          %get3A_465 = tpu.vector_load %arg9[%get3A_464] {strides = array<i32>} : memref<4112xi32, #tpu.memory_space<vmem>>, vector<16xi32>,
          %slice3A_466 = vector.extract_strided_slice %get3A_465 {offsets = [0], sizes = [1], strides = [1]} : vector<16xi32> to vector<1xi32>
          %squeeze3A_467 = vector.extract %slice3A_466[0] : i32 from vector<1xi32>
          %get3A_468 = arith.index_cast %while3A_461 : i32 to index
          %get3A_469 = arith.constant 0 : index
          %get3A_470 = tpu.vector_load %arg10[%get3A_468, %get3A_469] {strides = array<i32>} : memref<16x384xf32, #tpu.memory_space<vmem>>, vector<16xf32>,
          %swap3A_471 = arith.index_cast %squeeze3A_467 : i32 to index
          %swap3A_472 = arith.constant 0 : index
          %swap3A_473 = tpu.vector_load %arg11[%swap3A_471, %swap3A_472] {strides = array<i32>} : memref<200x256xf32, #tpu.memory_space<vmem>>, vector<16xf32>,
          tpu.vector_store %arg11[%swap3A_471, %swap3A_472], %get3A_470 {strides = array<i32>} : memref<200x256xf32, #tpu.memory_space<vmem>>, vector<16xf32>,
          %get3A_474 = arith.index_cast %while3A_461 : i32 to index
          %get3A_475 = arith.constant 16 : index
          %get3A_476 = tpu.vector_load %arg10[%get3A_474, %get3A_475] {strides = array<i32>} : memref<16x384xf32, #tpu.memory_space<vmem>>, vector<16xf32>,
          %swap3A_477 = arith.index_cast %squeeze3A_467 : i32 to index
          %swap3A_478 = arith.constant 16 : index
          %swap3A_479 = tpu.vector_load %arg11[%swap3A_477, %swap3A_478] {strides = array<i32>} : memref<200x256xf32, #tpu.memory_space<vmem>>, vector<16xf32>,
          tpu.vector_store %arg11[%swap3A_477, %swap3A_478], %get3A_476 {strides = array<i32>} : memref<200x256xf32, #tpu.memory_space<vmem>>, vector<16xf32>,
          %get3A_480 = arith.index_cast %while3A_461 : i32 to index
          %get3A_481 = arith.constant 32 : index
          %get3A_482 = tpu.vector_load %arg10[%get3A_480, %get3A_481] {strides = array<i32>} : memref<16x384xf32, #tpu.memory_space<vmem>>, vector<16xf32>,
          %swap3A_483 = arith.index_cast %squeeze3A_467 : i32 to index
          %swap3A_484 = arith.constant 32 : index
          %swap3A_485 = tpu.vector_load %arg11[%swap3A_483, %swap3A_484] {strides = array<i32>} : memref<200x256xf32, #tpu.memory_space<vmem>>, vector<16xf32>,
          tpu.vector_store %arg11[%swap3A_483, %swap3A_484], %get3A_482 {strides = array<i32>} : memref<200x256xf32, #tpu.memory_space<vmem>>, vector<16xf32>,
          %get3A_486 = arith.index_cast %while3A_461 : i32 to index
          %get3A_487 = arith.constant 48 : index
          %get3A_488 = tpu.vector_load %arg10[%get3A_486, %get3A_487] {strides = array<i32>} : memref<16x384xf32, #tpu.memory_space<vmem>>, vector<16xf32>,
          %swap3A_489 = arith.index_cast %squeeze3A_467 : i32 to index
          %swap3A_490 = arith.constant 48 : index
          %swap3A_491 = tpu.vector_load %arg11[%swap3A_489, %swap3A_490] {strides = array<i32>} : memref<200x256xf32, #tpu.memory_space<vmem>>, vector<16xf32>,
          tpu.vector_store %arg11[%swap3A_489, %swap3A_490], %get3A_488 {strides = array<i32>} : memref<200x256xf32, #tpu.memory_space<vmem>>, vector<16xf32>,
          %get3A_492 = arith.index_cast %while3A_461 : i32 to index
          %get3A_493 = arith.constant 64 : index
          %get3A_494 = tpu.vector_load %arg10[%get3A_492, %get3A_493] {strides = array<i32>} : memref<16x384xf32, #tpu.memory_space<vmem>>, vector<16xf32>,
          %swap3A_495 = arith.index_cast %squeeze3A_467 : i32 to index
          %swap3A_496 = arith.constant 64 : index
          %swap3A_497 = tpu.vector_load %arg11[%swap3A_495, %swap3A_496] {strides = array<i32>} : memref<200x256xf32, #tpu.memory_space<vmem>>, vector<16xf32>,
          tpu.vector_store %arg11[%swap3A_495, %swap3A_496], %get3A_494 {strides = array<i32>} : memref<200x256xf32, #tpu.memory_space<vmem>>, vector<16xf32>,
          %get3A_498 = arith.index_cast %while3A_461 : i32 to index
          %get3A_499 = arith.constant 80 : index
          %get3A_500 = tpu.vector_load %arg10[%get3A_498, %get3A_499] {strides = array<i32>} : memref<16x384xf32, #tpu.memory_space<vmem>>, vector<16xf32>,
          %swap3A_501 = arith.index_cast %squeeze3A_467 : i32 to index
          %swap3A_502 = arith.constant 80 : index
          %swap3A_503 = tpu.vector_load %arg11[%swap3A_501, %swap3A_502] {strides = array<i32>} : memref<200x256xf32, #tpu.memory_space<vmem>>, vector<16xf32>,
          tpu.vector_store %arg11[%swap3A_501, %swap3A_502], %get3A_500 {strides = array<i32>} : memref<200x256xf32, #tpu.memory_space<vmem>>, vector<16xf32>,
          %get3A_504 = arith.index_cast %while3A_461 : i32 to index
          %get3A_505 = arith.constant 96 : index
          %get3A_506 = tpu.vector_load %arg10[%get3A_504, %get3A_505] {strides = array<i32>} : memref<16x384xf32, #tpu.memory_space<vmem>>, vector<16xf32>,
          %swap3A_507 = arith.index_cast %squeeze3A_467 : i32 to index
          %swap3A_508 = arith.constant 96 : index
          %swap3A_509 = tpu.vector_load %arg11[%swap3A_507, %swap3A_508] {strides = array<i32>} : memref<200x256xf32, #tpu.memory_space<vmem>>, vector<16xf32>,
          tpu.vector_store %arg11[%swap3A_507, %swap3A_508], %get3A_506 {strides = array<i32>} : memref<200x256xf32, #tpu.memory_space<vmem>>, vector<16xf32>,
          %get3A_510 = arith.index_cast %while3A_461 : i32 to index
          %get3A_511 = arith.constant 112 : index
          %get3A_512 = tpu.vector_load %arg10[%get3A_510, %get3A_511] {strides = array<i32>} : memref<16x384xf32, #tpu.memory_space<vmem>>, vector<16xf32>,
          %swap3A_513 = arith.index_cast %squeeze3A_467 : i32 to index
          %swap3A_514 = arith.constant 112 : index
          %swap3A_515 = tpu.vector_load %arg11[%swap3A_513, %swap3A_514] {strides = array<i32>} : memref<200x256xf32, #tpu.memory_space<vmem>>, vector<16xf32>,
          tpu.vector_store %arg11[%swap3A_513, %swap3A_514], %get3A_512 {strides = array<i32>} : memref<200x256xf32, #tpu.memory_space<vmem>>, vector<16xf32>,
          %get3A_516 = arith.index_cast %while3A_461 : i32 to index
          %get3A_517 = arith.constant 128 : index
          %get3A_518 = tpu.vector_load %arg10[%get3A_516, %get3A_517] {strides = array<i32>} : memref<16x384xf32, #tpu.memory_space<vmem>>, vector<16xf32>,
          %swap3A_519 = arith.index_cast %squeeze3A_467 : i32 to index
          %swap3A_520 = arith.constant 128 : index
          %swap3A_521 = tpu.vector_load %arg11[%swap3A_519, %swap3A_520] {strides = array<i32>} : memref<200x256xf32, #tpu.memory_space<vmem>>, vector<16xf32>,
          tpu.vector_store %arg11[%swap3A_519, %swap3A_520], %get3A_518 {strides = array<i32>} : memref<200x256xf32, #tpu.memory_space<vmem>>, vector<16xf32>,
          %get3A_522 = arith.index_cast %while3A_461 : i32 to index
          %get3A_523 = arith.constant 144 : index
          %get3A_524 = tpu.vector_load %arg10[%get3A_522, %get3A_523] {strides = array<i32>} : memref<16x384xf32, #tpu.memory_space<vmem>>, vector<16xf32>,
          %swap3A_525 = arith.index_cast %squeeze3A_467 : i32 to index
          %swap3A_526 = arith.constant 144 : index
          %swap3A_527 = tpu.vector_load %arg11[%swap3A_525, %swap3A_526] {strides = array<i32>} : memref<200x256xf32, #tpu.memory_space<vmem>>, vector<16xf32>,
          tpu.vector_store %arg11[%swap3A_525, %swap3A_526], %get3A_524 {strides = array<i32>} : memref<200x256xf32, #tpu.memory_space<vmem>>, vector<16xf32>,
          %get3A_528 = arith.index_cast %while3A_461 : i32 to index
          %get3A_529 = arith.constant 160 : index
          %get3A_530 = tpu.vector_load %arg10[%get3A_528, %get3A_529] {strides = array<i32>} : memref<16x384xf32, #tpu.memory_space<vmem>>, vector<16xf32>,
          %swap3A_531 = arith.index_cast %squeeze3A_467 : i32 to index
          %swap3A_532 = arith.constant 160 : index
          %swap3A_533 = tpu.vector_load %arg11[%swap3A_531, %swap3A_532] {strides = array<i32>} : memref<200x256xf32, #tpu.memory_space<vmem>>, vector<16xf32>,
          tpu.vector_store %arg11[%swap3A_531, %swap3A_532], %get3A_530 {strides = array<i32>} : memref<200x256xf32, #tpu.memory_space<vmem>>, vector<16xf32>,
          %get3A_534 = arith.index_cast %while3A_461 : i32 to index
          %get3A_535 = arith.constant 176 : index
          %get3A_536 = tpu.vector_load %arg10[%get3A_534, %get3A_535] {strides = array<i32>} : memref<16x384xf32, #tpu.memory_space<vmem>>, vector<16xf32>,
          %swap3A_537 = arith.index_cast %squeeze3A_467 : i32 to index
          %swap3A_538 = arith.constant 176 : index
          %swap3A_539 = tpu.vector_load %arg11[%swap3A_537, %swap3A_538] {strides = array<i32>} : memref<200x256xf32, #tpu.memory_space<vmem>>, vector<16xf32>,
          tpu.vector_store %arg11[%swap3A_537, %swap3A_538], %get3A_536 {strides = array<i32>} : memref<200x256xf32, #tpu.memory_space<vmem>>, vector<16xf32>,
          %get3A_540 = arith.index_cast %while3A_461 : i32 to index
          %get3A_541 = arith.constant 192 : index
          %get3A_542 = tpu.vector_load %arg10[%get3A_540, %get3A_541] {strides = array<i32>} : memref<16x384xf32, #tpu.memory_space<vmem>>, vector<16xf32>,
          %swap3A_543 = arith.index_cast %squeeze3A_467 : i32 to index
          %swap3A_544 = arith.constant 192 : index
          %swap3A_545 = tpu.vector_load %arg11[%swap3A_543, %swap3A_544] {strides = array<i32>} : memref<200x256xf32, #tpu.memory_space<vmem>>, vector<16xf32>,
          tpu.vector_store %arg11[%swap3A_543, %swap3A_544], %get3A_542 {strides = array<i32>} : memref<200x256xf32, #tpu.memory_space<vmem>>, vector<16xf32>,
          %get3A_546 = arith.index_cast %while3A_461 : i32 to index
          %get3A_547 = arith.constant 208 : index
          %get3A_548 = tpu.vector_load %arg10[%get3A_546, %get3A_547] {strides = array<i32>} : memref<16x384xf32, #tpu.memory_space<vmem>>, vector<16xf32>,
          %swap3A_549 = arith.index_cast %squeeze3A_467 : i32 to index
          %swap3A_550 = arith.constant 208 : index
          %swap3A_551 = tpu.vector_load %arg11[%swap3A_549, %swap3A_550] {strides = array<i32>} : memref<200x256xf32, #tpu.memory_space<vmem>>, vector<16xf32>,
          tpu.vector_store %arg11[%swap3A_549, %swap3A_550], %get3A_548 {strides = array<i32>} : memref<200x256xf32, #tpu.memory_space<vmem>>, vector<16xf32>,
          %get3A_552 = arith.index_cast %while3A_461 : i32 to index
          %get3A_553 = arith.constant 224 : index
          %get3A_554 = tpu.vector_load %arg10[%get3A_552, %get3A_553] {strides = array<i32>} : memref<16x384xf32, #tpu.memory_space<vmem>>, vector<16xf32>,
          %swap3A_555 = arith.index_cast %squeeze3A_467 : i32 to index
          %swap3A_556 = arith.constant 224 : index
          %swap3A_557 = tpu.vector_load %arg11[%swap3A_555, %swap3A_556] {strides = array<i32>} : memref<200x256xf32, #tpu.memory_space<vmem>>, vector<16xf32>,
          tpu.vector_store %arg11[%swap3A_555, %swap3A_556], %get3A_554 {strides = array<i32>} : memref<200x256xf32, #tpu.memory_space<vmem>>, vector<16xf32>,
          %get3A_558 = arith.index_cast %while3A_461 : i32 to index
          %get3A_559 = arith.constant 240 : index
          %get3A_560 = tpu.vector_load %arg10[%get3A_558, %get3A_559] {strides = array<i32>} : memref<16x384xf32, #tpu.memory_space<vmem>>, vector<16xf32>,
          %swap3A_561 = arith.index_cast %squeeze3A_467 : i32 to index
          %swap3A_562 = arith.constant 240 : index
          %swap3A_563 = tpu.vector_load %arg11[%swap3A_561, %swap3A_562] {strides = array<i32>} : memref<200x256xf32, #tpu.memory_space<vmem>>, vector<16xf32>,
          tpu.vector_store %arg11[%swap3A_561, %swap3A_562], %get3A_560 {strides = array<i32>} : memref<200x256xf32, #tpu.memory_space<vmem>>, vector<16xf32>,
          %get3A_564 = arith.index_cast %while3A_461 : i32 to index
          %get3A_565 = arith.constant 256 : index
          %get3A_566 = tpu.vector_load %arg10[%get3A_564, %get3A_565] {strides = array<i32>} : memref<16x384xf32, #tpu.memory_space<vmem>>, vector<16xf32>,
          %mul3A_567 = arith.constant 8 : i32
          %mul3A_568 = arith.muli %squeeze3A_467, %mul3A_567 : i32
          %add3A_569 = vector.broadcast %mul3A_568 : i32 to vector<16xi32>
          %add3A_570 = arith.addi %add3A_569, %iota3A : vector<16xi32>
          %lt3A_571 = arith.constant 8 : i32
          %lt3A_572 = vector.broadcast %lt3A_571 : i32 to vector<16xi32>
          %lt3A_573 = arith.cmpi slt, %iota3A, %lt3A_572 : vector<16xi32>
          tpu.vector_store_idx %arg13[%add3A_570], %get3A_566 masked %lt3A_573 : memref<1600xf32, #tpu.memory_space<vmem>>[vector<16xi32>], vector<16xf32>, vector<16xi1>
          %while3A_574 = arith.constant 0 : i32
          scf.yield %while3A_574 : i32
        }
        %while3A_458 = arith.constant 1 : i32
        %while3A_459 = scf.for %while3A_461 = %while3A_455 to %while3A_451 step %while3A_458 iter_args(%while3A_462 = %while3A_457) -> (i32)  : i32 {
          %add3A_463 = arith.addi %mul3A_399, %while3A_461 : i32
          %get3A_464 = arith.index_cast %add3A_463 : i32 to index
          %get3A_465 = tpu.vector_load %arg9[%get3A_464] {strides = array<i32>} : memref<4112xi32, #tpu.memory_space<vmem>>, vector<16xi32>,
          %slice3A_466 = vector.extract_strided_slice %get3A_465 {offsets = [0], sizes = [1], strides = [1]} : vector<16xi32> to vector<1xi32>
          %squeeze3A_467 = vector.extract %slice3A_466[0] : i32 from vector<1xi32>
          %get3A_468 = arith.index_cast %while3A_461 : i32 to index
          %get3A_469 = arith.constant 0 : index
          %get3A_470 = tpu.vector_load %arg10[%get3A_468, %get3A_469] {strides = array<i32>} : memref<16x384xf32, #tpu.memory_space<vmem>>, vector<16xf32>,
          %swap3A_471 = arith.index_cast %squeeze3A_467 : i32 to index
          %swap3A_472 = arith.constant 0 : index
          %swap3A_473 = tpu.vector_load %arg11[%swap3A_471, %swap3A_472] {strides = array<i32>} : memref<200x256xf32, #tpu.memory_space<vmem>>, vector<16xf32>,
          tpu.vector_store %arg11[%swap3A_471, %swap3A_472], %get3A_470 {strides = array<i32>} : memref<200x256xf32, #tpu.memory_space<vmem>>, vector<16xf32>,
          %get3A_474 = arith.index_cast %while3A_461 : i32 to index
          %get3A_475 = arith.constant 16 : index
          %get3A_476 = tpu.vector_load %arg10[%get3A_474, %get3A_475] {strides = array<i32>} : memref<16x384xf32, #tpu.memory_space<vmem>>, vector<16xf32>,
          %swap3A_477 = arith.index_cast %squeeze3A_467 : i32 to index
          %swap3A_478 = arith.constant 16 : index
          %swap3A_479 = tpu.vector_load %arg11[%swap3A_477, %swap3A_478] {strides = array<i32>} : memref<200x256xf32, #tpu.memory_space<vmem>>, vector<16xf32>,
          tpu.vector_store %arg11[%swap3A_477, %swap3A_478], %get3A_476 {strides = array<i32>} : memref<200x256xf32, #tpu.memory_space<vmem>>, vector<16xf32>,
          %get3A_480 = arith.index_cast %while3A_461 : i32 to index
          %get3A_481 = arith.constant 32 : index
          %get3A_482 = tpu.vector_load %arg10[%get3A_480, %get3A_481] {strides = array<i32>} : memref<16x384xf32, #tpu.memory_space<vmem>>, vector<16xf32>,
          %swap3A_483 = arith.index_cast %squeeze3A_467 : i32 to index
          %swap3A_484 = arith.constant 32 : index
          %swap3A_485 = tpu.vector_load %arg11[%swap3A_483, %swap3A_484] {strides = array<i32>} : memref<200x256xf32, #tpu.memory_space<vmem>>, vector<16xf32>,
          tpu.vector_store %arg11[%swap3A_483, %swap3A_484], %get3A_482 {strides = array<i32>} : memref<200x256xf32, #tpu.memory_space<vmem>>, vector<16xf32>,
          %get3A_486 = arith.index_cast %while3A_461 : i32 to index
          %get3A_487 = arith.constant 48 : index
          %get3A_488 = tpu.vector_load %arg10[%get3A_486, %get3A_487] {strides = array<i32>} : memref<16x384xf32, #tpu.memory_space<vmem>>, vector<16xf32>,
          %swap3A_489 = arith.index_cast %squeeze3A_467 : i32 to index
          %swap3A_490 = arith.constant 48 : index
          %swap3A_491 = tpu.vector_load %arg11[%swap3A_489, %swap3A_490] {strides = array<i32>} : memref<200x256xf32, #tpu.memory_space<vmem>>, vector<16xf32>,
          tpu.vector_store %arg11[%swap3A_489, %swap3A_490], %get3A_488 {strides = array<i32>} : memref<200x256xf32, #tpu.memory_space<vmem>>, vector<16xf32>,
          %get3A_492 = arith.index_cast %while3A_461 : i32 to index
          %get3A_493 = arith.constant 64 : index
          %get3A_494 = tpu.vector_load %arg10[%get3A_492, %get3A_493] {strides = array<i32>} : memref<16x384xf32, #tpu.memory_space<vmem>>, vector<16xf32>,
          %swap3A_495 = arith.index_cast %squeeze3A_467 : i32 to index
          %swap3A_496 = arith.constant 64 : index
          %swap3A_497 = tpu.vector_load %arg11[%swap3A_495, %swap3A_496] {strides = array<i32>} : memref<200x256xf32, #tpu.memory_space<vmem>>, vector<16xf32>,
          tpu.vector_store %arg11[%swap3A_495, %swap3A_496], %get3A_494 {strides = array<i32>} : memref<200x256xf32, #tpu.memory_space<vmem>>, vector<16xf32>,
          %get3A_498 = arith.index_cast %while3A_461 : i32 to index
          %get3A_499 = arith.constant 80 : index
          %get3A_500 = tpu.vector_load %arg10[%get3A_498, %get3A_499] {strides = array<i32>} : memref<16x384xf32, #tpu.memory_space<vmem>>, vector<16xf32>,
          %swap3A_501 = arith.index_cast %squeeze3A_467 : i32 to index
          %swap3A_502 = arith.constant 80 : index
          %swap3A_503 = tpu.vector_load %arg11[%swap3A_501, %swap3A_502] {strides = array<i32>} : memref<200x256xf32, #tpu.memory_space<vmem>>, vector<16xf32>,
          tpu.vector_store %arg11[%swap3A_501, %swap3A_502], %get3A_500 {strides = array<i32>} : memref<200x256xf32, #tpu.memory_space<vmem>>, vector<16xf32>,
          %get3A_504 = arith.index_cast %while3A_461 : i32 to index
          %get3A_505 = arith.constant 96 : index
          %get3A_506 = tpu.vector_load %arg10[%get3A_504, %get3A_505] {strides = array<i32>} : memref<16x384xf32, #tpu.memory_space<vmem>>, vector<16xf32>,
          %swap3A_507 = arith.index_cast %squeeze3A_467 : i32 to index
          %swap3A_508 = arith.constant 96 : index
          %swap3A_509 = tpu.vector_load %arg11[%swap3A_507, %swap3A_508] {strides = array<i32>} : memref<200x256xf32, #tpu.memory_space<vmem>>, vector<16xf32>,
          tpu.vector_store %arg11[%swap3A_507, %swap3A_508], %get3A_506 {strides = array<i32>} : memref<200x256xf32, #tpu.memory_space<vmem>>, vector<16xf32>,
          %get3A_510 = arith.index_cast %while3A_461 : i32 to index
          %get3A_511 = arith.constant 112 : index
          %get3A_512 = tpu.vector_load %arg10[%get3A_510, %get3A_511] {strides = array<i32>} : memref<16x384xf32, #tpu.memory_space<vmem>>, vector<16xf32>,
          %swap3A_513 = arith.index_cast %squeeze3A_467 : i32 to index
          %swap3A_514 = arith.constant 112 : index
          %swap3A_515 = tpu.vector_load %arg11[%swap3A_513, %swap3A_514] {strides = array<i32>} : memref<200x256xf32, #tpu.memory_space<vmem>>, vector<16xf32>,
          tpu.vector_store %arg11[%swap3A_513, %swap3A_514], %get3A_512 {strides = array<i32>} : memref<200x256xf32, #tpu.memory_space<vmem>>, vector<16xf32>,
          %get3A_516 = arith.index_cast %while3A_461 : i32 to index
          %get3A_517 = arith.constant 128 : index
          %get3A_518 = tpu.vector_load %arg10[%get3A_516, %get3A_517] {strides = array<i32>} : memref<16x384xf32, #tpu.memory_space<vmem>>, vector<16xf32>,
          %swap3A_519 = arith.index_cast %squeeze3A_467 : i32 to index
          %swap3A_520 = arith.constant 128 : index
          %swap3A_521 = tpu.vector_load %arg11[%swap3A_519, %swap3A_520] {strides = array<i32>} : memref<200x256xf32, #tpu.memory_space<vmem>>, vector<16xf32>,
          tpu.vector_store %arg11[%swap3A_519, %swap3A_520], %get3A_518 {strides = array<i32>} : memref<200x256xf32, #tpu.memory_space<vmem>>, vector<16xf32>,
          %get3A_522 = arith.index_cast %while3A_461 : i32 to index
          %get3A_523 = arith.constant 144 : index
          %get3A_524 = tpu.vector_load %arg10[%get3A_522, %get3A_523] {strides = array<i32>} : memref<16x384xf32, #tpu.memory_space<vmem>>, vector<16xf32>,
          %swap3A_525 = arith.index_cast %squeeze3A_467 : i32 to index
          %swap3A_526 = arith.constant 144 : index
          %swap3A_527 = tpu.vector_load %arg11[%swap3A_525, %swap3A_526] {strides = array<i32>} : memref<200x256xf32, #tpu.memory_space<vmem>>, vector<16xf32>,
          tpu.vector_store %arg11[%swap3A_525, %swap3A_526], %get3A_524 {strides = array<i32>} : memref<200x256xf32, #tpu.memory_space<vmem>>, vector<16xf32>,
          %get3A_528 = arith.index_cast %while3A_461 : i32 to index
          %get3A_529 = arith.constant 160 : index
          %get3A_530 = tpu.vector_load %arg10[%get3A_528, %get3A_529] {strides = array<i32>} : memref<16x384xf32, #tpu.memory_space<vmem>>, vector<16xf32>,
          %swap3A_531 = arith.index_cast %squeeze3A_467 : i32 to index
          %swap3A_532 = arith.constant 160 : index
          %swap3A_533 = tpu.vector_load %arg11[%swap3A_531, %swap3A_532] {strides = array<i32>} : memref<200x256xf32, #tpu.memory_space<vmem>>, vector<16xf32>,
          tpu.vector_store %arg11[%swap3A_531, %swap3A_532], %get3A_530 {strides = array<i32>} : memref<200x256xf32, #tpu.memory_space<vmem>>, vector<16xf32>,
          %get3A_534 = arith.index_cast %while3A_461 : i32 to index
          %get3A_535 = arith.constant 176 : index
          %get3A_536 = tpu.vector_load %arg10[%get3A_534, %get3A_535] {strides = array<i32>} : memref<16x384xf32, #tpu.memory_space<vmem>>, vector<16xf32>,
          %swap3A_537 = arith.index_cast %squeeze3A_467 : i32 to index
          %swap3A_538 = arith.constant 176 : index
          %swap3A_539 = tpu.vector_load %arg11[%swap3A_537, %swap3A_538] {strides = array<i32>} : memref<200x256xf32, #tpu.memory_space<vmem>>, vector<16xf32>,
          tpu.vector_store %arg11[%swap3A_537, %swap3A_538], %get3A_536 {strides = array<i32>} : memref<200x256xf32, #tpu.memory_space<vmem>>, vector<16xf32>,
          %get3A_540 = arith.index_cast %while3A_461 : i32 to index
          %get3A_541 = arith.constant 192 : index
          %get3A_542 = tpu.vector_load %arg10[%get3A_540, %get3A_541] {strides = array<i32>} : memref<16x384xf32, #tpu.memory_space<vmem>>, vector<16xf32>,
          %swap3A_543 = arith.index_cast %squeeze3A_467 : i32 to index
          %swap3A_544 = arith.constant 192 : index
          %swap3A_545 = tpu.vector_load %arg11[%swap3A_543, %swap3A_544] {strides = array<i32>} : memref<200x256xf32, #tpu.memory_space<vmem>>, vector<16xf32>,
          tpu.vector_store %arg11[%swap3A_543, %swap3A_544], %get3A_542 {strides = array<i32>} : memref<200x256xf32, #tpu.memory_space<vmem>>, vector<16xf32>,
          %get3A_546 = arith.index_cast %while3A_461 : i32 to index
          %get3A_547 = arith.constant 208 : index
          %get3A_548 = tpu.vector_load %arg10[%get3A_546, %get3A_547] {strides = array<i32>} : memref<16x384xf32, #tpu.memory_space<vmem>>, vector<16xf32>,
          %swap3A_549 = arith.index_cast %squeeze3A_467 : i32 to index
          %swap3A_550 = arith.constant 208 : index
          %swap3A_551 = tpu.vector_load %arg11[%swap3A_549, %swap3A_550] {strides = array<i32>} : memref<200x256xf32, #tpu.memory_space<vmem>>, vector<16xf32>,
          tpu.vector_store %arg11[%swap3A_549, %swap3A_550], %get3A_548 {strides = array<i32>} : memref<200x256xf32, #tpu.memory_space<vmem>>, vector<16xf32>,
          %get3A_552 = arith.index_cast %while3A_461 : i32 to index
          %get3A_553 = arith.constant 224 : index
          %get3A_554 = tpu.vector_load %arg10[%get3A_552, %get3A_553] {strides = array<i32>} : memref<16x384xf32, #tpu.memory_space<vmem>>, vector<16xf32>,
          %swap3A_555 = arith.index_cast %squeeze3A_467 : i32 to index
          %swap3A_556 = arith.constant 224 : index
          %swap3A_557 = tpu.vector_load %arg11[%swap3A_555, %swap3A_556] {strides = array<i32>} : memref<200x256xf32, #tpu.memory_space<vmem>>, vector<16xf32>,
          tpu.vector_store %arg11[%swap3A_555, %swap3A_556], %get3A_554 {strides = array<i32>} : memref<200x256xf32, #tpu.memory_space<vmem>>, vector<16xf32>,
          %get3A_558 = arith.index_cast %while3A_461 : i32 to index
          %get3A_559 = arith.constant 240 : index
          %get3A_560 = tpu.vector_load %arg10[%get3A_558, %get3A_559] {strides = array<i32>} : memref<16x384xf32, #tpu.memory_space<vmem>>, vector<16xf32>,
          %swap3A_561 = arith.index_cast %squeeze3A_467 : i32 to index
          %swap3A_562 = arith.constant 240 : index
          %swap3A_563 = tpu.vector_load %arg11[%swap3A_561, %swap3A_562] {strides = array<i32>} : memref<200x256xf32, #tpu.memory_space<vmem>>, vector<16xf32>,
          tpu.vector_store %arg11[%swap3A_561, %swap3A_562], %get3A_560 {strides = array<i32>} : memref<200x256xf32, #tpu.memory_space<vmem>>, vector<16xf32>,
          %get3A_564 = arith.index_cast %while3A_461 : i32 to index
          %get3A_565 = arith.constant 256 : index
          %get3A_566 = tpu.vector_load %arg10[%get3A_564, %get3A_565] {strides = array<i32>} : memref<16x384xf32, #tpu.memory_space<vmem>>, vector<16xf32>,
          %mul3A_567 = arith.constant 8 : i32
          %mul3A_568 = arith.muli %squeeze3A_467, %mul3A_567 : i32
          %add3A_569 = vector.broadcast %mul3A_568 : i32 to vector<16xi32>
          %add3A_570 = arith.addi %add3A_569, %iota3A : vector<16xi32>
          %lt3A_571 = arith.constant 8 : i32
          %lt3A_572 = vector.broadcast %lt3A_571 : i32 to vector<16xi32>
          %lt3A_573 = arith.cmpi slt, %iota3A, %lt3A_572 : vector<16xi32>
          tpu.vector_store_idx %arg13[%add3A_570], %get3A_566 masked %lt3A_573 : memref<1600xf32, #tpu.memory_space<vmem>>[vector<16xi32>], vector<16xf32>, vector<16xi1>
          %while3A_574 = arith.constant 0 : i32
          scf.yield %while3A_574 : i32
        }
        %while3A_460 = arith.constant 0 : i32
        scf.yield %while3A_460 : i32
      }
      %while3A_167 = arith.constant 1 : i32
      %while3A_168 = scf.for %while3A_396 = %while3A_164 to %while3A_160 step %while3A_167 iter_args(%while3A_397 = %while3A_166) -> (i32)  : i32 {
        %mul3A_398 = arith.constant 16 : i32
        %mul3A_399 = arith.muli %while3A_396, %mul3A_398 : i32
        %sub3A_400 = arith.subi %while3A_72, %mul3A_399 : i32
        %min3A_401 = arith.constant 16 : i32
        %min3A_402 = arith.minsi %sub3A_400, %min3A_401 : i32
        %add3A_403 = arith.constant 8 : i32
        %add3A_404 = arith.addi %min3A_402, %add3A_403 : i32
        %sub3A_405 = arith.constant 1 : i32
        %sub3A_406 = arith.subi %add3A_404, %sub3A_405 : i32
        %jit3A_407 = arith.constant 8 : i32
        %div3A_408 = arith.divsi %sub3A_406, %jit3A_407 : i32
        %sign3A_409 = arith.constant 0 : i32
        %sign3A_410 = arith.cmpi sgt, %sub3A_406, %sign3A_409 : i32
        %sign3A_411 = arith.extui %sign3A_410 : i1 to i32
        %sign3A_412 = arith.constant 0 : i32
        %sign3A_413 = arith.cmpi slt, %sub3A_406, %sign3A_412 : i32
        %sign3A_414 = arith.extui %sign3A_413 : i1 to i32
        %sign3A_415 = arith.subi %sign3A_411, %sign3A_414 : i32
        %sign3A_416 = arith.constant 0 : i32
        %sign3A_417 = arith.cmpi sgt, %jit3A_407, %sign3A_416 : i32
        %sign3A_418 = arith.extui %sign3A_417 : i1 to i32
        %sign3A_419 = arith.constant 0 : i32
        %sign3A_420 = arith.cmpi slt, %jit3A_407, %sign3A_419 : i32
        %sign3A_421 = arith.extui %sign3A_420 : i1 to i32
        %sign3A_422 = arith.subi %sign3A_418, %sign3A_421 : i32
        %ne3A_423 = arith.cmpi ne, %sign3A_415, %sign3A_422 : i32
        %rem3A_424 = arith.remsi %sub3A_406, %jit3A_407 : i32
        %ne3A_425 = arith.constant 0 : i32
        %ne3A_426 = arith.cmpi ne, %rem3A_424, %ne3A_425 : i32
        %and3A_427 = arith.andi %ne3A_423, %ne3A_426 : i1
        %sub3A_428 = arith.constant 1 : i32
        %sub3A_429 = arith.subi %div3A_408, %sub3A_428 : i32
        %select_n3A_430 = arith.select %and3A_427, %sub3A_429, %div3A_408 : i32
        %gt3A_431 = arith.constant 0 : i32
        %gt3A_432 = arith.cmpi sgt, %while3A_396, %gt3A_431 : i32
        %convert_element_type3A_433 = arith.extui %gt3A_432 : i1 to i32
        %cond3A_434 = arith.constant 0 : i32
        %cond3A_435 = arith.cmpi ne, %convert_element_type3A_433, %cond3A_434 : i32
        scf.if %cond3A_435 {
          %while3A_461 = arith.constant 0 : i32
          %while3A_462 = arith.constant 0 : i32
          %while3A_463 = arith.subi %select_n3A_430, %while3A_461 : i32
          %while3A_464 = arith.addi %while3A_461, %while3A_463 : i32
          %while3A_465 = arith.constant 1 : i32
          %while3A_466 = arith.divsi %while3A_463, %while3A_465 : i32
          %while3A_467 = arith.muli %while3A_466, %while3A_465 : i32
          %while3A_468 = arith.addi %while3A_461, %while3A_467 : i32
          %while3A_469 = arith.constant 1 : i32
          %while3A_470 = scf.for %while3A_473 = %while3A_461 to %while3A_468 step %while3A_469 iter_args(%while3A_474 = %while3A_462) -> (i32)  : i32 {
            %mul3A_475 = arith.constant 8 : i32
            %mul3A_476 = arith.muli %while3A_473, %mul3A_475 : i32
            %add3A_477 = arith.addi %mul3A_399, %mul3A_476 : i32
            %mul3A_478 = arith.constant 8 : i32
            %mul3A_479 = arith.muli %while3A_473, %mul3A_478 : i32
            %dma_start3A = arith.constant 0 : i32
            %dma_start3A_480 = tpu.memref_slice %arg10[%mul3A_479, %dma_start3A] : memref<16x384xf32, #tpu.memory_space<vmem>> -> memref<8x384xf32, #tpu.memory_space<vmem>>
            %dma_start3A_481 = tpu.memref_slice %arg8[%add3A_477] : memref<4112xi32, #tpu.memory_space<vmem>> -> memref<8xi32, #tpu.memory_space<vmem>>
            %dma_start3A_482 = arith.constant 0 : i32
            %dma_start3A_483 = arith.constant 0 : i32
            %dma_start3A_484 = tpu.memref_slice %arg2[%dma_start3A_482, %dma_start3A_483] : memref<4096x384xf32, #tpu.memory_space<hbm>> -> memref<4096x384xf32, #tpu.memory_space<hbm>>
            tpu.enqueue_indirect_dma source(%dma_start3A_484 : memref<4096x384xf32, #tpu.memory_space<hbm>>) target(%dma_start3A_480 : memref<8x384xf32, #tpu.memory_space<vmem>>) offsets(%dma_start3A_481 : memref<8xi32, #tpu.memory_space<vmem>>) semaphore(%arg19 : memref<!tpu.dma_semaphore, #tpu.memory_space<semaphore_mem>>)
            %while3A_485 = arith.constant 0 : i32
            scf.yield %while3A_485 : i32
          }
          %while3A_471 = arith.constant 1 : i32
          %while3A_472 = scf.for %while3A_473 = %while3A_468 to %while3A_464 step %while3A_471 iter_args(%while3A_474 = %while3A_470) -> (i32)  : i32 {
            %mul3A_475 = arith.constant 8 : i32
            %mul3A_476 = arith.muli %while3A_473, %mul3A_475 : i32
            %add3A_477 = arith.addi %mul3A_399, %mul3A_476 : i32
            %mul3A_478 = arith.constant 8 : i32
            %mul3A_479 = arith.muli %while3A_473, %mul3A_478 : i32
            %dma_start3A = arith.constant 0 : i32
            %dma_start3A_480 = tpu.memref_slice %arg10[%mul3A_479, %dma_start3A] : memref<16x384xf32, #tpu.memory_space<vmem>> -> memref<8x384xf32, #tpu.memory_space<vmem>>
            %dma_start3A_481 = tpu.memref_slice %arg8[%add3A_477] : memref<4112xi32, #tpu.memory_space<vmem>> -> memref<8xi32, #tpu.memory_space<vmem>>
            %dma_start3A_482 = arith.constant 0 : i32
            %dma_start3A_483 = arith.constant 0 : i32
            %dma_start3A_484 = tpu.memref_slice %arg2[%dma_start3A_482, %dma_start3A_483] : memref<4096x384xf32, #tpu.memory_space<hbm>> -> memref<4096x384xf32, #tpu.memory_space<hbm>>
            tpu.enqueue_indirect_dma source(%dma_start3A_484 : memref<4096x384xf32, #tpu.memory_space<hbm>>) target(%dma_start3A_480 : memref<8x384xf32, #tpu.memory_space<vmem>>) offsets(%dma_start3A_481 : memref<8xi32, #tpu.memory_space<vmem>>) semaphore(%arg19 : memref<!tpu.dma_semaphore, #tpu.memory_space<semaphore_mem>>)
            %while3A_485 = arith.constant 0 : i32
            scf.yield %while3A_485 : i32
          }
        } else {
        }
        %while3A_436 = arith.constant 0 : i32
        %while3A_437 = arith.constant 0 : i32
        %while3A_438 = arith.subi %select_n3A_430, %while3A_436 : i32
        %while3A_439 = arith.addi %while3A_436, %while3A_438 : i32
        %while3A_440 = arith.constant 1 : i32
        %while3A_441 = arith.divsi %while3A_438, %while3A_440 : i32
        %while3A_442 = arith.muli %while3A_441, %while3A_440 : i32
        %while3A_443 = arith.addi %while3A_436, %while3A_442 : i32
        %while3A_444 = arith.constant 1 : i32
        %while3A_445 = scf.for %while3A_461 = %while3A_436 to %while3A_443 step %while3A_444 iter_args(%while3A_462 = %while3A_437) -> (i32)  : i32 {
          %mul3A_463 = arith.constant 8 : i32
          %mul3A_464 = arith.muli %while3A_461, %mul3A_463 : i32
          %add3A_465 = arith.addi %mul3A_399, %mul3A_464 : i32
          %mul3A_466 = arith.constant 8 : i32
          %mul3A_467 = arith.muli %while3A_461, %mul3A_466 : i32
          %dma_wait3A = arith.constant 0 : i32
          %dma_wait3A_468 = tpu.memref_slice %arg10[%mul3A_467, %dma_wait3A] : memref<16x384xf32, #tpu.memory_space<vmem>> -> memref<8x384xf32, #tpu.memory_space<vmem>>
          %dma_wait3A_469 = tpu.memref_slice %arg8[%add3A_465] : memref<4112xi32, #tpu.memory_space<vmem>> -> memref<8xi32, #tpu.memory_space<vmem>>
          %dma_wait3A_470 = arith.constant 0 : i32
          %dma_wait3A_471 = arith.constant 0 : i32
          %dma_wait3A_472 = tpu.memref_slice %arg2[%dma_wait3A_470, %dma_wait3A_471] : memref<4096x384xf32, #tpu.memory_space<hbm>> -> memref<4096x384xf32, #tpu.memory_space<hbm>>
          tpu.wait_indirect_dma semaphore(%arg19 : memref<!tpu.dma_semaphore, #tpu.memory_space<semaphore_mem>>) src(%dma_wait3A_472 : memref<4096x384xf32, #tpu.memory_space<hbm>>) dst(%dma_wait3A_468 : memref<8x384xf32, #tpu.memory_space<vmem>>)
          %while3A_473 = arith.constant 0 : i32
          scf.yield %while3A_473 : i32
        }
        %while3A_446 = arith.constant 1 : i32
        %while3A_447 = scf.for %while3A_461 = %while3A_443 to %while3A_439 step %while3A_446 iter_args(%while3A_462 = %while3A_445) -> (i32)  : i32 {
          %mul3A_463 = arith.constant 8 : i32
          %mul3A_464 = arith.muli %while3A_461, %mul3A_463 : i32
          %add3A_465 = arith.addi %mul3A_399, %mul3A_464 : i32
          %mul3A_466 = arith.constant 8 : i32
          %mul3A_467 = arith.muli %while3A_461, %mul3A_466 : i32
          %dma_wait3A = arith.constant 0 : i32
          %dma_wait3A_468 = tpu.memref_slice %arg10[%mul3A_467, %dma_wait3A] : memref<16x384xf32, #tpu.memory_space<vmem>> -> memref<8x384xf32, #tpu.memory_space<vmem>>
          %dma_wait3A_469 = tpu.memref_slice %arg8[%add3A_465] : memref<4112xi32, #tpu.memory_space<vmem>> -> memref<8xi32, #tpu.memory_space<vmem>>
          %dma_wait3A_470 = arith.constant 0 : i32
          %dma_wait3A_471 = arith.constant 0 : i32
          %dma_wait3A_472 = tpu.memref_slice %arg2[%dma_wait3A_470, %dma_wait3A_471] : memref<4096x384xf32, #tpu.memory_space<hbm>> -> memref<4096x384xf32, #tpu.memory_space<hbm>>
          tpu.wait_indirect_dma semaphore(%arg19 : memref<!tpu.dma_semaphore, #tpu.memory_space<semaphore_mem>>) src(%dma_wait3A_472 : memref<4096x384xf32, #tpu.memory_space<hbm>>) dst(%dma_wait3A_468 : memref<8x384xf32, #tpu.memory_space<vmem>>)
          %while3A_473 = arith.constant 0 : i32
          scf.yield %while3A_473 : i32
        }
        %while3A_448 = arith.constant 0 : i32
        %while3A_449 = arith.constant 0 : i32
        %while3A_450 = arith.subi %min3A_402, %while3A_448 : i32
        %while3A_451 = arith.addi %while3A_448, %while3A_450 : i32
        %while3A_452 = arith.constant 1 : i32
        %while3A_453 = arith.divsi %while3A_450, %while3A_452 : i32
        %while3A_454 = arith.muli %while3A_453, %while3A_452 : i32
        %while3A_455 = arith.addi %while3A_448, %while3A_454 : i32
        %while3A_456 = arith.constant 1 : i32
        %while3A_457 = scf.for %while3A_461 = %while3A_448 to %while3A_455 step %while3A_456 iter_args(%while3A_462 = %while3A_449) -> (i32)  : i32 {
          %add3A_463 = arith.addi %mul3A_399, %while3A_461 : i32
          %get3A_464 = arith.index_cast %add3A_463 : i32 to index
          %get3A_465 = tpu.vector_load %arg9[%get3A_464] {strides = array<i32>} : memref<4112xi32, #tpu.memory_space<vmem>>, vector<16xi32>,
          %slice3A_466 = vector.extract_strided_slice %get3A_465 {offsets = [0], sizes = [1], strides = [1]} : vector<16xi32> to vector<1xi32>
          %squeeze3A_467 = vector.extract %slice3A_466[0] : i32 from vector<1xi32>
          %get3A_468 = arith.index_cast %while3A_461 : i32 to index
          %get3A_469 = arith.constant 0 : index
          %get3A_470 = tpu.vector_load %arg10[%get3A_468, %get3A_469] {strides = array<i32>} : memref<16x384xf32, #tpu.memory_space<vmem>>, vector<16xf32>,
          %swap3A_471 = arith.index_cast %squeeze3A_467 : i32 to index
          %swap3A_472 = arith.constant 0 : index
          %swap3A_473 = tpu.vector_load %arg11[%swap3A_471, %swap3A_472] {strides = array<i32>} : memref<200x256xf32, #tpu.memory_space<vmem>>, vector<16xf32>,
          tpu.vector_store %arg11[%swap3A_471, %swap3A_472], %get3A_470 {strides = array<i32>} : memref<200x256xf32, #tpu.memory_space<vmem>>, vector<16xf32>,
          %get3A_474 = arith.index_cast %while3A_461 : i32 to index
          %get3A_475 = arith.constant 16 : index
          %get3A_476 = tpu.vector_load %arg10[%get3A_474, %get3A_475] {strides = array<i32>} : memref<16x384xf32, #tpu.memory_space<vmem>>, vector<16xf32>,
          %swap3A_477 = arith.index_cast %squeeze3A_467 : i32 to index
          %swap3A_478 = arith.constant 16 : index
          %swap3A_479 = tpu.vector_load %arg11[%swap3A_477, %swap3A_478] {strides = array<i32>} : memref<200x256xf32, #tpu.memory_space<vmem>>, vector<16xf32>,
          tpu.vector_store %arg11[%swap3A_477, %swap3A_478], %get3A_476 {strides = array<i32>} : memref<200x256xf32, #tpu.memory_space<vmem>>, vector<16xf32>,
          %get3A_480 = arith.index_cast %while3A_461 : i32 to index
          %get3A_481 = arith.constant 32 : index
          %get3A_482 = tpu.vector_load %arg10[%get3A_480, %get3A_481] {strides = array<i32>} : memref<16x384xf32, #tpu.memory_space<vmem>>, vector<16xf32>,
          %swap3A_483 = arith.index_cast %squeeze3A_467 : i32 to index
          %swap3A_484 = arith.constant 32 : index
          %swap3A_485 = tpu.vector_load %arg11[%swap3A_483, %swap3A_484] {strides = array<i32>} : memref<200x256xf32, #tpu.memory_space<vmem>>, vector<16xf32>,
          tpu.vector_store %arg11[%swap3A_483, %swap3A_484], %get3A_482 {strides = array<i32>} : memref<200x256xf32, #tpu.memory_space<vmem>>, vector<16xf32>,
          %get3A_486 = arith.index_cast %while3A_461 : i32 to index
          %get3A_487 = arith.constant 48 : index
          %get3A_488 = tpu.vector_load %arg10[%get3A_486, %get3A_487] {strides = array<i32>} : memref<16x384xf32, #tpu.memory_space<vmem>>, vector<16xf32>,
          %swap3A_489 = arith.index_cast %squeeze3A_467 : i32 to index
          %swap3A_490 = arith.constant 48 : index
          %swap3A_491 = tpu.vector_load %arg11[%swap3A_489, %swap3A_490] {strides = array<i32>} : memref<200x256xf32, #tpu.memory_space<vmem>>, vector<16xf32>,
          tpu.vector_store %arg11[%swap3A_489, %swap3A_490], %get3A_488 {strides = array<i32>} : memref<200x256xf32, #tpu.memory_space<vmem>>, vector<16xf32>,
          %get3A_492 = arith.index_cast %while3A_461 : i32 to index
          %get3A_493 = arith.constant 64 : index
          %get3A_494 = tpu.vector_load %arg10[%get3A_492, %get3A_493] {strides = array<i32>} : memref<16x384xf32, #tpu.memory_space<vmem>>, vector<16xf32>,
          %swap3A_495 = arith.index_cast %squeeze3A_467 : i32 to index
          %swap3A_496 = arith.constant 64 : index
          %swap3A_497 = tpu.vector_load %arg11[%swap3A_495, %swap3A_496] {strides = array<i32>} : memref<200x256xf32, #tpu.memory_space<vmem>>, vector<16xf32>,
          tpu.vector_store %arg11[%swap3A_495, %swap3A_496], %get3A_494 {strides = array<i32>} : memref<200x256xf32, #tpu.memory_space<vmem>>, vector<16xf32>,
          %get3A_498 = arith.index_cast %while3A_461 : i32 to index
          %get3A_499 = arith.constant 80 : index
          %get3A_500 = tpu.vector_load %arg10[%get3A_498, %get3A_499] {strides = array<i32>} : memref<16x384xf32, #tpu.memory_space<vmem>>, vector<16xf32>,
          %swap3A_501 = arith.index_cast %squeeze3A_467 : i32 to index
          %swap3A_502 = arith.constant 80 : index
          %swap3A_503 = tpu.vector_load %arg11[%swap3A_501, %swap3A_502] {strides = array<i32>} : memref<200x256xf32, #tpu.memory_space<vmem>>, vector<16xf32>,
          tpu.vector_store %arg11[%swap3A_501, %swap3A_502], %get3A_500 {strides = array<i32>} : memref<200x256xf32, #tpu.memory_space<vmem>>, vector<16xf32>,
          %get3A_504 = arith.index_cast %while3A_461 : i32 to index
          %get3A_505 = arith.constant 96 : index
          %get3A_506 = tpu.vector_load %arg10[%get3A_504, %get3A_505] {strides = array<i32>} : memref<16x384xf32, #tpu.memory_space<vmem>>, vector<16xf32>,
          %swap3A_507 = arith.index_cast %squeeze3A_467 : i32 to index
          %swap3A_508 = arith.constant 96 : index
          %swap3A_509 = tpu.vector_load %arg11[%swap3A_507, %swap3A_508] {strides = array<i32>} : memref<200x256xf32, #tpu.memory_space<vmem>>, vector<16xf32>,
          tpu.vector_store %arg11[%swap3A_507, %swap3A_508], %get3A_506 {strides = array<i32>} : memref<200x256xf32, #tpu.memory_space<vmem>>, vector<16xf32>,
          %get3A_510 = arith.index_cast %while3A_461 : i32 to index
          %get3A_511 = arith.constant 112 : index
          %get3A_512 = tpu.vector_load %arg10[%get3A_510, %get3A_511] {strides = array<i32>} : memref<16x384xf32, #tpu.memory_space<vmem>>, vector<16xf32>,
          %swap3A_513 = arith.index_cast %squeeze3A_467 : i32 to index
          %swap3A_514 = arith.constant 112 : index
          %swap3A_515 = tpu.vector_load %arg11[%swap3A_513, %swap3A_514] {strides = array<i32>} : memref<200x256xf32, #tpu.memory_space<vmem>>, vector<16xf32>,
          tpu.vector_store %arg11[%swap3A_513, %swap3A_514], %get3A_512 {strides = array<i32>} : memref<200x256xf32, #tpu.memory_space<vmem>>, vector<16xf32>,
          %get3A_516 = arith.index_cast %while3A_461 : i32 to index
          %get3A_517 = arith.constant 128 : index
          %get3A_518 = tpu.vector_load %arg10[%get3A_516, %get3A_517] {strides = array<i32>} : memref<16x384xf32, #tpu.memory_space<vmem>>, vector<16xf32>,
          %swap3A_519 = arith.index_cast %squeeze3A_467 : i32 to index
          %swap3A_520 = arith.constant 128 : index
          %swap3A_521 = tpu.vector_load %arg11[%swap3A_519, %swap3A_520] {strides = array<i32>} : memref<200x256xf32, #tpu.memory_space<vmem>>, vector<16xf32>,
          tpu.vector_store %arg11[%swap3A_519, %swap3A_520], %get3A_518 {strides = array<i32>} : memref<200x256xf32, #tpu.memory_space<vmem>>, vector<16xf32>,
          %get3A_522 = arith.index_cast %while3A_461 : i32 to index
          %get3A_523 = arith.constant 144 : index
          %get3A_524 = tpu.vector_load %arg10[%get3A_522, %get3A_523] {strides = array<i32>} : memref<16x384xf32, #tpu.memory_space<vmem>>, vector<16xf32>,
          %swap3A_525 = arith.index_cast %squeeze3A_467 : i32 to index
          %swap3A_526 = arith.constant 144 : index
          %swap3A_527 = tpu.vector_load %arg11[%swap3A_525, %swap3A_526] {strides = array<i32>} : memref<200x256xf32, #tpu.memory_space<vmem>>, vector<16xf32>,
          tpu.vector_store %arg11[%swap3A_525, %swap3A_526], %get3A_524 {strides = array<i32>} : memref<200x256xf32, #tpu.memory_space<vmem>>, vector<16xf32>,
          %get3A_528 = arith.index_cast %while3A_461 : i32 to index
          %get3A_529 = arith.constant 160 : index
          %get3A_530 = tpu.vector_load %arg10[%get3A_528, %get3A_529] {strides = array<i32>} : memref<16x384xf32, #tpu.memory_space<vmem>>, vector<16xf32>,
          %swap3A_531 = arith.index_cast %squeeze3A_467 : i32 to index
          %swap3A_532 = arith.constant 160 : index
          %swap3A_533 = tpu.vector_load %arg11[%swap3A_531, %swap3A_532] {strides = array<i32>} : memref<200x256xf32, #tpu.memory_space<vmem>>, vector<16xf32>,
          tpu.vector_store %arg11[%swap3A_531, %swap3A_532], %get3A_530 {strides = array<i32>} : memref<200x256xf32, #tpu.memory_space<vmem>>, vector<16xf32>,
          %get3A_534 = arith.index_cast %while3A_461 : i32 to index
          %get3A_535 = arith.constant 176 : index
          %get3A_536 = tpu.vector_load %arg10[%get3A_534, %get3A_535] {strides = array<i32>} : memref<16x384xf32, #tpu.memory_space<vmem>>, vector<16xf32>,
          %swap3A_537 = arith.index_cast %squeeze3A_467 : i32 to index
          %swap3A_538 = arith.constant 176 : index
          %swap3A_539 = tpu.vector_load %arg11[%swap3A_537, %swap3A_538] {strides = array<i32>} : memref<200x256xf32, #tpu.memory_space<vmem>>, vector<16xf32>,
          tpu.vector_store %arg11[%swap3A_537, %swap3A_538], %get3A_536 {strides = array<i32>} : memref<200x256xf32, #tpu.memory_space<vmem>>, vector<16xf32>,
          %get3A_540 = arith.index_cast %while3A_461 : i32 to index
          %get3A_541 = arith.constant 192 : index
          %get3A_542 = tpu.vector_load %arg10[%get3A_540, %get3A_541] {strides = array<i32>} : memref<16x384xf32, #tpu.memory_space<vmem>>, vector<16xf32>,
          %swap3A_543 = arith.index_cast %squeeze3A_467 : i32 to index
          %swap3A_544 = arith.constant 192 : index
          %swap3A_545 = tpu.vector_load %arg11[%swap3A_543, %swap3A_544] {strides = array<i32>} : memref<200x256xf32, #tpu.memory_space<vmem>>, vector<16xf32>,
          tpu.vector_store %arg11[%swap3A_543, %swap3A_544], %get3A_542 {strides = array<i32>} : memref<200x256xf32, #tpu.memory_space<vmem>>, vector<16xf32>,
          %get3A_546 = arith.index_cast %while3A_461 : i32 to index
          %get3A_547 = arith.constant 208 : index
          %get3A_548 = tpu.vector_load %arg10[%get3A_546, %get3A_547] {strides = array<i32>} : memref<16x384xf32, #tpu.memory_space<vmem>>, vector<16xf32>,
          %swap3A_549 = arith.index_cast %squeeze3A_467 : i32 to index
          %swap3A_550 = arith.constant 208 : index
          %swap3A_551 = tpu.vector_load %arg11[%swap3A_549, %swap3A_550] {strides = array<i32>} : memref<200x256xf32, #tpu.memory_space<vmem>>, vector<16xf32>,
          tpu.vector_store %arg11[%swap3A_549, %swap3A_550], %get3A_548 {strides = array<i32>} : memref<200x256xf32, #tpu.memory_space<vmem>>, vector<16xf32>,
          %get3A_552 = arith.index_cast %while3A_461 : i32 to index
          %get3A_553 = arith.constant 224 : index
          %get3A_554 = tpu.vector_load %arg10[%get3A_552, %get3A_553] {strides = array<i32>} : memref<16x384xf32, #tpu.memory_space<vmem>>, vector<16xf32>,
          %swap3A_555 = arith.index_cast %squeeze3A_467 : i32 to index
          %swap3A_556 = arith.constant 224 : index
          %swap3A_557 = tpu.vector_load %arg11[%swap3A_555, %swap3A_556] {strides = array<i32>} : memref<200x256xf32, #tpu.memory_space<vmem>>, vector<16xf32>,
          tpu.vector_store %arg11[%swap3A_555, %swap3A_556], %get3A_554 {strides = array<i32>} : memref<200x256xf32, #tpu.memory_space<vmem>>, vector<16xf32>,
          %get3A_558 = arith.index_cast %while3A_461 : i32 to index
          %get3A_559 = arith.constant 240 : index
          %get3A_560 = tpu.vector_load %arg10[%get3A_558, %get3A_559] {strides = array<i32>} : memref<16x384xf32, #tpu.memory_space<vmem>>, vector<16xf32>,
          %swap3A_561 = arith.index_cast %squeeze3A_467 : i32 to index
          %swap3A_562 = arith.constant 240 : index
          %swap3A_563 = tpu.vector_load %arg11[%swap3A_561, %swap3A_562] {strides = array<i32>} : memref<200x256xf32, #tpu.memory_space<vmem>>, vector<16xf32>,
          tpu.vector_store %arg11[%swap3A_561, %swap3A_562], %get3A_560 {strides = array<i32>} : memref<200x256xf32, #tpu.memory_space<vmem>>, vector<16xf32>,
          %get3A_564 = arith.index_cast %while3A_461 : i32 to index
          %get3A_565 = arith.constant 256 : index
          %get3A_566 = tpu.vector_load %arg10[%get3A_564, %get3A_565] {strides = array<i32>} : memref<16x384xf32, #tpu.memory_space<vmem>>, vector<16xf32>,
          %mul3A_567 = arith.constant 8 : i32
          %mul3A_568 = arith.muli %squeeze3A_467, %mul3A_567 : i32
          %add3A_569 = vector.broadcast %mul3A_568 : i32 to vector<16xi32>
          %add3A_570 = arith.addi %add3A_569, %iota3A : vector<16xi32>
          %lt3A_571 = arith.constant 8 : i32
          %lt3A_572 = vector.broadcast %lt3A_571 : i32 to vector<16xi32>
          %lt3A_573 = arith.cmpi slt, %iota3A, %lt3A_572 : vector<16xi32>
          tpu.vector_store_idx %arg13[%add3A_570], %get3A_566 masked %lt3A_573 : memref<1600xf32, #tpu.memory_space<vmem>>[vector<16xi32>], vector<16xf32>, vector<16xi1>
          %while3A_574 = arith.constant 0 : i32
          scf.yield %while3A_574 : i32
        }
        %while3A_458 = arith.constant 1 : i32
        %while3A_459 = scf.for %while3A_461 = %while3A_455 to %while3A_451 step %while3A_458 iter_args(%while3A_462 = %while3A_457) -> (i32)  : i32 {
          %add3A_463 = arith.addi %mul3A_399, %while3A_461 : i32
          %get3A_464 = arith.index_cast %add3A_463 : i32 to index
          %get3A_465 = tpu.vector_load %arg9[%get3A_464] {strides = array<i32>} : memref<4112xi32, #tpu.memory_space<vmem>>, vector<16xi32>,
          %slice3A_466 = vector.extract_strided_slice %get3A_465 {offsets = [0], sizes = [1], strides = [1]} : vector<16xi32> to vector<1xi32>
          %squeeze3A_467 = vector.extract %slice3A_466[0] : i32 from vector<1xi32>
          %get3A_468 = arith.index_cast %while3A_461 : i32 to index
          %get3A_469 = arith.constant 0 : index
          %get3A_470 = tpu.vector_load %arg10[%get3A_468, %get3A_469] {strides = array<i32>} : memref<16x384xf32, #tpu.memory_space<vmem>>, vector<16xf32>,
          %swap3A_471 = arith.index_cast %squeeze3A_467 : i32 to index
          %swap3A_472 = arith.constant 0 : index
          %swap3A_473 = tpu.vector_load %arg11[%swap3A_471, %swap3A_472] {strides = array<i32>} : memref<200x256xf32, #tpu.memory_space<vmem>>, vector<16xf32>,
          tpu.vector_store %arg11[%swap3A_471, %swap3A_472], %get3A_470 {strides = array<i32>} : memref<200x256xf32, #tpu.memory_space<vmem>>, vector<16xf32>,
          %get3A_474 = arith.index_cast %while3A_461 : i32 to index
          %get3A_475 = arith.constant 16 : index
          %get3A_476 = tpu.vector_load %arg10[%get3A_474, %get3A_475] {strides = array<i32>} : memref<16x384xf32, #tpu.memory_space<vmem>>, vector<16xf32>,
          %swap3A_477 = arith.index_cast %squeeze3A_467 : i32 to index
          %swap3A_478 = arith.constant 16 : index
          %swap3A_479 = tpu.vector_load %arg11[%swap3A_477, %swap3A_478] {strides = array<i32>} : memref<200x256xf32, #tpu.memory_space<vmem>>, vector<16xf32>,
          tpu.vector_store %arg11[%swap3A_477, %swap3A_478], %get3A_476 {strides = array<i32>} : memref<200x256xf32, #tpu.memory_space<vmem>>, vector<16xf32>,
          %get3A_480 = arith.index_cast %while3A_461 : i32 to index
          %get3A_481 = arith.constant 32 : index
          %get3A_482 = tpu.vector_load %arg10[%get3A_480, %get3A_481] {strides = array<i32>} : memref<16x384xf32, #tpu.memory_space<vmem>>, vector<16xf32>,
          %swap3A_483 = arith.index_cast %squeeze3A_467 : i32 to index
          %swap3A_484 = arith.constant 32 : index
          %swap3A_485 = tpu.vector_load %arg11[%swap3A_483, %swap3A_484] {strides = array<i32>} : memref<200x256xf32, #tpu.memory_space<vmem>>, vector<16xf32>,
          tpu.vector_store %arg11[%swap3A_483, %swap3A_484], %get3A_482 {strides = array<i32>} : memref<200x256xf32, #tpu.memory_space<vmem>>, vector<16xf32>,
          %get3A_486 = arith.index_cast %while3A_461 : i32 to index
          %get3A_487 = arith.constant 48 : index
          %get3A_488 = tpu.vector_load %arg10[%get3A_486, %get3A_487] {strides = array<i32>} : memref<16x384xf32, #tpu.memory_space<vmem>>, vector<16xf32>,
          %swap3A_489 = arith.index_cast %squeeze3A_467 : i32 to index
          %swap3A_490 = arith.constant 48 : index
          %swap3A_491 = tpu.vector_load %arg11[%swap3A_489, %swap3A_490] {strides = array<i32>} : memref<200x256xf32, #tpu.memory_space<vmem>>, vector<16xf32>,
          tpu.vector_store %arg11[%swap3A_489, %swap3A_490], %get3A_488 {strides = array<i32>} : memref<200x256xf32, #tpu.memory_space<vmem>>, vector<16xf32>,
          %get3A_492 = arith.index_cast %while3A_461 : i32 to index
          %get3A_493 = arith.constant 64 : index
          %get3A_494 = tpu.vector_load %arg10[%get3A_492, %get3A_493] {strides = array<i32>} : memref<16x384xf32, #tpu.memory_space<vmem>>, vector<16xf32>,
          %swap3A_495 = arith.index_cast %squeeze3A_467 : i32 to index
          %swap3A_496 = arith.constant 64 : index
          %swap3A_497 = tpu.vector_load %arg11[%swap3A_495, %swap3A_496] {strides = array<i32>} : memref<200x256xf32, #tpu.memory_space<vmem>>, vector<16xf32>,
          tpu.vector_store %arg11[%swap3A_495, %swap3A_496], %get3A_494 {strides = array<i32>} : memref<200x256xf32, #tpu.memory_space<vmem>>, vector<16xf32>,
          %get3A_498 = arith.index_cast %while3A_461 : i32 to index
          %get3A_499 = arith.constant 80 : index
          %get3A_500 = tpu.vector_load %arg10[%get3A_498, %get3A_499] {strides = array<i32>} : memref<16x384xf32, #tpu.memory_space<vmem>>, vector<16xf32>,
          %swap3A_501 = arith.index_cast %squeeze3A_467 : i32 to index
          %swap3A_502 = arith.constant 80 : index
          %swap3A_503 = tpu.vector_load %arg11[%swap3A_501, %swap3A_502] {strides = array<i32>} : memref<200x256xf32, #tpu.memory_space<vmem>>, vector<16xf32>,
          tpu.vector_store %arg11[%swap3A_501, %swap3A_502], %get3A_500 {strides = array<i32>} : memref<200x256xf32, #tpu.memory_space<vmem>>, vector<16xf32>,
          %get3A_504 = arith.index_cast %while3A_461 : i32 to index
          %get3A_505 = arith.constant 96 : index
          %get3A_506 = tpu.vector_load %arg10[%get3A_504, %get3A_505] {strides = array<i32>} : memref<16x384xf32, #tpu.memory_space<vmem>>, vector<16xf32>,
          %swap3A_507 = arith.index_cast %squeeze3A_467 : i32 to index
          %swap3A_508 = arith.constant 96 : index
          %swap3A_509 = tpu.vector_load %arg11[%swap3A_507, %swap3A_508] {strides = array<i32>} : memref<200x256xf32, #tpu.memory_space<vmem>>, vector<16xf32>,
          tpu.vector_store %arg11[%swap3A_507, %swap3A_508], %get3A_506 {strides = array<i32>} : memref<200x256xf32, #tpu.memory_space<vmem>>, vector<16xf32>,
          %get3A_510 = arith.index_cast %while3A_461 : i32 to index
          %get3A_511 = arith.constant 112 : index
          %get3A_512 = tpu.vector_load %arg10[%get3A_510, %get3A_511] {strides = array<i32>} : memref<16x384xf32, #tpu.memory_space<vmem>>, vector<16xf32>,
          %swap3A_513 = arith.index_cast %squeeze3A_467 : i32 to index
          %swap3A_514 = arith.constant 112 : index
          %swap3A_515 = tpu.vector_load %arg11[%swap3A_513, %swap3A_514] {strides = array<i32>} : memref<200x256xf32, #tpu.memory_space<vmem>>, vector<16xf32>,
          tpu.vector_store %arg11[%swap3A_513, %swap3A_514], %get3A_512 {strides = array<i32>} : memref<200x256xf32, #tpu.memory_space<vmem>>, vector<16xf32>,
          %get3A_516 = arith.index_cast %while3A_461 : i32 to index
          %get3A_517 = arith.constant 128 : index
          %get3A_518 = tpu.vector_load %arg10[%get3A_516, %get3A_517] {strides = array<i32>} : memref<16x384xf32, #tpu.memory_space<vmem>>, vector<16xf32>,
          %swap3A_519 = arith.index_cast %squeeze3A_467 : i32 to index
          %swap3A_520 = arith.constant 128 : index
          %swap3A_521 = tpu.vector_load %arg11[%swap3A_519, %swap3A_520] {strides = array<i32>} : memref<200x256xf32, #tpu.memory_space<vmem>>, vector<16xf32>,
          tpu.vector_store %arg11[%swap3A_519, %swap3A_520], %get3A_518 {strides = array<i32>} : memref<200x256xf32, #tpu.memory_space<vmem>>, vector<16xf32>,
          %get3A_522 = arith.index_cast %while3A_461 : i32 to index
          %get3A_523 = arith.constant 144 : index
          %get3A_524 = tpu.vector_load %arg10[%get3A_522, %get3A_523] {strides = array<i32>} : memref<16x384xf32, #tpu.memory_space<vmem>>, vector<16xf32>,
          %swap3A_525 = arith.index_cast %squeeze3A_467 : i32 to index
          %swap3A_526 = arith.constant 144 : index
          %swap3A_527 = tpu.vector_load %arg11[%swap3A_525, %swap3A_526] {strides = array<i32>} : memref<200x256xf32, #tpu.memory_space<vmem>>, vector<16xf32>,
          tpu.vector_store %arg11[%swap3A_525, %swap3A_526], %get3A_524 {strides = array<i32>} : memref<200x256xf32, #tpu.memory_space<vmem>>, vector<16xf32>,
          %get3A_528 = arith.index_cast %while3A_461 : i32 to index
          %get3A_529 = arith.constant 160 : index
          %get3A_530 = tpu.vector_load %arg10[%get3A_528, %get3A_529] {strides = array<i32>} : memref<16x384xf32, #tpu.memory_space<vmem>>, vector<16xf32>,
          %swap3A_531 = arith.index_cast %squeeze3A_467 : i32 to index
          %swap3A_532 = arith.constant 160 : index
          %swap3A_533 = tpu.vector_load %arg11[%swap3A_531, %swap3A_532] {strides = array<i32>} : memref<200x256xf32, #tpu.memory_space<vmem>>, vector<16xf32>,
          tpu.vector_store %arg11[%swap3A_531, %swap3A_532], %get3A_530 {strides = array<i32>} : memref<200x256xf32, #tpu.memory_space<vmem>>, vector<16xf32>,
          %get3A_534 = arith.index_cast %while3A_461 : i32 to index
          %get3A_535 = arith.constant 176 : index
          %get3A_536 = tpu.vector_load %arg10[%get3A_534, %get3A_535] {strides = array<i32>} : memref<16x384xf32, #tpu.memory_space<vmem>>, vector<16xf32>,
          %swap3A_537 = arith.index_cast %squeeze3A_467 : i32 to index
          %swap3A_538 = arith.constant 176 : index
          %swap3A_539 = tpu.vector_load %arg11[%swap3A_537, %swap3A_538] {strides = array<i32>} : memref<200x256xf32, #tpu.memory_space<vmem>>, vector<16xf32>,
          tpu.vector_store %arg11[%swap3A_537, %swap3A_538], %get3A_536 {strides = array<i32>} : memref<200x256xf32, #tpu.memory_space<vmem>>, vector<16xf32>,
          %get3A_540 = arith.index_cast %while3A_461 : i32 to index
          %get3A_541 = arith.constant 192 : index
          %get3A_542 = tpu.vector_load %arg10[%get3A_540, %get3A_541] {strides = array<i32>} : memref<16x384xf32, #tpu.memory_space<vmem>>, vector<16xf32>,
          %swap3A_543 = arith.index_cast %squeeze3A_467 : i32 to index
          %swap3A_544 = arith.constant 192 : index
          %swap3A_545 = tpu.vector_load %arg11[%swap3A_543, %swap3A_544] {strides = array<i32>} : memref<200x256xf32, #tpu.memory_space<vmem>>, vector<16xf32>,
          tpu.vector_store %arg11[%swap3A_543, %swap3A_544], %get3A_542 {strides = array<i32>} : memref<200x256xf32, #tpu.memory_space<vmem>>, vector<16xf32>,
          %get3A_546 = arith.index_cast %while3A_461 : i32 to index
          %get3A_547 = arith.constant 208 : index
          %get3A_548 = tpu.vector_load %arg10[%get3A_546, %get3A_547] {strides = array<i32>} : memref<16x384xf32, #tpu.memory_space<vmem>>, vector<16xf32>,
          %swap3A_549 = arith.index_cast %squeeze3A_467 : i32 to index
          %swap3A_550 = arith.constant 208 : index
          %swap3A_551 = tpu.vector_load %arg11[%swap3A_549, %swap3A_550] {strides = array<i32>} : memref<200x256xf32, #tpu.memory_space<vmem>>, vector<16xf32>,
          tpu.vector_store %arg11[%swap3A_549, %swap3A_550], %get3A_548 {strides = array<i32>} : memref<200x256xf32, #tpu.memory_space<vmem>>, vector<16xf32>,
          %get3A_552 = arith.index_cast %while3A_461 : i32 to index
          %get3A_553 = arith.constant 224 : index
          %get3A_554 = tpu.vector_load %arg10[%get3A_552, %get3A_553] {strides = array<i32>} : memref<16x384xf32, #tpu.memory_space<vmem>>, vector<16xf32>,
          %swap3A_555 = arith.index_cast %squeeze3A_467 : i32 to index
          %swap3A_556 = arith.constant 224 : index
          %swap3A_557 = tpu.vector_load %arg11[%swap3A_555, %swap3A_556] {strides = array<i32>} : memref<200x256xf32, #tpu.memory_space<vmem>>, vector<16xf32>,
          tpu.vector_store %arg11[%swap3A_555, %swap3A_556], %get3A_554 {strides = array<i32>} : memref<200x256xf32, #tpu.memory_space<vmem>>, vector<16xf32>,
          %get3A_558 = arith.index_cast %while3A_461 : i32 to index
          %get3A_559 = arith.constant 240 : index
          %get3A_560 = tpu.vector_load %arg10[%get3A_558, %get3A_559] {strides = array<i32>} : memref<16x384xf32, #tpu.memory_space<vmem>>, vector<16xf32>,
          %swap3A_561 = arith.index_cast %squeeze3A_467 : i32 to index
          %swap3A_562 = arith.constant 240 : index
          %swap3A_563 = tpu.vector_load %arg11[%swap3A_561, %swap3A_562] {strides = array<i32>} : memref<200x256xf32, #tpu.memory_space<vmem>>, vector<16xf32>,
          tpu.vector_store %arg11[%swap3A_561, %swap3A_562], %get3A_560 {strides = array<i32>} : memref<200x256xf32, #tpu.memory_space<vmem>>, vector<16xf32>,
          %get3A_564 = arith.index_cast %while3A_461 : i32 to index
          %get3A_565 = arith.constant 256 : index
          %get3A_566 = tpu.vector_load %arg10[%get3A_564, %get3A_565] {strides = array<i32>} : memref<16x384xf32, #tpu.memory_space<vmem>>, vector<16xf32>,
          %mul3A_567 = arith.constant 8 : i32
          %mul3A_568 = arith.muli %squeeze3A_467, %mul3A_567 : i32
          %add3A_569 = vector.broadcast %mul3A_568 : i32 to vector<16xi32>
          %add3A_570 = arith.addi %add3A_569, %iota3A : vector<16xi32>
          %lt3A_571 = arith.constant 8 : i32
          %lt3A_572 = vector.broadcast %lt3A_571 : i32 to vector<16xi32>
          %lt3A_573 = arith.cmpi slt, %iota3A, %lt3A_572 : vector<16xi32>
          tpu.vector_store_idx %arg13[%add3A_570], %get3A_566 masked %lt3A_573 : memref<1600xf32, #tpu.memory_space<vmem>>[vector<16xi32>], vector<16xf32>, vector<16xi1>
          %while3A_574 = arith.constant 0 : i32
          scf.yield %while3A_574 : i32
        }
        %while3A_460 = arith.constant 0 : i32
        scf.yield %while3A_460 : i32
      }
      %min3A_169 = arith.constant 256 : i32
      %min3A_170 = arith.minsi %while3A_72, %min3A_169 : i32
      %add3A_171 = arith.constant 15 : i32
      %add3A_172 = arith.addi %min3A_170, %add3A_171 : i32
      %jit3A_173 = arith.constant 16 : i32
      %div3A_174 = arith.divsi %add3A_172, %jit3A_173 : i32
      %sign3A_175 = arith.constant 0 : i32
      %sign3A_176 = arith.cmpi sgt, %add3A_172, %sign3A_175 : i32
      %sign3A_177 = arith.extui %sign3A_176 : i1 to i32
      %sign3A_178 = arith.constant 0 : i32
      %sign3A_179 = arith.cmpi slt, %add3A_172, %sign3A_178 : i32
      %sign3A_180 = arith.extui %sign3A_179 : i1 to i32
      %sign3A_181 = arith.subi %sign3A_177, %sign3A_180 : i32
      %sign3A_182 = arith.constant 0 : i32
      %sign3A_183 = arith.cmpi sgt, %jit3A_173, %sign3A_182 : i32
      %sign3A_184 = arith.extui %sign3A_183 : i1 to i32
      %sign3A_185 = arith.constant 0 : i32
      %sign3A_186 = arith.cmpi slt, %jit3A_173, %sign3A_185 : i32
      %sign3A_187 = arith.extui %sign3A_186 : i1 to i32
      %sign3A_188 = arith.subi %sign3A_184, %sign3A_187 : i32
      %ne3A_189 = arith.cmpi ne, %sign3A_181, %sign3A_188 : i32
      %rem3A_190 = arith.remsi %add3A_172, %jit3A_173 : i32
      %ne3A_191 = arith.constant 0 : i32
      %ne3A_192 = arith.cmpi ne, %rem3A_190, %ne3A_191 : i32
      %and3A_193 = arith.andi %ne3A_189, %ne3A_192 : i1
      %sub3A_194 = arith.constant 1 : i32
      %sub3A_195 = arith.subi %div3A_174, %sub3A_194 : i32
      %select_n3A_196 = arith.select %and3A_193, %sub3A_195, %div3A_174 : i32
      %while3A_197 = arith.constant 0 : i32
      %while3A_198 = arith.constant 0 : i32
      %while3A_199 = arith.subi %select_n3A_196, %while3A_197 : i32
      %while3A_200 = arith.addi %while3A_197, %while3A_199 : i32
      %while3A_201 = arith.constant 1 : i32
      %while3A_202 = arith.divsi %while3A_199, %while3A_201 : i32
      %while3A_203 = arith.muli %while3A_202, %while3A_201 : i32
      %while3A_204 = arith.addi %while3A_197, %while3A_203 : i32
      %while3A_205 = arith.constant 1 : i32
      %while3A_206 = scf.for %while3A_396 = %while3A_197 to %while3A_204 step %while3A_205 iter_args(%while3A_397 = %while3A_198) -> (i32)  : i32 {
        %mul3A_398 = arith.constant 16 : i32
        %mul3A_399 = arith.muli %while3A_396, %mul3A_398 : i32
        %get3A_400 = arith.index_cast %mul3A_399 : i32 to index
        %get3A_401 = tpu.vector_load %arg9[%get3A_400] {strides = array<i32>} : memref<4112xi32, #tpu.memory_space<vmem>>, vector<16xi32>,
        %mul3A_402 = arith.constant 16 : i32
        %mul3A_403 = arith.muli %while3A_396, %mul3A_402 : i32
        %swap3A_404 = arith.index_cast %mul3A_403 : i32 to index
        %swap3A_405 = tpu.vector_load %arg15[%swap3A_404] {strides = array<i32>} : memref<272xi32, #tpu.memory_space<vmem>>, vector<16xi32>,
        tpu.vector_store %arg15[%swap3A_404], %get3A_401 {strides = array<i32>} : memref<272xi32, #tpu.memory_space<vmem>>, vector<16xi32>,
        %while3A_406 = arith.constant 0 : i32
        scf.yield %while3A_406 : i32
      }
      %while3A_207 = arith.constant 1 : i32
      %while3A_208 = scf.for %while3A_396 = %while3A_204 to %while3A_200 step %while3A_207 iter_args(%while3A_397 = %while3A_206) -> (i32)  : i32 {
        %mul3A_398 = arith.constant 16 : i32
        %mul3A_399 = arith.muli %while3A_396, %mul3A_398 : i32
        %get3A_400 = arith.index_cast %mul3A_399 : i32 to index
        %get3A_401 = tpu.vector_load %arg9[%get3A_400] {strides = array<i32>} : memref<4112xi32, #tpu.memory_space<vmem>>, vector<16xi32>,
        %mul3A_402 = arith.constant 16 : i32
        %mul3A_403 = arith.muli %while3A_396, %mul3A_402 : i32
        %swap3A_404 = arith.index_cast %mul3A_403 : i32 to index
        %swap3A_405 = tpu.vector_load %arg15[%swap3A_404] {strides = array<i32>} : memref<272xi32, #tpu.memory_space<vmem>>, vector<16xi32>,
        tpu.vector_store %arg15[%swap3A_404], %get3A_401 {strides = array<i32>} : memref<272xi32, #tpu.memory_space<vmem>>, vector<16xi32>,
        %while3A_406 = arith.constant 0 : i32
        scf.yield %while3A_406 : i32
      }
      %mul3A_209 = arith.constant 0 : i32
      %mul3A_210 = vector.broadcast %mul3A_209 : i32 to vector<16xi32>
      %mul3A_211 = arith.muli %iota3A, %mul3A_210 : vector<16xi32>
      %add3A_212 = vector.broadcast %while3A_72 : i32 to vector<16xi32>
      %add3A_213 = arith.addi %add3A_212, %mul3A_211 : vector<16xi32>
      %swap3A_214 = arith.constant 0 : index
      %swap3A_215 = tpu.vector_load %arg17[%swap3A_214] {strides = array<i32>} : memref<16xi32, #tpu.memory_space<vmem>>, vector<16xi32>,
      tpu.vector_store %arg17[%swap3A_214], %add3A_213 {strides = array<i32>} : memref<16xi32, #tpu.memory_space<vmem>>, vector<16xi32>,
      %lt3A_216 = arith.cmpi slt, %mul3A_58, %select_n3A : i32
      %convert_element_type3A_217 = arith.extui %lt3A_216 : i1 to i32
      %cond3A_218 = arith.constant 0 : i32
      %cond3A_219 = arith.cmpi ne, %convert_element_type3A_217, %cond3A_218 : i32
      scf.if %cond3A_219 {
        %mul3A_396 = arith.constant 200 : i32
        %mul3A_397 = arith.muli %add3A_61, %mul3A_396 : i32
        %dma_start3A = arith.constant 0 : i32
        %dma_start3A_398 = tpu.memref_slice %arg4[%mul3A_397, %dma_start3A] : memref<100000x256xf32, #tpu.memory_space<hbm>> -> memref<200x256xf32, #tpu.memory_space<hbm>>
        %dma_start3A_399 = arith.constant 0 : i32
        %dma_start3A_400 = tpu.memref_slice %arg4[%mul3A_397, %dma_start3A_399] : memref<100000x256xf32, #tpu.memory_space<hbm>> -> memref<200x256xf32, #tpu.memory_space<hbm>>
        tpu.enqueue_dma source(%arg11 : memref<200x256xf32, #tpu.memory_space<vmem>>) target(%dma_start3A_400 : memref<200x256xf32, #tpu.memory_space<hbm>>) target_semaphore(%arg20 : memref<!tpu.dma_semaphore, #tpu.memory_space<semaphore_mem>>)
        %mul3A_401 = arith.constant 200 : i32
        %mul3A_402 = arith.muli %add3A_61, %mul3A_401 : i32
        %mul3A_403 = arith.constant 8 : i32
        %mul3A_404 = arith.muli %mul3A_402, %mul3A_403 : i32
        %dma_start3A_405 = arith.constant 0 : i32
        %dma_start3A_406 = tpu.memref_slice %arg13[%dma_start3A_405] : memref<1600xf32, #tpu.memory_space<vmem>> -> memref<1600xf32, #tpu.memory_space<vmem>>
        %dma_start3A_407 = tpu.memref_slice %arg5[%mul3A_404] : memref<800000xf32, #tpu.memory_space<hbm>> -> memref<1600xf32, #tpu.memory_space<hbm>>
        %dma_start3A_408 = tpu.memref_slice %arg5[%mul3A_404] : memref<800000xf32, #tpu.memory_space<hbm>> -> memref<1600xf32, #tpu.memory_space<hbm>>
        %dma_start3A_409 = arith.constant 0 : i32
        %dma_start3A_410 = tpu.memref_slice %arg13[%dma_start3A_409] : memref<1600xf32, #tpu.memory_space<vmem>> -> memref<1600xf32, #tpu.memory_space<vmem>>
        tpu.enqueue_dma source(%dma_start3A_410 : memref<1600xf32, #tpu.memory_space<vmem>>) target(%dma_start3A_408 : memref<1600xf32, #tpu.memory_space<hbm>>) target_semaphore(%arg20 : memref<!tpu.dma_semaphore, #tpu.memory_space<semaphore_mem>>)
      } else {
      }
      %mul3A_220 = arith.constant 2 : i32
      %mul3A_221 = arith.muli %mul3A_220, %scan3A_55 : i32
      %add3A_222 = arith.constant 1 : i32
      %add3A_223 = arith.addi %mul3A_221, %add3A_222 : i32
      %mul3A_224 = arith.constant 32 : i32
      %mul3A_225 = arith.muli %mul3A_224, %add3A_223 : i32
      %add3A_226 = arith.addi %add3A, %mul3A_225 : i32
      %while3A_227 = arith.constant 0 : i32
      %while3A_228 = arith.constant 0 : i32
      %while3A_229 = arith.subi %select_n3A_47, %while3A_227 : i32
      %while3A_230 = arith.addi %while3A_227, %while3A_229 : i32
      %while3A_231 = arith.constant 1 : i32
      %while3A_232 = arith.divsi %while3A_229, %while3A_231 : i32
      %while3A_233 = arith.muli %while3A_232, %while3A_231 : i32
      %while3A_234 = arith.addi %while3A_227, %while3A_233 : i32
      %while3A_235 = arith.constant 1 : i32
      %while3A_236 = scf.for %while3A_396 = %while3A_227 to %while3A_234 step %while3A_235 iter_args(%while3A_397 = %while3A_228) -> (i32)  : i32 {
        %mul3A_398 = arith.constant 16 : i32
        %mul3A_399 = arith.muli %while3A_396, %mul3A_398 : i32
        %get3A_400 = arith.index_cast %mul3A_399 : i32 to index
        %get3A_401 = tpu.vector_load %arg7[%get3A_400] {strides = array<i32>} : memref<4112xi32, #tpu.memory_space<vmem>>, vector<16xi32>,
        %mul3A_402 = arith.constant 16 : i32
        %mul3A_403 = arith.muli %while3A_396, %mul3A_402 : i32
        %add3A_404 = vector.broadcast %mul3A_403 : i32 to vector<16xi32>
        %add3A_405 = arith.addi %add3A_404, %iota3A : vector<16xi32>
        %lt3A_406 = vector.broadcast %scan3A_26 : i32 to vector<16xi32>
        %lt3A_407 = arith.cmpi slt, %add3A_405, %lt3A_406 : vector<16xi32>
        %shift_right_arithmetic3A = arith.constant 20 : i32
        %shift_right_arithmetic3A_408 = vector.broadcast %shift_right_arithmetic3A : i32 to vector<16xi32>
        %shift_right_arithmetic3A_409 = arith.shrsi %get3A_401, %shift_right_arithmetic3A_408 : vector<16xi32>
        %eq3A = vector.broadcast %add3A_226 : i32 to vector<16xi32>
        %eq3A_410 = arith.cmpi eq, %shift_right_arithmetic3A_409, %eq3A : vector<16xi32>
        %and3A_411 = arith.andi %lt3A_407, %eq3A_410 : vector<16xi1>
        %convert_element_type3A_412 = arith.extui %and3A_411 : vector<16xi1> to vector<16xi32>
        %broadcast_in_dim3A_413 = arith.constant true
        %broadcast_in_dim3A_414 = vector.broadcast %broadcast_in_dim3A_413 : i1 to vector<16xi1>
        %masked_cumsum3A = tpu.scan <sum>, %convert_element_type3A_412 masked %broadcast_in_dim3A_414 : vector<16xi32>, vector<16xi1> -> vector<16xi32>
        %add3A_415 = vector.broadcast %while3A_397 : i32 to vector<16xi32>
        %add3A_416 = arith.addi %add3A_415, %masked_cumsum3A : vector<16xi32>
        %sub3A_417 = arith.constant 1 : i32
        %sub3A_418 = vector.broadcast %sub3A_417 : i32 to vector<16xi32>
        %sub3A_419 = arith.subi %add3A_416, %sub3A_418 : vector<16xi32>
        %jit3A_420 = arith.constant 0 : i32
        %broadcast_in_dim3A_421 = vector.broadcast %jit3A_420 : i32 to vector<16xi32>
        %select_n3A_422 = arith.select %and3A_411, %sub3A_419, %broadcast_in_dim3A_421 : vector<16xi1>, vector<16xi32>
        %and3A_423 = arith.constant 4095 : i32
        %and3A_424 = vector.broadcast %and3A_423 : i32 to vector<16xi32>
        %and3A_425 = arith.andi %get3A_401, %and3A_424 : vector<16xi32>
        tpu.vector_store_idx %arg8[%select_n3A_422], %and3A_425 masked %and3A_411 : memref<4112xi32, #tpu.memory_space<vmem>>[vector<16xi32>], vector<16xi32>, vector<16xi1>
        %shift_right_arithmetic3A_426 = arith.constant 12 : i32
        %shift_right_arithmetic3A_427 = vector.broadcast %shift_right_arithmetic3A_426 : i32 to vector<16xi32>
        %shift_right_arithmetic3A_428 = arith.shrsi %get3A_401, %shift_right_arithmetic3A_427 : vector<16xi32>
        %and3A_429 = arith.constant 255 : i32
        %and3A_430 = vector.broadcast %and3A_429 : i32 to vector<16xi32>
        %and3A_431 = arith.andi %shift_right_arithmetic3A_428, %and3A_430 : vector<16xi32>
        tpu.vector_store_idx %arg9[%select_n3A_422], %and3A_431 masked %and3A_411 : memref<4112xi32, #tpu.memory_space<vmem>>[vector<16xi32>], vector<16xi32>, vector<16xi1>
        %all_reduce_population_count3A = tpu.all_reduce %and3A_411 {dim = 0 : i64, kind = #tpu.reduction_kind<sum>} : vector<16xi1> -> vector<16xi32>
        %slice3A_432 = vector.extract_strided_slice %all_reduce_population_count3A {offsets = [0], sizes = [1], strides = [1]} : vector<16xi32> to vector<1xi32>
        %squeeze3A_433 = vector.extract %slice3A_432[0] : i32 from vector<1xi32>
        %add3A_434 = arith.addi %while3A_397, %squeeze3A_433 : i32
        scf.yield %add3A_434 : i32
      }
      %while3A_237 = arith.constant 1 : i32
      %while3A_238 = scf.for %while3A_396 = %while3A_234 to %while3A_230 step %while3A_237 iter_args(%while3A_397 = %while3A_236) -> (i32)  : i32 {
        %mul3A_398 = arith.constant 16 : i32
        %mul3A_399 = arith.muli %while3A_396, %mul3A_398 : i32
        %get3A_400 = arith.index_cast %mul3A_399 : i32 to index
        %get3A_401 = tpu.vector_load %arg7[%get3A_400] {strides = array<i32>} : memref<4112xi32, #tpu.memory_space<vmem>>, vector<16xi32>,
        %mul3A_402 = arith.constant 16 : i32
        %mul3A_403 = arith.muli %while3A_396, %mul3A_402 : i32
        %add3A_404 = vector.broadcast %mul3A_403 : i32 to vector<16xi32>
        %add3A_405 = arith.addi %add3A_404, %iota3A : vector<16xi32>
        %lt3A_406 = vector.broadcast %scan3A_26 : i32 to vector<16xi32>
        %lt3A_407 = arith.cmpi slt, %add3A_405, %lt3A_406 : vector<16xi32>
        %shift_right_arithmetic3A = arith.constant 20 : i32
        %shift_right_arithmetic3A_408 = vector.broadcast %shift_right_arithmetic3A : i32 to vector<16xi32>
        %shift_right_arithmetic3A_409 = arith.shrsi %get3A_401, %shift_right_arithmetic3A_408 : vector<16xi32>
        %eq3A = vector.broadcast %add3A_226 : i32 to vector<16xi32>
        %eq3A_410 = arith.cmpi eq, %shift_right_arithmetic3A_409, %eq3A : vector<16xi32>
        %and3A_411 = arith.andi %lt3A_407, %eq3A_410 : vector<16xi1>
        %convert_element_type3A_412 = arith.extui %and3A_411 : vector<16xi1> to vector<16xi32>
        %broadcast_in_dim3A_413 = arith.constant true
        %broadcast_in_dim3A_414 = vector.broadcast %broadcast_in_dim3A_413 : i1 to vector<16xi1>
        %masked_cumsum3A = tpu.scan <sum>, %convert_element_type3A_412 masked %broadcast_in_dim3A_414 : vector<16xi32>, vector<16xi1> -> vector<16xi32>
        %add3A_415 = vector.broadcast %while3A_397 : i32 to vector<16xi32>
        %add3A_416 = arith.addi %add3A_415, %masked_cumsum3A : vector<16xi32>
        %sub3A_417 = arith.constant 1 : i32
        %sub3A_418 = vector.broadcast %sub3A_417 : i32 to vector<16xi32>
        %sub3A_419 = arith.subi %add3A_416, %sub3A_418 : vector<16xi32>
        %jit3A_420 = arith.constant 0 : i32
        %broadcast_in_dim3A_421 = vector.broadcast %jit3A_420 : i32 to vector<16xi32>
        %select_n3A_422 = arith.select %and3A_411, %sub3A_419, %broadcast_in_dim3A_421 : vector<16xi1>, vector<16xi32>
        %and3A_423 = arith.constant 4095 : i32
        %and3A_424 = vector.broadcast %and3A_423 : i32 to vector<16xi32>
        %and3A_425 = arith.andi %get3A_401, %and3A_424 : vector<16xi32>
        tpu.vector_store_idx %arg8[%select_n3A_422], %and3A_425 masked %and3A_411 : memref<4112xi32, #tpu.memory_space<vmem>>[vector<16xi32>], vector<16xi32>, vector<16xi1>
        %shift_right_arithmetic3A_426 = arith.constant 12 : i32
        %shift_right_arithmetic3A_427 = vector.broadcast %shift_right_arithmetic3A_426 : i32 to vector<16xi32>
        %shift_right_arithmetic3A_428 = arith.shrsi %get3A_401, %shift_right_arithmetic3A_427 : vector<16xi32>
        %and3A_429 = arith.constant 255 : i32
        %and3A_430 = vector.broadcast %and3A_429 : i32 to vector<16xi32>
        %and3A_431 = arith.andi %shift_right_arithmetic3A_428, %and3A_430 : vector<16xi32>
        tpu.vector_store_idx %arg9[%select_n3A_422], %and3A_431 masked %and3A_411 : memref<4112xi32, #tpu.memory_space<vmem>>[vector<16xi32>], vector<16xi32>, vector<16xi1>
        %all_reduce_population_count3A = tpu.all_reduce %and3A_411 {dim = 0 : i64, kind = #tpu.reduction_kind<sum>} : vector<16xi1> -> vector<16xi32>
        %slice3A_432 = vector.extract_strided_slice %all_reduce_population_count3A {offsets = [0], sizes = [1], strides = [1]} : vector<16xi32> to vector<1xi32>
        %squeeze3A_433 = vector.extract %slice3A_432[0] : i32 from vector<1xi32>
        %add3A_434 = arith.addi %while3A_397, %squeeze3A_433 : i32
        scf.yield %add3A_434 : i32
      }
      %add3A_239 = arith.constant 8 : i32
      %add3A_240 = arith.addi %while3A_238, %add3A_239 : i32
      %sub3A_241 = arith.constant 1 : i32
      %sub3A_242 = arith.subi %add3A_240, %sub3A_241 : i32
      %jit3A_243 = arith.constant 8 : i32
      %div3A_244 = arith.divsi %sub3A_242, %jit3A_243 : i32
      %sign3A_245 = arith.constant 0 : i32
      %sign3A_246 = arith.cmpi sgt, %sub3A_242, %sign3A_245 : i32
      %sign3A_247 = arith.extui %sign3A_246 : i1 to i32
      %sign3A_248 = arith.constant 0 : i32
      %sign3A_249 = arith.cmpi slt, %sub3A_242, %sign3A_248 : i32
      %sign3A_250 = arith.extui %sign3A_249 : i1 to i32
      %sign3A_251 = arith.subi %sign3A_247, %sign3A_250 : i32
      %sign3A_252 = arith.constant 0 : i32
      %sign3A_253 = arith.cmpi sgt, %jit3A_243, %sign3A_252 : i32
      %sign3A_254 = arith.extui %sign3A_253 : i1 to i32
      %sign3A_255 = arith.constant 0 : i32
      %sign3A_256 = arith.cmpi slt, %jit3A_243, %sign3A_255 : i32
      %sign3A_257 = arith.extui %sign3A_256 : i1 to i32
      %sign3A_258 = arith.subi %sign3A_254, %sign3A_257 : i32
      %ne3A_259 = arith.cmpi ne, %sign3A_251, %sign3A_258 : i32
      %rem3A_260 = arith.remsi %sub3A_242, %jit3A_243 : i32
      %ne3A_261 = arith.constant 0 : i32
      %ne3A_262 = arith.cmpi ne, %rem3A_260, %ne3A_261 : i32
      %and3A_263 = arith.andi %ne3A_259, %ne3A_262 : i1
      %sub3A_264 = arith.constant 1 : i32
      %sub3A_265 = arith.subi %div3A_244, %sub3A_264 : i32
      %select_n3A_266 = arith.select %and3A_263, %sub3A_265, %div3A_244 : i32
      %min3A_267 = arith.constant 2 : i32
      %min3A_268 = arith.minsi %select_n3A_266, %min3A_267 : i32
      %while3A_269 = arith.constant 0 : i32
      %while3A_270 = arith.constant 0 : i32
      %while3A_271 = arith.subi %min3A_268, %while3A_269 : i32
      %while3A_272 = arith.addi %while3A_269, %while3A_271 : i32
      %while3A_273 = arith.constant 1 : i32
      %while3A_274 = arith.divsi %while3A_271, %while3A_273 : i32
      %while3A_275 = arith.muli %while3A_274, %while3A_273 : i32
      %while3A_276 = arith.addi %while3A_269, %while3A_275 : i32
      %while3A_277 = arith.constant 1 : i32
      %while3A_278 = scf.for %while3A_396 = %while3A_269 to %while3A_276 step %while3A_277 iter_args(%while3A_397 = %while3A_270) -> (i32)  : i32 {
        %mul3A_398 = arith.constant 8 : i32
        %mul3A_399 = arith.muli %while3A_396, %mul3A_398 : i32
        %add3A_400 = arith.constant 0 : i32
        %add3A_401 = arith.addi %add3A_400, %mul3A_399 : i32
        %mul3A_402 = arith.constant 8 : i32
        %mul3A_403 = arith.muli %while3A_396, %mul3A_402 : i32
        %dma_start3A = arith.constant 0 : i32
        %dma_start3A_404 = tpu.memref_slice %arg10[%mul3A_403, %dma_start3A] : memref<16x384xf32, #tpu.memory_space<vmem>> -> memref<8x384xf32, #tpu.memory_space<vmem>>
        %dma_start3A_405 = tpu.memref_slice %arg8[%add3A_401] : memref<4112xi32, #tpu.memory_space<vmem>> -> memref<8xi32, #tpu.memory_space<vmem>>
        %dma_start3A_406 = arith.constant 0 : i32
        %dma_start3A_407 = arith.constant 0 : i32
        %dma_start3A_408 = tpu.memref_slice %arg2[%dma_start3A_406, %dma_start3A_407] : memref<4096x384xf32, #tpu.memory_space<hbm>> -> memref<4096x384xf32, #tpu.memory_space<hbm>>
        tpu.enqueue_indirect_dma source(%dma_start3A_408 : memref<4096x384xf32, #tpu.memory_space<hbm>>) target(%dma_start3A_404 : memref<8x384xf32, #tpu.memory_space<vmem>>) offsets(%dma_start3A_405 : memref<8xi32, #tpu.memory_space<vmem>>) semaphore(%arg19 : memref<!tpu.dma_semaphore, #tpu.memory_space<semaphore_mem>>)
        %while3A_409 = arith.constant 0 : i32
        scf.yield %while3A_409 : i32
      }
      %while3A_279 = arith.constant 1 : i32
      %while3A_280 = scf.for %while3A_396 = %while3A_276 to %while3A_272 step %while3A_279 iter_args(%while3A_397 = %while3A_278) -> (i32)  : i32 {
        %mul3A_398 = arith.constant 8 : i32
        %mul3A_399 = arith.muli %while3A_396, %mul3A_398 : i32
        %add3A_400 = arith.constant 0 : i32
        %add3A_401 = arith.addi %add3A_400, %mul3A_399 : i32
        %mul3A_402 = arith.constant 8 : i32
        %mul3A_403 = arith.muli %while3A_396, %mul3A_402 : i32
        %dma_start3A = arith.constant 0 : i32
        %dma_start3A_404 = tpu.memref_slice %arg10[%mul3A_403, %dma_start3A] : memref<16x384xf32, #tpu.memory_space<vmem>> -> memref<8x384xf32, #tpu.memory_space<vmem>>
        %dma_start3A_405 = tpu.memref_slice %arg8[%add3A_401] : memref<4112xi32, #tpu.memory_space<vmem>> -> memref<8xi32, #tpu.memory_space<vmem>>
        %dma_start3A_406 = arith.constant 0 : i32
        %dma_start3A_407 = arith.constant 0 : i32
        %dma_start3A_408 = tpu.memref_slice %arg2[%dma_start3A_406, %dma_start3A_407] : memref<4096x384xf32, #tpu.memory_space<hbm>> -> memref<4096x384xf32, #tpu.memory_space<hbm>>
        tpu.enqueue_indirect_dma source(%dma_start3A_408 : memref<4096x384xf32, #tpu.memory_space<hbm>>) target(%dma_start3A_404 : memref<8x384xf32, #tpu.memory_space<vmem>>) offsets(%dma_start3A_405 : memref<8xi32, #tpu.memory_space<vmem>>) semaphore(%arg19 : memref<!tpu.dma_semaphore, #tpu.memory_space<semaphore_mem>>)
        %while3A_409 = arith.constant 0 : i32
        scf.yield %while3A_409 : i32
      }
      %ge3A_281 = arith.constant 2 : i32
      %ge3A_282 = arith.cmpi sge, %add3A_223, %ge3A_281 : i32
      %sub3A_283 = arith.constant 2 : i32
      %sub3A_284 = arith.subi %add3A_223, %sub3A_283 : i32
      %lt3A_285 = arith.cmpi slt, %sub3A_284, %select_n3A : i32
      %and3A_286 = arith.andi %ge3A_282, %lt3A_285 : i1
      %convert_element_type3A_287 = arith.extui %and3A_286 : i1 to i32
      %cond3A_288 = arith.constant 0 : i32
      %cond3A_289 = arith.cmpi ne, %convert_element_type3A_287, %cond3A_288 : i32
      scf.if %cond3A_289 {
        %dma_wait3A = arith.constant 0 : i32
        %dma_wait3A_396 = arith.constant 0 : i32
        %dma_wait3A_397 = tpu.memref_slice %arg4[%dma_wait3A, %dma_wait3A_396] : memref<100000x256xf32, #tpu.memory_space<hbm>> -> memref<200x256xf32, #tpu.memory_space<hbm>>
        %dma_wait3A_398 = arith.constant 0 : i32
        %dma_wait3A_399 = arith.constant 0 : i32
        %dma_wait3A_400 = tpu.memref_slice %arg4[%dma_wait3A_398, %dma_wait3A_399] : memref<100000x256xf32, #tpu.memory_space<hbm>> -> memref<200x256xf32, #tpu.memory_space<hbm>>
        tpu.wait_dma2 semaphore(%arg21 : memref<!tpu.dma_semaphore, #tpu.memory_space<semaphore_mem>>) src(%arg12 : memref<200x256xf32, #tpu.memory_space<vmem>>) dst(%dma_wait3A_400 : memref<200x256xf32, #tpu.memory_space<hbm>>)
        %dma_wait3A_401 = arith.constant 0 : i32
        %dma_wait3A_402 = tpu.memref_slice %arg14[%dma_wait3A_401] : memref<1600xf32, #tpu.memory_space<vmem>> -> memref<1600xf32, #tpu.memory_space<vmem>>
        %dma_wait3A_403 = arith.constant 0 : i32
        %dma_wait3A_404 = tpu.memref_slice %arg5[%dma_wait3A_403] : memref<800000xf32, #tpu.memory_space<hbm>> -> memref<1600xf32, #tpu.memory_space<hbm>>
        %dma_wait3A_405 = arith.constant 0 : i32
        %dma_wait3A_406 = tpu.memref_slice %arg5[%dma_wait3A_405] : memref<800000xf32, #tpu.memory_space<hbm>> -> memref<1600xf32, #tpu.memory_space<hbm>>
        %dma_wait3A_407 = arith.constant 0 : i32
        %dma_wait3A_408 = tpu.memref_slice %arg14[%dma_wait3A_407] : memref<1600xf32, #tpu.memory_space<vmem>> -> memref<1600xf32, #tpu.memory_space<vmem>>
        tpu.wait_dma2 semaphore(%arg21 : memref<!tpu.dma_semaphore, #tpu.memory_space<semaphore_mem>>) src(%dma_wait3A_408 : memref<1600xf32, #tpu.memory_space<vmem>>) dst(%dma_wait3A_406 : memref<1600xf32, #tpu.memory_space<hbm>>)
      } else {
      }
      %get3A_290 = arith.constant 0 : index
      %get3A_291 = tpu.vector_load %arg18[%get3A_290] {strides = array<i32>} : memref<16xi32, #tpu.memory_space<vmem>>, vector<16xi32>,
      %slice3A_292 = vector.extract_strided_slice %get3A_291 {offsets = [0], sizes = [1], strides = [1]} : vector<16xi32> to vector<1xi32>
      %squeeze3A_293 = vector.extract %slice3A_292[0] : i32 from vector<1xi32>
      %gt3A_294 = arith.constant 256 : i32
      %gt3A_295 = arith.cmpi sgt, %squeeze3A_293, %gt3A_294 : i32
      %convert_element_type3A_296 = arith.extui %gt3A_295 : i1 to i32
      %cond3A_297 = arith.constant 0 : i32
      %cond3A_298 = arith.cmpi ne, %convert_element_type3A_296, %cond3A_297 : i32
      scf.if %cond3A_298 {
        %scan3A_396 = arith.constant 0 : i32
        %scan3A_397 = arith.constant 0 : i32
        %scan3A_398 = arith.constant 200 : i32
        %scan3A_399 = arith.addi %scan3A_397, %scan3A_398 : i32
        %scan3A_400 = arith.constant 1 : i32
        %scan3A_401 = scf.for %scan3A_410 = %scan3A_397 to %scan3A_399 step %scan3A_400 iter_args(%scan3A_411 = %scan3A_396) -> (i32)  : i32 {
          %swap3A_412 = arith.index_cast %scan3A_410 : i32 to index
          %swap3A_413 = arith.constant 0 : index
          %swap3A_414 = tpu.vector_load %arg12[%swap3A_412, %swap3A_413] {strides = array<i32>} : memref<200x256xf32, #tpu.memory_space<vmem>>, vector<16xf32>,
          tpu.vector_store %arg12[%swap3A_412, %swap3A_413], %broadcast_in_dim3A_1 {strides = array<i32>} : memref<200x256xf32, #tpu.memory_space<vmem>>, vector<16xf32>,
          %swap3A_415 = arith.index_cast %scan3A_410 : i32 to index
          %swap3A_416 = arith.constant 16 : index
          %swap3A_417 = tpu.vector_load %arg12[%swap3A_415, %swap3A_416] {strides = array<i32>} : memref<200x256xf32, #tpu.memory_space<vmem>>, vector<16xf32>,
          tpu.vector_store %arg12[%swap3A_415, %swap3A_416], %broadcast_in_dim3A_1 {strides = array<i32>} : memref<200x256xf32, #tpu.memory_space<vmem>>, vector<16xf32>,
          %swap3A_418 = arith.index_cast %scan3A_410 : i32 to index
          %swap3A_419 = arith.constant 32 : index
          %swap3A_420 = tpu.vector_load %arg12[%swap3A_418, %swap3A_419] {strides = array<i32>} : memref<200x256xf32, #tpu.memory_space<vmem>>, vector<16xf32>,
          tpu.vector_store %arg12[%swap3A_418, %swap3A_419], %broadcast_in_dim3A_1 {strides = array<i32>} : memref<200x256xf32, #tpu.memory_space<vmem>>, vector<16xf32>,
          %swap3A_421 = arith.index_cast %scan3A_410 : i32 to index
          %swap3A_422 = arith.constant 48 : index
          %swap3A_423 = tpu.vector_load %arg12[%swap3A_421, %swap3A_422] {strides = array<i32>} : memref<200x256xf32, #tpu.memory_space<vmem>>, vector<16xf32>,
          tpu.vector_store %arg12[%swap3A_421, %swap3A_422], %broadcast_in_dim3A_1 {strides = array<i32>} : memref<200x256xf32, #tpu.memory_space<vmem>>, vector<16xf32>,
          %swap3A_424 = arith.index_cast %scan3A_410 : i32 to index
          %swap3A_425 = arith.constant 64 : index
          %swap3A_426 = tpu.vector_load %arg12[%swap3A_424, %swap3A_425] {strides = array<i32>} : memref<200x256xf32, #tpu.memory_space<vmem>>, vector<16xf32>,
          tpu.vector_store %arg12[%swap3A_424, %swap3A_425], %broadcast_in_dim3A_1 {strides = array<i32>} : memref<200x256xf32, #tpu.memory_space<vmem>>, vector<16xf32>,
          %swap3A_427 = arith.index_cast %scan3A_410 : i32 to index
          %swap3A_428 = arith.constant 80 : index
          %swap3A_429 = tpu.vector_load %arg12[%swap3A_427, %swap3A_428] {strides = array<i32>} : memref<200x256xf32, #tpu.memory_space<vmem>>, vector<16xf32>,
          tpu.vector_store %arg12[%swap3A_427, %swap3A_428], %broadcast_in_dim3A_1 {strides = array<i32>} : memref<200x256xf32, #tpu.memory_space<vmem>>, vector<16xf32>,
          %swap3A_430 = arith.index_cast %scan3A_410 : i32 to index
          %swap3A_431 = arith.constant 96 : index
          %swap3A_432 = tpu.vector_load %arg12[%swap3A_430, %swap3A_431] {strides = array<i32>} : memref<200x256xf32, #tpu.memory_space<vmem>>, vector<16xf32>,
          tpu.vector_store %arg12[%swap3A_430, %swap3A_431], %broadcast_in_dim3A_1 {strides = array<i32>} : memref<200x256xf32, #tpu.memory_space<vmem>>, vector<16xf32>,
          %swap3A_433 = arith.index_cast %scan3A_410 : i32 to index
          %swap3A_434 = arith.constant 112 : index
          %swap3A_435 = tpu.vector_load %arg12[%swap3A_433, %swap3A_434] {strides = array<i32>} : memref<200x256xf32, #tpu.memory_space<vmem>>, vector<16xf32>,
          tpu.vector_store %arg12[%swap3A_433, %swap3A_434], %broadcast_in_dim3A_1 {strides = array<i32>} : memref<200x256xf32, #tpu.memory_space<vmem>>, vector<16xf32>,
          %swap3A_436 = arith.index_cast %scan3A_410 : i32 to index
          %swap3A_437 = arith.constant 128 : index
          %swap3A_438 = tpu.vector_load %arg12[%swap3A_436, %swap3A_437] {strides = array<i32>} : memref<200x256xf32, #tpu.memory_space<vmem>>, vector<16xf32>,
          tpu.vector_store %arg12[%swap3A_436, %swap3A_437], %broadcast_in_dim3A_1 {strides = array<i32>} : memref<200x256xf32, #tpu.memory_space<vmem>>, vector<16xf32>,
          %swap3A_439 = arith.index_cast %scan3A_410 : i32 to index
          %swap3A_440 = arith.constant 144 : index
          %swap3A_441 = tpu.vector_load %arg12[%swap3A_439, %swap3A_440] {strides = array<i32>} : memref<200x256xf32, #tpu.memory_space<vmem>>, vector<16xf32>,
          tpu.vector_store %arg12[%swap3A_439, %swap3A_440], %broadcast_in_dim3A_1 {strides = array<i32>} : memref<200x256xf32, #tpu.memory_space<vmem>>, vector<16xf32>,
          %swap3A_442 = arith.index_cast %scan3A_410 : i32 to index
          %swap3A_443 = arith.constant 160 : index
          %swap3A_444 = tpu.vector_load %arg12[%swap3A_442, %swap3A_443] {strides = array<i32>} : memref<200x256xf32, #tpu.memory_space<vmem>>, vector<16xf32>,
          tpu.vector_store %arg12[%swap3A_442, %swap3A_443], %broadcast_in_dim3A_1 {strides = array<i32>} : memref<200x256xf32, #tpu.memory_space<vmem>>, vector<16xf32>,
          %swap3A_445 = arith.index_cast %scan3A_410 : i32 to index
          %swap3A_446 = arith.constant 176 : index
          %swap3A_447 = tpu.vector_load %arg12[%swap3A_445, %swap3A_446] {strides = array<i32>} : memref<200x256xf32, #tpu.memory_space<vmem>>, vector<16xf32>,
          tpu.vector_store %arg12[%swap3A_445, %swap3A_446], %broadcast_in_dim3A_1 {strides = array<i32>} : memref<200x256xf32, #tpu.memory_space<vmem>>, vector<16xf32>,
          %swap3A_448 = arith.index_cast %scan3A_410 : i32 to index
          %swap3A_449 = arith.constant 192 : index
          %swap3A_450 = tpu.vector_load %arg12[%swap3A_448, %swap3A_449] {strides = array<i32>} : memref<200x256xf32, #tpu.memory_space<vmem>>, vector<16xf32>,
          tpu.vector_store %arg12[%swap3A_448, %swap3A_449], %broadcast_in_dim3A_1 {strides = array<i32>} : memref<200x256xf32, #tpu.memory_space<vmem>>, vector<16xf32>,
          %swap3A_451 = arith.index_cast %scan3A_410 : i32 to index
          %swap3A_452 = arith.constant 208 : index
          %swap3A_453 = tpu.vector_load %arg12[%swap3A_451, %swap3A_452] {strides = array<i32>} : memref<200x256xf32, #tpu.memory_space<vmem>>, vector<16xf32>,
          tpu.vector_store %arg12[%swap3A_451, %swap3A_452], %broadcast_in_dim3A_1 {strides = array<i32>} : memref<200x256xf32, #tpu.memory_space<vmem>>, vector<16xf32>,
          %swap3A_454 = arith.index_cast %scan3A_410 : i32 to index
          %swap3A_455 = arith.constant 224 : index
          %swap3A_456 = tpu.vector_load %arg12[%swap3A_454, %swap3A_455] {strides = array<i32>} : memref<200x256xf32, #tpu.memory_space<vmem>>, vector<16xf32>,
          tpu.vector_store %arg12[%swap3A_454, %swap3A_455], %broadcast_in_dim3A_1 {strides = array<i32>} : memref<200x256xf32, #tpu.memory_space<vmem>>, vector<16xf32>,
          %swap3A_457 = arith.index_cast %scan3A_410 : i32 to index
          %swap3A_458 = arith.constant 240 : index
          %swap3A_459 = tpu.vector_load %arg12[%swap3A_457, %swap3A_458] {strides = array<i32>} : memref<200x256xf32, #tpu.memory_space<vmem>>, vector<16xf32>,
          tpu.vector_store %arg12[%swap3A_457, %swap3A_458], %broadcast_in_dim3A_1 {strides = array<i32>} : memref<200x256xf32, #tpu.memory_space<vmem>>, vector<16xf32>,
          %scan3A_460 = arith.constant 0 : i32
          scf.yield %scan3A_460 : i32
        }
        %scan3A_402 = arith.constant 200 : i32
        %scan3A_403 = arith.constant 0 : i32
        %scan3A_404 = arith.constant 0 : i32
        %scan3A_405 = arith.constant 100 : i32
        %scan3A_406 = arith.addi %scan3A_404, %scan3A_405 : i32
        %scan3A_407 = arith.constant 1 : i32
        %scan3A_408 = scf.for %scan3A_410 = %scan3A_404 to %scan3A_406 step %scan3A_407 iter_args(%scan3A_411 = %scan3A_403) -> (i32)  : i32 {
          %mul3A_412 = arith.constant 16 : i32
          %mul3A_413 = arith.muli %scan3A_410, %mul3A_412 : i32
          %swap3A_414 = arith.index_cast %mul3A_413 : i32 to index
          %swap3A_415 = tpu.vector_load %arg14[%swap3A_414] {strides = array<i32>} : memref<1600xf32, #tpu.memory_space<vmem>>, vector<16xf32>,
          tpu.vector_store %arg14[%swap3A_414], %broadcast_in_dim3A_1 {strides = array<i32>} : memref<1600xf32, #tpu.memory_space<vmem>>, vector<16xf32>,
          %scan3A_416 = arith.constant 0 : i32
          scf.yield %scan3A_416 : i32
        }
        %scan3A_409 = arith.constant 100 : i32
      } else {
      }
      %le3A_299 = arith.constant 256 : i32
      %le3A_300 = arith.cmpi sle, %squeeze3A_293, %le3A_299 : i32
      %convert_element_type3A_301 = arith.extui %le3A_300 : i1 to i32
      %cond3A_302 = arith.constant 0 : i32
      %cond3A_303 = arith.cmpi ne, %convert_element_type3A_301, %cond3A_302 : i32
      scf.if %cond3A_303 {
        %while3A_396 = arith.constant 0 : i32
        %while3A_397 = arith.constant 0 : i32
        %while3A_398 = arith.subi %squeeze3A_293, %while3A_396 : i32
        %while3A_399 = arith.addi %while3A_396, %while3A_398 : i32
        %while3A_400 = arith.constant 1 : i32
        %while3A_401 = arith.divsi %while3A_398, %while3A_400 : i32
        %while3A_402 = arith.muli %while3A_401, %while3A_400 : i32
        %while3A_403 = arith.addi %while3A_396, %while3A_402 : i32
        %while3A_404 = arith.constant 1 : i32
        %while3A_405 = scf.for %while3A_408 = %while3A_396 to %while3A_403 step %while3A_404 iter_args(%while3A_409 = %while3A_397) -> (i32)  : i32 {
          %get3A_410 = arith.index_cast %while3A_408 : i32 to index
          %get3A_411 = tpu.vector_load %arg16[%get3A_410] {strides = array<i32>} : memref<272xi32, #tpu.memory_space<vmem>>, vector<16xi32>,
          %slice3A_412 = vector.extract_strided_slice %get3A_411 {offsets = [0], sizes = [1], strides = [1]} : vector<16xi32> to vector<1xi32>
          %squeeze3A_413 = vector.extract %slice3A_412[0] : i32 from vector<1xi32>
          %swap3A_414 = arith.index_cast %squeeze3A_413 : i32 to index
          %swap3A_415 = arith.constant 0 : index
          %swap3A_416 = tpu.vector_load %arg12[%swap3A_414, %swap3A_415] {strides = array<i32>} : memref<200x256xf32, #tpu.memory_space<vmem>>, vector<16xf32>,
          tpu.vector_store %arg12[%swap3A_414, %swap3A_415], %broadcast_in_dim3A_1 {strides = array<i32>} : memref<200x256xf32, #tpu.memory_space<vmem>>, vector<16xf32>,
          %swap3A_417 = arith.index_cast %squeeze3A_413 : i32 to index
          %swap3A_418 = arith.constant 16 : index
          %swap3A_419 = tpu.vector_load %arg12[%swap3A_417, %swap3A_418] {strides = array<i32>} : memref<200x256xf32, #tpu.memory_space<vmem>>, vector<16xf32>,
          tpu.vector_store %arg12[%swap3A_417, %swap3A_418], %broadcast_in_dim3A_1 {strides = array<i32>} : memref<200x256xf32, #tpu.memory_space<vmem>>, vector<16xf32>,
          %swap3A_420 = arith.index_cast %squeeze3A_413 : i32 to index
          %swap3A_421 = arith.constant 32 : index
          %swap3A_422 = tpu.vector_load %arg12[%swap3A_420, %swap3A_421] {strides = array<i32>} : memref<200x256xf32, #tpu.memory_space<vmem>>, vector<16xf32>,
          tpu.vector_store %arg12[%swap3A_420, %swap3A_421], %broadcast_in_dim3A_1 {strides = array<i32>} : memref<200x256xf32, #tpu.memory_space<vmem>>, vector<16xf32>,
          %swap3A_423 = arith.index_cast %squeeze3A_413 : i32 to index
          %swap3A_424 = arith.constant 48 : index
          %swap3A_425 = tpu.vector_load %arg12[%swap3A_423, %swap3A_424] {strides = array<i32>} : memref<200x256xf32, #tpu.memory_space<vmem>>, vector<16xf32>,
          tpu.vector_store %arg12[%swap3A_423, %swap3A_424], %broadcast_in_dim3A_1 {strides = array<i32>} : memref<200x256xf32, #tpu.memory_space<vmem>>, vector<16xf32>,
          %swap3A_426 = arith.index_cast %squeeze3A_413 : i32 to index
          %swap3A_427 = arith.constant 64 : index
          %swap3A_428 = tpu.vector_load %arg12[%swap3A_426, %swap3A_427] {strides = array<i32>} : memref<200x256xf32, #tpu.memory_space<vmem>>, vector<16xf32>,
          tpu.vector_store %arg12[%swap3A_426, %swap3A_427], %broadcast_in_dim3A_1 {strides = array<i32>} : memref<200x256xf32, #tpu.memory_space<vmem>>, vector<16xf32>,
          %swap3A_429 = arith.index_cast %squeeze3A_413 : i32 to index
          %swap3A_430 = arith.constant 80 : index
          %swap3A_431 = tpu.vector_load %arg12[%swap3A_429, %swap3A_430] {strides = array<i32>} : memref<200x256xf32, #tpu.memory_space<vmem>>, vector<16xf32>,
          tpu.vector_store %arg12[%swap3A_429, %swap3A_430], %broadcast_in_dim3A_1 {strides = array<i32>} : memref<200x256xf32, #tpu.memory_space<vmem>>, vector<16xf32>,
          %swap3A_432 = arith.index_cast %squeeze3A_413 : i32 to index
          %swap3A_433 = arith.constant 96 : index
          %swap3A_434 = tpu.vector_load %arg12[%swap3A_432, %swap3A_433] {strides = array<i32>} : memref<200x256xf32, #tpu.memory_space<vmem>>, vector<16xf32>,
          tpu.vector_store %arg12[%swap3A_432, %swap3A_433], %broadcast_in_dim3A_1 {strides = array<i32>} : memref<200x256xf32, #tpu.memory_space<vmem>>, vector<16xf32>,
          %swap3A_435 = arith.index_cast %squeeze3A_413 : i32 to index
          %swap3A_436 = arith.constant 112 : index
          %swap3A_437 = tpu.vector_load %arg12[%swap3A_435, %swap3A_436] {strides = array<i32>} : memref<200x256xf32, #tpu.memory_space<vmem>>, vector<16xf32>,
          tpu.vector_store %arg12[%swap3A_435, %swap3A_436], %broadcast_in_dim3A_1 {strides = array<i32>} : memref<200x256xf32, #tpu.memory_space<vmem>>, vector<16xf32>,
          %swap3A_438 = arith.index_cast %squeeze3A_413 : i32 to index
          %swap3A_439 = arith.constant 128 : index
          %swap3A_440 = tpu.vector_load %arg12[%swap3A_438, %swap3A_439] {strides = array<i32>} : memref<200x256xf32, #tpu.memory_space<vmem>>, vector<16xf32>,
          tpu.vector_store %arg12[%swap3A_438, %swap3A_439], %broadcast_in_dim3A_1 {strides = array<i32>} : memref<200x256xf32, #tpu.memory_space<vmem>>, vector<16xf32>,
          %swap3A_441 = arith.index_cast %squeeze3A_413 : i32 to index
          %swap3A_442 = arith.constant 144 : index
          %swap3A_443 = tpu.vector_load %arg12[%swap3A_441, %swap3A_442] {strides = array<i32>} : memref<200x256xf32, #tpu.memory_space<vmem>>, vector<16xf32>,
          tpu.vector_store %arg12[%swap3A_441, %swap3A_442], %broadcast_in_dim3A_1 {strides = array<i32>} : memref<200x256xf32, #tpu.memory_space<vmem>>, vector<16xf32>,
          %swap3A_444 = arith.index_cast %squeeze3A_413 : i32 to index
          %swap3A_445 = arith.constant 160 : index
          %swap3A_446 = tpu.vector_load %arg12[%swap3A_444, %swap3A_445] {strides = array<i32>} : memref<200x256xf32, #tpu.memory_space<vmem>>, vector<16xf32>,
          tpu.vector_store %arg12[%swap3A_444, %swap3A_445], %broadcast_in_dim3A_1 {strides = array<i32>} : memref<200x256xf32, #tpu.memory_space<vmem>>, vector<16xf32>,
          %swap3A_447 = arith.index_cast %squeeze3A_413 : i32 to index
          %swap3A_448 = arith.constant 176 : index
          %swap3A_449 = tpu.vector_load %arg12[%swap3A_447, %swap3A_448] {strides = array<i32>} : memref<200x256xf32, #tpu.memory_space<vmem>>, vector<16xf32>,
          tpu.vector_store %arg12[%swap3A_447, %swap3A_448], %broadcast_in_dim3A_1 {strides = array<i32>} : memref<200x256xf32, #tpu.memory_space<vmem>>, vector<16xf32>,
          %swap3A_450 = arith.index_cast %squeeze3A_413 : i32 to index
          %swap3A_451 = arith.constant 192 : index
          %swap3A_452 = tpu.vector_load %arg12[%swap3A_450, %swap3A_451] {strides = array<i32>} : memref<200x256xf32, #tpu.memory_space<vmem>>, vector<16xf32>,
          tpu.vector_store %arg12[%swap3A_450, %swap3A_451], %broadcast_in_dim3A_1 {strides = array<i32>} : memref<200x256xf32, #tpu.memory_space<vmem>>, vector<16xf32>,
          %swap3A_453 = arith.index_cast %squeeze3A_413 : i32 to index
          %swap3A_454 = arith.constant 208 : index
          %swap3A_455 = tpu.vector_load %arg12[%swap3A_453, %swap3A_454] {strides = array<i32>} : memref<200x256xf32, #tpu.memory_space<vmem>>, vector<16xf32>,
          tpu.vector_store %arg12[%swap3A_453, %swap3A_454], %broadcast_in_dim3A_1 {strides = array<i32>} : memref<200x256xf32, #tpu.memory_space<vmem>>, vector<16xf32>,
          %swap3A_456 = arith.index_cast %squeeze3A_413 : i32 to index
          %swap3A_457 = arith.constant 224 : index
          %swap3A_458 = tpu.vector_load %arg12[%swap3A_456, %swap3A_457] {strides = array<i32>} : memref<200x256xf32, #tpu.memory_space<vmem>>, vector<16xf32>,
          tpu.vector_store %arg12[%swap3A_456, %swap3A_457], %broadcast_in_dim3A_1 {strides = array<i32>} : memref<200x256xf32, #tpu.memory_space<vmem>>, vector<16xf32>,
          %swap3A_459 = arith.index_cast %squeeze3A_413 : i32 to index
          %swap3A_460 = arith.constant 240 : index
          %swap3A_461 = tpu.vector_load %arg12[%swap3A_459, %swap3A_460] {strides = array<i32>} : memref<200x256xf32, #tpu.memory_space<vmem>>, vector<16xf32>,
          tpu.vector_store %arg12[%swap3A_459, %swap3A_460], %broadcast_in_dim3A_1 {strides = array<i32>} : memref<200x256xf32, #tpu.memory_space<vmem>>, vector<16xf32>,
          %mul3A_462 = arith.constant 8 : i32
          %mul3A_463 = arith.muli %squeeze3A_413, %mul3A_462 : i32
          %add3A_464 = vector.broadcast %mul3A_463 : i32 to vector<16xi32>
          %add3A_465 = arith.addi %add3A_464, %iota3A : vector<16xi32>
          %lt3A_466 = arith.constant 8 : i32
          %lt3A_467 = vector.broadcast %lt3A_466 : i32 to vector<16xi32>
          %lt3A_468 = arith.cmpi slt, %iota3A, %lt3A_467 : vector<16xi32>
          tpu.vector_store_idx %arg14[%add3A_465], %broadcast_in_dim3A_1 masked %lt3A_468 : memref<1600xf32, #tpu.memory_space<vmem>>[vector<16xi32>], vector<16xf32>, vector<16xi1>
          %while3A_469 = arith.constant 0 : i32
          scf.yield %while3A_469 : i32
        }
        %while3A_406 = arith.constant 1 : i32
        %while3A_407 = scf.for %while3A_408 = %while3A_403 to %while3A_399 step %while3A_406 iter_args(%while3A_409 = %while3A_405) -> (i32)  : i32 {
          %get3A_410 = arith.index_cast %while3A_408 : i32 to index
          %get3A_411 = tpu.vector_load %arg16[%get3A_410] {strides = array<i32>} : memref<272xi32, #tpu.memory_space<vmem>>, vector<16xi32>,
          %slice3A_412 = vector.extract_strided_slice %get3A_411 {offsets = [0], sizes = [1], strides = [1]} : vector<16xi32> to vector<1xi32>
          %squeeze3A_413 = vector.extract %slice3A_412[0] : i32 from vector<1xi32>
          %swap3A_414 = arith.index_cast %squeeze3A_413 : i32 to index
          %swap3A_415 = arith.constant 0 : index
          %swap3A_416 = tpu.vector_load %arg12[%swap3A_414, %swap3A_415] {strides = array<i32>} : memref<200x256xf32, #tpu.memory_space<vmem>>, vector<16xf32>,
          tpu.vector_store %arg12[%swap3A_414, %swap3A_415], %broadcast_in_dim3A_1 {strides = array<i32>} : memref<200x256xf32, #tpu.memory_space<vmem>>, vector<16xf32>,
          %swap3A_417 = arith.index_cast %squeeze3A_413 : i32 to index
          %swap3A_418 = arith.constant 16 : index
          %swap3A_419 = tpu.vector_load %arg12[%swap3A_417, %swap3A_418] {strides = array<i32>} : memref<200x256xf32, #tpu.memory_space<vmem>>, vector<16xf32>,
          tpu.vector_store %arg12[%swap3A_417, %swap3A_418], %broadcast_in_dim3A_1 {strides = array<i32>} : memref<200x256xf32, #tpu.memory_space<vmem>>, vector<16xf32>,
          %swap3A_420 = arith.index_cast %squeeze3A_413 : i32 to index
          %swap3A_421 = arith.constant 32 : index
          %swap3A_422 = tpu.vector_load %arg12[%swap3A_420, %swap3A_421] {strides = array<i32>} : memref<200x256xf32, #tpu.memory_space<vmem>>, vector<16xf32>,
          tpu.vector_store %arg12[%swap3A_420, %swap3A_421], %broadcast_in_dim3A_1 {strides = array<i32>} : memref<200x256xf32, #tpu.memory_space<vmem>>, vector<16xf32>,
          %swap3A_423 = arith.index_cast %squeeze3A_413 : i32 to index
          %swap3A_424 = arith.constant 48 : index
          %swap3A_425 = tpu.vector_load %arg12[%swap3A_423, %swap3A_424] {strides = array<i32>} : memref<200x256xf32, #tpu.memory_space<vmem>>, vector<16xf32>,
          tpu.vector_store %arg12[%swap3A_423, %swap3A_424], %broadcast_in_dim3A_1 {strides = array<i32>} : memref<200x256xf32, #tpu.memory_space<vmem>>, vector<16xf32>,
          %swap3A_426 = arith.index_cast %squeeze3A_413 : i32 to index
          %swap3A_427 = arith.constant 64 : index
          %swap3A_428 = tpu.vector_load %arg12[%swap3A_426, %swap3A_427] {strides = array<i32>} : memref<200x256xf32, #tpu.memory_space<vmem>>, vector<16xf32>,
          tpu.vector_store %arg12[%swap3A_426, %swap3A_427], %broadcast_in_dim3A_1 {strides = array<i32>} : memref<200x256xf32, #tpu.memory_space<vmem>>, vector<16xf32>,
          %swap3A_429 = arith.index_cast %squeeze3A_413 : i32 to index
          %swap3A_430 = arith.constant 80 : index
          %swap3A_431 = tpu.vector_load %arg12[%swap3A_429, %swap3A_430] {strides = array<i32>} : memref<200x256xf32, #tpu.memory_space<vmem>>, vector<16xf32>,
          tpu.vector_store %arg12[%swap3A_429, %swap3A_430], %broadcast_in_dim3A_1 {strides = array<i32>} : memref<200x256xf32, #tpu.memory_space<vmem>>, vector<16xf32>,
          %swap3A_432 = arith.index_cast %squeeze3A_413 : i32 to index
          %swap3A_433 = arith.constant 96 : index
          %swap3A_434 = tpu.vector_load %arg12[%swap3A_432, %swap3A_433] {strides = array<i32>} : memref<200x256xf32, #tpu.memory_space<vmem>>, vector<16xf32>,
          tpu.vector_store %arg12[%swap3A_432, %swap3A_433], %broadcast_in_dim3A_1 {strides = array<i32>} : memref<200x256xf32, #tpu.memory_space<vmem>>, vector<16xf32>,
          %swap3A_435 = arith.index_cast %squeeze3A_413 : i32 to index
          %swap3A_436 = arith.constant 112 : index
          %swap3A_437 = tpu.vector_load %arg12[%swap3A_435, %swap3A_436] {strides = array<i32>} : memref<200x256xf32, #tpu.memory_space<vmem>>, vector<16xf32>,
          tpu.vector_store %arg12[%swap3A_435, %swap3A_436], %broadcast_in_dim3A_1 {strides = array<i32>} : memref<200x256xf32, #tpu.memory_space<vmem>>, vector<16xf32>,
          %swap3A_438 = arith.index_cast %squeeze3A_413 : i32 to index
          %swap3A_439 = arith.constant 128 : index
          %swap3A_440 = tpu.vector_load %arg12[%swap3A_438, %swap3A_439] {strides = array<i32>} : memref<200x256xf32, #tpu.memory_space<vmem>>, vector<16xf32>,
          tpu.vector_store %arg12[%swap3A_438, %swap3A_439], %broadcast_in_dim3A_1 {strides = array<i32>} : memref<200x256xf32, #tpu.memory_space<vmem>>, vector<16xf32>,
          %swap3A_441 = arith.index_cast %squeeze3A_413 : i32 to index
          %swap3A_442 = arith.constant 144 : index
          %swap3A_443 = tpu.vector_load %arg12[%swap3A_441, %swap3A_442] {strides = array<i32>} : memref<200x256xf32, #tpu.memory_space<vmem>>, vector<16xf32>,
          tpu.vector_store %arg12[%swap3A_441, %swap3A_442], %broadcast_in_dim3A_1 {strides = array<i32>} : memref<200x256xf32, #tpu.memory_space<vmem>>, vector<16xf32>,
          %swap3A_444 = arith.index_cast %squeeze3A_413 : i32 to index
          %swap3A_445 = arith.constant 160 : index
          %swap3A_446 = tpu.vector_load %arg12[%swap3A_444, %swap3A_445] {strides = array<i32>} : memref<200x256xf32, #tpu.memory_space<vmem>>, vector<16xf32>,
          tpu.vector_store %arg12[%swap3A_444, %swap3A_445], %broadcast_in_dim3A_1 {strides = array<i32>} : memref<200x256xf32, #tpu.memory_space<vmem>>, vector<16xf32>,
          %swap3A_447 = arith.index_cast %squeeze3A_413 : i32 to index
          %swap3A_448 = arith.constant 176 : index
          %swap3A_449 = tpu.vector_load %arg12[%swap3A_447, %swap3A_448] {strides = array<i32>} : memref<200x256xf32, #tpu.memory_space<vmem>>, vector<16xf32>,
          tpu.vector_store %arg12[%swap3A_447, %swap3A_448], %broadcast_in_dim3A_1 {strides = array<i32>} : memref<200x256xf32, #tpu.memory_space<vmem>>, vector<16xf32>,
          %swap3A_450 = arith.index_cast %squeeze3A_413 : i32 to index
          %swap3A_451 = arith.constant 192 : index
          %swap3A_452 = tpu.vector_load %arg12[%swap3A_450, %swap3A_451] {strides = array<i32>} : memref<200x256xf32, #tpu.memory_space<vmem>>, vector<16xf32>,
          tpu.vector_store %arg12[%swap3A_450, %swap3A_451], %broadcast_in_dim3A_1 {strides = array<i32>} : memref<200x256xf32, #tpu.memory_space<vmem>>, vector<16xf32>,
          %swap3A_453 = arith.index_cast %squeeze3A_413 : i32 to index
          %swap3A_454 = arith.constant 208 : index
          %swap3A_455 = tpu.vector_load %arg12[%swap3A_453, %swap3A_454] {strides = array<i32>} : memref<200x256xf32, #tpu.memory_space<vmem>>, vector<16xf32>,
          tpu.vector_store %arg12[%swap3A_453, %swap3A_454], %broadcast_in_dim3A_1 {strides = array<i32>} : memref<200x256xf32, #tpu.memory_space<vmem>>, vector<16xf32>,
          %swap3A_456 = arith.index_cast %squeeze3A_413 : i32 to index
          %swap3A_457 = arith.constant 224 : index
          %swap3A_458 = tpu.vector_load %arg12[%swap3A_456, %swap3A_457] {strides = array<i32>} : memref<200x256xf32, #tpu.memory_space<vmem>>, vector<16xf32>,
          tpu.vector_store %arg12[%swap3A_456, %swap3A_457], %broadcast_in_dim3A_1 {strides = array<i32>} : memref<200x256xf32, #tpu.memory_space<vmem>>, vector<16xf32>,
          %swap3A_459 = arith.index_cast %squeeze3A_413 : i32 to index
          %swap3A_460 = arith.constant 240 : index
          %swap3A_461 = tpu.vector_load %arg12[%swap3A_459, %swap3A_460] {strides = array<i32>} : memref<200x256xf32, #tpu.memory_space<vmem>>, vector<16xf32>,
          tpu.vector_store %arg12[%swap3A_459, %swap3A_460], %broadcast_in_dim3A_1 {strides = array<i32>} : memref<200x256xf32, #tpu.memory_space<vmem>>, vector<16xf32>,
          %mul3A_462 = arith.constant 8 : i32
          %mul3A_463 = arith.muli %squeeze3A_413, %mul3A_462 : i32
          %add3A_464 = vector.broadcast %mul3A_463 : i32 to vector<16xi32>
          %add3A_465 = arith.addi %add3A_464, %iota3A : vector<16xi32>
          %lt3A_466 = arith.constant 8 : i32
          %lt3A_467 = vector.broadcast %lt3A_466 : i32 to vector<16xi32>
          %lt3A_468 = arith.cmpi slt, %iota3A, %lt3A_467 : vector<16xi32>
          tpu.vector_store_idx %arg14[%add3A_465], %broadcast_in_dim3A_1 masked %lt3A_468 : memref<1600xf32, #tpu.memory_space<vmem>>[vector<16xi32>], vector<16xf32>, vector<16xi1>
          %while3A_469 = arith.constant 0 : i32
          scf.yield %while3A_469 : i32
        }
      } else {
      }
      %add3A_304 = arith.constant 16 : i32
      %add3A_305 = arith.addi %while3A_238, %add3A_304 : i32
      %sub3A_306 = arith.constant 1 : i32
      %sub3A_307 = arith.subi %add3A_305, %sub3A_306 : i32
      %jit3A_308 = arith.constant 16 : i32
      %div3A_309 = arith.divsi %sub3A_307, %jit3A_308 : i32
      %sign3A_310 = arith.constant 0 : i32
      %sign3A_311 = arith.cmpi sgt, %sub3A_307, %sign3A_310 : i32
      %sign3A_312 = arith.extui %sign3A_311 : i1 to i32
      %sign3A_313 = arith.constant 0 : i32
      %sign3A_314 = arith.cmpi slt, %sub3A_307, %sign3A_313 : i32
      %sign3A_315 = arith.extui %sign3A_314 : i1 to i32
      %sign3A_316 = arith.subi %sign3A_312, %sign3A_315 : i32
      %sign3A_317 = arith.constant 0 : i32
      %sign3A_318 = arith.cmpi sgt, %jit3A_308, %sign3A_317 : i32
      %sign3A_319 = arith.extui %sign3A_318 : i1 to i32
      %sign3A_320 = arith.constant 0 : i32
      %sign3A_321 = arith.cmpi slt, %jit3A_308, %sign3A_320 : i32
      %sign3A_322 = arith.extui %sign3A_321 : i1 to i32
      %sign3A_323 = arith.subi %sign3A_319, %sign3A_322 : i32
      %ne3A_324 = arith.cmpi ne, %sign3A_316, %sign3A_323 : i32
      %rem3A_325 = arith.remsi %sub3A_307, %jit3A_308 : i32
      %ne3A_326 = arith.constant 0 : i32
      %ne3A_327 = arith.cmpi ne, %rem3A_325, %ne3A_326 : i32
      %and3A_328 = arith.andi %ne3A_324, %ne3A_327 : i1
      %sub3A_329 = arith.constant 1 : i32
      %sub3A_330 = arith.subi %div3A_309, %sub3A_329 : i32
      %select_n3A_331 = arith.select %and3A_328, %sub3A_330, %div3A_309 : i32
      %while3A_332 = arith.constant 0 : i32
      %while3A_333 = arith.constant 0 : i32
      %while3A_334 = arith.subi %select_n3A_331, %while3A_332 : i32
      %while3A_335 = arith.addi %while3A_332, %while3A_334 : i32
      %while3A_336 = arith.constant 1 : i32
      %while3A_337 = arith.divsi %while3A_334, %while3A_336 : i32
      %while3A_338 = arith.muli %while3A_337, %while3A_336 : i32
      %while3A_339 = arith.addi %while3A_332, %while3A_338 : i32
      %while3A_340 = arith.constant 1 : i32
      %while3A_341 = scf.for %while3A_396 = %while3A_332 to %while3A_339 step %while3A_340 iter_args(%while3A_397 = %while3A_333) -> (i32)  : i32 {
        %mul3A_398 = arith.constant 16 : i32
        %mul3A_399 = arith.muli %while3A_396, %mul3A_398 : i32
        %sub3A_400 = arith.subi %while3A_238, %mul3A_399 : i32
        %min3A_401 = arith.constant 16 : i32
        %min3A_402 = arith.minsi %sub3A_400, %min3A_401 : i32
        %add3A_403 = arith.constant 8 : i32
        %add3A_404 = arith.addi %min3A_402, %add3A_403 : i32
        %sub3A_405 = arith.constant 1 : i32
        %sub3A_406 = arith.subi %add3A_404, %sub3A_405 : i32
        %jit3A_407 = arith.constant 8 : i32
        %div3A_408 = arith.divsi %sub3A_406, %jit3A_407 : i32
        %sign3A_409 = arith.constant 0 : i32
        %sign3A_410 = arith.cmpi sgt, %sub3A_406, %sign3A_409 : i32
        %sign3A_411 = arith.extui %sign3A_410 : i1 to i32
        %sign3A_412 = arith.constant 0 : i32
        %sign3A_413 = arith.cmpi slt, %sub3A_406, %sign3A_412 : i32
        %sign3A_414 = arith.extui %sign3A_413 : i1 to i32
        %sign3A_415 = arith.subi %sign3A_411, %sign3A_414 : i32
        %sign3A_416 = arith.constant 0 : i32
        %sign3A_417 = arith.cmpi sgt, %jit3A_407, %sign3A_416 : i32
        %sign3A_418 = arith.extui %sign3A_417 : i1 to i32
        %sign3A_419 = arith.constant 0 : i32
        %sign3A_420 = arith.cmpi slt, %jit3A_407, %sign3A_419 : i32
        %sign3A_421 = arith.extui %sign3A_420 : i1 to i32
        %sign3A_422 = arith.subi %sign3A_418, %sign3A_421 : i32
        %ne3A_423 = arith.cmpi ne, %sign3A_415, %sign3A_422 : i32
        %rem3A_424 = arith.remsi %sub3A_406, %jit3A_407 : i32
        %ne3A_425 = arith.constant 0 : i32
        %ne3A_426 = arith.cmpi ne, %rem3A_424, %ne3A_425 : i32
        %and3A_427 = arith.andi %ne3A_423, %ne3A_426 : i1
        %sub3A_428 = arith.constant 1 : i32
        %sub3A_429 = arith.subi %div3A_408, %sub3A_428 : i32
        %select_n3A_430 = arith.select %and3A_427, %sub3A_429, %div3A_408 : i32
        %gt3A_431 = arith.constant 0 : i32
        %gt3A_432 = arith.cmpi sgt, %while3A_396, %gt3A_431 : i32
        %convert_element_type3A_433 = arith.extui %gt3A_432 : i1 to i32
        %cond3A_434 = arith.constant 0 : i32
        %cond3A_435 = arith.cmpi ne, %convert_element_type3A_433, %cond3A_434 : i32
        scf.if %cond3A_435 {
          %while3A_461 = arith.constant 0 : i32
          %while3A_462 = arith.constant 0 : i32
          %while3A_463 = arith.subi %select_n3A_430, %while3A_461 : i32
          %while3A_464 = arith.addi %while3A_461, %while3A_463 : i32
          %while3A_465 = arith.constant 1 : i32
          %while3A_466 = arith.divsi %while3A_463, %while3A_465 : i32
          %while3A_467 = arith.muli %while3A_466, %while3A_465 : i32
          %while3A_468 = arith.addi %while3A_461, %while3A_467 : i32
          %while3A_469 = arith.constant 1 : i32
          %while3A_470 = scf.for %while3A_473 = %while3A_461 to %while3A_468 step %while3A_469 iter_args(%while3A_474 = %while3A_462) -> (i32)  : i32 {
            %mul3A_475 = arith.constant 8 : i32
            %mul3A_476 = arith.muli %while3A_473, %mul3A_475 : i32
            %add3A_477 = arith.addi %mul3A_399, %mul3A_476 : i32
            %mul3A_478 = arith.constant 8 : i32
            %mul3A_479 = arith.muli %while3A_473, %mul3A_478 : i32
            %dma_start3A = arith.constant 0 : i32
            %dma_start3A_480 = tpu.memref_slice %arg10[%mul3A_479, %dma_start3A] : memref<16x384xf32, #tpu.memory_space<vmem>> -> memref<8x384xf32, #tpu.memory_space<vmem>>
            %dma_start3A_481 = tpu.memref_slice %arg8[%add3A_477] : memref<4112xi32, #tpu.memory_space<vmem>> -> memref<8xi32, #tpu.memory_space<vmem>>
            %dma_start3A_482 = arith.constant 0 : i32
            %dma_start3A_483 = arith.constant 0 : i32
            %dma_start3A_484 = tpu.memref_slice %arg2[%dma_start3A_482, %dma_start3A_483] : memref<4096x384xf32, #tpu.memory_space<hbm>> -> memref<4096x384xf32, #tpu.memory_space<hbm>>
            tpu.enqueue_indirect_dma source(%dma_start3A_484 : memref<4096x384xf32, #tpu.memory_space<hbm>>) target(%dma_start3A_480 : memref<8x384xf32, #tpu.memory_space<vmem>>) offsets(%dma_start3A_481 : memref<8xi32, #tpu.memory_space<vmem>>) semaphore(%arg19 : memref<!tpu.dma_semaphore, #tpu.memory_space<semaphore_mem>>)
            %while3A_485 = arith.constant 0 : i32
            scf.yield %while3A_485 : i32
          }
          %while3A_471 = arith.constant 1 : i32
          %while3A_472 = scf.for %while3A_473 = %while3A_468 to %while3A_464 step %while3A_471 iter_args(%while3A_474 = %while3A_470) -> (i32)  : i32 {
            %mul3A_475 = arith.constant 8 : i32
            %mul3A_476 = arith.muli %while3A_473, %mul3A_475 : i32
            %add3A_477 = arith.addi %mul3A_399, %mul3A_476 : i32
            %mul3A_478 = arith.constant 8 : i32
            %mul3A_479 = arith.muli %while3A_473, %mul3A_478 : i32
            %dma_start3A = arith.constant 0 : i32
            %dma_start3A_480 = tpu.memref_slice %arg10[%mul3A_479, %dma_start3A] : memref<16x384xf32, #tpu.memory_space<vmem>> -> memref<8x384xf32, #tpu.memory_space<vmem>>
            %dma_start3A_481 = tpu.memref_slice %arg8[%add3A_477] : memref<4112xi32, #tpu.memory_space<vmem>> -> memref<8xi32, #tpu.memory_space<vmem>>
            %dma_start3A_482 = arith.constant 0 : i32
            %dma_start3A_483 = arith.constant 0 : i32
            %dma_start3A_484 = tpu.memref_slice %arg2[%dma_start3A_482, %dma_start3A_483] : memref<4096x384xf32, #tpu.memory_space<hbm>> -> memref<4096x384xf32, #tpu.memory_space<hbm>>
            tpu.enqueue_indirect_dma source(%dma_start3A_484 : memref<4096x384xf32, #tpu.memory_space<hbm>>) target(%dma_start3A_480 : memref<8x384xf32, #tpu.memory_space<vmem>>) offsets(%dma_start3A_481 : memref<8xi32, #tpu.memory_space<vmem>>) semaphore(%arg19 : memref<!tpu.dma_semaphore, #tpu.memory_space<semaphore_mem>>)
            %while3A_485 = arith.constant 0 : i32
            scf.yield %while3A_485 : i32
          }
        } else {
        }
        %while3A_436 = arith.constant 0 : i32
        %while3A_437 = arith.constant 0 : i32
        %while3A_438 = arith.subi %select_n3A_430, %while3A_436 : i32
        %while3A_439 = arith.addi %while3A_436, %while3A_438 : i32
        %while3A_440 = arith.constant 1 : i32
        %while3A_441 = arith.divsi %while3A_438, %while3A_440 : i32
        %while3A_442 = arith.muli %while3A_441, %while3A_440 : i32
        %while3A_443 = arith.addi %while3A_436, %while3A_442 : i32
        %while3A_444 = arith.constant 1 : i32
        %while3A_445 = scf.for %while3A_461 = %while3A_436 to %while3A_443 step %while3A_444 iter_args(%while3A_462 = %while3A_437) -> (i32)  : i32 {
          %mul3A_463 = arith.constant 8 : i32
          %mul3A_464 = arith.muli %while3A_461, %mul3A_463 : i32
          %add3A_465 = arith.addi %mul3A_399, %mul3A_464 : i32
          %mul3A_466 = arith.constant 8 : i32
          %mul3A_467 = arith.muli %while3A_461, %mul3A_466 : i32
          %dma_wait3A = arith.constant 0 : i32
          %dma_wait3A_468 = tpu.memref_slice %arg10[%mul3A_467, %dma_wait3A] : memref<16x384xf32, #tpu.memory_space<vmem>> -> memref<8x384xf32, #tpu.memory_space<vmem>>
          %dma_wait3A_469 = tpu.memref_slice %arg8[%add3A_465] : memref<4112xi32, #tpu.memory_space<vmem>> -> memref<8xi32, #tpu.memory_space<vmem>>
          %dma_wait3A_470 = arith.constant 0 : i32
          %dma_wait3A_471 = arith.constant 0 : i32
          %dma_wait3A_472 = tpu.memref_slice %arg2[%dma_wait3A_470, %dma_wait3A_471] : memref<4096x384xf32, #tpu.memory_space<hbm>> -> memref<4096x384xf32, #tpu.memory_space<hbm>>
          tpu.wait_indirect_dma semaphore(%arg19 : memref<!tpu.dma_semaphore, #tpu.memory_space<semaphore_mem>>) src(%dma_wait3A_472 : memref<4096x384xf32, #tpu.memory_space<hbm>>) dst(%dma_wait3A_468 : memref<8x384xf32, #tpu.memory_space<vmem>>)
          %while3A_473 = arith.constant 0 : i32
          scf.yield %while3A_473 : i32
        }
        %while3A_446 = arith.constant 1 : i32
        %while3A_447 = scf.for %while3A_461 = %while3A_443 to %while3A_439 step %while3A_446 iter_args(%while3A_462 = %while3A_445) -> (i32)  : i32 {
          %mul3A_463 = arith.constant 8 : i32
          %mul3A_464 = arith.muli %while3A_461, %mul3A_463 : i32
          %add3A_465 = arith.addi %mul3A_399, %mul3A_464 : i32
          %mul3A_466 = arith.constant 8 : i32
          %mul3A_467 = arith.muli %while3A_461, %mul3A_466 : i32
          %dma_wait3A = arith.constant 0 : i32
          %dma_wait3A_468 = tpu.memref_slice %arg10[%mul3A_467, %dma_wait3A] : memref<16x384xf32, #tpu.memory_space<vmem>> -> memref<8x384xf32, #tpu.memory_space<vmem>>
          %dma_wait3A_469 = tpu.memref_slice %arg8[%add3A_465] : memref<4112xi32, #tpu.memory_space<vmem>> -> memref<8xi32, #tpu.memory_space<vmem>>
          %dma_wait3A_470 = arith.constant 0 : i32
          %dma_wait3A_471 = arith.constant 0 : i32
          %dma_wait3A_472 = tpu.memref_slice %arg2[%dma_wait3A_470, %dma_wait3A_471] : memref<4096x384xf32, #tpu.memory_space<hbm>> -> memref<4096x384xf32, #tpu.memory_space<hbm>>
          tpu.wait_indirect_dma semaphore(%arg19 : memref<!tpu.dma_semaphore, #tpu.memory_space<semaphore_mem>>) src(%dma_wait3A_472 : memref<4096x384xf32, #tpu.memory_space<hbm>>) dst(%dma_wait3A_468 : memref<8x384xf32, #tpu.memory_space<vmem>>)
          %while3A_473 = arith.constant 0 : i32
          scf.yield %while3A_473 : i32
        }
        %while3A_448 = arith.constant 0 : i32
        %while3A_449 = arith.constant 0 : i32
        %while3A_450 = arith.subi %min3A_402, %while3A_448 : i32
        %while3A_451 = arith.addi %while3A_448, %while3A_450 : i32
        %while3A_452 = arith.constant 1 : i32
        %while3A_453 = arith.divsi %while3A_450, %while3A_452 : i32
        %while3A_454 = arith.muli %while3A_453, %while3A_452 : i32
        %while3A_455 = arith.addi %while3A_448, %while3A_454 : i32
        %while3A_456 = arith.constant 1 : i32
        %while3A_457 = scf.for %while3A_461 = %while3A_448 to %while3A_455 step %while3A_456 iter_args(%while3A_462 = %while3A_449) -> (i32)  : i32 {
          %add3A_463 = arith.addi %mul3A_399, %while3A_461 : i32
          %get3A_464 = arith.index_cast %add3A_463 : i32 to index
          %get3A_465 = tpu.vector_load %arg9[%get3A_464] {strides = array<i32>} : memref<4112xi32, #tpu.memory_space<vmem>>, vector<16xi32>,
          %slice3A_466 = vector.extract_strided_slice %get3A_465 {offsets = [0], sizes = [1], strides = [1]} : vector<16xi32> to vector<1xi32>
          %squeeze3A_467 = vector.extract %slice3A_466[0] : i32 from vector<1xi32>
          %get3A_468 = arith.index_cast %while3A_461 : i32 to index
          %get3A_469 = arith.constant 0 : index
          %get3A_470 = tpu.vector_load %arg10[%get3A_468, %get3A_469] {strides = array<i32>} : memref<16x384xf32, #tpu.memory_space<vmem>>, vector<16xf32>,
          %swap3A_471 = arith.index_cast %squeeze3A_467 : i32 to index
          %swap3A_472 = arith.constant 0 : index
          %swap3A_473 = tpu.vector_load %arg12[%swap3A_471, %swap3A_472] {strides = array<i32>} : memref<200x256xf32, #tpu.memory_space<vmem>>, vector<16xf32>,
          tpu.vector_store %arg12[%swap3A_471, %swap3A_472], %get3A_470 {strides = array<i32>} : memref<200x256xf32, #tpu.memory_space<vmem>>, vector<16xf32>,
          %get3A_474 = arith.index_cast %while3A_461 : i32 to index
          %get3A_475 = arith.constant 16 : index
          %get3A_476 = tpu.vector_load %arg10[%get3A_474, %get3A_475] {strides = array<i32>} : memref<16x384xf32, #tpu.memory_space<vmem>>, vector<16xf32>,
          %swap3A_477 = arith.index_cast %squeeze3A_467 : i32 to index
          %swap3A_478 = arith.constant 16 : index
          %swap3A_479 = tpu.vector_load %arg12[%swap3A_477, %swap3A_478] {strides = array<i32>} : memref<200x256xf32, #tpu.memory_space<vmem>>, vector<16xf32>,
          tpu.vector_store %arg12[%swap3A_477, %swap3A_478], %get3A_476 {strides = array<i32>} : memref<200x256xf32, #tpu.memory_space<vmem>>, vector<16xf32>,
          %get3A_480 = arith.index_cast %while3A_461 : i32 to index
          %get3A_481 = arith.constant 32 : index
          %get3A_482 = tpu.vector_load %arg10[%get3A_480, %get3A_481] {strides = array<i32>} : memref<16x384xf32, #tpu.memory_space<vmem>>, vector<16xf32>,
          %swap3A_483 = arith.index_cast %squeeze3A_467 : i32 to index
          %swap3A_484 = arith.constant 32 : index
          %swap3A_485 = tpu.vector_load %arg12[%swap3A_483, %swap3A_484] {strides = array<i32>} : memref<200x256xf32, #tpu.memory_space<vmem>>, vector<16xf32>,
          tpu.vector_store %arg12[%swap3A_483, %swap3A_484], %get3A_482 {strides = array<i32>} : memref<200x256xf32, #tpu.memory_space<vmem>>, vector<16xf32>,
          %get3A_486 = arith.index_cast %while3A_461 : i32 to index
          %get3A_487 = arith.constant 48 : index
          %get3A_488 = tpu.vector_load %arg10[%get3A_486, %get3A_487] {strides = array<i32>} : memref<16x384xf32, #tpu.memory_space<vmem>>, vector<16xf32>,
          %swap3A_489 = arith.index_cast %squeeze3A_467 : i32 to index
          %swap3A_490 = arith.constant 48 : index
          %swap3A_491 = tpu.vector_load %arg12[%swap3A_489, %swap3A_490] {strides = array<i32>} : memref<200x256xf32, #tpu.memory_space<vmem>>, vector<16xf32>,
          tpu.vector_store %arg12[%swap3A_489, %swap3A_490], %get3A_488 {strides = array<i32>} : memref<200x256xf32, #tpu.memory_space<vmem>>, vector<16xf32>,
          %get3A_492 = arith.index_cast %while3A_461 : i32 to index
          %get3A_493 = arith.constant 64 : index
          %get3A_494 = tpu.vector_load %arg10[%get3A_492, %get3A_493] {strides = array<i32>} : memref<16x384xf32, #tpu.memory_space<vmem>>, vector<16xf32>,
          %swap3A_495 = arith.index_cast %squeeze3A_467 : i32 to index
          %swap3A_496 = arith.constant 64 : index
          %swap3A_497 = tpu.vector_load %arg12[%swap3A_495, %swap3A_496] {strides = array<i32>} : memref<200x256xf32, #tpu.memory_space<vmem>>, vector<16xf32>,
          tpu.vector_store %arg12[%swap3A_495, %swap3A_496], %get3A_494 {strides = array<i32>} : memref<200x256xf32, #tpu.memory_space<vmem>>, vector<16xf32>,
          %get3A_498 = arith.index_cast %while3A_461 : i32 to index
          %get3A_499 = arith.constant 80 : index
          %get3A_500 = tpu.vector_load %arg10[%get3A_498, %get3A_499] {strides = array<i32>} : memref<16x384xf32, #tpu.memory_space<vmem>>, vector<16xf32>,
          %swap3A_501 = arith.index_cast %squeeze3A_467 : i32 to index
          %swap3A_502 = arith.constant 80 : index
          %swap3A_503 = tpu.vector_load %arg12[%swap3A_501, %swap3A_502] {strides = array<i32>} : memref<200x256xf32, #tpu.memory_space<vmem>>, vector<16xf32>,
          tpu.vector_store %arg12[%swap3A_501, %swap3A_502], %get3A_500 {strides = array<i32>} : memref<200x256xf32, #tpu.memory_space<vmem>>, vector<16xf32>,
          %get3A_504 = arith.index_cast %while3A_461 : i32 to index
          %get3A_505 = arith.constant 96 : index
          %get3A_506 = tpu.vector_load %arg10[%get3A_504, %get3A_505] {strides = array<i32>} : memref<16x384xf32, #tpu.memory_space<vmem>>, vector<16xf32>,
          %swap3A_507 = arith.index_cast %squeeze3A_467 : i32 to index
          %swap3A_508 = arith.constant 96 : index
          %swap3A_509 = tpu.vector_load %arg12[%swap3A_507, %swap3A_508] {strides = array<i32>} : memref<200x256xf32, #tpu.memory_space<vmem>>, vector<16xf32>,
          tpu.vector_store %arg12[%swap3A_507, %swap3A_508], %get3A_506 {strides = array<i32>} : memref<200x256xf32, #tpu.memory_space<vmem>>, vector<16xf32>,
          %get3A_510 = arith.index_cast %while3A_461 : i32 to index
          %get3A_511 = arith.constant 112 : index
          %get3A_512 = tpu.vector_load %arg10[%get3A_510, %get3A_511] {strides = array<i32>} : memref<16x384xf32, #tpu.memory_space<vmem>>, vector<16xf32>,
          %swap3A_513 = arith.index_cast %squeeze3A_467 : i32 to index
          %swap3A_514 = arith.constant 112 : index
          %swap3A_515 = tpu.vector_load %arg12[%swap3A_513, %swap3A_514] {strides = array<i32>} : memref<200x256xf32, #tpu.memory_space<vmem>>, vector<16xf32>,
          tpu.vector_store %arg12[%swap3A_513, %swap3A_514], %get3A_512 {strides = array<i32>} : memref<200x256xf32, #tpu.memory_space<vmem>>, vector<16xf32>,
          %get3A_516 = arith.index_cast %while3A_461 : i32 to index
          %get3A_517 = arith.constant 128 : index
          %get3A_518 = tpu.vector_load %arg10[%get3A_516, %get3A_517] {strides = array<i32>} : memref<16x384xf32, #tpu.memory_space<vmem>>, vector<16xf32>,
          %swap3A_519 = arith.index_cast %squeeze3A_467 : i32 to index
          %swap3A_520 = arith.constant 128 : index
          %swap3A_521 = tpu.vector_load %arg12[%swap3A_519, %swap3A_520] {strides = array<i32>} : memref<200x256xf32, #tpu.memory_space<vmem>>, vector<16xf32>,
          tpu.vector_store %arg12[%swap3A_519, %swap3A_520], %get3A_518 {strides = array<i32>} : memref<200x256xf32, #tpu.memory_space<vmem>>, vector<16xf32>,
          %get3A_522 = arith.index_cast %while3A_461 : i32 to index
          %get3A_523 = arith.constant 144 : index
          %get3A_524 = tpu.vector_load %arg10[%get3A_522, %get3A_523] {strides = array<i32>} : memref<16x384xf32, #tpu.memory_space<vmem>>, vector<16xf32>,
          %swap3A_525 = arith.index_cast %squeeze3A_467 : i32 to index
          %swap3A_526 = arith.constant 144 : index
          %swap3A_527 = tpu.vector_load %arg12[%swap3A_525, %swap3A_526] {strides = array<i32>} : memref<200x256xf32, #tpu.memory_space<vmem>>, vector<16xf32>,
          tpu.vector_store %arg12[%swap3A_525, %swap3A_526], %get3A_524 {strides = array<i32>} : memref<200x256xf32, #tpu.memory_space<vmem>>, vector<16xf32>,
          %get3A_528 = arith.index_cast %while3A_461 : i32 to index
          %get3A_529 = arith.constant 160 : index
          %get3A_530 = tpu.vector_load %arg10[%get3A_528, %get3A_529] {strides = array<i32>} : memref<16x384xf32, #tpu.memory_space<vmem>>, vector<16xf32>,
          %swap3A_531 = arith.index_cast %squeeze3A_467 : i32 to index
          %swap3A_532 = arith.constant 160 : index
          %swap3A_533 = tpu.vector_load %arg12[%swap3A_531, %swap3A_532] {strides = array<i32>} : memref<200x256xf32, #tpu.memory_space<vmem>>, vector<16xf32>,
          tpu.vector_store %arg12[%swap3A_531, %swap3A_532], %get3A_530 {strides = array<i32>} : memref<200x256xf32, #tpu.memory_space<vmem>>, vector<16xf32>,
          %get3A_534 = arith.index_cast %while3A_461 : i32 to index
          %get3A_535 = arith.constant 176 : index
          %get3A_536 = tpu.vector_load %arg10[%get3A_534, %get3A_535] {strides = array<i32>} : memref<16x384xf32, #tpu.memory_space<vmem>>, vector<16xf32>,
          %swap3A_537 = arith.index_cast %squeeze3A_467 : i32 to index
          %swap3A_538 = arith.constant 176 : index
          %swap3A_539 = tpu.vector_load %arg12[%swap3A_537, %swap3A_538] {strides = array<i32>} : memref<200x256xf32, #tpu.memory_space<vmem>>, vector<16xf32>,
          tpu.vector_store %arg12[%swap3A_537, %swap3A_538], %get3A_536 {strides = array<i32>} : memref<200x256xf32, #tpu.memory_space<vmem>>, vector<16xf32>,
          %get3A_540 = arith.index_cast %while3A_461 : i32 to index
          %get3A_541 = arith.constant 192 : index
          %get3A_542 = tpu.vector_load %arg10[%get3A_540, %get3A_541] {strides = array<i32>} : memref<16x384xf32, #tpu.memory_space<vmem>>, vector<16xf32>,
          %swap3A_543 = arith.index_cast %squeeze3A_467 : i32 to index
          %swap3A_544 = arith.constant 192 : index
          %swap3A_545 = tpu.vector_load %arg12[%swap3A_543, %swap3A_544] {strides = array<i32>} : memref<200x256xf32, #tpu.memory_space<vmem>>, vector<16xf32>,
          tpu.vector_store %arg12[%swap3A_543, %swap3A_544], %get3A_542 {strides = array<i32>} : memref<200x256xf32, #tpu.memory_space<vmem>>, vector<16xf32>,
          %get3A_546 = arith.index_cast %while3A_461 : i32 to index
          %get3A_547 = arith.constant 208 : index
          %get3A_548 = tpu.vector_load %arg10[%get3A_546, %get3A_547] {strides = array<i32>} : memref<16x384xf32, #tpu.memory_space<vmem>>, vector<16xf32>,
          %swap3A_549 = arith.index_cast %squeeze3A_467 : i32 to index
          %swap3A_550 = arith.constant 208 : index
          %swap3A_551 = tpu.vector_load %arg12[%swap3A_549, %swap3A_550] {strides = array<i32>} : memref<200x256xf32, #tpu.memory_space<vmem>>, vector<16xf32>,
          tpu.vector_store %arg12[%swap3A_549, %swap3A_550], %get3A_548 {strides = array<i32>} : memref<200x256xf32, #tpu.memory_space<vmem>>, vector<16xf32>,
          %get3A_552 = arith.index_cast %while3A_461 : i32 to index
          %get3A_553 = arith.constant 224 : index
          %get3A_554 = tpu.vector_load %arg10[%get3A_552, %get3A_553] {strides = array<i32>} : memref<16x384xf32, #tpu.memory_space<vmem>>, vector<16xf32>,
          %swap3A_555 = arith.index_cast %squeeze3A_467 : i32 to index
          %swap3A_556 = arith.constant 224 : index
          %swap3A_557 = tpu.vector_load %arg12[%swap3A_555, %swap3A_556] {strides = array<i32>} : memref<200x256xf32, #tpu.memory_space<vmem>>, vector<16xf32>,
          tpu.vector_store %arg12[%swap3A_555, %swap3A_556], %get3A_554 {strides = array<i32>} : memref<200x256xf32, #tpu.memory_space<vmem>>, vector<16xf32>,
          %get3A_558 = arith.index_cast %while3A_461 : i32 to index
          %get3A_559 = arith.constant 240 : index
          %get3A_560 = tpu.vector_load %arg10[%get3A_558, %get3A_559] {strides = array<i32>} : memref<16x384xf32, #tpu.memory_space<vmem>>, vector<16xf32>,
          %swap3A_561 = arith.index_cast %squeeze3A_467 : i32 to index
          %swap3A_562 = arith.constant 240 : index
          %swap3A_563 = tpu.vector_load %arg12[%swap3A_561, %swap3A_562] {strides = array<i32>} : memref<200x256xf32, #tpu.memory_space<vmem>>, vector<16xf32>,
          tpu.vector_store %arg12[%swap3A_561, %swap3A_562], %get3A_560 {strides = array<i32>} : memref<200x256xf32, #tpu.memory_space<vmem>>, vector<16xf32>,
          %get3A_564 = arith.index_cast %while3A_461 : i32 to index
          %get3A_565 = arith.constant 256 : index
          %get3A_566 = tpu.vector_load %arg10[%get3A_564, %get3A_565] {strides = array<i32>} : memref<16x384xf32, #tpu.memory_space<vmem>>, vector<16xf32>,
          %mul3A_567 = arith.constant 8 : i32
          %mul3A_568 = arith.muli %squeeze3A_467, %mul3A_567 : i32
          %add3A_569 = vector.broadcast %mul3A_568 : i32 to vector<16xi32>
          %add3A_570 = arith.addi %add3A_569, %iota3A : vector<16xi32>
          %lt3A_571 = arith.constant 8 : i32
          %lt3A_572 = vector.broadcast %lt3A_571 : i32 to vector<16xi32>
          %lt3A_573 = arith.cmpi slt, %iota3A, %lt3A_572 : vector<16xi32>
          tpu.vector_store_idx %arg14[%add3A_570], %get3A_566 masked %lt3A_573 : memref<1600xf32, #tpu.memory_space<vmem>>[vector<16xi32>], vector<16xf32>, vector<16xi1>
          %while3A_574 = arith.constant 0 : i32
          scf.yield %while3A_574 : i32
        }
        %while3A_458 = arith.constant 1 : i32
        %while3A_459 = scf.for %while3A_461 = %while3A_455 to %while3A_451 step %while3A_458 iter_args(%while3A_462 = %while3A_457) -> (i32)  : i32 {
          %add3A_463 = arith.addi %mul3A_399, %while3A_461 : i32
          %get3A_464 = arith.index_cast %add3A_463 : i32 to index
          %get3A_465 = tpu.vector_load %arg9[%get3A_464] {strides = array<i32>} : memref<4112xi32, #tpu.memory_space<vmem>>, vector<16xi32>,
          %slice3A_466 = vector.extract_strided_slice %get3A_465 {offsets = [0], sizes = [1], strides = [1]} : vector<16xi32> to vector<1xi32>
          %squeeze3A_467 = vector.extract %slice3A_466[0] : i32 from vector<1xi32>
          %get3A_468 = arith.index_cast %while3A_461 : i32 to index
          %get3A_469 = arith.constant 0 : index
          %get3A_470 = tpu.vector_load %arg10[%get3A_468, %get3A_469] {strides = array<i32>} : memref<16x384xf32, #tpu.memory_space<vmem>>, vector<16xf32>,
          %swap3A_471 = arith.index_cast %squeeze3A_467 : i32 to index
          %swap3A_472 = arith.constant 0 : index
          %swap3A_473 = tpu.vector_load %arg12[%swap3A_471, %swap3A_472] {strides = array<i32>} : memref<200x256xf32, #tpu.memory_space<vmem>>, vector<16xf32>,
          tpu.vector_store %arg12[%swap3A_471, %swap3A_472], %get3A_470 {strides = array<i32>} : memref<200x256xf32, #tpu.memory_space<vmem>>, vector<16xf32>,
          %get3A_474 = arith.index_cast %while3A_461 : i32 to index
          %get3A_475 = arith.constant 16 : index
          %get3A_476 = tpu.vector_load %arg10[%get3A_474, %get3A_475] {strides = array<i32>} : memref<16x384xf32, #tpu.memory_space<vmem>>, vector<16xf32>,
          %swap3A_477 = arith.index_cast %squeeze3A_467 : i32 to index
          %swap3A_478 = arith.constant 16 : index
          %swap3A_479 = tpu.vector_load %arg12[%swap3A_477, %swap3A_478] {strides = array<i32>} : memref<200x256xf32, #tpu.memory_space<vmem>>, vector<16xf32>,
          tpu.vector_store %arg12[%swap3A_477, %swap3A_478], %get3A_476 {strides = array<i32>} : memref<200x256xf32, #tpu.memory_space<vmem>>, vector<16xf32>,
          %get3A_480 = arith.index_cast %while3A_461 : i32 to index
          %get3A_481 = arith.constant 32 : index
          %get3A_482 = tpu.vector_load %arg10[%get3A_480, %get3A_481] {strides = array<i32>} : memref<16x384xf32, #tpu.memory_space<vmem>>, vector<16xf32>,
          %swap3A_483 = arith.index_cast %squeeze3A_467 : i32 to index
          %swap3A_484 = arith.constant 32 : index
          %swap3A_485 = tpu.vector_load %arg12[%swap3A_483, %swap3A_484] {strides = array<i32>} : memref<200x256xf32, #tpu.memory_space<vmem>>, vector<16xf32>,
          tpu.vector_store %arg12[%swap3A_483, %swap3A_484], %get3A_482 {strides = array<i32>} : memref<200x256xf32, #tpu.memory_space<vmem>>, vector<16xf32>,
          %get3A_486 = arith.index_cast %while3A_461 : i32 to index
          %get3A_487 = arith.constant 48 : index
          %get3A_488 = tpu.vector_load %arg10[%get3A_486, %get3A_487] {strides = array<i32>} : memref<16x384xf32, #tpu.memory_space<vmem>>, vector<16xf32>,
          %swap3A_489 = arith.index_cast %squeeze3A_467 : i32 to index
          %swap3A_490 = arith.constant 48 : index
          %swap3A_491 = tpu.vector_load %arg12[%swap3A_489, %swap3A_490] {strides = array<i32>} : memref<200x256xf32, #tpu.memory_space<vmem>>, vector<16xf32>,
          tpu.vector_store %arg12[%swap3A_489, %swap3A_490], %get3A_488 {strides = array<i32>} : memref<200x256xf32, #tpu.memory_space<vmem>>, vector<16xf32>,
          %get3A_492 = arith.index_cast %while3A_461 : i32 to index
          %get3A_493 = arith.constant 64 : index
          %get3A_494 = tpu.vector_load %arg10[%get3A_492, %get3A_493] {strides = array<i32>} : memref<16x384xf32, #tpu.memory_space<vmem>>, vector<16xf32>,
          %swap3A_495 = arith.index_cast %squeeze3A_467 : i32 to index
          %swap3A_496 = arith.constant 64 : index
          %swap3A_497 = tpu.vector_load %arg12[%swap3A_495, %swap3A_496] {strides = array<i32>} : memref<200x256xf32, #tpu.memory_space<vmem>>, vector<16xf32>,
          tpu.vector_store %arg12[%swap3A_495, %swap3A_496], %get3A_494 {strides = array<i32>} : memref<200x256xf32, #tpu.memory_space<vmem>>, vector<16xf32>,
          %get3A_498 = arith.index_cast %while3A_461 : i32 to index
          %get3A_499 = arith.constant 80 : index
          %get3A_500 = tpu.vector_load %arg10[%get3A_498, %get3A_499] {strides = array<i32>} : memref<16x384xf32, #tpu.memory_space<vmem>>, vector<16xf32>,
          %swap3A_501 = arith.index_cast %squeeze3A_467 : i32 to index
          %swap3A_502 = arith.constant 80 : index
          %swap3A_503 = tpu.vector_load %arg12[%swap3A_501, %swap3A_502] {strides = array<i32>} : memref<200x256xf32, #tpu.memory_space<vmem>>, vector<16xf32>,
          tpu.vector_store %arg12[%swap3A_501, %swap3A_502], %get3A_500 {strides = array<i32>} : memref<200x256xf32, #tpu.memory_space<vmem>>, vector<16xf32>,
          %get3A_504 = arith.index_cast %while3A_461 : i32 to index
          %get3A_505 = arith.constant 96 : index
          %get3A_506 = tpu.vector_load %arg10[%get3A_504, %get3A_505] {strides = array<i32>} : memref<16x384xf32, #tpu.memory_space<vmem>>, vector<16xf32>,
          %swap3A_507 = arith.index_cast %squeeze3A_467 : i32 to index
          %swap3A_508 = arith.constant 96 : index
          %swap3A_509 = tpu.vector_load %arg12[%swap3A_507, %swap3A_508] {strides = array<i32>} : memref<200x256xf32, #tpu.memory_space<vmem>>, vector<16xf32>,
          tpu.vector_store %arg12[%swap3A_507, %swap3A_508], %get3A_506 {strides = array<i32>} : memref<200x256xf32, #tpu.memory_space<vmem>>, vector<16xf32>,
          %get3A_510 = arith.index_cast %while3A_461 : i32 to index
          %get3A_511 = arith.constant 112 : index
          %get3A_512 = tpu.vector_load %arg10[%get3A_510, %get3A_511] {strides = array<i32>} : memref<16x384xf32, #tpu.memory_space<vmem>>, vector<16xf32>,
          %swap3A_513 = arith.index_cast %squeeze3A_467 : i32 to index
          %swap3A_514 = arith.constant 112 : index
          %swap3A_515 = tpu.vector_load %arg12[%swap3A_513, %swap3A_514] {strides = array<i32>} : memref<200x256xf32, #tpu.memory_space<vmem>>, vector<16xf32>,
          tpu.vector_store %arg12[%swap3A_513, %swap3A_514], %get3A_512 {strides = array<i32>} : memref<200x256xf32, #tpu.memory_space<vmem>>, vector<16xf32>,
          %get3A_516 = arith.index_cast %while3A_461 : i32 to index
          %get3A_517 = arith.constant 128 : index
          %get3A_518 = tpu.vector_load %arg10[%get3A_516, %get3A_517] {strides = array<i32>} : memref<16x384xf32, #tpu.memory_space<vmem>>, vector<16xf32>,
          %swap3A_519 = arith.index_cast %squeeze3A_467 : i32 to index
          %swap3A_520 = arith.constant 128 : index
          %swap3A_521 = tpu.vector_load %arg12[%swap3A_519, %swap3A_520] {strides = array<i32>} : memref<200x256xf32, #tpu.memory_space<vmem>>, vector<16xf32>,
          tpu.vector_store %arg12[%swap3A_519, %swap3A_520], %get3A_518 {strides = array<i32>} : memref<200x256xf32, #tpu.memory_space<vmem>>, vector<16xf32>,
          %get3A_522 = arith.index_cast %while3A_461 : i32 to index
          %get3A_523 = arith.constant 144 : index
          %get3A_524 = tpu.vector_load %arg10[%get3A_522, %get3A_523] {strides = array<i32>} : memref<16x384xf32, #tpu.memory_space<vmem>>, vector<16xf32>,
          %swap3A_525 = arith.index_cast %squeeze3A_467 : i32 to index
          %swap3A_526 = arith.constant 144 : index
          %swap3A_527 = tpu.vector_load %arg12[%swap3A_525, %swap3A_526] {strides = array<i32>} : memref<200x256xf32, #tpu.memory_space<vmem>>, vector<16xf32>,
          tpu.vector_store %arg12[%swap3A_525, %swap3A_526], %get3A_524 {strides = array<i32>} : memref<200x256xf32, #tpu.memory_space<vmem>>, vector<16xf32>,
          %get3A_528 = arith.index_cast %while3A_461 : i32 to index
          %get3A_529 = arith.constant 160 : index
          %get3A_530 = tpu.vector_load %arg10[%get3A_528, %get3A_529] {strides = array<i32>} : memref<16x384xf32, #tpu.memory_space<vmem>>, vector<16xf32>,
          %swap3A_531 = arith.index_cast %squeeze3A_467 : i32 to index
          %swap3A_532 = arith.constant 160 : index
          %swap3A_533 = tpu.vector_load %arg12[%swap3A_531, %swap3A_532] {strides = array<i32>} : memref<200x256xf32, #tpu.memory_space<vmem>>, vector<16xf32>,
          tpu.vector_store %arg12[%swap3A_531, %swap3A_532], %get3A_530 {strides = array<i32>} : memref<200x256xf32, #tpu.memory_space<vmem>>, vector<16xf32>,
          %get3A_534 = arith.index_cast %while3A_461 : i32 to index
          %get3A_535 = arith.constant 176 : index
          %get3A_536 = tpu.vector_load %arg10[%get3A_534, %get3A_535] {strides = array<i32>} : memref<16x384xf32, #tpu.memory_space<vmem>>, vector<16xf32>,
          %swap3A_537 = arith.index_cast %squeeze3A_467 : i32 to index
          %swap3A_538 = arith.constant 176 : index
          %swap3A_539 = tpu.vector_load %arg12[%swap3A_537, %swap3A_538] {strides = array<i32>} : memref<200x256xf32, #tpu.memory_space<vmem>>, vector<16xf32>,
          tpu.vector_store %arg12[%swap3A_537, %swap3A_538], %get3A_536 {strides = array<i32>} : memref<200x256xf32, #tpu.memory_space<vmem>>, vector<16xf32>,
          %get3A_540 = arith.index_cast %while3A_461 : i32 to index
          %get3A_541 = arith.constant 192 : index
          %get3A_542 = tpu.vector_load %arg10[%get3A_540, %get3A_541] {strides = array<i32>} : memref<16x384xf32, #tpu.memory_space<vmem>>, vector<16xf32>,
          %swap3A_543 = arith.index_cast %squeeze3A_467 : i32 to index
          %swap3A_544 = arith.constant 192 : index
          %swap3A_545 = tpu.vector_load %arg12[%swap3A_543, %swap3A_544] {strides = array<i32>} : memref<200x256xf32, #tpu.memory_space<vmem>>, vector<16xf32>,
          tpu.vector_store %arg12[%swap3A_543, %swap3A_544], %get3A_542 {strides = array<i32>} : memref<200x256xf32, #tpu.memory_space<vmem>>, vector<16xf32>,
          %get3A_546 = arith.index_cast %while3A_461 : i32 to index
          %get3A_547 = arith.constant 208 : index
          %get3A_548 = tpu.vector_load %arg10[%get3A_546, %get3A_547] {strides = array<i32>} : memref<16x384xf32, #tpu.memory_space<vmem>>, vector<16xf32>,
          %swap3A_549 = arith.index_cast %squeeze3A_467 : i32 to index
          %swap3A_550 = arith.constant 208 : index
          %swap3A_551 = tpu.vector_load %arg12[%swap3A_549, %swap3A_550] {strides = array<i32>} : memref<200x256xf32, #tpu.memory_space<vmem>>, vector<16xf32>,
          tpu.vector_store %arg12[%swap3A_549, %swap3A_550], %get3A_548 {strides = array<i32>} : memref<200x256xf32, #tpu.memory_space<vmem>>, vector<16xf32>,
          %get3A_552 = arith.index_cast %while3A_461 : i32 to index
          %get3A_553 = arith.constant 224 : index
          %get3A_554 = tpu.vector_load %arg10[%get3A_552, %get3A_553] {strides = array<i32>} : memref<16x384xf32, #tpu.memory_space<vmem>>, vector<16xf32>,
          %swap3A_555 = arith.index_cast %squeeze3A_467 : i32 to index
          %swap3A_556 = arith.constant 224 : index
          %swap3A_557 = tpu.vector_load %arg12[%swap3A_555, %swap3A_556] {strides = array<i32>} : memref<200x256xf32, #tpu.memory_space<vmem>>, vector<16xf32>,
          tpu.vector_store %arg12[%swap3A_555, %swap3A_556], %get3A_554 {strides = array<i32>} : memref<200x256xf32, #tpu.memory_space<vmem>>, vector<16xf32>,
          %get3A_558 = arith.index_cast %while3A_461 : i32 to index
          %get3A_559 = arith.constant 240 : index
          %get3A_560 = tpu.vector_load %arg10[%get3A_558, %get3A_559] {strides = array<i32>} : memref<16x384xf32, #tpu.memory_space<vmem>>, vector<16xf32>,
          %swap3A_561 = arith.index_cast %squeeze3A_467 : i32 to index
          %swap3A_562 = arith.constant 240 : index
          %swap3A_563 = tpu.vector_load %arg12[%swap3A_561, %swap3A_562] {strides = array<i32>} : memref<200x256xf32, #tpu.memory_space<vmem>>, vector<16xf32>,
          tpu.vector_store %arg12[%swap3A_561, %swap3A_562], %get3A_560 {strides = array<i32>} : memref<200x256xf32, #tpu.memory_space<vmem>>, vector<16xf32>,
          %get3A_564 = arith.index_cast %while3A_461 : i32 to index
          %get3A_565 = arith.constant 256 : index
          %get3A_566 = tpu.vector_load %arg10[%get3A_564, %get3A_565] {strides = array<i32>} : memref<16x384xf32, #tpu.memory_space<vmem>>, vector<16xf32>,
          %mul3A_567 = arith.constant 8 : i32
          %mul3A_568 = arith.muli %squeeze3A_467, %mul3A_567 : i32
          %add3A_569 = vector.broadcast %mul3A_568 : i32 to vector<16xi32>
          %add3A_570 = arith.addi %add3A_569, %iota3A : vector<16xi32>
          %lt3A_571 = arith.constant 8 : i32
          %lt3A_572 = vector.broadcast %lt3A_571 : i32 to vector<16xi32>
          %lt3A_573 = arith.cmpi slt, %iota3A, %lt3A_572 : vector<16xi32>
          tpu.vector_store_idx %arg14[%add3A_570], %get3A_566 masked %lt3A_573 : memref<1600xf32, #tpu.memory_space<vmem>>[vector<16xi32>], vector<16xf32>, vector<16xi1>
          %while3A_574 = arith.constant 0 : i32
          scf.yield %while3A_574 : i32
        }
        %while3A_460 = arith.constant 0 : i32
        scf.yield %while3A_460 : i32
      }
      %while3A_342 = arith.constant 1 : i32
      %while3A_343 = scf.for %while3A_396 = %while3A_339 to %while3A_335 step %while3A_342 iter_args(%while3A_397 = %while3A_341) -> (i32)  : i32 {
        %mul3A_398 = arith.constant 16 : i32
        %mul3A_399 = arith.muli %while3A_396, %mul3A_398 : i32
        %sub3A_400 = arith.subi %while3A_238, %mul3A_399 : i32
        %min3A_401 = arith.constant 16 : i32
        %min3A_402 = arith.minsi %sub3A_400, %min3A_401 : i32
        %add3A_403 = arith.constant 8 : i32
        %add3A_404 = arith.addi %min3A_402, %add3A_403 : i32
        %sub3A_405 = arith.constant 1 : i32
        %sub3A_406 = arith.subi %add3A_404, %sub3A_405 : i32
        %jit3A_407 = arith.constant 8 : i32
        %div3A_408 = arith.divsi %sub3A_406, %jit3A_407 : i32
        %sign3A_409 = arith.constant 0 : i32
        %sign3A_410 = arith.cmpi sgt, %sub3A_406, %sign3A_409 : i32
        %sign3A_411 = arith.extui %sign3A_410 : i1 to i32
        %sign3A_412 = arith.constant 0 : i32
        %sign3A_413 = arith.cmpi slt, %sub3A_406, %sign3A_412 : i32
        %sign3A_414 = arith.extui %sign3A_413 : i1 to i32
        %sign3A_415 = arith.subi %sign3A_411, %sign3A_414 : i32
        %sign3A_416 = arith.constant 0 : i32
        %sign3A_417 = arith.cmpi sgt, %jit3A_407, %sign3A_416 : i32
        %sign3A_418 = arith.extui %sign3A_417 : i1 to i32
        %sign3A_419 = arith.constant 0 : i32
        %sign3A_420 = arith.cmpi slt, %jit3A_407, %sign3A_419 : i32
        %sign3A_421 = arith.extui %sign3A_420 : i1 to i32
        %sign3A_422 = arith.subi %sign3A_418, %sign3A_421 : i32
        %ne3A_423 = arith.cmpi ne, %sign3A_415, %sign3A_422 : i32
        %rem3A_424 = arith.remsi %sub3A_406, %jit3A_407 : i32
        %ne3A_425 = arith.constant 0 : i32
        %ne3A_426 = arith.cmpi ne, %rem3A_424, %ne3A_425 : i32
        %and3A_427 = arith.andi %ne3A_423, %ne3A_426 : i1
        %sub3A_428 = arith.constant 1 : i32
        %sub3A_429 = arith.subi %div3A_408, %sub3A_428 : i32
        %select_n3A_430 = arith.select %and3A_427, %sub3A_429, %div3A_408 : i32
        %gt3A_431 = arith.constant 0 : i32
        %gt3A_432 = arith.cmpi sgt, %while3A_396, %gt3A_431 : i32
        %convert_element_type3A_433 = arith.extui %gt3A_432 : i1 to i32
        %cond3A_434 = arith.constant 0 : i32
        %cond3A_435 = arith.cmpi ne, %convert_element_type3A_433, %cond3A_434 : i32
        scf.if %cond3A_435 {
          %while3A_461 = arith.constant 0 : i32
          %while3A_462 = arith.constant 0 : i32
          %while3A_463 = arith.subi %select_n3A_430, %while3A_461 : i32
          %while3A_464 = arith.addi %while3A_461, %while3A_463 : i32
          %while3A_465 = arith.constant 1 : i32
          %while3A_466 = arith.divsi %while3A_463, %while3A_465 : i32
          %while3A_467 = arith.muli %while3A_466, %while3A_465 : i32
          %while3A_468 = arith.addi %while3A_461, %while3A_467 : i32
          %while3A_469 = arith.constant 1 : i32
          %while3A_470 = scf.for %while3A_473 = %while3A_461 to %while3A_468 step %while3A_469 iter_args(%while3A_474 = %while3A_462) -> (i32)  : i32 {
            %mul3A_475 = arith.constant 8 : i32
            %mul3A_476 = arith.muli %while3A_473, %mul3A_475 : i32
            %add3A_477 = arith.addi %mul3A_399, %mul3A_476 : i32
            %mul3A_478 = arith.constant 8 : i32
            %mul3A_479 = arith.muli %while3A_473, %mul3A_478 : i32
            %dma_start3A = arith.constant 0 : i32
            %dma_start3A_480 = tpu.memref_slice %arg10[%mul3A_479, %dma_start3A] : memref<16x384xf32, #tpu.memory_space<vmem>> -> memref<8x384xf32, #tpu.memory_space<vmem>>
            %dma_start3A_481 = tpu.memref_slice %arg8[%add3A_477] : memref<4112xi32, #tpu.memory_space<vmem>> -> memref<8xi32, #tpu.memory_space<vmem>>
            %dma_start3A_482 = arith.constant 0 : i32
            %dma_start3A_483 = arith.constant 0 : i32
            %dma_start3A_484 = tpu.memref_slice %arg2[%dma_start3A_482, %dma_start3A_483] : memref<4096x384xf32, #tpu.memory_space<hbm>> -> memref<4096x384xf32, #tpu.memory_space<hbm>>
            tpu.enqueue_indirect_dma source(%dma_start3A_484 : memref<4096x384xf32, #tpu.memory_space<hbm>>) target(%dma_start3A_480 : memref<8x384xf32, #tpu.memory_space<vmem>>) offsets(%dma_start3A_481 : memref<8xi32, #tpu.memory_space<vmem>>) semaphore(%arg19 : memref<!tpu.dma_semaphore, #tpu.memory_space<semaphore_mem>>)
            %while3A_485 = arith.constant 0 : i32
            scf.yield %while3A_485 : i32
          }
          %while3A_471 = arith.constant 1 : i32
          %while3A_472 = scf.for %while3A_473 = %while3A_468 to %while3A_464 step %while3A_471 iter_args(%while3A_474 = %while3A_470) -> (i32)  : i32 {
            %mul3A_475 = arith.constant 8 : i32
            %mul3A_476 = arith.muli %while3A_473, %mul3A_475 : i32
            %add3A_477 = arith.addi %mul3A_399, %mul3A_476 : i32
            %mul3A_478 = arith.constant 8 : i32
            %mul3A_479 = arith.muli %while3A_473, %mul3A_478 : i32
            %dma_start3A = arith.constant 0 : i32
            %dma_start3A_480 = tpu.memref_slice %arg10[%mul3A_479, %dma_start3A] : memref<16x384xf32, #tpu.memory_space<vmem>> -> memref<8x384xf32, #tpu.memory_space<vmem>>
            %dma_start3A_481 = tpu.memref_slice %arg8[%add3A_477] : memref<4112xi32, #tpu.memory_space<vmem>> -> memref<8xi32, #tpu.memory_space<vmem>>
            %dma_start3A_482 = arith.constant 0 : i32
            %dma_start3A_483 = arith.constant 0 : i32
            %dma_start3A_484 = tpu.memref_slice %arg2[%dma_start3A_482, %dma_start3A_483] : memref<4096x384xf32, #tpu.memory_space<hbm>> -> memref<4096x384xf32, #tpu.memory_space<hbm>>
            tpu.enqueue_indirect_dma source(%dma_start3A_484 : memref<4096x384xf32, #tpu.memory_space<hbm>>) target(%dma_start3A_480 : memref<8x384xf32, #tpu.memory_space<vmem>>) offsets(%dma_start3A_481 : memref<8xi32, #tpu.memory_space<vmem>>) semaphore(%arg19 : memref<!tpu.dma_semaphore, #tpu.memory_space<semaphore_mem>>)
            %while3A_485 = arith.constant 0 : i32
            scf.yield %while3A_485 : i32
          }
        } else {
        }
        %while3A_436 = arith.constant 0 : i32
        %while3A_437 = arith.constant 0 : i32
        %while3A_438 = arith.subi %select_n3A_430, %while3A_436 : i32
        %while3A_439 = arith.addi %while3A_436, %while3A_438 : i32
        %while3A_440 = arith.constant 1 : i32
        %while3A_441 = arith.divsi %while3A_438, %while3A_440 : i32
        %while3A_442 = arith.muli %while3A_441, %while3A_440 : i32
        %while3A_443 = arith.addi %while3A_436, %while3A_442 : i32
        %while3A_444 = arith.constant 1 : i32
        %while3A_445 = scf.for %while3A_461 = %while3A_436 to %while3A_443 step %while3A_444 iter_args(%while3A_462 = %while3A_437) -> (i32)  : i32 {
          %mul3A_463 = arith.constant 8 : i32
          %mul3A_464 = arith.muli %while3A_461, %mul3A_463 : i32
          %add3A_465 = arith.addi %mul3A_399, %mul3A_464 : i32
          %mul3A_466 = arith.constant 8 : i32
          %mul3A_467 = arith.muli %while3A_461, %mul3A_466 : i32
          %dma_wait3A = arith.constant 0 : i32
          %dma_wait3A_468 = tpu.memref_slice %arg10[%mul3A_467, %dma_wait3A] : memref<16x384xf32, #tpu.memory_space<vmem>> -> memref<8x384xf32, #tpu.memory_space<vmem>>
          %dma_wait3A_469 = tpu.memref_slice %arg8[%add3A_465] : memref<4112xi32, #tpu.memory_space<vmem>> -> memref<8xi32, #tpu.memory_space<vmem>>
          %dma_wait3A_470 = arith.constant 0 : i32
          %dma_wait3A_471 = arith.constant 0 : i32
          %dma_wait3A_472 = tpu.memref_slice %arg2[%dma_wait3A_470, %dma_wait3A_471] : memref<4096x384xf32, #tpu.memory_space<hbm>> -> memref<4096x384xf32, #tpu.memory_space<hbm>>
          tpu.wait_indirect_dma semaphore(%arg19 : memref<!tpu.dma_semaphore, #tpu.memory_space<semaphore_mem>>) src(%dma_wait3A_472 : memref<4096x384xf32, #tpu.memory_space<hbm>>) dst(%dma_wait3A_468 : memref<8x384xf32, #tpu.memory_space<vmem>>)
          %while3A_473 = arith.constant 0 : i32
          scf.yield %while3A_473 : i32
        }
        %while3A_446 = arith.constant 1 : i32
        %while3A_447 = scf.for %while3A_461 = %while3A_443 to %while3A_439 step %while3A_446 iter_args(%while3A_462 = %while3A_445) -> (i32)  : i32 {
          %mul3A_463 = arith.constant 8 : i32
          %mul3A_464 = arith.muli %while3A_461, %mul3A_463 : i32
          %add3A_465 = arith.addi %mul3A_399, %mul3A_464 : i32
          %mul3A_466 = arith.constant 8 : i32
          %mul3A_467 = arith.muli %while3A_461, %mul3A_466 : i32
          %dma_wait3A = arith.constant 0 : i32
          %dma_wait3A_468 = tpu.memref_slice %arg10[%mul3A_467, %dma_wait3A] : memref<16x384xf32, #tpu.memory_space<vmem>> -> memref<8x384xf32, #tpu.memory_space<vmem>>
          %dma_wait3A_469 = tpu.memref_slice %arg8[%add3A_465] : memref<4112xi32, #tpu.memory_space<vmem>> -> memref<8xi32, #tpu.memory_space<vmem>>
          %dma_wait3A_470 = arith.constant 0 : i32
          %dma_wait3A_471 = arith.constant 0 : i32
          %dma_wait3A_472 = tpu.memref_slice %arg2[%dma_wait3A_470, %dma_wait3A_471] : memref<4096x384xf32, #tpu.memory_space<hbm>> -> memref<4096x384xf32, #tpu.memory_space<hbm>>
          tpu.wait_indirect_dma semaphore(%arg19 : memref<!tpu.dma_semaphore, #tpu.memory_space<semaphore_mem>>) src(%dma_wait3A_472 : memref<4096x384xf32, #tpu.memory_space<hbm>>) dst(%dma_wait3A_468 : memref<8x384xf32, #tpu.memory_space<vmem>>)
          %while3A_473 = arith.constant 0 : i32
          scf.yield %while3A_473 : i32
        }
        %while3A_448 = arith.constant 0 : i32
        %while3A_449 = arith.constant 0 : i32
        %while3A_450 = arith.subi %min3A_402, %while3A_448 : i32
        %while3A_451 = arith.addi %while3A_448, %while3A_450 : i32
        %while3A_452 = arith.constant 1 : i32
        %while3A_453 = arith.divsi %while3A_450, %while3A_452 : i32
        %while3A_454 = arith.muli %while3A_453, %while3A_452 : i32
        %while3A_455 = arith.addi %while3A_448, %while3A_454 : i32
        %while3A_456 = arith.constant 1 : i32
        %while3A_457 = scf.for %while3A_461 = %while3A_448 to %while3A_455 step %while3A_456 iter_args(%while3A_462 = %while3A_449) -> (i32)  : i32 {
          %add3A_463 = arith.addi %mul3A_399, %while3A_461 : i32
          %get3A_464 = arith.index_cast %add3A_463 : i32 to index
          %get3A_465 = tpu.vector_load %arg9[%get3A_464] {strides = array<i32>} : memref<4112xi32, #tpu.memory_space<vmem>>, vector<16xi32>,
          %slice3A_466 = vector.extract_strided_slice %get3A_465 {offsets = [0], sizes = [1], strides = [1]} : vector<16xi32> to vector<1xi32>
          %squeeze3A_467 = vector.extract %slice3A_466[0] : i32 from vector<1xi32>
          %get3A_468 = arith.index_cast %while3A_461 : i32 to index
          %get3A_469 = arith.constant 0 : index
          %get3A_470 = tpu.vector_load %arg10[%get3A_468, %get3A_469] {strides = array<i32>} : memref<16x384xf32, #tpu.memory_space<vmem>>, vector<16xf32>,
          %swap3A_471 = arith.index_cast %squeeze3A_467 : i32 to index
          %swap3A_472 = arith.constant 0 : index
          %swap3A_473 = tpu.vector_load %arg12[%swap3A_471, %swap3A_472] {strides = array<i32>} : memref<200x256xf32, #tpu.memory_space<vmem>>, vector<16xf32>,
          tpu.vector_store %arg12[%swap3A_471, %swap3A_472], %get3A_470 {strides = array<i32>} : memref<200x256xf32, #tpu.memory_space<vmem>>, vector<16xf32>,
          %get3A_474 = arith.index_cast %while3A_461 : i32 to index
          %get3A_475 = arith.constant 16 : index
          %get3A_476 = tpu.vector_load %arg10[%get3A_474, %get3A_475] {strides = array<i32>} : memref<16x384xf32, #tpu.memory_space<vmem>>, vector<16xf32>,
          %swap3A_477 = arith.index_cast %squeeze3A_467 : i32 to index
          %swap3A_478 = arith.constant 16 : index
          %swap3A_479 = tpu.vector_load %arg12[%swap3A_477, %swap3A_478] {strides = array<i32>} : memref<200x256xf32, #tpu.memory_space<vmem>>, vector<16xf32>,
          tpu.vector_store %arg12[%swap3A_477, %swap3A_478], %get3A_476 {strides = array<i32>} : memref<200x256xf32, #tpu.memory_space<vmem>>, vector<16xf32>,
          %get3A_480 = arith.index_cast %while3A_461 : i32 to index
          %get3A_481 = arith.constant 32 : index
          %get3A_482 = tpu.vector_load %arg10[%get3A_480, %get3A_481] {strides = array<i32>} : memref<16x384xf32, #tpu.memory_space<vmem>>, vector<16xf32>,
          %swap3A_483 = arith.index_cast %squeeze3A_467 : i32 to index
          %swap3A_484 = arith.constant 32 : index
          %swap3A_485 = tpu.vector_load %arg12[%swap3A_483, %swap3A_484] {strides = array<i32>} : memref<200x256xf32, #tpu.memory_space<vmem>>, vector<16xf32>,
          tpu.vector_store %arg12[%swap3A_483, %swap3A_484], %get3A_482 {strides = array<i32>} : memref<200x256xf32, #tpu.memory_space<vmem>>, vector<16xf32>,
          %get3A_486 = arith.index_cast %while3A_461 : i32 to index
          %get3A_487 = arith.constant 48 : index
          %get3A_488 = tpu.vector_load %arg10[%get3A_486, %get3A_487] {strides = array<i32>} : memref<16x384xf32, #tpu.memory_space<vmem>>, vector<16xf32>,
          %swap3A_489 = arith.index_cast %squeeze3A_467 : i32 to index
          %swap3A_490 = arith.constant 48 : index
          %swap3A_491 = tpu.vector_load %arg12[%swap3A_489, %swap3A_490] {strides = array<i32>} : memref<200x256xf32, #tpu.memory_space<vmem>>, vector<16xf32>,
          tpu.vector_store %arg12[%swap3A_489, %swap3A_490], %get3A_488 {strides = array<i32>} : memref<200x256xf32, #tpu.memory_space<vmem>>, vector<16xf32>,
          %get3A_492 = arith.index_cast %while3A_461 : i32 to index
          %get3A_493 = arith.constant 64 : index
          %get3A_494 = tpu.vector_load %arg10[%get3A_492, %get3A_493] {strides = array<i32>} : memref<16x384xf32, #tpu.memory_space<vmem>>, vector<16xf32>,
          %swap3A_495 = arith.index_cast %squeeze3A_467 : i32 to index
          %swap3A_496 = arith.constant 64 : index
          %swap3A_497 = tpu.vector_load %arg12[%swap3A_495, %swap3A_496] {strides = array<i32>} : memref<200x256xf32, #tpu.memory_space<vmem>>, vector<16xf32>,
          tpu.vector_store %arg12[%swap3A_495, %swap3A_496], %get3A_494 {strides = array<i32>} : memref<200x256xf32, #tpu.memory_space<vmem>>, vector<16xf32>,
          %get3A_498 = arith.index_cast %while3A_461 : i32 to index
          %get3A_499 = arith.constant 80 : index
          %get3A_500 = tpu.vector_load %arg10[%get3A_498, %get3A_499] {strides = array<i32>} : memref<16x384xf32, #tpu.memory_space<vmem>>, vector<16xf32>,
          %swap3A_501 = arith.index_cast %squeeze3A_467 : i32 to index
          %swap3A_502 = arith.constant 80 : index
          %swap3A_503 = tpu.vector_load %arg12[%swap3A_501, %swap3A_502] {strides = array<i32>} : memref<200x256xf32, #tpu.memory_space<vmem>>, vector<16xf32>,
          tpu.vector_store %arg12[%swap3A_501, %swap3A_502], %get3A_500 {strides = array<i32>} : memref<200x256xf32, #tpu.memory_space<vmem>>, vector<16xf32>,
          %get3A_504 = arith.index_cast %while3A_461 : i32 to index
          %get3A_505 = arith.constant 96 : index
          %get3A_506 = tpu.vector_load %arg10[%get3A_504, %get3A_505] {strides = array<i32>} : memref<16x384xf32, #tpu.memory_space<vmem>>, vector<16xf32>,
          %swap3A_507 = arith.index_cast %squeeze3A_467 : i32 to index
          %swap3A_508 = arith.constant 96 : index
          %swap3A_509 = tpu.vector_load %arg12[%swap3A_507, %swap3A_508] {strides = array<i32>} : memref<200x256xf32, #tpu.memory_space<vmem>>, vector<16xf32>,
          tpu.vector_store %arg12[%swap3A_507, %swap3A_508], %get3A_506 {strides = array<i32>} : memref<200x256xf32, #tpu.memory_space<vmem>>, vector<16xf32>,
          %get3A_510 = arith.index_cast %while3A_461 : i32 to index
          %get3A_511 = arith.constant 112 : index
          %get3A_512 = tpu.vector_load %arg10[%get3A_510, %get3A_511] {strides = array<i32>} : memref<16x384xf32, #tpu.memory_space<vmem>>, vector<16xf32>,
          %swap3A_513 = arith.index_cast %squeeze3A_467 : i32 to index
          %swap3A_514 = arith.constant 112 : index
          %swap3A_515 = tpu.vector_load %arg12[%swap3A_513, %swap3A_514] {strides = array<i32>} : memref<200x256xf32, #tpu.memory_space<vmem>>, vector<16xf32>,
          tpu.vector_store %arg12[%swap3A_513, %swap3A_514], %get3A_512 {strides = array<i32>} : memref<200x256xf32, #tpu.memory_space<vmem>>, vector<16xf32>,
          %get3A_516 = arith.index_cast %while3A_461 : i32 to index
          %get3A_517 = arith.constant 128 : index
          %get3A_518 = tpu.vector_load %arg10[%get3A_516, %get3A_517] {strides = array<i32>} : memref<16x384xf32, #tpu.memory_space<vmem>>, vector<16xf32>,
          %swap3A_519 = arith.index_cast %squeeze3A_467 : i32 to index
          %swap3A_520 = arith.constant 128 : index
          %swap3A_521 = tpu.vector_load %arg12[%swap3A_519, %swap3A_520] {strides = array<i32>} : memref<200x256xf32, #tpu.memory_space<vmem>>, vector<16xf32>,
          tpu.vector_store %arg12[%swap3A_519, %swap3A_520], %get3A_518 {strides = array<i32>} : memref<200x256xf32, #tpu.memory_space<vmem>>, vector<16xf32>,
          %get3A_522 = arith.index_cast %while3A_461 : i32 to index
          %get3A_523 = arith.constant 144 : index
          %get3A_524 = tpu.vector_load %arg10[%get3A_522, %get3A_523] {strides = array<i32>} : memref<16x384xf32, #tpu.memory_space<vmem>>, vector<16xf32>,
          %swap3A_525 = arith.index_cast %squeeze3A_467 : i32 to index
          %swap3A_526 = arith.constant 144 : index
          %swap3A_527 = tpu.vector_load %arg12[%swap3A_525, %swap3A_526] {strides = array<i32>} : memref<200x256xf32, #tpu.memory_space<vmem>>, vector<16xf32>,
          tpu.vector_store %arg12[%swap3A_525, %swap3A_526], %get3A_524 {strides = array<i32>} : memref<200x256xf32, #tpu.memory_space<vmem>>, vector<16xf32>,
          %get3A_528 = arith.index_cast %while3A_461 : i32 to index
          %get3A_529 = arith.constant 160 : index
          %get3A_530 = tpu.vector_load %arg10[%get3A_528, %get3A_529] {strides = array<i32>} : memref<16x384xf32, #tpu.memory_space<vmem>>, vector<16xf32>,
          %swap3A_531 = arith.index_cast %squeeze3A_467 : i32 to index
          %swap3A_532 = arith.constant 160 : index
          %swap3A_533 = tpu.vector_load %arg12[%swap3A_531, %swap3A_532] {strides = array<i32>} : memref<200x256xf32, #tpu.memory_space<vmem>>, vector<16xf32>,
          tpu.vector_store %arg12[%swap3A_531, %swap3A_532], %get3A_530 {strides = array<i32>} : memref<200x256xf32, #tpu.memory_space<vmem>>, vector<16xf32>,
          %get3A_534 = arith.index_cast %while3A_461 : i32 to index
          %get3A_535 = arith.constant 176 : index
          %get3A_536 = tpu.vector_load %arg10[%get3A_534, %get3A_535] {strides = array<i32>} : memref<16x384xf32, #tpu.memory_space<vmem>>, vector<16xf32>,
          %swap3A_537 = arith.index_cast %squeeze3A_467 : i32 to index
          %swap3A_538 = arith.constant 176 : index
          %swap3A_539 = tpu.vector_load %arg12[%swap3A_537, %swap3A_538] {strides = array<i32>} : memref<200x256xf32, #tpu.memory_space<vmem>>, vector<16xf32>,
          tpu.vector_store %arg12[%swap3A_537, %swap3A_538], %get3A_536 {strides = array<i32>} : memref<200x256xf32, #tpu.memory_space<vmem>>, vector<16xf32>,
          %get3A_540 = arith.index_cast %while3A_461 : i32 to index
          %get3A_541 = arith.constant 192 : index
          %get3A_542 = tpu.vector_load %arg10[%get3A_540, %get3A_541] {strides = array<i32>} : memref<16x384xf32, #tpu.memory_space<vmem>>, vector<16xf32>,
          %swap3A_543 = arith.index_cast %squeeze3A_467 : i32 to index
          %swap3A_544 = arith.constant 192 : index
          %swap3A_545 = tpu.vector_load %arg12[%swap3A_543, %swap3A_544] {strides = array<i32>} : memref<200x256xf32, #tpu.memory_space<vmem>>, vector<16xf32>,
          tpu.vector_store %arg12[%swap3A_543, %swap3A_544], %get3A_542 {strides = array<i32>} : memref<200x256xf32, #tpu.memory_space<vmem>>, vector<16xf32>,
          %get3A_546 = arith.index_cast %while3A_461 : i32 to index
          %get3A_547 = arith.constant 208 : index
          %get3A_548 = tpu.vector_load %arg10[%get3A_546, %get3A_547] {strides = array<i32>} : memref<16x384xf32, #tpu.memory_space<vmem>>, vector<16xf32>,
          %swap3A_549 = arith.index_cast %squeeze3A_467 : i32 to index
          %swap3A_550 = arith.constant 208 : index
          %swap3A_551 = tpu.vector_load %arg12[%swap3A_549, %swap3A_550] {strides = array<i32>} : memref<200x256xf32, #tpu.memory_space<vmem>>, vector<16xf32>,
          tpu.vector_store %arg12[%swap3A_549, %swap3A_550], %get3A_548 {strides = array<i32>} : memref<200x256xf32, #tpu.memory_space<vmem>>, vector<16xf32>,
          %get3A_552 = arith.index_cast %while3A_461 : i32 to index
          %get3A_553 = arith.constant 224 : index
          %get3A_554 = tpu.vector_load %arg10[%get3A_552, %get3A_553] {strides = array<i32>} : memref<16x384xf32, #tpu.memory_space<vmem>>, vector<16xf32>,
          %swap3A_555 = arith.index_cast %squeeze3A_467 : i32 to index
          %swap3A_556 = arith.constant 224 : index
          %swap3A_557 = tpu.vector_load %arg12[%swap3A_555, %swap3A_556] {strides = array<i32>} : memref<200x256xf32, #tpu.memory_space<vmem>>, vector<16xf32>,
          tpu.vector_store %arg12[%swap3A_555, %swap3A_556], %get3A_554 {strides = array<i32>} : memref<200x256xf32, #tpu.memory_space<vmem>>, vector<16xf32>,
          %get3A_558 = arith.index_cast %while3A_461 : i32 to index
          %get3A_559 = arith.constant 240 : index
          %get3A_560 = tpu.vector_load %arg10[%get3A_558, %get3A_559] {strides = array<i32>} : memref<16x384xf32, #tpu.memory_space<vmem>>, vector<16xf32>,
          %swap3A_561 = arith.index_cast %squeeze3A_467 : i32 to index
          %swap3A_562 = arith.constant 240 : index
          %swap3A_563 = tpu.vector_load %arg12[%swap3A_561, %swap3A_562] {strides = array<i32>} : memref<200x256xf32, #tpu.memory_space<vmem>>, vector<16xf32>,
          tpu.vector_store %arg12[%swap3A_561, %swap3A_562], %get3A_560 {strides = array<i32>} : memref<200x256xf32, #tpu.memory_space<vmem>>, vector<16xf32>,
          %get3A_564 = arith.index_cast %while3A_461 : i32 to index
          %get3A_565 = arith.constant 256 : index
          %get3A_566 = tpu.vector_load %arg10[%get3A_564, %get3A_565] {strides = array<i32>} : memref<16x384xf32, #tpu.memory_space<vmem>>, vector<16xf32>,
          %mul3A_567 = arith.constant 8 : i32
          %mul3A_568 = arith.muli %squeeze3A_467, %mul3A_567 : i32
          %add3A_569 = vector.broadcast %mul3A_568 : i32 to vector<16xi32>
          %add3A_570 = arith.addi %add3A_569, %iota3A : vector<16xi32>
          %lt3A_571 = arith.constant 8 : i32
          %lt3A_572 = vector.broadcast %lt3A_571 : i32 to vector<16xi32>
          %lt3A_573 = arith.cmpi slt, %iota3A, %lt3A_572 : vector<16xi32>
          tpu.vector_store_idx %arg14[%add3A_570], %get3A_566 masked %lt3A_573 : memref<1600xf32, #tpu.memory_space<vmem>>[vector<16xi32>], vector<16xf32>, vector<16xi1>
          %while3A_574 = arith.constant 0 : i32
          scf.yield %while3A_574 : i32
        }
        %while3A_458 = arith.constant 1 : i32
        %while3A_459 = scf.for %while3A_461 = %while3A_455 to %while3A_451 step %while3A_458 iter_args(%while3A_462 = %while3A_457) -> (i32)  : i32 {
          %add3A_463 = arith.addi %mul3A_399, %while3A_461 : i32
          %get3A_464 = arith.index_cast %add3A_463 : i32 to index
          %get3A_465 = tpu.vector_load %arg9[%get3A_464] {strides = array<i32>} : memref<4112xi32, #tpu.memory_space<vmem>>, vector<16xi32>,
          %slice3A_466 = vector.extract_strided_slice %get3A_465 {offsets = [0], sizes = [1], strides = [1]} : vector<16xi32> to vector<1xi32>
          %squeeze3A_467 = vector.extract %slice3A_466[0] : i32 from vector<1xi32>
          %get3A_468 = arith.index_cast %while3A_461 : i32 to index
          %get3A_469 = arith.constant 0 : index
          %get3A_470 = tpu.vector_load %arg10[%get3A_468, %get3A_469] {strides = array<i32>} : memref<16x384xf32, #tpu.memory_space<vmem>>, vector<16xf32>,
          %swap3A_471 = arith.index_cast %squeeze3A_467 : i32 to index
          %swap3A_472 = arith.constant 0 : index
          %swap3A_473 = tpu.vector_load %arg12[%swap3A_471, %swap3A_472] {strides = array<i32>} : memref<200x256xf32, #tpu.memory_space<vmem>>, vector<16xf32>,
          tpu.vector_store %arg12[%swap3A_471, %swap3A_472], %get3A_470 {strides = array<i32>} : memref<200x256xf32, #tpu.memory_space<vmem>>, vector<16xf32>,
          %get3A_474 = arith.index_cast %while3A_461 : i32 to index
          %get3A_475 = arith.constant 16 : index
          %get3A_476 = tpu.vector_load %arg10[%get3A_474, %get3A_475] {strides = array<i32>} : memref<16x384xf32, #tpu.memory_space<vmem>>, vector<16xf32>,
          %swap3A_477 = arith.index_cast %squeeze3A_467 : i32 to index
          %swap3A_478 = arith.constant 16 : index
          %swap3A_479 = tpu.vector_load %arg12[%swap3A_477, %swap3A_478] {strides = array<i32>} : memref<200x256xf32, #tpu.memory_space<vmem>>, vector<16xf32>,
          tpu.vector_store %arg12[%swap3A_477, %swap3A_478], %get3A_476 {strides = array<i32>} : memref<200x256xf32, #tpu.memory_space<vmem>>, vector<16xf32>,
          %get3A_480 = arith.index_cast %while3A_461 : i32 to index
          %get3A_481 = arith.constant 32 : index
          %get3A_482 = tpu.vector_load %arg10[%get3A_480, %get3A_481] {strides = array<i32>} : memref<16x384xf32, #tpu.memory_space<vmem>>, vector<16xf32>,
          %swap3A_483 = arith.index_cast %squeeze3A_467 : i32 to index
          %swap3A_484 = arith.constant 32 : index
          %swap3A_485 = tpu.vector_load %arg12[%swap3A_483, %swap3A_484] {strides = array<i32>} : memref<200x256xf32, #tpu.memory_space<vmem>>, vector<16xf32>,
          tpu.vector_store %arg12[%swap3A_483, %swap3A_484], %get3A_482 {strides = array<i32>} : memref<200x256xf32, #tpu.memory_space<vmem>>, vector<16xf32>,
          %get3A_486 = arith.index_cast %while3A_461 : i32 to index
          %get3A_487 = arith.constant 48 : index
          %get3A_488 = tpu.vector_load %arg10[%get3A_486, %get3A_487] {strides = array<i32>} : memref<16x384xf32, #tpu.memory_space<vmem>>, vector<16xf32>,
          %swap3A_489 = arith.index_cast %squeeze3A_467 : i32 to index
          %swap3A_490 = arith.constant 48 : index
          %swap3A_491 = tpu.vector_load %arg12[%swap3A_489, %swap3A_490] {strides = array<i32>} : memref<200x256xf32, #tpu.memory_space<vmem>>, vector<16xf32>,
          tpu.vector_store %arg12[%swap3A_489, %swap3A_490], %get3A_488 {strides = array<i32>} : memref<200x256xf32, #tpu.memory_space<vmem>>, vector<16xf32>,
          %get3A_492 = arith.index_cast %while3A_461 : i32 to index
          %get3A_493 = arith.constant 64 : index
          %get3A_494 = tpu.vector_load %arg10[%get3A_492, %get3A_493] {strides = array<i32>} : memref<16x384xf32, #tpu.memory_space<vmem>>, vector<16xf32>,
          %swap3A_495 = arith.index_cast %squeeze3A_467 : i32 to index
          %swap3A_496 = arith.constant 64 : index
          %swap3A_497 = tpu.vector_load %arg12[%swap3A_495, %swap3A_496] {strides = array<i32>} : memref<200x256xf32, #tpu.memory_space<vmem>>, vector<16xf32>,
          tpu.vector_store %arg12[%swap3A_495, %swap3A_496], %get3A_494 {strides = array<i32>} : memref<200x256xf32, #tpu.memory_space<vmem>>, vector<16xf32>,
          %get3A_498 = arith.index_cast %while3A_461 : i32 to index
          %get3A_499 = arith.constant 80 : index
          %get3A_500 = tpu.vector_load %arg10[%get3A_498, %get3A_499] {strides = array<i32>} : memref<16x384xf32, #tpu.memory_space<vmem>>, vector<16xf32>,
          %swap3A_501 = arith.index_cast %squeeze3A_467 : i32 to index
          %swap3A_502 = arith.constant 80 : index
          %swap3A_503 = tpu.vector_load %arg12[%swap3A_501, %swap3A_502] {strides = array<i32>} : memref<200x256xf32, #tpu.memory_space<vmem>>, vector<16xf32>,
          tpu.vector_store %arg12[%swap3A_501, %swap3A_502], %get3A_500 {strides = array<i32>} : memref<200x256xf32, #tpu.memory_space<vmem>>, vector<16xf32>,
          %get3A_504 = arith.index_cast %while3A_461 : i32 to index
          %get3A_505 = arith.constant 96 : index
          %get3A_506 = tpu.vector_load %arg10[%get3A_504, %get3A_505] {strides = array<i32>} : memref<16x384xf32, #tpu.memory_space<vmem>>, vector<16xf32>,
          %swap3A_507 = arith.index_cast %squeeze3A_467 : i32 to index
          %swap3A_508 = arith.constant 96 : index
          %swap3A_509 = tpu.vector_load %arg12[%swap3A_507, %swap3A_508] {strides = array<i32>} : memref<200x256xf32, #tpu.memory_space<vmem>>, vector<16xf32>,
          tpu.vector_store %arg12[%swap3A_507, %swap3A_508], %get3A_506 {strides = array<i32>} : memref<200x256xf32, #tpu.memory_space<vmem>>, vector<16xf32>,
          %get3A_510 = arith.index_cast %while3A_461 : i32 to index
          %get3A_511 = arith.constant 112 : index
          %get3A_512 = tpu.vector_load %arg10[%get3A_510, %get3A_511] {strides = array<i32>} : memref<16x384xf32, #tpu.memory_space<vmem>>, vector<16xf32>,
          %swap3A_513 = arith.index_cast %squeeze3A_467 : i32 to index
          %swap3A_514 = arith.constant 112 : index
          %swap3A_515 = tpu.vector_load %arg12[%swap3A_513, %swap3A_514] {strides = array<i32>} : memref<200x256xf32, #tpu.memory_space<vmem>>, vector<16xf32>,
          tpu.vector_store %arg12[%swap3A_513, %swap3A_514], %get3A_512 {strides = array<i32>} : memref<200x256xf32, #tpu.memory_space<vmem>>, vector<16xf32>,
          %get3A_516 = arith.index_cast %while3A_461 : i32 to index
          %get3A_517 = arith.constant 128 : index
          %get3A_518 = tpu.vector_load %arg10[%get3A_516, %get3A_517] {strides = array<i32>} : memref<16x384xf32, #tpu.memory_space<vmem>>, vector<16xf32>,
          %swap3A_519 = arith.index_cast %squeeze3A_467 : i32 to index
          %swap3A_520 = arith.constant 128 : index
          %swap3A_521 = tpu.vector_load %arg12[%swap3A_519, %swap3A_520] {strides = array<i32>} : memref<200x256xf32, #tpu.memory_space<vmem>>, vector<16xf32>,
          tpu.vector_store %arg12[%swap3A_519, %swap3A_520], %get3A_518 {strides = array<i32>} : memref<200x256xf32, #tpu.memory_space<vmem>>, vector<16xf32>,
          %get3A_522 = arith.index_cast %while3A_461 : i32 to index
          %get3A_523 = arith.constant 144 : index
          %get3A_524 = tpu.vector_load %arg10[%get3A_522, %get3A_523] {strides = array<i32>} : memref<16x384xf32, #tpu.memory_space<vmem>>, vector<16xf32>,
          %swap3A_525 = arith.index_cast %squeeze3A_467 : i32 to index
          %swap3A_526 = arith.constant 144 : index
          %swap3A_527 = tpu.vector_load %arg12[%swap3A_525, %swap3A_526] {strides = array<i32>} : memref<200x256xf32, #tpu.memory_space<vmem>>, vector<16xf32>,
          tpu.vector_store %arg12[%swap3A_525, %swap3A_526], %get3A_524 {strides = array<i32>} : memref<200x256xf32, #tpu.memory_space<vmem>>, vector<16xf32>,
          %get3A_528 = arith.index_cast %while3A_461 : i32 to index
          %get3A_529 = arith.constant 160 : index
          %get3A_530 = tpu.vector_load %arg10[%get3A_528, %get3A_529] {strides = array<i32>} : memref<16x384xf32, #tpu.memory_space<vmem>>, vector<16xf32>,
          %swap3A_531 = arith.index_cast %squeeze3A_467 : i32 to index
          %swap3A_532 = arith.constant 160 : index
          %swap3A_533 = tpu.vector_load %arg12[%swap3A_531, %swap3A_532] {strides = array<i32>} : memref<200x256xf32, #tpu.memory_space<vmem>>, vector<16xf32>,
          tpu.vector_store %arg12[%swap3A_531, %swap3A_532], %get3A_530 {strides = array<i32>} : memref<200x256xf32, #tpu.memory_space<vmem>>, vector<16xf32>,
          %get3A_534 = arith.index_cast %while3A_461 : i32 to index
          %get3A_535 = arith.constant 176 : index
          %get3A_536 = tpu.vector_load %arg10[%get3A_534, %get3A_535] {strides = array<i32>} : memref<16x384xf32, #tpu.memory_space<vmem>>, vector<16xf32>,
          %swap3A_537 = arith.index_cast %squeeze3A_467 : i32 to index
          %swap3A_538 = arith.constant 176 : index
          %swap3A_539 = tpu.vector_load %arg12[%swap3A_537, %swap3A_538] {strides = array<i32>} : memref<200x256xf32, #tpu.memory_space<vmem>>, vector<16xf32>,
          tpu.vector_store %arg12[%swap3A_537, %swap3A_538], %get3A_536 {strides = array<i32>} : memref<200x256xf32, #tpu.memory_space<vmem>>, vector<16xf32>,
          %get3A_540 = arith.index_cast %while3A_461 : i32 to index
          %get3A_541 = arith.constant 192 : index
          %get3A_542 = tpu.vector_load %arg10[%get3A_540, %get3A_541] {strides = array<i32>} : memref<16x384xf32, #tpu.memory_space<vmem>>, vector<16xf32>,
          %swap3A_543 = arith.index_cast %squeeze3A_467 : i32 to index
          %swap3A_544 = arith.constant 192 : index
          %swap3A_545 = tpu.vector_load %arg12[%swap3A_543, %swap3A_544] {strides = array<i32>} : memref<200x256xf32, #tpu.memory_space<vmem>>, vector<16xf32>,
          tpu.vector_store %arg12[%swap3A_543, %swap3A_544], %get3A_542 {strides = array<i32>} : memref<200x256xf32, #tpu.memory_space<vmem>>, vector<16xf32>,
          %get3A_546 = arith.index_cast %while3A_461 : i32 to index
          %get3A_547 = arith.constant 208 : index
          %get3A_548 = tpu.vector_load %arg10[%get3A_546, %get3A_547] {strides = array<i32>} : memref<16x384xf32, #tpu.memory_space<vmem>>, vector<16xf32>,
          %swap3A_549 = arith.index_cast %squeeze3A_467 : i32 to index
          %swap3A_550 = arith.constant 208 : index
          %swap3A_551 = tpu.vector_load %arg12[%swap3A_549, %swap3A_550] {strides = array<i32>} : memref<200x256xf32, #tpu.memory_space<vmem>>, vector<16xf32>,
          tpu.vector_store %arg12[%swap3A_549, %swap3A_550], %get3A_548 {strides = array<i32>} : memref<200x256xf32, #tpu.memory_space<vmem>>, vector<16xf32>,
          %get3A_552 = arith.index_cast %while3A_461 : i32 to index
          %get3A_553 = arith.constant 224 : index
          %get3A_554 = tpu.vector_load %arg10[%get3A_552, %get3A_553] {strides = array<i32>} : memref<16x384xf32, #tpu.memory_space<vmem>>, vector<16xf32>,
          %swap3A_555 = arith.index_cast %squeeze3A_467 : i32 to index
          %swap3A_556 = arith.constant 224 : index
          %swap3A_557 = tpu.vector_load %arg12[%swap3A_555, %swap3A_556] {strides = array<i32>} : memref<200x256xf32, #tpu.memory_space<vmem>>, vector<16xf32>,
          tpu.vector_store %arg12[%swap3A_555, %swap3A_556], %get3A_554 {strides = array<i32>} : memref<200x256xf32, #tpu.memory_space<vmem>>, vector<16xf32>,
          %get3A_558 = arith.index_cast %while3A_461 : i32 to index
          %get3A_559 = arith.constant 240 : index
          %get3A_560 = tpu.vector_load %arg10[%get3A_558, %get3A_559] {strides = array<i32>} : memref<16x384xf32, #tpu.memory_space<vmem>>, vector<16xf32>,
          %swap3A_561 = arith.index_cast %squeeze3A_467 : i32 to index
          %swap3A_562 = arith.constant 240 : index
          %swap3A_563 = tpu.vector_load %arg12[%swap3A_561, %swap3A_562] {strides = array<i32>} : memref<200x256xf32, #tpu.memory_space<vmem>>, vector<16xf32>,
          tpu.vector_store %arg12[%swap3A_561, %swap3A_562], %get3A_560 {strides = array<i32>} : memref<200x256xf32, #tpu.memory_space<vmem>>, vector<16xf32>,
          %get3A_564 = arith.index_cast %while3A_461 : i32 to index
          %get3A_565 = arith.constant 256 : index
          %get3A_566 = tpu.vector_load %arg10[%get3A_564, %get3A_565] {strides = array<i32>} : memref<16x384xf32, #tpu.memory_space<vmem>>, vector<16xf32>,
          %mul3A_567 = arith.constant 8 : i32
          %mul3A_568 = arith.muli %squeeze3A_467, %mul3A_567 : i32
          %add3A_569 = vector.broadcast %mul3A_568 : i32 to vector<16xi32>
          %add3A_570 = arith.addi %add3A_569, %iota3A : vector<16xi32>
          %lt3A_571 = arith.constant 8 : i32
          %lt3A_572 = vector.broadcast %lt3A_571 : i32 to vector<16xi32>
          %lt3A_573 = arith.cmpi slt, %iota3A, %lt3A_572 : vector<16xi32>
          tpu.vector_store_idx %arg14[%add3A_570], %get3A_566 masked %lt3A_573 : memref<1600xf32, #tpu.memory_space<vmem>>[vector<16xi32>], vector<16xf32>, vector<16xi1>
          %while3A_574 = arith.constant 0 : i32
          scf.yield %while3A_574 : i32
        }
        %while3A_460 = arith.constant 0 : i32
        scf.yield %while3A_460 : i32
      }
      %min3A_344 = arith.constant 256 : i32
      %min3A_345 = arith.minsi %while3A_238, %min3A_344 : i32
      %add3A_346 = arith.constant 15 : i32
      %add3A_347 = arith.addi %min3A_345, %add3A_346 : i32
      %jit3A_348 = arith.constant 16 : i32
      %div3A_349 = arith.divsi %add3A_347, %jit3A_348 : i32
      %sign3A_350 = arith.constant 0 : i32
      %sign3A_351 = arith.cmpi sgt, %add3A_347, %sign3A_350 : i32
      %sign3A_352 = arith.extui %sign3A_351 : i1 to i32
      %sign3A_353 = arith.constant 0 : i32
      %sign3A_354 = arith.cmpi slt, %add3A_347, %sign3A_353 : i32
      %sign3A_355 = arith.extui %sign3A_354 : i1 to i32
      %sign3A_356 = arith.subi %sign3A_352, %sign3A_355 : i32
      %sign3A_357 = arith.constant 0 : i32
      %sign3A_358 = arith.cmpi sgt, %jit3A_348, %sign3A_357 : i32
      %sign3A_359 = arith.extui %sign3A_358 : i1 to i32
      %sign3A_360 = arith.constant 0 : i32
      %sign3A_361 = arith.cmpi slt, %jit3A_348, %sign3A_360 : i32
      %sign3A_362 = arith.extui %sign3A_361 : i1 to i32
      %sign3A_363 = arith.subi %sign3A_359, %sign3A_362 : i32
      %ne3A_364 = arith.cmpi ne, %sign3A_356, %sign3A_363 : i32
      %rem3A_365 = arith.remsi %add3A_347, %jit3A_348 : i32
      %ne3A_366 = arith.constant 0 : i32
      %ne3A_367 = arith.cmpi ne, %rem3A_365, %ne3A_366 : i32
      %and3A_368 = arith.andi %ne3A_364, %ne3A_367 : i1
      %sub3A_369 = arith.constant 1 : i32
      %sub3A_370 = arith.subi %div3A_349, %sub3A_369 : i32
      %select_n3A_371 = arith.select %and3A_368, %sub3A_370, %div3A_349 : i32
      %while3A_372 = arith.constant 0 : i32
      %while3A_373 = arith.constant 0 : i32
      %while3A_374 = arith.subi %select_n3A_371, %while3A_372 : i32
      %while3A_375 = arith.addi %while3A_372, %while3A_374 : i32
      %while3A_376 = arith.constant 1 : i32
      %while3A_377 = arith.divsi %while3A_374, %while3A_376 : i32
      %while3A_378 = arith.muli %while3A_377, %while3A_376 : i32
      %while3A_379 = arith.addi %while3A_372, %while3A_378 : i32
      %while3A_380 = arith.constant 1 : i32
      %while3A_381 = scf.for %while3A_396 = %while3A_372 to %while3A_379 step %while3A_380 iter_args(%while3A_397 = %while3A_373) -> (i32)  : i32 {
        %mul3A_398 = arith.constant 16 : i32
        %mul3A_399 = arith.muli %while3A_396, %mul3A_398 : i32
        %get3A_400 = arith.index_cast %mul3A_399 : i32 to index
        %get3A_401 = tpu.vector_load %arg9[%get3A_400] {strides = array<i32>} : memref<4112xi32, #tpu.memory_space<vmem>>, vector<16xi32>,
        %mul3A_402 = arith.constant 16 : i32
        %mul3A_403 = arith.muli %while3A_396, %mul3A_402 : i32
        %swap3A_404 = arith.index_cast %mul3A_403 : i32 to index
        %swap3A_405 = tpu.vector_load %arg16[%swap3A_404] {strides = array<i32>} : memref<272xi32, #tpu.memory_space<vmem>>, vector<16xi32>,
        tpu.vector_store %arg16[%swap3A_404], %get3A_401 {strides = array<i32>} : memref<272xi32, #tpu.memory_space<vmem>>, vector<16xi32>,
        %while3A_406 = arith.constant 0 : i32
        scf.yield %while3A_406 : i32
      }
      %while3A_382 = arith.constant 1 : i32
      %while3A_383 = scf.for %while3A_396 = %while3A_379 to %while3A_375 step %while3A_382 iter_args(%while3A_397 = %while3A_381) -> (i32)  : i32 {
        %mul3A_398 = arith.constant 16 : i32
        %mul3A_399 = arith.muli %while3A_396, %mul3A_398 : i32
        %get3A_400 = arith.index_cast %mul3A_399 : i32 to index
        %get3A_401 = tpu.vector_load %arg9[%get3A_400] {strides = array<i32>} : memref<4112xi32, #tpu.memory_space<vmem>>, vector<16xi32>,
        %mul3A_402 = arith.constant 16 : i32
        %mul3A_403 = arith.muli %while3A_396, %mul3A_402 : i32
        %swap3A_404 = arith.index_cast %mul3A_403 : i32 to index
        %swap3A_405 = tpu.vector_load %arg16[%swap3A_404] {strides = array<i32>} : memref<272xi32, #tpu.memory_space<vmem>>, vector<16xi32>,
        tpu.vector_store %arg16[%swap3A_404], %get3A_401 {strides = array<i32>} : memref<272xi32, #tpu.memory_space<vmem>>, vector<16xi32>,
        %while3A_406 = arith.constant 0 : i32
        scf.yield %while3A_406 : i32
      }
      %mul3A_384 = arith.constant 0 : i32
      %mul3A_385 = vector.broadcast %mul3A_384 : i32 to vector<16xi32>
      %mul3A_386 = arith.muli %iota3A, %mul3A_385 : vector<16xi32>
      %add3A_387 = vector.broadcast %while3A_238 : i32 to vector<16xi32>
      %add3A_388 = arith.addi %add3A_387, %mul3A_386 : vector<16xi32>
      %swap3A_389 = arith.constant 0 : index
      %swap3A_390 = tpu.vector_load %arg18[%swap3A_389] {strides = array<i32>} : memref<16xi32, #tpu.memory_space<vmem>>, vector<16xi32>,
      tpu.vector_store %arg18[%swap3A_389], %add3A_388 {strides = array<i32>} : memref<16xi32, #tpu.memory_space<vmem>>, vector<16xi32>,
      %lt3A_391 = arith.cmpi slt, %add3A_223, %select_n3A : i32
      %convert_element_type3A_392 = arith.extui %lt3A_391 : i1 to i32
      %cond3A_393 = arith.constant 0 : i32
      %cond3A_394 = arith.cmpi ne, %convert_element_type3A_392, %cond3A_393 : i32
      scf.if %cond3A_394 {
        %mul3A_396 = arith.constant 200 : i32
        %mul3A_397 = arith.muli %add3A_226, %mul3A_396 : i32
        %dma_start3A = arith.constant 0 : i32
        %dma_start3A_398 = tpu.memref_slice %arg4[%mul3A_397, %dma_start3A] : memref<100000x256xf32, #tpu.memory_space<hbm>> -> memref<200x256xf32, #tpu.memory_space<hbm>>
        %dma_start3A_399 = arith.constant 0 : i32
        %dma_start3A_400 = tpu.memref_slice %arg4[%mul3A_397, %dma_start3A_399] : memref<100000x256xf32, #tpu.memory_space<hbm>> -> memref<200x256xf32, #tpu.memory_space<hbm>>
        tpu.enqueue_dma source(%arg12 : memref<200x256xf32, #tpu.memory_space<vmem>>) target(%dma_start3A_400 : memref<200x256xf32, #tpu.memory_space<hbm>>) target_semaphore(%arg21 : memref<!tpu.dma_semaphore, #tpu.memory_space<semaphore_mem>>)
        %mul3A_401 = arith.constant 200 : i32
        %mul3A_402 = arith.muli %add3A_226, %mul3A_401 : i32
        %mul3A_403 = arith.constant 8 : i32
        %mul3A_404 = arith.muli %mul3A_402, %mul3A_403 : i32
        %dma_start3A_405 = arith.constant 0 : i32
        %dma_start3A_406 = tpu.memref_slice %arg14[%dma_start3A_405] : memref<1600xf32, #tpu.memory_space<vmem>> -> memref<1600xf32, #tpu.memory_space<vmem>>
        %dma_start3A_407 = tpu.memref_slice %arg5[%mul3A_404] : memref<800000xf32, #tpu.memory_space<hbm>> -> memref<1600xf32, #tpu.memory_space<hbm>>
        %dma_start3A_408 = tpu.memref_slice %arg5[%mul3A_404] : memref<800000xf32, #tpu.memory_space<hbm>> -> memref<1600xf32, #tpu.memory_space<hbm>>
        %dma_start3A_409 = arith.constant 0 : i32
        %dma_start3A_410 = tpu.memref_slice %arg14[%dma_start3A_409] : memref<1600xf32, #tpu.memory_space<vmem>> -> memref<1600xf32, #tpu.memory_space<vmem>>
        tpu.enqueue_dma source(%dma_start3A_410 : memref<1600xf32, #tpu.memory_space<vmem>>) target(%dma_start3A_408 : memref<1600xf32, #tpu.memory_space<hbm>>) target_semaphore(%arg21 : memref<!tpu.dma_semaphore, #tpu.memory_space<semaphore_mem>>)
      } else {
      }
      %scan3A_395 = arith.constant 0 : i32
      scf.yield %scan3A_395 : i32
    }
    %scan3A_54 = arith.constant 9 : i32
    return
  }
}

module attributes {stable_mosaic.version = 14 : i64} {
  func.func @_mlp_body(%arg0: i32, %arg1: memref<512x256xf32, #tpu.memory_space<vmem>>, %arg2: memref<512x256xf32, #tpu.memory_space<vmem>>, %arg3: memref<256x256xf32, #tpu.memory_space<vmem>>, %arg4: memref<256x256xf32, #tpu.memory_space<vmem>>, %arg5: memref<1x256xf32, #tpu.memory_space<vmem>>, %arg6: memref<256x256xf32, #tpu.memory_space<vmem>>, %arg7: memref<1x256xf32, #tpu.memory_space<vmem>>, %arg8: memref<256x128xf32, #tpu.memory_space<vmem>>, %arg9: memref<1x128xf32, #tpu.memory_space<vmem>>, %arg10: memref<128x64xf32, #tpu.memory_space<vmem>>, %arg11: memref<1x64xf32, #tpu.memory_space<vmem>>, %arg12: memref<64x8xf32, #tpu.memory_space<vmem>>, %arg13: memref<1x8xf32, #tpu.memory_space<vmem>>, %arg14: memref<512x384xf32, #tpu.memory_space<vmem>>) attributes {dimension_semantics = [#tpu.dimension_semantics<arbitrary>], iteration_bounds = array<i64: 8>, scalar_prefetch = 0 : i64, scratch_operands = 0 : i64, tpu.core_type = #tpu.core_type<tc>, window_params = [{transform_indices = @transform_0, window_bounds = array<i64: 512, 256>}, {transform_indices = @transform_1, window_bounds = array<i64: 512, 256>}, {pipeline_mode = #tpu.pipeline_mode<synchronous>, transform_indices = @transform_2, window_bounds = array<i64: 256, 256>}, {pipeline_mode = #tpu.pipeline_mode<synchronous>, transform_indices = @transform_3, window_bounds = array<i64: 256, 256>}, {pipeline_mode = #tpu.pipeline_mode<synchronous>, transform_indices = @transform_4, window_bounds = array<i64: 1, 256>}, {pipeline_mode = #tpu.pipeline_mode<synchronous>, transform_indices = @transform_5, window_bounds = array<i64: 256, 256>}, {pipeline_mode = #tpu.pipeline_mode<synchronous>, transform_indices = @transform_6, window_bounds = array<i64: 1, 256>}, {pipeline_mode = #tpu.pipeline_mode<synchronous>, transform_indices = @transform_7, window_bounds = array<i64: 256, 128>}, {pipeline_mode = #tpu.pipeline_mode<synchronous>, transform_indices = @transform_8, window_bounds = array<i64: 1, 128>}, {pipeline_mode = #tpu.pipeline_mode<synchronous>, transform_indices = @transform_9, window_bounds = array<i64: 128, 64>}, {pipeline_mode = #tpu.pipeline_mode<synchronous>, transform_indices = @transform_10, window_bounds = array<i64: 1, 64>}, {pipeline_mode = #tpu.pipeline_mode<synchronous>, transform_indices = @transform_11, window_bounds = array<i64: 64, 8>}, {pipeline_mode = #tpu.pipeline_mode<synchronous>, transform_indices = @transform_12, window_bounds = array<i64: 1, 8>}, {transform_indices = @transform_13, window_bounds = array<i64: 512, 384>}]} {
    %get3A = arith.constant 0 : index
    %get3A_0 = arith.constant 0 : index
    %get3A_1 = vector.load %arg1[%get3A, %get3A_0] : memref<512x256xf32, #tpu.memory_space<vmem>>, vector<512x256xf32>
    %get3A_2 = arith.constant 0 : index
    %get3A_3 = arith.constant 0 : index
    %get3A_4 = vector.load %arg2[%get3A_2, %get3A_3] : memref<512x256xf32, #tpu.memory_space<vmem>>, vector<512x256xf32>
    %get3A_5 = arith.constant 0 : index
    %get3A_6 = arith.constant 0 : index
    %get3A_7 = vector.load %arg3[%get3A_5, %get3A_6] : memref<256x256xf32, #tpu.memory_space<vmem>>, vector<256x256xf32>
    %dot_general3A = arith.constant dense<0.000000e+00> : vector<512x256xf32>
    %dot_general3A_8 = tpu.matmul %get3A_1, %get3A_7, %dot_general3A {dimension_numbers = #tpu.dot_dimension_numbers<[1], [0], [0], [1], [0, 0, 1, 1], [], []>, transpose_lhs_hint = false} : vector<512x256xf32>, vector<256x256xf32>, vector<512x256xf32> -> vector<512x256xf32>
    %get3A_9 = arith.constant 0 : index
    %get3A_10 = arith.constant 0 : index
    %get3A_11 = vector.load %arg4[%get3A_9, %get3A_10] : memref<256x256xf32, #tpu.memory_space<vmem>>, vector<256x256xf32>
    %dot_general3A_12 = arith.constant dense<0.000000e+00> : vector<512x256xf32>
    %dot_general3A_13 = tpu.matmul %get3A_4, %get3A_11, %dot_general3A_12 {dimension_numbers = #tpu.dot_dimension_numbers<[1], [0], [0], [1], [0, 0, 1, 1], [], []>, transpose_lhs_hint = false} : vector<512x256xf32>, vector<256x256xf32>, vector<512x256xf32> -> vector<512x256xf32>
    %add3A = arith.addf %dot_general3A_8, %dot_general3A_13 : vector<512x256xf32>
    %get3A_14 = arith.constant 0 : index
    %get3A_15 = arith.constant 0 : index
    %get3A_16 = vector.load %arg5[%get3A_14, %get3A_15] : memref<1x256xf32, #tpu.memory_space<vmem>>, vector<1x256xf32>
    %add3A_17 = vector.broadcast %get3A_16 : vector<1x256xf32> to vector<512x256xf32>
    %add3A_18 = arith.addf %add3A, %add3A_17 : vector<512x256xf32>
    %max3A = arith.constant 0.000000e+00 : f32
    %max3A_19 = vector.broadcast %max3A : f32 to vector<512x256xf32>
    %max3A_20 = arith.maximumf %add3A_18, %max3A_19 : vector<512x256xf32>
    %get3A_21 = arith.constant 0 : index
    %get3A_22 = arith.constant 0 : index
    %get3A_23 = vector.load %arg6[%get3A_21, %get3A_22] : memref<256x256xf32, #tpu.memory_space<vmem>>, vector<256x256xf32>
    %dot_general3A_24 = arith.constant dense<0.000000e+00> : vector<512x256xf32>
    %dot_general3A_25 = tpu.matmul %max3A_20, %get3A_23, %dot_general3A_24 {dimension_numbers = #tpu.dot_dimension_numbers<[1], [0], [0], [1], [0, 0, 1, 1], [], []>, transpose_lhs_hint = false} : vector<512x256xf32>, vector<256x256xf32>, vector<512x256xf32> -> vector<512x256xf32>
    %get3A_26 = arith.constant 0 : index
    %get3A_27 = arith.constant 0 : index
    %get3A_28 = vector.load %arg7[%get3A_26, %get3A_27] : memref<1x256xf32, #tpu.memory_space<vmem>>, vector<1x256xf32>
    %add3A_29 = vector.broadcast %get3A_28 : vector<1x256xf32> to vector<512x256xf32>
    %add3A_30 = arith.addf %dot_general3A_25, %add3A_29 : vector<512x256xf32>
    %get3A_31 = arith.constant 0 : index
    %get3A_32 = arith.constant 0 : index
    %get3A_33 = vector.load %arg8[%get3A_31, %get3A_32] : memref<256x128xf32, #tpu.memory_space<vmem>>, vector<256x128xf32>
    %dot_general3A_34 = arith.constant dense<0.000000e+00> : vector<512x128xf32>
    %dot_general3A_35 = tpu.matmul %get3A_1, %get3A_33, %dot_general3A_34 {dimension_numbers = #tpu.dot_dimension_numbers<[1], [0], [0], [1], [0, 0, 1, 1], [], []>, transpose_lhs_hint = false} : vector<512x256xf32>, vector<256x128xf32>, vector<512x128xf32> -> vector<512x128xf32>
    %get3A_36 = arith.constant 0 : index
    %get3A_37 = arith.constant 0 : index
    %get3A_38 = vector.load %arg9[%get3A_36, %get3A_37] : memref<1x128xf32, #tpu.memory_space<vmem>>, vector<1x128xf32>
    %add3A_39 = vector.broadcast %get3A_38 : vector<1x128xf32> to vector<512x128xf32>
    %add3A_40 = arith.addf %dot_general3A_35, %add3A_39 : vector<512x128xf32>
    %max3A_41 = arith.constant 0.000000e+00 : f32
    %max3A_42 = vector.broadcast %max3A_41 : f32 to vector<512x128xf32>
    %max3A_43 = arith.maximumf %add3A_40, %max3A_42 : vector<512x128xf32>
    %get3A_44 = arith.constant 0 : index
    %get3A_45 = arith.constant 0 : index
    %get3A_46 = vector.load %arg10[%get3A_44, %get3A_45] : memref<128x64xf32, #tpu.memory_space<vmem>>, vector<128x64xf32>
    %dot_general3A_47 = arith.constant dense<0.000000e+00> : vector<512x64xf32>
    %dot_general3A_48 = tpu.matmul %max3A_43, %get3A_46, %dot_general3A_47 {dimension_numbers = #tpu.dot_dimension_numbers<[1], [0], [0], [1], [0, 0, 1, 1], [], []>, transpose_lhs_hint = false} : vector<512x128xf32>, vector<128x64xf32>, vector<512x64xf32> -> vector<512x64xf32>
    %get3A_49 = arith.constant 0 : index
    %get3A_50 = arith.constant 0 : index
    %get3A_51 = vector.load %arg11[%get3A_49, %get3A_50] : memref<1x64xf32, #tpu.memory_space<vmem>>, vector<1x64xf32>
    %add3A_52 = vector.broadcast %get3A_51 : vector<1x64xf32> to vector<512x64xf32>
    %add3A_53 = arith.addf %dot_general3A_48, %add3A_52 : vector<512x64xf32>
    %max3A_54 = arith.constant 0.000000e+00 : f32
    %max3A_55 = vector.broadcast %max3A_54 : f32 to vector<512x64xf32>
    %max3A_56 = arith.maximumf %add3A_53, %max3A_55 : vector<512x64xf32>
    %get3A_57 = arith.constant 0 : index
    %get3A_58 = arith.constant 0 : index
    %get3A_59 = vector.load %arg12[%get3A_57, %get3A_58] : memref<64x8xf32, #tpu.memory_space<vmem>>, vector<64x8xf32>
    %dot_general3A_60 = arith.constant dense<0.000000e+00> : vector<512x8xf32>
    %dot_general3A_61 = tpu.matmul %max3A_56, %get3A_59, %dot_general3A_60 {dimension_numbers = #tpu.dot_dimension_numbers<[1], [0], [0], [1], [0, 0, 1, 1], [], []>, transpose_lhs_hint = false} : vector<512x64xf32>, vector<64x8xf32>, vector<512x8xf32> -> vector<512x8xf32>
    %get3A_62 = arith.constant 0 : index
    %get3A_63 = arith.constant 0 : index
    %get3A_64 = vector.load %arg13[%get3A_62, %get3A_63] : memref<1x8xf32, #tpu.memory_space<vmem>>, vector<1x8xf32>
    %add3A_65 = vector.broadcast %get3A_64 : vector<1x8xf32> to vector<512x8xf32>
    %add3A_66 = arith.addf %dot_general3A_61, %add3A_65 : vector<512x8xf32>
    %broadcast_in_dim3A = arith.constant 0.000000e+00 : f32
    %broadcast_in_dim3A_67 = vector.broadcast %broadcast_in_dim3A : f32 to vector<512x120xf32>
    %concatenate3A = tpu.concatenate %add3A_30, %add3A_66, %broadcast_in_dim3A_67 in 1 : vector<512x256xf32>, vector<512x8xf32>, vector<512x120xf32> -> vector<512x384xf32>
    %swap3A = arith.constant 0 : index
    %swap3A_68 = arith.constant 0 : index
    %swap3A_69 = vector.load %arg14[%swap3A, %swap3A_68] : memref<512x384xf32, #tpu.memory_space<vmem>>, vector<512x384xf32>
    tpu.vector_store %arg14[%swap3A, %swap3A_68], %concatenate3A {strides = array<i32>} : memref<512x384xf32, #tpu.memory_space<vmem>>, vector<512x384xf32>,
    return
  }
  func.func @transform_0(%arg0: i32) -> (i32, i32) {
    %c0_i32 = arith.constant 0 : i32
    %c0_i32_0 = arith.constant 0 : i32
    return %arg0, %c0_i32 : i32, i32
  }
  func.func @transform_1(%arg0: i32) -> (i32, i32) {
    %c0_i32 = arith.constant 0 : i32
    %c0_i32_0 = arith.constant 0 : i32
    return %arg0, %c0_i32 : i32, i32
  }
  func.func @transform_2(%arg0: i32) -> (i32, i32) {
    %c0_i32 = arith.constant 0 : i32
    %c0_i32_0 = arith.constant 0 : i32
    %c0_i32_1 = arith.constant 0 : i32
    return %c0_i32, %c0_i32_0 : i32, i32
  }
  func.func @transform_3(%arg0: i32) -> (i32, i32) {
    %c0_i32 = arith.constant 0 : i32
    %c0_i32_0 = arith.constant 0 : i32
    %c0_i32_1 = arith.constant 0 : i32
    return %c0_i32, %c0_i32_0 : i32, i32
  }
  func.func @transform_4(%arg0: i32) -> (i32, i32) {
    %c0_i32 = arith.constant 0 : i32
    %c0_i32_0 = arith.constant 0 : i32
    %c0_i32_1 = arith.constant 0 : i32
    return %c0_i32, %c0_i32_0 : i32, i32
  }
  func.func @transform_5(%arg0: i32) -> (i32, i32) {
    %c0_i32 = arith.constant 0 : i32
    %c0_i32_0 = arith.constant 0 : i32
    %c0_i32_1 = arith.constant 0 : i32
    return %c0_i32, %c0_i32_0 : i32, i32
  }
  func.func @transform_6(%arg0: i32) -> (i32, i32) {
    %c0_i32 = arith.constant 0 : i32
    %c0_i32_0 = arith.constant 0 : i32
    %c0_i32_1 = arith.constant 0 : i32
    return %c0_i32, %c0_i32_0 : i32, i32
  }
  func.func @transform_7(%arg0: i32) -> (i32, i32) {
    %c0_i32 = arith.constant 0 : i32
    %c0_i32_0 = arith.constant 0 : i32
    %c0_i32_1 = arith.constant 0 : i32
    return %c0_i32, %c0_i32_0 : i32, i32
  }
  func.func @transform_8(%arg0: i32) -> (i32, i32) {
    %c0_i32 = arith.constant 0 : i32
    %c0_i32_0 = arith.constant 0 : i32
    %c0_i32_1 = arith.constant 0 : i32
    return %c0_i32, %c0_i32_0 : i32, i32
  }
  func.func @transform_9(%arg0: i32) -> (i32, i32) {
    %c0_i32 = arith.constant 0 : i32
    %c0_i32_0 = arith.constant 0 : i32
    %c0_i32_1 = arith.constant 0 : i32
    return %c0_i32, %c0_i32_0 : i32, i32
  }
  func.func @transform_10(%arg0: i32) -> (i32, i32) {
    %c0_i32 = arith.constant 0 : i32
    %c0_i32_0 = arith.constant 0 : i32
    %c0_i32_1 = arith.constant 0 : i32
    return %c0_i32, %c0_i32_0 : i32, i32
  }
  func.func @transform_11(%arg0: i32) -> (i32, i32) {
    %c0_i32 = arith.constant 0 : i32
    %c0_i32_0 = arith.constant 0 : i32
    %c0_i32_1 = arith.constant 0 : i32
    return %c0_i32, %c0_i32_0 : i32, i32
  }
  func.func @transform_12(%arg0: i32) -> (i32, i32) {
    %c0_i32 = arith.constant 0 : i32
    %c0_i32_0 = arith.constant 0 : i32
    %c0_i32_1 = arith.constant 0 : i32
    return %c0_i32, %c0_i32_0 : i32, i32
  }
  func.func @transform_13(%arg0: i32) -> (i32, i32) {
    %c0_i32 = arith.constant 0 : i32
    %c0_i32_0 = arith.constant 0 : i32
    return %arg0, %c0_i32 : i32, i32
  }
}

</mosaic_0001>

<sc_bundles>
// kernel: kernel.4.cloned.1.call-start
scs
__scs_entry_jumppad:
0x0: {  	(pc) =	sbr.rel $0x88, $3  }
0x1: {  	(tag) =	ssettag $0x0;
	lr =	simm.s32 $0x1  }
0x2: {  	[smem:$0x3F94] =	sst lr;
	_ =	strace $0xD0000000  }
0x3: {  	_ = 	snop  }
0x4: {  	_ = 	snop  }
0x5: {  	_ = 	snop  }
0x6: {  	_ = 	snop  }
0x7: {  	_ = 	snop  }
__scs_overlays_trampoline_lowered:
0x8: {  	[smem:$0x3FA3] =	sst s0  }
0x9: {  	[smem:$0x3FA4] =	sst s1  }
0xa: {  	[smem:$0x3FA5] =	sst s2  }
0xb: {  	[smem:$0x3FA6] =	sst s3  }
0xc: {  	[smem:$0x3FA7] =	sst s4  }
0xd: {  	[smem:$0x3FA8] =	sst s5  }
0xe: {  	[smem:$0x3FA9] =	sst s6  }
0xf: {  	[smem:$0x3FAA] =	sst s7  }
0x10: {  	[smem:$0x3FAB] =	sst s8  }
0x11: {  	[smem:$0x3FAC] =	sst s9;
	s0 =	simm.s32 @!p0 $0x0  }
0x12: {  	s1 =	sld [smem:$0x3F92];
	s0 =	simm.s32 @p0 $0x1  }
0x13: {  	[smem:$0x3FAD] =	sst s0;
	s0 =	simm.s32 @!p1 $0x0  }
0x14: {  	s2 =	sld [smem:$0x3F91];
	s0 =	simm.s32 @p1 $0x1  }
0x15: {  	[smem:$0x3FAE] =	sst s0;
	s0 =	simm.s32 @!p2 $0x0  }
0x16: {  	s3 =	sld [smem:$0x3FDB];
	s0 =	simm.s32 @p2 $0x1  }
0x17: {  	s4 =	simm.s32 $0x1BF5;
	[smem:$0x3FB0] =	sst s0  }
0x18: {  	s0 =	sld [smem:$0x3F93];
	_ =	swait.ge [sflag:s4], $0x0  }
0x19: {  	s7 =	sld [smem:$0x3F94]  }
0x1a: {  	s8 =	sadd.s32 $0xFFFFE003, lr  }
0x1b: {  	s9 =	sadd.s32 $0xFFFFFEF7, lr;
	s5 =	simm.s32 $0xFFFFFFFF;
	p2 =	slt.u32 s8, $0xFFFFF086  }
0x1c: {  	p1 =	slt.u32 s9, $0xF7A;
	s5 =	simm.s32 @!p2 $0x0  }
0x1d: {  	s5 =	simm.s32 @p1 $0x1;
	p0 =	seq.s32 s7, s2  }
0x1e: {  	s7 =	smul.u32 @!p0 $0xF7A, s2;
	p2 =	seq.s32 @!p0 s5, $0x0  }
0x1f: {  	s9 =	smul.u32 $0xF7A, s1;
	s8 =	simm.s32 @!p0 $0x1BF5;
	p2 =	por !p2, p0  }
0x20: {  	[sflag:s8] =	ssyncset.s32 @!p0 $0xFFFFF086;
	s6 =	sadd.s32 @!p0 s3, s7;
	s7 =	simm.s32 @!p0 $0x108  }
0x21: {  	s3 =	sadd.s32 s3, s9;
	s6 =	sadd.s32 @!p0 $0x88, s6;
	s7 =	simm.s32 @p2 $0x1082  }
0x22: {  	[simem:s7], [sflag:s8] =	dma.local @!p0 [hbm:s6], $0xF7A  }
0x23: {  	s9 =	sor.u32 $0xD0000000, s2;
	s6 =	simm.s32 $0x108;
	_ =	swait.ge @!p0 [sflag:s8], $0x0  }
0x24: {  	s3 =	sadd.s32 $0x88, s3;
	s6 =	simm.s32 @!p1 $0x1082;
	[sflag:s4] =	ssyncset.s32 $0xFFFFF086  }
0x25: {  	[simem:s6], [sflag:s4] =	dma.local [hbm:s3], $0xF7A  }
0x26: {  	[smem:$0x3F94] =	sst s1;
	(tag) =	ssettag s2;
	_ =	strace s9  }
0x27: {  	s1 =	sld [smem:$0x3FA4]  }
0x28: {  	s2 =	sld [smem:$0x3FA5]  }
0x29: {  	s4 =	sld [smem:$0x3FA7]  }
0x2a: {  	p0 =	seq.s32 s5, $0x0;
	s5 =	sld [smem:$0x3FA8]  }
0x2b: {  	s6 =	sld [smem:$0x3FA9]  }
0x2c: {  	s7 =	sld [smem:$0x3FAA]  }
0x2d: {  	s3 =	simm.s32 $0x108;
	s8 =	sld [smem:$0x3FAB]  }
0x2e: {  	s3 =	simm.s32 @!p0 $0x1082;
	s9 =	sld [smem:$0x3FAC]  }
0x2f: {  	lr =	sadd.s32 s0, s3;
	s0 =	sld [smem:$0x3FA3]  }
0x30: {  	s3 =	sld [smem:$0x3FA6]  }
0x31: {  	[smem:$0x3FAF] =	sst s10  }
0x32: {  	s10 =	sld [smem:$0x3FAD];
	_ =	sdelay $0x3  }
0x33: {  	p0 =	seq.s32 s10, $0x1;
	s10 =	sld [smem:$0x3FAF];
	_ =	sdelay $0x3  }
0x34: {  	[smem:$0x3FAF] =	sst s10  }
0x35: {  	s10 =	sld [smem:$0x3FAE];
	_ =	sdelay $0x3  }
0x36: {  	p1 =	seq.s32 s10, $0x1;
	s10 =	sld [smem:$0x3FAF];
	_ =	sdelay $0x3  }
0x37: {  	[smem:$0x3FAF] =	sst s10  }
0x38: {  	s10 =	sld [smem:$0x3FB0]  }
0x39: {  	_ = 	snop;
	(pc) =	sbr.ind lr, $3  }
0x3a: {  	_ = 	snop  }
0x3b: {  	_ = 	snop  }
0x3c: {  	p2 =	seq.s32 s10, $0x1;
	s10 =	sld [smem:$0x3FAF]  }
0x3d: {  	_ =	shalt  }
0x3e: {  	_ =	shalt  }
0x3f: {  	_ =	shalt  }
0x40: {  	_ =	shalt  }
0x41: {  	_ =	shalt  }
0x42: {  	_ =	shalt  }
0x43: {  	_ =	shalt  }
0x44: {  	_ =	shalt  }
0x45: {  	_ =	shalt  }
0x46: {  	_ =	shalt  }
0x47: {  	_ =	shalt  }
0x48: {  	_ =	shalt  }
0x49: {  	_ =	shalt  }
0x4a: {  	_ =	shalt  }
0x4b: {  	_ =	shalt  }
0x4c: {  	_ =	shalt  }
0x4d: {  	_ =	shalt  }
0x4e: {  	_ =	shalt  }
0x4f: {  	_ =	shalt  }
0x50: {  	_ =	shalt  }
0x51: {  	_ =	shalt  }
0x52: {  	_ =	shalt  }
0x53: {  	_ =	shalt  }
0x54: {  	_ =	shalt  }
0x55: {  	_ =	shalt  }
0x56: {  	_ =	shalt  }
0x57: {  	_ =	shalt  }
0x58: {  	_ =	shalt  }
0x59: {  	_ =	shalt  }
0x5a: {  	_ =	shalt  }
0x5b: {  	_ =	shalt  }
0x5c: {  	_ =	shalt  }
0x5d: {  	_ =	shalt  }
0x5e: {  	_ =	shalt  }
0x5f: {  	_ =	shalt  }
0x60: {  	_ =	shalt  }
0x61: {  	_ =	shalt  }
0x62: {  	_ =	shalt  }
0x63: {  	_ =	shalt  }
0x64: {  	_ =	shalt  }
0x65: {  	_ =	shalt  }
0x66: {  	_ =	shalt  }
0x67: {  	_ =	shalt  }
0x68: {  	_ =	shalt  }
0x69: {  	_ =	shalt  }
0x6a: {  	_ =	shalt  }
0x6b: {  	_ =	shalt  }
0x6c: {  	_ =	shalt  }
0x6d: {  	_ =	shalt  }
0x6e: {  	_ =	shalt  }
0x6f: {  	_ =	shalt  }
0x70: {  	_ =	shalt  }
0x71: {  	_ =	shalt  }
0x72: {  	_ =	shalt  }
0x73: {  	_ =	shalt  }
0x74: {  	_ =	shalt  }
0x75: {  	_ =	shalt  }
0x76: {  	_ =	shalt  }
0x77: {  	_ =	shalt  }
0x78: {  	_ =	shalt  }
0x79: {  	_ =	shalt  }
0x7a: {  	_ =	shalt  }
0x7b: {  	_ =	shalt  }
0x7c: {  	_ =	shalt  }
0x7d: {  	_ =	shalt  }
0x7e: {  	_ =	shalt  }
0x7f: {  	_ =	shalt  }
0x80: {  	_ =	shalt  }
0x81: {  	_ =	shalt  }
0x82: {  	_ =	shalt  }
0x83: {  	_ =	shalt  }
0x84: {  	_ =	shalt  }
0x85: {  	_ =	shalt  }
0x86: {  	_ =	shalt  }
0x87: {  	_ =	shalt  }
.Lfunc_end0:
.L_simem_size_0:
called_computation_lowered:
.L_overlay_start_0:
0x88: {  	s2 =	sld [smem:$0x3FD9]  }
0x89: {  	s3 =	sld [smem:$0x3FFE];
	_ =	sdelay $0x1  }
0x8a: {  	s1 =	srdreg.scid  }
0x8b: {  	s0 =	sand.u32 $0x1, s1  }
0x8c: {  	s14 =	sshll.u32 s0, $0xA;
	s2 =	sadd.s32 s3, s2  }
0x8d: {  	s2 =	sadd.s32 s2, s14  }
0x8e: {  	[smem:$0x3FBB] =	sst s2  }
0x8f: {  	_ = 	snop  }
0x90: {  	s2 =	sld [smem:$0x3FD0];
	_ =	sdelay $0x2  }
0x91: {  	s4 =	simm.s32 $0xA;
	s5 =	simm.s32 $0x10;
	s15 =	sld [smem:$0x3FC7]  }
0x92: {  	[smem:s5], [sflag:s4] =	dma.local [hbm:s2], $0x1  }
0x93: {  	_ =	swait.eq [sflag:s4], $0x1  }
0x94: {  	[sflag:s4] =	ssyncset.done $0x0  }
0x95: {  	s16 =	sld [smem:$0x10];
	[sflag:s4] =	ssyncadd.s32 $0xFFFFFFFF  }
0x96: {  	s17 =	sld [smem:$0x11];
	(tm) =	ssettm $0x1  }
0x97: {  	s18 =	sld [smem:$0x3FFB];
	_ =	sdelay $0x3  }
0x98: {  	_ =	strace s18  }
0x99: {  	s5 =	sld [smem:$0x3FFC];
	_ =	sdelay $0x3  }
0x9a: {  	_ =	strace s5  }
0x9b: {  	s5 =	sld [smem:$0x3FFD];
	_ =	sdelay $0x3  }
0x9c: {  	_ =	strace s5  }
0x9d: {  	_ =	strace $0x8FFFFFFF  }
0x9e: {  	s19 =	sld [smem:$0x3FDB];
	_ =	sdelay $0x1  }
0x9f: {  	s6 =	simm.s32 $_scs_section_size  }
0xa0: {  	s7 =	simm.s32 $_size__tile_overlayer_lowered;
	s8 =	simm.s32 $_tile_overlayer_lowered  }
0xa1: {  	s22 =	simm.s32 $0x1BFF;
	s21 =	sshll.u32 s8, $0x1;
	s5 =	sadd.s32 s6, s19  }
0xa2: {  	s9 =	simm.s32 $0x0;
	s20 =	sshll.u32 s7, $0x1;
	s7 =	sadd.s32 s21, s5  }
0xa3: {  	[timem:s9], [sflag:s22] =	dma.local [hbm:s7], s20  }
0xa4: {  	_ =	swait.ge [sflag:s22], s20  }
0xa5: {  	s6 =	ssub.s32 $0x0, s20;
	[sflag:s22] =	ssyncset.done $0x0  }
0xa6: {  	[sflag:s22] =	ssyncadd.s32 s6;
	_ =	sdelay $0x1  }
0xa7: {  	s23 =	simm.s32 $0x1B8B  }
0xa8: {  	_ =	swait.ge [sflag:s23], $0x1  }
0xa9: {  	[sflag:s23] =	ssyncset.done $0x0  }
0xaa: {  	s25 =	simm.s32 $0x1B8E;
	s24 =	sld [smem:$0x3FFE];
	[sflag:s23] =	ssyncadd.s32 $0xFFFFFFFF  }
0xab: {  	s26 =	simm.s32 $execute0_lowered;
	[smem:$0x3FD2] =	sst s25  }
0xac: {  	s7 =	sshll.u32 s26, $0x1;
	_ =	strace $0x80000046;
	[dreg:$0x1] =	wrdreg $0xFFFFFFFF  }
0xad: {  	s28 =	simm.s32 $_size_execute0_lowered;
	s5 =	sadd.s32 s5, s7;
	[dreg:$0x0] =	wrdreg $0x0  }
0xae: {  	s7 =	sshll.u32 s28, $0x1;
	[dreg:$0x2] =	wrdreg s5  }
0xaf: {  	[dreg:$0x3] =	wrdreg s7  }
0xb0: {  	[dreg:$0x4] =	wrdreg $0xC0  }
0xb1: {  	_ =	task [dreg:s9], $0x5FFFF  }
0xb2: {  	[dreg:$0x1] =	wrdreg $0xFFFFFFFF  }
0xb3: {  	[dreg:$0x0] =	wrdreg $0x60  }
0xb4: {  	[dreg:$0x2] =	wrdreg s24  }
0xb5: {  	[dreg:$0x3] =	wrdreg s15  }
0xb6: {  	[dreg:$0x4] =	wrdreg s16  }
0xb7: {  	[dreg:$0x5] =	wrdreg s17  }
0xb8: {  	[dreg:$0x6] =	wrdreg $0x9  }
0xb9: {  	_ =	task.clear_ibuf [dreg:s9], $0x7FFFF;
	_ =	strace $0x90000046  }
0xba: {  	s29 =	simm.s32 $0x9;
	_ =	strace $0x80000048  }
0xbb: {  	_ =	swait.ge [sflag:s29], $0x1  }
0xbc: {  	[sflag:s29] =	ssyncadd.s32 $0xFFFFFFFF  }
0xbd: {  	_ =	strace $0x90000048  }
0xbe: {  	_ =	sfence  }
0xbf: {  	s30 =	sld [smem:$0x0];
	_ =	sdelay $0x2  }
0xc0: {  	s31 =	sshll.u32 s1, $0xD;
	s1 =	sshrl.u32 s1, $0x2  }
0xc1: {  	s3 =	sand.u32 $0x4000, s31;
	s1 =	sadd.s32 s1, s30  }
0xc2: {  	s0 =	sor.u32 s3, s0;
	s1 =	sshll.u32 s1, $0x11  }
0xc3: {  	s0 =	sor.u32 s1, s0  }
0xc4: {  	s0 =	sadd.s32 $0x8F2B, s0  }
0xc5: {  	[sflag:s0] =	ssyncadd.remote.s32 $0x1  }
0xc6: {  	_ =	sfence.sel $0xFFFF  }
0xc7: {  	[dreg:$0x0] =	wrdreg $0xFFFFFFFF;
	(pc) =	sbr.abs _section_cstart, $3  }
0xc8: {  	[dreg:$0x1] =	wrdreg $0xFFFFFFFF  }
0xc9: {  	_ =	task.clear_ibuf [dreg:s9], $0x2FFFF;
	_ =	strace $0x9FFFFFFF  }
0xca: {  	(tm) =	ssettm $0x7FFFFFFF  }
0xcb: {  	_ =	shalt  }
tec
execute0_lowered:
.L_overlay_start_1:
0x0: {  	(tag) =	ssettag $0x1  }
0x1: {  	s0 =	rddreg [dreg:$0x0]  }
0x2: {  	s1 =	srdreg.scid;
	s3 =	stileid.u32;
	v3 =	vimm.s32 $0xECA86420  }
0x3: {  	s6 =	simm.s32 $0x0;
	v1 =	vimm.s32 $0x0;
	v2 =	vimm.s32 $0x101;
	vm1 =	vcmask $0xB08;
	s15 =	simm.s32 $0x10;
	s31 =	simm.s32 $0x1000  }
0x4: {  	vm2 =	vcmask $0x1310;
	vm11 =	vcmask $0x1B18;
	vm4 =	vcmask $0x300;
	s13 =	simm.s32 $0x1;
	s16 =	simm.s32 $0x1E980;
	s17 =	simm.s32 $0x1F000  }
0x5: {  	vm5 =	vcmask $0x2320;
	vm6 =	vcmask $0x2B28;
	vm7 =	vcmask $0x3330;
	s1 =	sand.u32 $0x1, s1;
	s2 =	sshll.u32 s3, $0x1;
	[smem:$0x7FF] =	sst s6  }
0x6: {  	v4 =	vlaneseq.u32;
	vm0 =	vcmask $0x3B38;
	vm8 =	vmmov $0xff;
	p0 =	slt.u32 s3, $0xA;
	s9 =	sor.u32 s1, s2;
	_ =	strace $0x80000047  }
.Ltmp0:
0x7: {  	vm12 =	vcmask $0x704;
	vm13 =	vcmask $0xF0C;
	vm14 =	vcmask $0x1714;
	s1 =	ssub.s32 $0x2, s1;
	[dreg:$0x5] =	wrdreg s31;
	(pc) =	sbr.rel .LBB2_1-.Ltmp0, $4  }
0x8: {  	vm15 =	vcmask $0x1F1C;
	vm3 =	vcmask $0x2724;
	vm10 =	vcmask $0x2F2C;
	s15 =	simm.s32 @!p0 $0xF;
	s29 =	sshrl.u32 s1, $0x1;
	[dreg:$0xe] =	wrdreg s9  }
0x9: {  	v8 =	vimm.f32 $0.0e+00;
	vm9 =	vmmov $0xffff;
	v3 =	vunpack.c.l.s4.s8 v3;
	s30 =	sadd.s32 $0x2, s15;
	[dreg:$0xf] =	wrdreg s15;
	s1 =	ssub.s32 s1, s29  }
0xa: {  	s8 =	sadd.s32 $0x1E00, s0;
	v5 =	vmul.u32 $0x2, v4;
	v6 =	vand.u32 $0x7, v4;
	v7 =	vshrl.u32 v4, $0x3;
	[dreg:$0x10] =	wrdreg s30;
	s1 =	smax.u32 s1, $0x1  }
0xb: {  	s10 =	sadd.s32 $0x1F00, s0;
	v7 =	vmul.u32 $0x8, v7;
	v0 =	vmov s9;
	v3 =	vunpack.c.0.s8.s32 v3;
	[dreg:$0x11] =	wrdreg s1;
	s1 =	simm.s32 $0x0  }
.LBB2_94:
0xc: {  	s1 =	rddreg [dreg:$0x12]  }
0xd: {  	s0 =	rddreg [dreg:$0x11];
	s1 =	sadd.s32 $0x1, s1  }
0xe: {  	p0 =	sne.s32 s1, s0  }
.Ltmp1:
0xf: {  	vm12 =	vcmask $0x704;
	(pc) =	sbr.rel @!p0 .LBB2_95-.Ltmp1, $4  }
0x10: {  	vm13 =	vcmask $0xF0C;
	vm14 =	vcmask $0x1714;
	vm15 =	vcmask $0x1F1C  }
0x11: {  	vm3 =	vcmask $0x2724;
	vm4 =	vcmask $0x300;
	vm5 =	vcmask $0x2320  }
0x12: {  	vm6 =	vcmask $0x2B28;
	vm7 =	vcmask $0x3330;
	vm0 =	vcmask $0x3B38  }
0x13: {  	vm1 =	vcmask $0xB08;
	vm2 =	vcmask $0x1310;
	vm11 =	vcmask $0x1B18  }
.LBB2_1:
0x14: {  	[dreg:$0x12] =	wrdreg s1;
	s0 =	simm.s32 $0x40;
	s1 =	simm.s32 $0x0  }
.LBB2_2:
0x15: {  	p0 =	sne.s32 s0, $0x4000;
	[tilespmem:s1+$0x2080] =	vst v1;
	s1 =	smov.u32 s0;
	s0 =	sadd.s32 $0x40, s0  }
.Ltmp2:
0x16: {  	(pc) =	sbr.rel @p0 .LBB2_2-.Ltmp2, $2  }
0x17: {  	_ =	sdelay $0x2  }
0x18: {  	s1 =	sshra.s32 s1, $0x2  }
0x19: {  	[tilespmem:s1+$0x2080] =	vst v1  }
0x1a: {  	[tilespmem:$0x1F980] =	vst v2  }
0x1b: {  	s14 =	simm.s32 $0x0;
	s0 =	rddreg [dreg:$0x1];
	s4 =	simm.s32 $0x4;
	[tilespmem:$0x1FA00] =	vst v2  }
0x1c: {  	[tilespmem:s14], [sflag:$0x4] =	stream.linear.gather [hbm4b:s0+s14], $0x1000, $0x38;
	[tilespmem:$0x1FA80] =	vst v63  }
0x1d: {  	_ =	swait.ge [sflag:s4], $0x1000  }
0x1e: {  	[sflag:s4] =	ssyncset.done $0x0  }
0x1f: {  	[sflag:s4] =	ssyncadd.s32 $0xFFFFF000  }
0x20: {  	v9 =	vld [tilespmem:s14+$0x0];
	_ =	sdelay $0x4  }
0x21: {  	(v2sf) =	vpush v9, $0x7;
	_ =	sdelay $0x1  }
0x22: {  	(v2sf) =	vpush v9, $0x0  }
0x23: {  	(v2sf) =	vpush v9, $0x1;
	_ =	sdelay $0x1  }
0x24: {  	(v2sf) =	vpush v9, $0x2;
	_ =	sdelay $0x1  }
0x25: {  	(v2sf) =	vpush v9, $0x3  }
0x26: {  	(v2sf) =	vpush v9, $0x4;
	_ =	sdelay $0x2  }
0x27: {  	(v2sf) =	vpush v9, $0xC  }
0x28: {  	(v2sf) =	vpush v9, $0xD;
	_ =	sdelay $0x2  }
0x29: {  	(v2sf) =	vpush v9, $0xE;
	s5 =	spop (v2sf)  }
0x2a: {  	s7 =	smulhi.u32 $0x51EB851F, s5;
	s0 =	sshra.s32 s5, $0x1F  }
0x2b: {  	s2 =	spop (v2sf);
	s0 =	smul.u32 $0x51EB851F, s0  }
0x2c: {  	(v2sf) =	vpush v9, $0x8;
	s11 =	spop (v2sf);
	s30 =	smulhi.u32 $0x51EB851F, s2  }
0x2d: {  	s23 =	sshra.s32 s2, $0x1F;
	s12 =	smulhi.u32 $0x51EB851F, s11  }
0x2e: {  	(v2sf) =	vpush v9, $0x9;
	s18 =	spop (v2sf);
	s23 =	smul.u32 $0x51EB851F, s23  }
0x2f: {  	s11 =	sshra.s32 s11, $0x1F;
	s20 =	smulhi.u32 $0x51EB851F, s18  }
0x30: {  	s18 =	sshra.s32 s18, $0x1F;
	s11 =	smul.u32 $0x51EB851F, s11;
	s21 =	spop (v2sf)  }
0x31: {  	(v2sf) =	vpush v9, $0xA;
	s24 =	sadd.s32 s0, s7;
	s9 =	smul.u32 $0x51EB851F, s18;
	s18 =	spop (v2sf)  }
0x32: {  	s0 =	sshra.s32 s24, $0x1F;
	s25 =	smulhi.u32 $0x51EB851F, s21;
	s26 =	sshra.s32 s21, $0x1F  }
0x33: {  	s23 =	sadd.s32 s23, s30;
	[dreg:$0x15] =	wrdreg s0;
	s26 =	smul.u32 $0x51EB851F, s26  }
0x34: {  	s22 =	sshra.s32 s18, $0x1F;
	s29 =	spop (v2sf);
	s18 =	smulhi.u32 $0x51EB851F, s18  }
0x35: {  	s11 =	sadd.s32 s11, s12;
	s28 =	smul.u32 $0x51EB851F, s22;
	s12 =	spop (v2sf)  }
0x36: {  	(v2sf) =	vpush v9, $0xF;
	s21 =	sshra.s32 s11, $0x6;
	s15 =	sshra.s32 s29, $0x1F;
	s19 =	sshra.s32 s11, $0x1F  }
0x37: {  	s20 =	sadd.s32 s9, s20;
	s31 =	smulhi.u32 $0x51EB851F, s12;
	[dreg:$0x13] =	wrdreg s19  }
0x38: {  	s2 =	sshra.s32 s12, $0x1F;
	s3 =	smul.u32 $0x51EB851F, s15;
	s5 =	spop (v2sf)  }
0x39: {  	(v2sf) =	vpush v9, $0xB;
	s19 =	sshrl.u32 s11, $0x1F;
	s22 =	sshra.s32 s20, $0x6;
	s11 =	smulhi.u32 $0x51EB851F, s29  }
0x3a: {  	s15 =	sshrl.u32 s20, $0x1F;
	s1 =	sshra.s32 s20, $0x1F;
	s9 =	smul.u32 $0x51EB851F, s2  }
0x3b: {  	s25 =	sadd.s32 s26, s25;
	s29 =	spop (v2sf);
	[dreg:$0x14] =	wrdreg s1  }
0x3c: {  	(v2sf) =	vpush v9, $0x5;
	s12 =	smulhi.u32 $0x51EB851F, s5;
	s5 =	sshra.s32 s5, $0x1F;
	s18 =	sadd.s32 s28, s18  }
0x3d: {  	s30 =	sshrl.u32 s25, $0x1F;
	s4 =	spop (v2sf);
	s5 =	smul.u32 $0x51EB851F, s5  }
0x3e: {  	s1 =	sshra.s32 s29, $0x1F;
	s3 =	sadd.s32 s3, s11;
	s29 =	smulhi.u32 $0x51EB851F, s29  }
0x3f: {  	s2 =	smulhi.u32 $0x51EB851F, s4;
	s4 =	sshra.s32 s4, $0x1F;
	s9 =	sadd.s32 s9, s31  }
0x40: {  	s31 =	sshrl.u32 s3, $0x1F;
	s1 =	smul.u32 $0x51EB851F, s1;
	s7 =	spop (v2sf);
	(v2sf) =	vpush v9, $0x6  }
0x41: {  	s3 =	sshra.s32 s3, $0x6;
	s4 =	smul.u32 $0x51EB851F, s4;
	s28 =	sshra.s32 s9, $0x6  }
0x42: {  	s9 =	sshrl.u32 s9, $0x1F;
	s5 =	sadd.s32 s5, s12;
	v11 =	vmov s3;
	s1 =	sadd.s32 s1, s29  }
0x43: {  	v12 =	vmov s31;
	v11 =	vsel vm1, s28, v11;
	s29 =	sshrl.u32 s23, $0x1F;
	s31 =	sshrl.u32 s5, $0x1F;
	s28 =	rddreg [dreg:$0x13]  }
0x44: {  	s0 =	sadd.s32 s4, s2;
	v13 =	vmov s29;
	s11 =	smulhi.u32 $0x51EB851F, s7;
	s7 =	sshra.s32 s7, $0x1F  }
0x45: {  	s3 =	sshrl.u32 s0, $0x1F;
	v13 =	vnsel vm4, $0x0, v13;
	s20 =	spop (v2sf);
	s7 =	smul.u32 $0x51EB851F, s7  }
0x46: {  	s0 =	sshra.s32 s0, $0x6;
	v13 =	vsel vm1, s19, v13;
	s2 =	smulhi.u32 $0x51EB851F, s20;
	s26 =	sshra.s32 s20, $0x1F  }
0x47: {  	s20 =	rddreg [dreg:$0x15];
	v13 =	vsel vm2, s15, v13;
	s15 =	sshra.s32 s18, $0x1F;
	s26 =	smul.u32 $0x51EB851F, s26  }
0x48: {  	v10 =	vmov s20;
	s20 =	sshra.s32 s23, $0x6;
	s11 =	sadd.s32 s7, s11;
	s7 =	spop (v2sf)  }
0x49: {  	v10 =	vsel vm4, s20, v10;
	s20 =	sshra.s32 s23, $0x1F;
	s23 =	sshrl.u32 s1, $0x1F;
	s1 =	sshra.s32 s1, $0x6  }
0x4a: {  	s4 =	sadd.s32 s26, s2;
	s26 =	smulhi.u32 $0x51EB851F, s7;
	s7 =	sshra.s32 s7, $0x1F;
	v10 =	vsel vm12, s20, v10  }
0x4b: {  	s2 =	sshra.s32 s25, $0x6;
	s12 =	spop (v2sf);
	v10 =	vsel vm1, s21, v10;
	s7 =	smul.u32 $0x51EB851F, s7  }
0x4c: {  	v12 =	vsel vm1, s9, v12;
	s25 =	sshra.s32 s25, $0x1F;
	s29 =	smulhi.u32 $0x51EB851F, s12;
	s12 =	sshra.s32 s12, $0x1F;
	v10 =	vsel vm13, s28, v10  }
0x4d: {  	v12 =	vsel vm2, s31, v12;
	v13 =	vsel vm11, s30, v13;
	s21 =	sshra.s32 s5, $0x6;
	s12 =	smul.u32 $0x51EB851F, s12;
	v10 =	vsel vm2, s22, v10;
	s22 =	rddreg [dreg:$0x14]  }
0x4e: {  	v14 =	vmov s23;
	s31 =	sshrl.u32 s11, $0x1F;
	s19 =	sshra.s32 s4, $0x6;
	v11 =	vsel vm2, s21, v11;
	s21 =	sshra.s32 s11, $0x6;
	v10 =	vsel vm14, s22, v10  }
0x4f: {  	v15 =	vmov s1;
	vm12 =	vcmask $0x3734;
	s7 =	sadd.s32 s7, s26;
	s26 =	sadd.s32 s12, s29;
	v10 =	vsel vm11, s2, v10;
	s23 =	spop (v2sf)  }
0x50: {  	v14 =	vsel vm1, s3, v14;
	v15 =	vsel vm1, s0, v15;
	s29 =	sshra.s32 s18, $0x6;
	v10 =	vsel vm15, s25, v10;
	s28 =	smulhi.u32 $0x51EB851F, s23;
	s5 =	sshra.s32 s23, $0x1F  }
0x51: {  	v14 =	vsel vm2, s31, v14;
	v11 =	vsel vm11, s19, v11;
	s12 =	sshrl.u32 s18, $0x1F;
	s18 =	sshrl.u32 s4, $0x1F;
	v10 =	vsel vm5, s29, v10;
	s31 =	smul.u32 $0x51EB851F, s5  }
0x52: {  	v15 =	vsel vm2, s21, v15;
	v12 =	vsel vm11, s18, v12;
	s20 =	sshra.s32 s26, $0x6;
	v10 =	vsel vm3, s15, v10;
	s23 =	sshra.s32 s7, $0x6  }
0x53: {  	v13 =	vsel vm5, s12, v13;
	s22 =	sshrl.u32 s26, $0x1F;
	s2 =	sshra.s32 s26, $0x1F;
	v10 =	vsel vm6, s20, v10;
	v15 =	vsel vm11, s23, v15;
	s3 =	sadd.s32 s31, s28  }
0x54: {  	v13 =	vsel vm6, s22, v13;
	v10 =	vsel vm10, s2, v10;
	v11 =	vcombine.low v15, v11;
	s28 =	sshrl.u32 s7, $0x1F;
	s25 =	sshrl.u32 s3, $0x1F;
	s26 =	sshra.s32 s3, $0x6  }
0x55: {  	s29 =	sshrl.u32 s24, $0x1F;
	s30 =	sshra.s32 s3, $0x1F;
	v14 =	vsel vm11, s28, v14;
	v13 =	vsel vm7, s25, v13;
	v10 =	vsel vm7, s26, v10  }
0x56: {  	s31 =	sshra.s32 s24, $0x6;
	v12 =	vcombine.low v14, v12;
	v13 =	vsel vm0, s29, v13;
	v10 =	vsel vm12, s30, v10  }
0x57: {  	v11 =	vperm.xlane v11, v3;
	v10 =	vsel vm0, s31, v10;
	v13 =	vperm.xlane v13, v5  }
0x58: {  	v12 =	vperm.xlane v12, v3;
	v10 =	vperm.xlane v10, v5;
	_ =	sdelay $0x1  }
0x59: {  	vm10 =	vlt.s32 v9, $0x1;
	v12 =	vsel vm8, v13, v12;
	v11 =	vsel vm8, v10, v11  }
0x5a: {  	v14 =	vmov s14;
	vm12 =	vmmov vm11;
	v11 =	vadd.s32 v12, v11  }
0x5b: {  	s4 =	simm.s32 $0x0;
	s22 =	simm.s32 $0x10;
	s23 =	simm.s32 $0x0;
	v13 =	vsub.s32 $0x0, v9;
	v10 =	vadd.s32 $0xFFFFFFFF, v14;
	v12 =	vmul.u32 $0xFFFFFF38, v11  }
.LBB2_4:
0x5c: {  	_ = 	snop  }
0x5d: {  	vm11 =	vne.s32 v12, v13  }
0x5e: {  	vm10 =	vmand vm10, vm11  }
0x5f: {  	v12 =	vsel vm10, $0xFFFFFFFF, v1  }
0x60: {  	v11 =	vadd.s32 v12, v11  }
0x61: {  	v12 =	vand.u32 $0x1F, v11  }
0x62: {  	vm10 =	veq.s32 v12, v0  }
0x63: {  	v12 =	vsel vm10, $0x1, v1  }
0x64: {  	v13 =	vmul.u32 $0xFFF38, v11;
	(xrf0) =	vadd.scan.msk.s32 $0xffff, v12;
	_ =	sdelay $0x1  }
0x65: {  	v9 =	vadd.s32 v9, v13;
	v13 =	vmpcnt.ones.xlane vm10  }
0x66: {  	v11 =	vshll.u32 v11, $0x14  }
0x67: {  	(v2sf) =	vpush v13, $0x0  }
0x68: {  	v10 =	vbroadcast v10, $0x0;
	v9 =	vshll.u32 v9, $0xC  }
0x69: {  	v9 =	vadd.s32 v11, v9;
	v11, _, _ =	vpop (xrf0)  }
0x6a: {  	v10 =	vadd.s32 v11, v10  }
0x6b: {  	v10 =	vnsel vm10, $0x0, v10;
	_ =	sdelay $0x2  }
0x6c: {  	v9 =	vadd.s32 s4, v9  }
0x6d: {  	s26 =	rddreg [dreg:$0x5];
	v9 =	vadd.s32 v4, v9  }
0x6e: {  	s14 =	sadd.s32 $0x10, s14;
	[tilespmem:v10+s26+$0x0] =	vst.idx.msk vm10, v9  }
0x6f: {  	v9 =	vld [tilespmem:s14+$0x0];
	_ =	sdelay $0x4  }
0x70: {  	s28 =	spop (v2sf);
	(v2sf) =	vpush v9, $0x7;
	_ =	sdelay $0x1  }
0x71: {  	(v2sf) =	vpush v9, $0x0  }
0x72: {  	(v2sf) =	vpush v9, $0x1  }
0x73: {  	(v2sf) =	vpush v9, $0x2;
	_ =	sdelay $0x1  }
0x74: {  	(v2sf) =	vpush v9, $0x3;
	_ =	sdelay $0x1  }
0x75: {  	(v2sf) =	vpush v9, $0x4;
	_ =	sdelay $0x1  }
0x76: {  	(v2sf) =	vpush v9, $0xC  }
0x77: {  	(v2sf) =	vpush v9, $0xD;
	_ =	sdelay $0x2  }
0x78: {  	s0 =	smov.u32 s22;
	(v2sf) =	vpush v9, $0xE  }
0x79: {  	[dreg:$0x6] =	wrdreg s14;
	s1 =	smov.u32 s0;
	s29 =	spop (v2sf)  }
0x7a: {  	[dreg:$0x7] =	wrdreg s1;
	s30 =	smulhi.u32 $0x51EB851F, s29;
	s0 =	sshra.s32 s29, $0x1F  }
0x7b: {  	s2 =	spop (v2sf);
	s0 =	smul.u32 $0x51EB851F, s0  }
0x7c: {  	s23 =	sadd.s32 s23, s28;
	(v2sf) =	vpush v9, $0x8;
	s3 =	spop (v2sf);
	s28 =	smulhi.u32 $0x51EB851F, s2  }
0x7d: {  	(v2sf) =	vpush v9, $0x9;
	s25 =	sshra.s32 s2, $0x1F;
	s31 =	smulhi.u32 $0x51EB851F, s3;
	s5 =	spop (v2sf)  }
0x7e: {  	s3 =	sshra.s32 s3, $0x1F;
	s7 =	smulhi.u32 $0x51EB851F, s5;
	s5 =	sshra.s32 s5, $0x1F  }
0x7f: {  	s1 =	sadd.s32 s0, s30;
	s3 =	smul.u32 $0x51EB851F, s3;
	s11 =	spop (v2sf)  }
0x80: {  	[dreg:$0x8] =	wrdreg s1;
	s5 =	smul.u32 $0x51EB851F, s5;
	s9 =	sshra.s32 s11, $0x1F  }
0x81: {  	(v2sf) =	vpush v9, $0xA;
	s18 =	spop (v2sf);
	s0 =	sadd.s32 s3, s31;
	s3 =	smulhi.u32 $0x51EB851F, s11  }
0x82: {  	(v2sf) =	vpush v9, $0xF;
	s1 =	sshra.s32 s1, $0x1F;
	s12 =	sshra.s32 s18, $0x1F;
	s9 =	smul.u32 $0x51EB851F, s9  }
0x83: {  	s15 =	spop (v2sf);
	s29 =	smul.u32 $0x51EB851F, s12;
	s14 =	sshra.s32 s0, $0x6  }
0x84: {  	s19 =	sshra.s32 s0, $0x1F;
	s20 =	spop (v2sf);
	s12 =	sshra.s32 s15, $0x1F  }
0x85: {  	s5 =	sadd.s32 s5, s7;
	s4 =	smulhi.u32 $0x51EB851F, s15;
	[dreg:$0xc] =	wrdreg s14  }
0x86: {  	s0 =	sshrl.u32 s0, $0x1F;
	[dreg:$0xb] =	wrdreg s19;
	s26 =	smulhi.u32 $0x51EB851F, s20  }
0x87: {  	v11 =	vmov s1;
	s1 =	sshra.s32 s20, $0x1F;
	s21 =	smul.u32 $0x51EB851F, s12;
	s30 =	spop (v2sf)  }
0x88: {  	(v2sf) =	vpush v9, $0xB;
	[dreg:$0xa] =	wrdreg s0;
	s12 =	sshra.s32 s5, $0x6;
	s24 =	sshrl.u32 s5, $0x1F  }
0x89: {  	s31 =	sshra.s32 s5, $0x1F;
	s14 =	smul.u32 $0x51EB851F, s1;
	[dreg:$0x9] =	wrdreg s24  }
0x8a: {  	[dreg:$0xd] =	wrdreg s31;
	s5 =	sshra.s32 s30, $0x1F;
	s31 =	smulhi.u32 $0x51EB851F, s30  }
0x8b: {  	s9 =	sadd.s32 s9, s3;
	s15 =	spop (v2sf);
	s5 =	smul.u32 $0x51EB851F, s5  }
0x8c: {  	s20 =	sshra.s32 s15, $0x1F;
	s1 =	spop (v2sf);
	s15 =	smulhi.u32 $0x51EB851F, s15  }
0x8d: {  	s3 =	sshrl.u32 s9, $0x1F;
	s4 =	sadd.s32 s21, s4;
	s19 =	smulhi.u32 $0x51EB851F, s1  }
0x8e: {  	(v2sf) =	vpush v9, $0x5;
	s30 =	sshra.s32 s1, $0x1F;
	s21 =	sshrl.u32 s4, $0x1F;
	s1 =	smulhi.u32 $0x51EB851F, s18  }
0x8f: {  	s14 =	sadd.s32 s14, s26;
	s4 =	sshra.s32 s4, $0x6;
	s18 =	sshra.s32 s9, $0x6  }
0x90: {  	s24 =	sshra.s32 s14, $0x6;
	v13 =	vmov s4;
	s4 =	smul.u32 $0x51EB851F, s30;
	s2 =	spop (v2sf)  }
0x91: {  	s14 =	sshrl.u32 s14, $0x1F;
	s30 =	sshra.s32 s9, $0x1F;
	s11 =	spop (v2sf);
	(v2sf) =	vpush v9, $0x6  }
0x92: {  	s5 =	sadd.s32 s5, s31;
	s31 =	rddreg [dreg:$0xb];
	s1 =	sadd.s32 s29, s1  }
0x93: {  	v12 =	vmov s21;
	v13 =	vsel vm1, s24, v13;
	s24 =	smul.u32 $0x51EB851F, s25;
	s4 =	sadd.s32 s4, s19;
	s25 =	sshrl.u32 s1, $0x1F  }
0x94: {  	v12 =	vsel vm1, s14, v12;
	s14 =	sshrl.u32 s4, $0x1F;
	s7 =	smulhi.u32 $0x51EB851F, s2;
	s0 =	sshra.s32 s2, $0x1F  }
0x95: {  	s19 =	sadd.s32 s24, s28;
	s4 =	sshra.s32 s4, $0x6;
	s0 =	smul.u32 $0x51EB851F, s0  }
0x96: {  	s29 =	sshra.s32 s19, $0x1F;
	s21 =	smulhi.u32 $0x51EB851F, s11;
	s26 =	sshra.s32 s11, $0x1F  }
0x97: {  	s11 =	spop (v2sf);
	s26 =	smul.u32 $0x51EB851F, s26;
	s0 =	sadd.s32 s0, s7  }
0x98: {  	s7 =	smul.u32 $0x51EB851F, s20;
	s20 =	sshrl.u32 s5, $0x1F;
	s5 =	sshra.s32 s5, $0x6  }
0x99: {  	s2 =	smulhi.u32 $0x51EB851F, s11;
	s9 =	sadd.s32 s26, s21;
	s26 =	sshra.s32 s19, $0x6  }
0x9a: {  	vm10 =	vcmask $0x704;
	s11 =	sshra.s32 s11, $0x1F;
	s21 =	sshra.s32 s1, $0x6;
	s19 =	sshrl.u32 s19, $0x1F;
	v11 =	vsel vm4, s26, v11  }
0x9b: {  	s1 =	sshra.s32 s1, $0x1F;
	s7 =	sadd.s32 s7, s15;
	v14 =	vmov s19;
	s19 =	rddreg [dreg:$0xc];
	v11 =	vsel vm10, s29, v11  }
0x9c: {  	v12 =	vsel vm2, s20, v12;
	v13 =	vsel vm2, s5, v13;
	s11 =	smul.u32 $0x51EB851F, s11;
	s28 =	sshra.s32 s9, $0x6;
	s29 =	sshrl.u32 s7, $0x1F;
	v11 =	vsel vm1, s19, v11  }
0x9d: {  	s26 =	sshrl.u32 s0, $0x1F;
	s9 =	sshrl.u32 s9, $0x1F;
	s24 =	spop (v2sf);
	v14 =	vnsel vm4, $0x0, v14;
	v15 =	vmov s29;
	v11 =	vsel vm13, s31, v11  }
0x9e: {  	v12 =	vsel vm12, s9, v12;
	s19 =	smulhi.u32 $0x51EB851F, s24;
	s20 =	sshra.s32 s24, $0x1F;
	s24 =	rddreg [dreg:$0xd];
	v15 =	vsel vm1, s14, v15;
	v11 =	vsel vm2, s12, v11  }
0x9f: {  	s0 =	sshra.s32 s0, $0x6;
	s7 =	sshra.s32 s7, $0x6;
	v13 =	vsel vm12, s28, v13;
	v15 =	vsel vm2, s26, v15;
	s26 =	rddreg [dreg:$0xa];
	v11 =	vsel vm14, s24, v11  }
0xa0: {  	s2 =	sadd.s32 s11, s2;
	vm10 =	vcmask $0x2F2C;
	v16 =	vmov s7;
	s12 =	smul.u32 $0x51EB851F, s20;
	v11 =	vsel vm12, s18, v11;
	s29 =	spop (v2sf)  }
0xa1: {  	s7 =	rddreg [dreg:$0x9];
	v16 =	vsel vm1, s4, v16;
	v14 =	vsel vm1, s26, v14;
	v11 =	vsel vm15, s30, v11;
	s31 =	smulhi.u32 $0x51EB851F, s29;
	s14 =	sshra.s32 s29, $0x1F  }
0xa2: {  	v16 =	vsel vm2, s0, v16;
	v14 =	vsel vm2, s7, v14;
	s12 =	sadd.s32 s12, s19;
	s19 =	sshra.s32 s2, $0x6;
	v11 =	vsel vm5, s21, v11;
	s18 =	smul.u32 $0x51EB851F, s14  }
0xa3: {  	s2 =	sshrl.u32 s2, $0x1F;
	v14 =	vsel vm12, s3, v14;
	s20 =	sshra.s32 s12, $0x6;
	v16 =	vsel vm12, s19, v16;
	v11 =	vsel vm3, s1, v11  }
0xa4: {  	s24 =	sshra.s32 s12, $0x1F;
	v15 =	vsel vm12, s2, v15;
	v14 =	vsel vm5, s25, v14;
	v11 =	vsel vm6, s20, v11;
	s7 =	sadd.s32 s18, s31  }
0xa5: {  	s21 =	sshrl.u32 s12, $0x1F;
	v13 =	vcombine.low v16, v13;
	v12 =	vcombine.low v15, v12;
	v11 =	vsel vm10, s24, v11;
	s26 =	sshra.s32 s7, $0x6  }
0xa6: {  	s28 =	rddreg [dreg:$0x8];
	v14 =	vsel vm6, s21, v14;
	vm10 =	vcmask $0x3734;
	s25 =	sshrl.u32 s7, $0x1F;
	s30 =	sshra.s32 s7, $0x1F;
	v11 =	vsel vm7, s26, v11  }
0xa7: {  	v13 =	vperm.xlane v13, v3;
	s29 =	sshrl.u32 s28, $0x1F;
	s31 =	sshra.s32 s28, $0x6;
	v14 =	vsel vm7, s25, v14;
	v11 =	vsel vm10, s30, v11  }
0xa8: {  	p0 =	sne.s32 s22, $0xFF0;
	v12 =	vperm.xlane v12, v3;
	v14 =	vsel vm0, s29, v14;
	v11 =	vsel vm0, s31, v11  }
.Ltmp3:
0xa9: {  	v14 =	vperm.xlane v14, v5;
	v11 =	vperm.xlane v11, v5;
	(pc) =	sbr.rel @p0 .LBB2_4-.Ltmp3, $4  }
0xaa: {  	_ = 	snop  }
0xab: {  	v10 =	vmov s23;
	v12 =	vsel vm8, v14, v12;
	v11 =	vsel vm8, v11, v13  }
0xac: {  	v10 =	vadd.s32 $0xFFFFFFFF, v10;
	s4 =	rddreg [dreg:$0x7];
	v11 =	vadd.s32 v12, v11  }
0xad: {  	s22 =	sadd.s32 $0x10, s22;
	s14 =	rddreg [dreg:$0x6];
	vm10 =	vlt.s32 v9, $0x1;
	v13 =	vsub.s32 $0x0, v9;
	v12 =	vmul.u32 $0xFFFFFF38, v11  }
0xae: {  	_ = 	snop  }
0xaf: {  	vm11 =	vne.s32 v12, v13  }
0xb0: {  	vm10 =	vmand vm10, vm11  }
0xb1: {  	v60 =	vsel vm10, $0xFFFFFFFF, v1  }
0xb2: {  	v11 =	vadd.s32 v60, v11  }
0xb3: {  	v12 =	vand.u32 $0x1F, v11  }
0xb4: {  	vm10 =	veq.s32 v12, v0  }
0xb5: {  	v12 =	vmpcnt.ones.xlane vm10;
	_ =	sdelay $0x1  }
0xb6: {  	(v2sf) =	vpush v12, $0x0;
	_ =	sdelay $0x9  }
0xb7: {  	v61 =	vsel vm10, $0x1, v1  }
0xb8: {  	(xrf0) =	vadd.scan.msk.s32 $0xffff, v61;
	_ =	sdelay $0x3  }
0xb9: {  	s0 =	spop (v2sf)  }
0xba: {  	v10 =	vbroadcast v10, $0x0;
	s31 =	rddreg [dreg:$0x5];
	s0 =	sadd.s32 s23, s0  }
0xbb: {  	s7 =	rddreg [dreg:$0x2];
	v62 =	vmul.u32 $0xFFF38, v11;
	v63, _, _ =	vpop (xrf0);
	s1 =	sadd.s32 $0xF, s0  }
0xbc: {  	s9 =	rddreg [dreg:$0xe];
	v10 =	vadd.s32 v63, v10;
	s2 =	sand.u32 $0xF, s1  }
0xbd: {  	v9 =	vadd.s32 v9, v62;
	v10 =	vnsel vm10, $0x0, v10;
	s3 =	sshra.s32 s1, $0x1F;
	p0 =	slt.s32 s1, $0x1;
	p1 =	sne.s32 s2, $0x0  }
.Ltmp4:
0xbe: {  	v11 =	vshll.u32 v11, $0x14;
	v9 =	vshll.u32 v9, $0xC;
	s3 =	sshrl.u32 s3, $0x1C;
	p0 =	por !p0, !p1;
	(pc) =	sbr.rel .LBB2_6-.Ltmp4, $4  }
0xbf: {  	v9 =	vadd.s32 v11, v9;
	s1 =	sadd.s32 s3, s1;
	s3 =	simm.s32 $0x1;
	p0 =	por !p0, !p0  }
0xc0: {  	s14 =	rddreg [dreg:$0x3];
	v9 =	vadd.s32 s4, v9;
	s1 =	sshra.s32 s1, $0x4;
	s3 =	simm.s32 @!p0 $0x0  }
0xc1: {  	s20 =	simm.s32 $0x0;
	s15 =	rddreg [dreg:$0xf];
	v9 =	vadd.s32 v4, v9;
	s19 =	ssub.s32 s1, s3  }
0xc2: {  	s4 =	simm.s32 $0x3100;
	[tilespmem:v10+s31+$0x0] =	vst.idx.msk vm10, v9;
	vm10 =	vcmask $0x2F2C;
	v9 =	vmov s0;
	s3 =	simm.s32 $0x2080;
	p0 =	slt.s32 s19, $0x1  }
.LBB2_93:
0xc3: {  	p1 =	sge.u32 s23, s15  }
0xc4: {  	s0 =	smul.u32 @!p1 $0x1900, s22  }
0xc5: {  	v10 =	vmov s24;
	s1 =	simm.s32 @!p1 $0x0  }
0xc6: {  	[tilespmem:$0x1FA00] =	vst v10;
	s2 =	simm.s32 @!p1 $0x12180;
	s3 =	smul.u32 @!p1 $0xC8, s22;
	s0 =	sadd.s32 @!p1 s7, s0  }
0xc7: {  	[hbm4b:s0+s1] =	stream.linear.scatter @!p1 [tilespmem:s2], [sflag:$0x3], $0xC800, $0x38;
	[tilespmem:$0x1FA80] =	vst v63  }
0xc8: {  	s20 =	sadd.s32 $0x1, s20;
	s0 =	sadd.s32 @!p1 s14, s3;
	s2 =	simm.s32 @!p1 $0x1F000  }
0xc9: {  	[hbm4b:s0+s1] =	stream.linear.scatter @!p1 [tilespmem:s2], [sflag:$0x3], $0x640, $0x38;
	[tilespmem:$0x1FA80] =	vst v63  }
0xca: {  	p1 =	sne.s32 s20, $0x9  }
.Ltmp5:
0xcb: {  	_ = 	snop;
	(pc) =	sbr.rel @!p1 .LBB2_94-.Ltmp5, $2  }
0xcc: {  	_ =	sdelay $0x2  }
0xcd: {  	s4 =	simm.s32 $0x3100;
	s3 =	simm.s32 $0x2080  }
.LBB2_6:
.Ltmp6:
0xce: {  	(pc) =	sbr.rel @p0 .LBB2_13-.Ltmp6, $3  }
0xcf: {  	_ =	sdelay $0x1  }
0xd0: {  	s0 =	sshll.u32 s20, $0x6  }
0xd1: {  	p1 =	sne.s32 s19, $0x1;
	s23 =	simm.s32 $0x0;
	s22 =	sor.u32 s9, s0  }
.Ltmp7:
0xd2: {  	(pc) =	sbr.rel @!p1 .LBB2_8-.Ltmp7, $3  }
0xd3: {  	_ =	sdelay $0x1  }
0xd4: {  	s2 =	simm.s32 $0x1000  }
0xd5: {  	v10 =	vmov s22;
	s0 =	simm.s32 $0x0;
	s1 =	sadd.s32 $0xFFFFFFFF, s19;
	p2 =	por $0x0, $0x0;
	v11 =	vld [tilespmem:s2+$0x0]  }
0xd6: {  	_ =	sdelay $0x3  }
0xd7: {  	v12 =	vor.u32 s0, v4;
	v13 =	vshra.s32 v11, $0x14  }
0xd8: {  	vm10 =	vlt.s32 v12, v9;
	vm11 =	veq.s32 v13, v10  }
0xd9: {  	vm10 =	vmand vm10, vm11  }
0xda: {  	v60 =	vmpcnt.ones.xlane vm10;
	v61 =	vsel vm10, $0x1, v1  }
0xdb: {  	(xrf0) =	vadd.scan.msk.s32 $0xffff, v61  }
0xdc: {  	(v2sf) =	vpush v60, $0x0;
	_ =	sdelay $0x1  }
0xdd: {  	v62 =	vmov s0  }
0xde: {  	v12 =	vadd.s32 $0xFFFFFFFF, v62  }
0xdf: {  	v12 =	vbroadcast v12, $0x0  }
0xe0: {  	v13, _, _ =	vpop (xrf0)  }
0xe1: {  	v12 =	vadd.s32 v13, v12  }
0xe2: {  	v12 =	vnsel vm10, $0x0, v12;
	_ =	sdelay $0x2  }
0xe3: {  	p3 =	sne.s32 s1, $0x1  }
.Ltmp8:
0xe4: {  	v63 =	vshrl.u32 v11, $0xC;
	v11 =	vand.u32 $0xFFF, v11;
	(pc) =	sbr.rel @!p3 .LBB2_10-.Ltmp8, $4  }
0xe5: {  	[tilespmem:v12+s3+$0x0] =	vst.idx.msk vm10, v11;
	v11 =	vand.u32 $0xFF, v63  }
0xe6: {  	s12 =	simm.s32 $0x1010;
	[tilespmem:v12+s4+$0x0] =	vst.idx.msk vm10, v11  }
0xe7: {  	s2 =	sadd.s32 $0xFFFFFFFF, s1;
	p2 =	por $0x1, $0x1;
	v11 =	vld [tilespmem:s12+$0x0]  }
0xe8: {  	s1 =	simm.s32 $0x0;
	s11 =	simm.s32 $0x0;
	s18 =	spop (v2sf)  }
.LBB2_11:
0xe9: {  	p3 =	sne.s32 s2, $0x1;
	s1 =	sadd.s32 s1, s18;
	s11 =	sadd.s32 $0x10, s11  }
0xea: {  	s2 =	sadd.s32 $0xFFFFFFFF, s2;
	v12 =	vmov s1  }
0xeb: {  	v12 =	vadd.s32 $0xFFFFFFFF, v12  }
0xec: {  	v13 =	vor.u32 s11, v4;
	v14 =	vshra.s32 v11, $0x14;
	v15 =	vshrl.u32 v11, $0xC  }
0xed: {  	vm10 =	vlt.s32 v13, v9;
	vm11 =	veq.s32 v14, v10  }
0xee: {  	vm10 =	vmand vm10, vm11  }
0xef: {  	v13 =	vsel vm10, $0x1, v1;
	v14 =	vmpcnt.ones.xlane vm10  }
0xf0: {  	(xrf0) =	vadd.scan.msk.s32 $0xffff, v13  }
0xf1: {  	(v2sf) =	vpush v14, $0x0;
	_ =	sdelay $0x3  }
0xf2: {  	v12 =	vbroadcast v12, $0x0  }
0xf3: {  	v13, _, _ =	vpop (xrf0)  }
0xf4: {  	v12 =	vadd.s32 v13, v12  }
0xf5: {  	v12 =	vnsel vm10, $0x0, v12;
	_ =	sdelay $0x3  }
.Ltmp9:
0xf6: {  	v11 =	vand.u32 $0xFFF, v11;
	(pc) =	sbr.rel @p3 .LBB2_11-.Ltmp9, $4  }
0xf7: {  	[tilespmem:v12+s3+$0x0] =	vst.idx.msk vm10, v11;
	v11 =	vand.u32 $0xFF, v15  }
0xf8: {  	s12 =	sadd.s32 $0x10, s12;
	[tilespmem:v12+s4+$0x0] =	vst.idx.msk vm10, v11  }
0xf9: {  	v11 =	vld [tilespmem:s12+$0x0]  }
0xfa: {  	s18 =	spop (v2sf)  }
.LBB2_12:
0xfb: {  	_ = 	snop  }
0xfc: {  	s2 =	sadd.s32 @p2 $0x10, s11  }
0xfd: {  	s0 =	smov.u32 @p2 s2  }
0xfe: {  	v12 =	vor.u32 s0, v4;
	v13 =	vshra.s32 v11, $0x14  }
0xff: {  	vm10 =	vlt.s32 v12, v9;
	vm11 =	veq.s32 v13, v10  }
0x100: {  	vm10 =	vmand vm10, vm11  }
0x101: {  	v10 =	vmpcnt.ones.xlane vm10;
	_ =	sdelay $0x1  }
0x102: {  	(v2sf) =	vpush v10, $0x0  }
0x103: {  	v10 =	vsel vm10, $0x1, v1  }
0x104: {  	(xrf0) =	vadd.scan.msk.s32 $0xffff, v10  }
0x105: {  	s0 =	sadd.s32 @p2 s1, s18;
	s1 =	simm.s32 $0x0  }
0x106: {  	s1 =	smov.u32 @p2 s0  }
0x107: {  	v10 =	vmov s1  }
0x108: {  	v10 =	vadd.s32 $0xFFFFFFFF, v10  }
0x109: {  	v10 =	vbroadcast v10, $0x0  }
0x10a: {  	v62, _, _ =	vpop (xrf0)  }
0x10b: {  	v10 =	vadd.s32 v62, v10  }
0x10c: {  	v10 =	vnsel vm10, $0x0, v10;
	_ =	sdelay $0x3  }
0x10d: {  	v63 =	vshrl.u32 v11, $0xC;
	v11 =	vand.u32 $0xFFF, v11  }
0x10e: {  	[tilespmem:v10+s3+$0x0] =	vst.idx.msk vm10, v11;
	v11 =	vand.u32 $0xFF, v63;
	s31 =	spop (v2sf)  }
0x10f: {  	[tilespmem:v10+s4+$0x0] =	vst.idx.msk vm10, v11;
	vm10 =	vcmask $0x2F2C;
	s23 =	sadd.s32 s1, s31  }
.LBB2_13:
0x110: {  	s0 =	sadd.s32 $0x7, s23  }
0x111: {  	s1 =	sand.u32 $0x7, s0  }
0x112: {  	s2 =	sshra.s32 s0, $0x1F;
	p2 =	slt.s32 s0, $0x1;
	p3 =	sne.s32 s1, $0x0  }
0x113: {  	s31 =	sshrl.u32 s2, $0x1D;
	p2 =	por !p2, !p3  }
0x114: {  	s1 =	simm.s32 $0x1;
	s0 =	sadd.s32 s31, s0;
	p2 =	por !p2, !p2  }
0x115: {  	s0 =	sshra.s32 s0, $0x3;
	s1 =	simm.s32 @!p2 $0x0  }
0x116: {  	s0 =	ssub.s32 s0, s1  }
0x117: {  	p2 =	slt.s32 s0, $0x1  }
.Ltmp10:
0x118: {  	_ = 	snop;
	(pc) =	sbr.rel @p2 .LBB2_20-.Ltmp10, $1  }
0x119: {  	_ =	sdelay $0x3  }
0x11a: {  	s1 =	smin.u32 s0, $0x2  }
0x11b: {  	p3 =	sne.s32 s1, $0x1  }
.Ltmp11:
0x11c: {  	_ = 	snop;
	(pc) =	sbr.rel @!p3 .LBB2_15-.Ltmp11, $3  }
0x11d: {  	_ =	sdelay $0x1  }
0x11e: {  	s2 =	simm.s32 $0x2080  }
0x11f: {  	s0 =	simm.s32 $0x4980;
	p2 =	por $0x0, $0x0;
	v10 =	vld.msk [tilespmem:s2+$0x0], $0xff;
	s1 =	sadd.s32 $0xFFFFFFFF, s1  }
0x120: {  	_ =	sdelay $0x3  }
0x121: {  	v11 =	vshrl.u32 v10, $0x3  }
0x122: {  	v11 =	vmul.u32 $0x18, v11  }
0x123: {  	v10 =	vand.u32 $0x7, v10  }
0x124: {  	v10 =	vor.u32 v10, v11  }
0x125: {  	v10 =	vperm.xlane v10, v6;
	_ =	sdelay $0x1  }
0x126: {  	v10 =	vadd.s32 v7, v10;
	_ =	sdelay $0x2  }
0x127: {  	p3 =	sne.s32 s1, $0x1  }
.Ltmp12:
0x128: {  	s2 =	simm.s32 $0x4180;
	(pc) =	sbr.rel @!p3 .LBB2_17-.Ltmp12, $4  }
0x129: {  	[tilespmem:s2], [sflag:$0x1] =	stream.indirect_vreg.gather [hbm4b:s8+s6], $0x80, v10, vm9, $0xb8;
	[tilespmem:$0x1FA80] =	vst v63  }
0x12a: {  	s2 =	simm.s32 $0x2088  }
0x12b: {  	[tilespmem:s0], [sflag:$0x1] =	stream.indirect_vreg.gather [hbm4b:s10+s6], $0x80, v10, vm8, $0xb8;
	[tilespmem:$0x1FA80] =	vst v63  }
0x12c: {  	s11 =	sadd.s32 $0xFFFFFFFF, s1;
	p2 =	por $0x1, $0x1;
	s1 =	simm.s32 $0x4980;
	v10 =	vld.msk [tilespmem:s2+$0x0], $0xff  }
.LBB2_18:
0x12d: {  	p3 =	sne.s32 s11, $0x1;
	_ =	sdelay $0x3  }
0x12e: {  	v11 =	vshrl.u32 v10, $0x3  }
0x12f: {  	v11 =	vmul.u32 $0x18, v11  }
0x130: {  	v10 =	vand.u32 $0x7, v10  }
0x131: {  	v10 =	vor.u32 v10, v11  }
0x132: {  	v10 =	vperm.xlane v10, v6;
	_ =	sdelay $0x1  }
0x133: {  	v10 =	vadd.s32 v7, v10;
	_ =	sdelay $0x2  }
0x134: {  	s1 =	sadd.s32 $0xC00, s1  }
.Ltmp13:
0x135: {  	s3 =	sadd.s32 $0xFFFFF800, s1;
	(pc) =	sbr.rel @p3 .LBB2_18-.Ltmp13, $4  }
0x136: {  	[tilespmem:s3], [sflag:$0x1] =	stream.indirect_vreg.gather [hbm4b:s8+s6], $0x80, v10, vm9, $0xb8;
	[tilespmem:$0x1FA80] =	vst v63  }
0x137: {  	s2 =	sadd.s32 $0x8, s2  }
0x138: {  	[tilespmem:s1], [sflag:$0x1] =	stream.indirect_vreg.gather [hbm4b:s10+s6], $0x80, v10, vm8, $0xb8;
	[tilespmem:$0x1FA80] =	vst v63  }
0x139: {  	s11 =	sadd.s32 $0xFFFFFFFF, s11;
	v10 =	vld.msk [tilespmem:s2+$0x0], $0xff  }
.LBB2_19:
0x13a: {  	_ =	sdelay $0x3  }
0x13b: {  	v11 =	vshrl.u32 v10, $0x3  }
0x13c: {  	v11 =	vmul.u32 $0x18, v11  }
0x13d: {  	v10 =	vand.u32 $0x7, v10  }
0x13e: {  	v10 =	vor.u32 v10, v11  }
0x13f: {  	v10 =	vperm.xlane v10, v6;
	_ =	sdelay $0x1  }
0x140: {  	v10 =	vadd.s32 v7, v10;
	_ =	sdelay $0x1  }
0x141: {  	s1 =	sadd.s32 @p2 $0xC00, s1  }
0x142: {  	s0 =	smov.u32 @p2 s1  }
0x143: {  	s1 =	sadd.s32 $0xFFFFF800, s0  }
0x144: {  	[tilespmem:s1], [sflag:$0x1] =	stream.indirect_vreg.gather [hbm4b:s8+s6], $0x80, v10, vm9, $0xb8;
	[tilespmem:$0x1FA80] =	vst v63  }
0x145: {  	_ = 	snop  }
0x146: {  	[tilespmem:s0], [sflag:$0x1] =	stream.indirect_vreg.gather [hbm4b:s10+s6], $0x80, v10, vm8, $0xb8;
	[tilespmem:$0x1FA80] =	vst v63  }
.LBB2_20:
0x147: {  	s21 =	sshll.u32 s20, $0x1;
	p2 =	seq.s32 s20, $0x0;
	s0 =	rddreg [dreg:$0x10]  }
0x148: {  	p3 =	sge.u32 @!p2 s21, s0  }
0x149: {  	p3 =	por p3, p2  }
0x14a: {  	s0 =	simm.s32 @!p3 $0x2  }
0x14b: {  	_ =	swait.ge @!p3 [sflag:s0], $0xC800  }
0x14c: {  	[sflag:s0] =	ssyncset.done @!p3 $0x0  }
0x14d: {  	[sflag:s0] =	ssyncadd.s32 @!p3 $0xFFFF3800  }
0x14e: {  	_ =	swait.ge @!p3 [sflag:s0], $0x640  }
0x14f: {  	[sflag:s0] =	ssyncset.done @!p3 $0x0  }
0x150: {  	[sflag:s0] =	ssyncadd.s32 @!p3 $0xFFFFF9C0  }
0x151: {  	v10 =	vld [tilespmem:$0x1F980];
	_ =	sdelay $0x4  }
0x152: {  	(v2sf) =	vpush v10, $0x0;
	_ =	sdelay $0xe  }
0x153: {  	s1 =	spop (v2sf)  }
0x154: {  	p3 =	slt.s32 s1, $0x101  }
.Ltmp14:
0x155: {  	_ = 	snop;
	(pc) =	sbr.rel @p3 .LBB2_26-.Ltmp14, $2  }
0x156: {  	_ =	sdelay $0x2  }
0x157: {  	s2 =	simm.s32 $0x0  }
0x158: {  	s0 =	sand.u32 $0xF800, s2;
	s1 =	sand.u32 $0x380, s2  }
0x159: {  	s0 =	sor.u32 s1, s0  }
0x15a: {  	[tilespmem:s0+$0x5DF0] =	vst v8  }
0x15b: {  	[tilespmem:s0+$0x5980] =	vst v8  }
0x15c: {  	[tilespmem:s0+$0x5990] =	vst v8  }
0x15d: {  	[tilespmem:s0+$0x59A0] =	vst v8  }
0x15e: {  	[tilespmem:s0+$0x59B0] =	vst v8  }
0x15f: {  	[tilespmem:s0+$0x59C0] =	vst v8  }
0x160: {  	[tilespmem:s0+$0x59D0] =	vst v8  }
0x161: {  	[tilespmem:s0+$0x59E0] =	vst v8  }
0x162: {  	[tilespmem:s0+$0x59F0] =	vst v8  }
0x163: {  	[tilespmem:s0+$0x5D80] =	vst v8  }
0x164: {  	[tilespmem:s0+$0x5D90] =	vst v8  }
0x165: {  	[tilespmem:s0+$0x5DA0] =	vst v8  }
0x166: {  	[tilespmem:s0+$0x5DB0] =	vst v8  }
0x167: {  	s3 =	sadd.s32 $0x100, s2;
	s1 =	sadd.s32 $0x80, s2;
	[tilespmem:s0+$0x5DC0] =	vst v8  }
0x168: {  	s11 =	sand.u32 $0xF800, s3;
	s2 =	sadd.s32 $0x100, s3;
	s12 =	sand.u32 $0x380, s1;
	[tilespmem:s0+$0x5DD0] =	vst v8  }
.LBB2_22:
0x169: {  	p3 =	sne.s32 s2, $0xC700;
	[tilespmem:s0+$0x5DE0] =	vst v8;
	s0 =	sor.u32 s12, s11  }
0x16a: {  	[tilespmem:s0+$0x5DF0] =	vst v8  }
0x16b: {  	[tilespmem:s0+$0x5980] =	vst v8  }
0x16c: {  	[tilespmem:s0+$0x5990] =	vst v8  }
0x16d: {  	[tilespmem:s0+$0x59A0] =	vst v8  }
0x16e: {  	[tilespmem:s0+$0x59B0] =	vst v8  }
0x16f: {  	[tilespmem:s0+$0x59C0] =	vst v8  }
0x170: {  	[tilespmem:s0+$0x59D0] =	vst v8  }
0x171: {  	[tilespmem:s0+$0x59E0] =	vst v8  }
0x172: {  	[tilespmem:s0+$0x59F0] =	vst v8  }
0x173: {  	[tilespmem:s0+$0x5D80] =	vst v8  }
.Ltmp15:
0x174: {  	[tilespmem:s0+$0x5D90] =	vst v8;
	(pc) =	sbr.rel @p3 .LBB2_22-.Ltmp15, $4  }
0x175: {  	[tilespmem:s0+$0x5DA0] =	vst v8  }
0x176: {  	[tilespmem:s0+$0x5DB0] =	vst v8  }
0x177: {  	s1 =	sadd.s32 $0x80, s1;
	[tilespmem:s0+$0x5DC0] =	vst v8  }
0x178: {  	s11 =	sand.u32 $0xF800, s2;
	s2 =	sadd.s32 $0x100, s2;
	s12 =	sand.u32 $0x380, s1;
	[tilespmem:s0+$0x5DD0] =	vst v8  }
0x179: {  	s1 =	sor.u32 s12, s11;
	[tilespmem:s0+$0x5DE0] =	vst v8  }
0x17a: {  	[tilespmem:s1+$0x5DF0] =	vst v8  }
0x17b: {  	[tilespmem:s1+$0x5980] =	vst v8  }
0x17c: {  	[tilespmem:s1+$0x5990] =	vst v8  }
0x17d: {  	[tilespmem:s1+$0x59A0] =	vst v8  }
0x17e: {  	[tilespmem:s1+$0x59B0] =	vst v8  }
0x17f: {  	[tilespmem:s1+$0x59C0] =	vst v8  }
0x180: {  	[tilespmem:s1+$0x59D0] =	vst v8  }
0x181: {  	[tilespmem:s1+$0x59E0] =	vst v8  }
0x182: {  	[tilespmem:s1+$0x59F0] =	vst v8  }
0x183: {  	[tilespmem:s1+$0x5D80] =	vst v8  }
0x184: {  	[tilespmem:s1+$0x5D90] =	vst v8  }
0x185: {  	[tilespmem:s1+$0x5DA0] =	vst v8  }
0x186: {  	[tilespmem:s1+$0x5DB0] =	vst v8  }
0x187: {  	[tilespmem:s1+$0x5DC0] =	vst v8  }
0x188: {  	[tilespmem:s1+$0x5DD0] =	vst v8  }
0x189: {  	s0 =	simm.s32 $0x40;
	[tilespmem:s1+$0x5DE0] =	vst v8;
	s1 =	simm.s32 $0x0  }
.LBB2_24:
0x18a: {  	p3 =	seq.s32 s0, $0x18C0;
	[tilespmem:s1+$0x1E980] =	vst v8;
	s1 =	smov.u32 s0;
	s0 =	sadd.s32 $0x40, s0  }
.Ltmp16:
0x18b: {  	(pc) =	sbr.rel @!p3 .LBB2_24-.Ltmp16, $2  }
0x18c: {  	_ =	sdelay $0x2  }
0x18d: {  	s1 =	sshra.s32 s1, $0x2  }
.Ltmp17:
0x18e: {  	(pc) =	sbr.rel .LBB2_30-.Ltmp17, $2  }
0x18f: {  	_ =	sdelay $0x2  }
0x190: {  	[tilespmem:s1+$0x1E980] =	vst v8  }
.LBB2_26:
0x191: {  	s0 =	sadd.s32 $0xFFFFFFFF, s1  }
0x192: {  	p3 =	sgt.u32 s0, $0xFF  }
.Ltmp18:
0x193: {  	_ = 	snop;
	(pc) =	sbr.rel @p3 .LBB2_30-.Ltmp18, $2  }
0x194: {  	_ =	sdelay $0x2  }
0x195: {  	s0 =	simm.s32 $0x1F680  }
0x196: {  	v10 =	vld [tilespmem:s0+$0x0];
	_ =	sdelay $0x4  }
0x197: {  	(v2sf) =	vpush v10, $0x0;
	_ =	sdelay $0xe  }
0x198: {  	s3 =	spop (v2sf)  }
0x199: {  	p3 =	sne.s32 s1, $0x1;
	s2 =	sshll.u32 s3, $0x8;
	s4 =	sshll.u32 s3, $0x7  }
.Ltmp19:
0x19a: {  	s2 =	sand.u32 $0xFFFFF800, s2;
	s4 =	sand.u32 $0x380, s4;
	(pc) =	sbr.rel @!p3 .LBB2_29-.Ltmp19, $4  }
0x19b: {  	s2 =	sor.u32 s4, s2  }
0x19c: {  	[tilespmem:s2+$0x5DF0] =	vst v8  }
0x19d: {  	s3 =	sshll.u32 s3, $0x3;
	[tilespmem:s2+$0x5DE0] =	vst v8  }
0x19e: {  	s1 =	sadd.s32 $0xFFFFFFFF, s1;
	v10 =	vadd.s32 s3, v4;
	[tilespmem:s2+$0x5DD0] =	vst v8  }
.LBB2_28:
0x19f: {  	p3 =	sne.s32 s1, $0x1;
	s1 =	sadd.s32 $0xFFFFFFFF, s1;
	[tilespmem:s2+$0x5DC0] =	vst v8;
	s0 =	sadd.s32 $0x1, s0  }
0x1a0: {  	[tilespmem:s2+$0x5DB0] =	vst v8  }
0x1a1: {  	[tilespmem:s2+$0x5DA0] =	vst v8  }
0x1a2: {  	[tilespmem:s2+$0x5D90] =	vst v8  }
0x1a3: {  	[tilespmem:s2+$0x5D80] =	vst v8  }
0x1a4: {  	[tilespmem:s2+$0x59F0] =	vst v8  }
0x1a5: {  	[tilespmem:s2+$0x59E0] =	vst v8  }
0x1a6: {  	[tilespmem:s2+$0x59D0] =	vst v8  }
0x1a7: {  	[tilespmem:s2+$0x59C0] =	vst v8  }
0x1a8: {  	[tilespmem:s2+$0x59A0] =	vst v8  }
0x1a9: {  	[tilespmem:s2+$0x5990] =	vst v8  }
0x1aa: {  	[tilespmem:s2+$0x5980] =	vst v8  }
0x1ab: {  	[tilespmem:s2+$0x59B0] =	vst v8  }
0x1ac: {  	[tilespmem:v10+s16+$0x0] =	vst.idx.msk $0xff, v8  }
0x1ad: {  	v10 =	vld [tilespmem:s0+$0x0];
	_ =	sdelay $0x4  }
0x1ae: {  	(v2sf) =	vpush v10, $0x0;
	_ =	sdelay $0xe  }
0x1af: {  	s2 =	spop (v2sf)  }
0x1b0: {  	s3 =	sshll.u32 s2, $0x8;
	s4 =	sshll.u32 s2, $0x7;
	s2 =	sshll.u32 s2, $0x3  }
.Ltmp20:
0x1b1: {  	s3 =	sand.u32 $0xFFFFF800, s3;
	s4 =	sand.u32 $0x380, s4;
	v10 =	vadd.s32 s2, v4;
	(pc) =	sbr.rel @p3 .LBB2_28-.Ltmp20, $4  }
0x1b2: {  	s2 =	sor.u32 s4, s3  }
0x1b3: {  	[tilespmem:s2+$0x5DF0] =	vst v8  }
0x1b4: {  	[tilespmem:s2+$0x5DE0] =	vst v8  }
0x1b5: {  	[tilespmem:s2+$0x5DD0] =	vst v8  }
.LBB2_29:
0x1b6: {  	[tilespmem:s2+$0x5DC0] =	vst v8  }
0x1b7: {  	[tilespmem:s2+$0x5DB0] =	vst v8  }
0x1b8: {  	[tilespmem:s2+$0x5DA0] =	vst v8  }
0x1b9: {  	[tilespmem:s2+$0x5D90] =	vst v8  }
0x1ba: {  	[tilespmem:s2+$0x5D80] =	vst v8  }
0x1bb: {  	[tilespmem:s2+$0x59F0] =	vst v8  }
0x1bc: {  	[tilespmem:s2+$0x59E0] =	vst v8  }
0x1bd: {  	[tilespmem:s2+$0x59D0] =	vst v8  }
0x1be: {  	[tilespmem:s2+$0x59C0] =	vst v8  }
0x1bf: {  	[tilespmem:s2+$0x59A0] =	vst v8  }
0x1c0: {  	[tilespmem:s2+$0x5990] =	vst v8  }
0x1c1: {  	[tilespmem:s2+$0x5980] =	vst v8  }
0x1c2: {  	[tilespmem:s2+$0x59B0] =	vst v8  }
0x1c3: {  	[tilespmem:v10+s16+$0x0] =	vst.idx.msk $0xff, v8  }
.LBB2_30:
0x1c4: {  	s0 =	sadd.s32 $0xF, s23  }
0x1c5: {  	s1 =	sand.u32 $0xF, s0  }
0x1c6: {  	s2 =	sshra.s32 s0, $0x1F;
	p3 =	slt.s32 s0, $0x1;
	p4 =	sne.s32 s1, $0x0  }
0x1c7: {  	s31 =	sshrl.u32 s2, $0x1C;
	p3 =	por !p3, !p4  }
0x1c8: {  	s1 =	simm.s32 $0x1;
	s0 =	sadd.s32 s31, s0;
	p3 =	por !p3, !p3  }
0x1c9: {  	s0 =	sshra.s32 s0, $0x4;
	s1 =	simm.s32 @!p3 $0x0  }
0x1ca: {  	s24 =	ssub.s32 s0, s1  }
0x1cb: {  	p3 =	slt.s32 s24, $0x1  }
.Ltmp21:
0x1cc: {  	_ = 	snop;
	(pc) =	sbr.rel @p3 .LBB2_46-.Ltmp21, $1  }
0x1cd: {  	_ =	sdelay $0x3  }
.Ltmp22:
0x1ce: {  	(pc) =	sbr.rel .LBB2_32-.Ltmp22, $3  }
0x1cf: {  	_ =	sdelay $0x1  }
0x1d0: {  	s25 =	simm.s32 $0x0  }
0x1d1: {  	s26 =	simm.s32 $0x2080;
	s28 =	simm.s32 $0x3100;
	s29 =	smov.u32 s23  }
.LBB2_44:
0x1d2: {  	_ =	sdelay $0x3  }
0x1d3: {  	[tilespmem:v11+s16+$0x0] =	vst.idx.msk $0xff, v10  }
.LBB2_45:
0x1d4: {  	s25 =	sadd.s32 $0x1, s25  }
0x1d5: {  	p3 =	sne.s32 s25, s24  }
.Ltmp23:
0x1d6: {  	_ = 	snop;
	(pc) =	sbr.rel @!p3 .LBB2_46-.Ltmp23, $2  }
0x1d7: {  	_ =	sdelay $0x2  }
0x1d8: {  	s29 =	sadd.s32 $0xFFFFFFF0, s29;
	s26 =	sadd.s32 $0x10, s26;
	s28 =	sadd.s32 $0x10, s28  }
.LBB2_32:
0x1d9: {  	s0 =	sshll.u32 s25, $0x4  }
0x1da: {  	s0 =	ssub.s32 s23, s0  }
0x1db: {  	p3 =	slt.s32 s0, $0x10;
	s1 =	smov.u32 s0  }
0x1dc: {  	s1 =	simm.s32 @!p3 $0x10  }
0x1dd: {  	s1 =	sadd.s32 $0x7, s1  }
0x1de: {  	s2 =	sand.u32 $0x7, s1  }
0x1df: {  	p4 =	slt.s32 s0, $0xFFFFFFFA;
	s31 =	sshra.s32 s1, $0x1F;
	p6 =	sne.s32 s2, $0x0  }
0x1e0: {  	s2 =	sshrl.u32 s31, $0x1D;
	p3 =	por !p4, !p6  }
0x1e1: {  	s1 =	sadd.s32 s2, s1;
	s2 =	simm.s32 $0x1;
	p3 =	por !p3, !p3  }
0x1e2: {  	s1 =	sshra.s32 s1, $0x3;
	s2 =	simm.s32 @!p3 $0x0  }
0x1e3: {  	p3 =	seq.s32 s25, $0x0;
	s1 =	ssub.s32 s1, s2  }
0x1e4: {  	p4 =	slt.s32 @!p3 s1, $0x1  }
0x1e5: {  	p3 =	por p3, p4  }
.Ltmp24:
0x1e6: {  	_ = 	snop;
	(pc) =	sbr.rel @p3 .LBB2_40-.Ltmp24, $2  }
0x1e7: {  	_ =	sdelay $0x2  }
0x1e8: {  	s2 =	simm.s32 $0x4980  }
0x1e9: {  	p4 =	seq.s32 s1, $0x1  }
.Ltmp25:
0x1ea: {  	_ = 	snop;
	(pc) =	sbr.rel @p4 .LBB2_34-.Ltmp25, $2  }
0x1eb: {  	_ =	sdelay $0x2  }
0x1ec: {  	v10 =	vld.msk [tilespmem:s26+$0x0], $0xff;
	s11 =	sadd.s32 $0xFFFFFFFF, s1;
	p3 =	por $0x0, $0x0  }
0x1ed: {  	_ =	sdelay $0x3  }
0x1ee: {  	v11 =	vshrl.u32 v10, $0x3  }
0x1ef: {  	v11 =	vmul.u32 $0x18, v11  }
0x1f0: {  	v10 =	vand.u32 $0x7, v10  }
0x1f1: {  	v10 =	vor.u32 v10, v11  }
0x1f2: {  	v10 =	vperm.xlane v10, v6;
	_ =	sdelay $0x1  }
0x1f3: {  	v10 =	vadd.s32 v7, v10;
	_ =	sdelay $0x2  }
0x1f4: {  	p4 =	seq.s32 s11, $0x1  }
.Ltmp26:
0x1f5: {  	s3 =	sadd.s32 $0xFFFFF800, s2;
	(pc) =	sbr.rel @p4 .LBB2_36-.Ltmp26, $4  }
0x1f6: {  	[tilespmem:s3], [sflag:$0x1] =	stream.indirect_vreg.gather [hbm4b:s8+s6], $0x80, v10, vm9, $0xb8;
	[tilespmem:$0x1FA80] =	vst v63  }
0x1f7: {  	s12 =	sadd.s32 $0x8, s26  }
0x1f8: {  	[tilespmem:s2], [sflag:$0x1] =	stream.indirect_vreg.gather [hbm4b:s10+s6], $0x80, v10, vm8, $0xb8;
	[tilespmem:$0x1FA80] =	vst v63  }
0x1f9: {  	s18 =	sadd.s32 $0xFFFFFFFF, s11;
	p3 =	por $0x1, $0x1;
	s11 =	simm.s32 $0x4980;
	v10 =	vld.msk [tilespmem:s12+$0x0], $0xff  }
.LBB2_37:
0x1fa: {  	p4 =	seq.s32 s18, $0x1;
	_ =	sdelay $0x3  }
0x1fb: {  	v11 =	vshrl.u32 v10, $0x3  }
0x1fc: {  	v11 =	vmul.u32 $0x18, v11  }
0x1fd: {  	v10 =	vand.u32 $0x7, v10  }
0x1fe: {  	v10 =	vor.u32 v10, v11  }
0x1ff: {  	v10 =	vperm.xlane v10, v6;
	_ =	sdelay $0x1  }
0x200: {  	v10 =	vadd.s32 v7, v10;
	_ =	sdelay $0x2  }
0x201: {  	s11 =	sadd.s32 $0xC00, s11  }
.Ltmp27:
0x202: {  	s3 =	sadd.s32 $0xFFFFF800, s11;
	(pc) =	sbr.rel @!p4 .LBB2_37-.Ltmp27, $4  }
0x203: {  	[tilespmem:s3], [sflag:$0x1] =	stream.indirect_vreg.gather [hbm4b:s8+s6], $0x80, v10, vm9, $0xb8;
	[tilespmem:$0x1FA80] =	vst v63  }
0x204: {  	s12 =	sadd.s32 $0x8, s12  }
0x205: {  	[tilespmem:s11], [sflag:$0x1] =	stream.indirect_vreg.gather [hbm4b:s10+s6], $0x80, v10, vm8, $0xb8;
	[tilespmem:$0x1FA80] =	vst v63  }
0x206: {  	s18 =	sadd.s32 $0xFFFFFFFF, s18;
	v10 =	vld.msk [tilespmem:s12+$0x0], $0xff  }
.LBB2_38:
0x207: {  	_ =	sdelay $0x3  }
0x208: {  	v11 =	vshrl.u32 v10, $0x3  }
0x209: {  	v11 =	vmul.u32 $0x18, v11  }
0x20a: {  	v10 =	vand.u32 $0x7, v10  }
0x20b: {  	v10 =	vor.u32 v10, v11  }
0x20c: {  	v10 =	vperm.xlane v10, v6;
	_ =	sdelay $0x1  }
0x20d: {  	v10 =	vadd.s32 v7, v10;
	_ =	sdelay $0x1  }
0x20e: {  	s3 =	sadd.s32 @p3 $0xC00, s11  }
.Ltmp28:
0x20f: {  	s2 =	smov.u32 @p3 s3;
	(pc) =	sbr.rel .LBB2_39-.Ltmp28, $4  }
0x210: {  	s3 =	sadd.s32 $0xFFFFF800, s2  }
0x211: {  	[tilespmem:s3], [sflag:$0x1] =	stream.indirect_vreg.gather [hbm4b:s8+s6], $0x80, v10, vm9, $0xb8;
	[tilespmem:$0x1FA80] =	vst v63  }
0x212: {  	_ = 	snop  }
0x213: {  	[tilespmem:s2], [sflag:$0x1] =	stream.indirect_vreg.gather [hbm4b:s10+s6], $0x80, v10, vm8, $0xb8;
	[tilespmem:$0x1FA80] =	vst v63  }
.LBB2_40:
0x214: {  	p3 =	slt.s32 s1, $0x1  }
.Ltmp29:
0x215: {  	_ = 	snop;
	(pc) =	sbr.rel @p3 .LBB2_41-.Ltmp29, $1  }
0x216: {  	_ =	sdelay $0x3  }
.LBB2_39:
0x217: {  	p3 =	seq.s32 s1, $0x1  }
.Ltmp30:
0x218: {  	_ = 	snop;
	(pc) =	sbr.rel @!p3 .LBB2_39-.Ltmp30, $4  }
0x219: {  	_ = 	snop  }
0x21a: {  	_ =	swait.ge [sflag:s13], $0xC00  }
0x21b: {  	[sflag:s13] =	ssyncset.done $0x0  }
0x21c: {  	s1 =	sadd.s32 $0xFFFFFFFF, s1;
	[sflag:s13] =	ssyncadd.s32 $0xFFFFF400  }
.LBB2_41:
0x21d: {  	p3 =	sgt.s32 s0, $0x0  }
.Ltmp31:
0x21e: {  	_ = 	snop;
	(pc) =	sbr.rel @!p3 .LBB2_45-.Ltmp31, $1  }
0x21f: {  	_ =	sdelay $0x3  }
0x220: {  	v10 =	vld [tilespmem:s28+$0x0];
	_ =	sdelay $0x4  }
0x221: {  	(v2sf) =	vpush v10, $0x0;
	_ =	sdelay $0x6  }
0x222: {  	p3 =	sgt.s32 s29, $0x1;
	s0 =	smov.u32 s29  }
0x223: {  	s0 =	simm.s32 @!p3 $0x1  }
0x224: {  	s12 =	simm.s32 $0x0;
	s0 =	smin.u32 s0, $0x10  }
0x225: {  	s30 =	sshll.u32 s0, $0x7;
	s0 =	smul.u32 $0x3000, s12  }
0x226: {  	s31 =	simm.s32 $0x0  }
0x227: {  	s1 =	sand.u32 $0x380, s31;
	s0 =	sshra.s32 s0, $0x2  }
0x228: {  	s0 =	sor.u32 s1, s0  }
0x229: {  	v10 =	vld [tilespmem:s0+$0x4180]  }
0x22a: {  	s18 =	spop (v2sf)  }
0x22b: {  	s2 =	sshll.u32 s18, $0x8;
	s3 =	sshll.u32 s18, $0x7  }
0x22c: {  	s2 =	sand.u32 $0xFFFFF800, s2;
	s3 =	sand.u32 $0x380, s3  }
0x22d: {  	s2 =	sor.u32 s3, s2  }
0x22e: {  	[tilespmem:s2+$0x5980] =	vst v10  }
0x22f: {  	v10 =	vld [tilespmem:s0+$0x4190];
	_ =	sdelay $0x4  }
0x230: {  	[tilespmem:s2+$0x5990] =	vst v10  }
0x231: {  	v10 =	vld [tilespmem:s0+$0x41A0];
	_ =	sdelay $0x4  }
0x232: {  	[tilespmem:s2+$0x59A0] =	vst v10  }
0x233: {  	v10 =	vld [tilespmem:s0+$0x41B0];
	_ =	sdelay $0x4  }
0x234: {  	[tilespmem:s2+$0x59B0] =	vst v10  }
0x235: {  	v10 =	vld [tilespmem:s0+$0x41C0];
	_ =	sdelay $0x4  }
0x236: {  	[tilespmem:s2+$0x59C0] =	vst v10  }
0x237: {  	v10 =	vld [tilespmem:s0+$0x41D0];
	_ =	sdelay $0x4  }
0x238: {  	[tilespmem:s2+$0x59D0] =	vst v10  }
0x239: {  	v10 =	vld [tilespmem:s0+$0x41E0];
	_ =	sdelay $0x4  }
0x23a: {  	[tilespmem:s2+$0x59E0] =	vst v10  }
0x23b: {  	v10 =	vld [tilespmem:s0+$0x41F0];
	_ =	sdelay $0x4  }
0x23c: {  	[tilespmem:s2+$0x59F0] =	vst v10  }
0x23d: {  	v10 =	vld [tilespmem:s0+$0x4580];
	_ =	sdelay $0x4  }
0x23e: {  	[tilespmem:s2+$0x5D80] =	vst v10  }
0x23f: {  	v10 =	vld [tilespmem:s0+$0x4590];
	_ =	sdelay $0x4  }
0x240: {  	[tilespmem:s2+$0x5D90] =	vst v10  }
0x241: {  	v10 =	vld [tilespmem:s0+$0x45A0];
	_ =	sdelay $0x4  }
0x242: {  	[tilespmem:s2+$0x5DA0] =	vst v10  }
0x243: {  	v10 =	vld [tilespmem:s0+$0x45B0];
	_ =	sdelay $0x4  }
0x244: {  	[tilespmem:s2+$0x5DB0] =	vst v10  }
0x245: {  	v10 =	vld [tilespmem:s0+$0x45C0];
	_ =	sdelay $0x4  }
0x246: {  	[tilespmem:s2+$0x5DC0] =	vst v10  }
0x247: {  	v10 =	vld [tilespmem:s0+$0x45D0];
	_ =	sdelay $0x4  }
0x248: {  	[tilespmem:s2+$0x5DD0] =	vst v10  }
0x249: {  	v10 =	vld [tilespmem:s0+$0x45E0];
	_ =	sdelay $0x4  }
0x24a: {  	[tilespmem:s2+$0x5DE0] =	vst v10  }
0x24b: {  	v10 =	vld [tilespmem:s0+$0x45F0];
	_ =	sdelay $0x3  }
0x24c: {  	p3 =	sne.s32 s30, $0x80  }
.Ltmp32:
0x24d: {  	s1 =	sshll.u32 s18, $0x3;
	[tilespmem:s2+$0x5DF0] =	vst v10;
	(pc) =	sbr.rel @!p3 .LBB2_44-.Ltmp32, $2  }
0x24e: {  	v11 =	vadd.s32 s1, v4;
	v10 =	vld [tilespmem:s0+$0x4980];
	_ =	sdelay $0x2  }
0x24f: {  	s2 =	simm.s32 $0x80;
	s0 =	smov.u32 s28  }
.LBB2_43:
0x250: {  	s31 =	sadd.s32 $0x1, s31  }
0x251: {  	[tilespmem:v11+s16+$0x0] =	vst.idx.msk $0xff, v10;
	s0 =	sadd.s32 $0x1, s0;
	s1 =	smov.u32 s2;
	s2 =	sadd.s32 $0x80, s2  }
0x252: {  	v10 =	vld [tilespmem:s0+$0x0];
	p3 =	sne.s32 s30, s2;
	_ =	sdelay $0x4  }
0x253: {  	(v2sf) =	vpush v10, $0x0;
	_ =	sdelay $0x8  }
0x254: {  	s3 =	sshrl.u32 s31, $0x3  }
0x255: {  	s3 =	smul.u32 $0x3000, s3;
	_ =	sdelay $0x1  }
0x256: {  	s1 =	sand.u32 $0x380, s1;
	s3 =	sshra.s32 s3, $0x2  }
0x257: {  	s1 =	sor.u32 s1, s3  }
0x258: {  	v10 =	vld [tilespmem:s1+$0x4180]  }
0x259: {  	s3 =	spop (v2sf)  }
0x25a: {  	s4 =	sshll.u32 s3, $0x8;
	s5 =	sshll.u32 s3, $0x7;
	s11 =	sshll.u32 s3, $0x3  }
0x25b: {  	s3 =	sand.u32 $0xFFFFF800, s4;
	s4 =	sand.u32 $0x380, s5  }
0x25c: {  	s12 =	sor.u32 s4, s3  }
0x25d: {  	[tilespmem:s12+$0x5980] =	vst v10  }
0x25e: {  	v10 =	vld [tilespmem:s1+$0x4190];
	_ =	sdelay $0x4  }
0x25f: {  	[tilespmem:s12+$0x5990] =	vst v10  }
0x260: {  	v10 =	vld [tilespmem:s1+$0x41A0];
	_ =	sdelay $0x4  }
0x261: {  	[tilespmem:s12+$0x59A0] =	vst v10  }
0x262: {  	v10 =	vld [tilespmem:s1+$0x41B0];
	_ =	sdelay $0x4  }
0x263: {  	[tilespmem:s12+$0x59B0] =	vst v10  }
0x264: {  	v10 =	vld [tilespmem:s1+$0x41C0];
	_ =	sdelay $0x4  }
0x265: {  	[tilespmem:s12+$0x59C0] =	vst v10  }
0x266: {  	v10 =	vld [tilespmem:s1+$0x41D0];
	_ =	sdelay $0x4  }
0x267: {  	[tilespmem:s12+$0x59D0] =	vst v10  }
0x268: {  	v10 =	vld [tilespmem:s1+$0x41E0];
	_ =	sdelay $0x4  }
0x269: {  	[tilespmem:s12+$0x59E0] =	vst v10  }
0x26a: {  	v10 =	vld [tilespmem:s1+$0x41F0];
	_ =	sdelay $0x4  }
0x26b: {  	[tilespmem:s12+$0x59F0] =	vst v10  }
0x26c: {  	v10 =	vld [tilespmem:s1+$0x4580];
	_ =	sdelay $0x4  }
0x26d: {  	[tilespmem:s12+$0x5D80] =	vst v10  }
0x26e: {  	v10 =	vld [tilespmem:s1+$0x4590];
	_ =	sdelay $0x4  }
0x26f: {  	[tilespmem:s12+$0x5D90] =	vst v10  }
0x270: {  	v10 =	vld [tilespmem:s1+$0x45A0];
	_ =	sdelay $0x4  }
0x271: {  	[tilespmem:s12+$0x5DA0] =	vst v10  }
0x272: {  	v10 =	vld [tilespmem:s1+$0x45B0];
	_ =	sdelay $0x4  }
0x273: {  	[tilespmem:s12+$0x5DB0] =	vst v10  }
0x274: {  	v10 =	vld [tilespmem:s1+$0x45C0];
	_ =	sdelay $0x4  }
0x275: {  	[tilespmem:s12+$0x5DC0] =	vst v10  }
0x276: {  	v10 =	vld [tilespmem:s1+$0x45D0];
	_ =	sdelay $0x4  }
0x277: {  	[tilespmem:s12+$0x5DD0] =	vst v10  }
0x278: {  	v10 =	vld [tilespmem:s1+$0x45E0];
	_ =	sdelay $0x4  }
0x279: {  	[tilespmem:s12+$0x5DE0] =	vst v10  }
0x27a: {  	v10 =	vld [tilespmem:s1+$0x45F0];
	_ =	sdelay $0x1  }
.Ltmp33:
0x27b: {  	(pc) =	sbr.rel @p3 .LBB2_43-.Ltmp33, $3  }
0x27c: {  	_ =	sdelay $0x1  }
0x27d: {  	[tilespmem:s12+$0x5DF0] =	vst v10  }
0x27e: {  	v11 =	vadd.s32 s11, v4;
	v10 =	vld [tilespmem:s1+$0x4980]  }
.Ltmp34:
0x27f: {  	_ = 	snop;
	(pc) =	sbr.rel .LBB2_44-.Ltmp34, $1  }
0x280: {  	_ =	sdelay $0x3  }
.LBB2_34:
.Ltmp35:
0x281: {  	(pc) =	sbr.rel .LBB2_38-.Ltmp35, $2  }
0x282: {  	_ =	sdelay $0x2  }
0x283: {  	s11 =	simm.s32 $0x4980  }
.LBB2_36:
.Ltmp36:
0x284: {  	(pc) =	sbr.rel .LBB2_38-.Ltmp36, $2  }
0x285: {  	_ =	sdelay $0x2  }
0x286: {  	s11 =	simm.s32 $0x4980  }
.LBB2_46:
0x287: {  	p3 =	slt.s32 s23, $0x100;
	s0 =	smov.u32 s23  }
0x288: {  	s0 =	simm.s32 @!p3 $0x100  }
0x289: {  	s0 =	sadd.s32 $0xF, s0  }
0x28a: {  	s1 =	sand.u32 $0xF, s0  }
0x28b: {  	p4 =	slt.s32 s23, $0xFFFFFFF2;
	s31 =	sshra.s32 s0, $0x1F;
	p6 =	sne.s32 s1, $0x0  }
0x28c: {  	s1 =	sshrl.u32 s31, $0x1C;
	p3 =	por !p4, !p6  }
0x28d: {  	s0 =	sadd.s32 s1, s0;
	s1 =	simm.s32 $0x1;
	p3 =	por !p3, !p3  }
0x28e: {  	s0 =	sshra.s32 s0, $0x4;
	s1 =	simm.s32 @!p3 $0x0  }
0x28f: {  	s1 =	ssub.s32 s0, s1  }
0x290: {  	p3 =	slt.s32 s1, $0x1  }
.Ltmp37:
0x291: {  	_ = 	snop;
	(pc) =	sbr.rel @p3 .LBB2_49-.Ltmp37, $2  }
0x292: {  	_ =	sdelay $0x2  }
0x293: {  	s4 =	simm.s32 $0x2080;
	s5 =	simm.s32 $0x3100  }
0x294: {  	s0 =	simm.s32 $0x3100  }
0x295: {  	p3 =	sne.s32 s1, $0x1;
	v10 =	vld [tilespmem:s0+$0x0]  }
.Ltmp38:
0x296: {  	_ = 	snop;
	(pc) =	sbr.rel @!p3 .LBB2_49-.Ltmp38, $3  }
0x297: {  	_ =	sdelay $0x1  }
0x298: {  	s0 =	simm.s32 $0x1F680  }
0x299: {  	s1 =	sadd.s32 $0xFFFFFFFF, s1;
	s2 =	simm.s32 $0x3110;
	[tilespmem:s0+$0x0] =	vst v10  }
.LBB2_48:
0x29a: {  	v10 =	vld [tilespmem:s2+$0x0];
	p3 =	sne.s32 s1, $0x1;
	s1 =	sadd.s32 $0xFFFFFFFF, s1  }
.Ltmp39:
0x29b: {  	(pc) =	sbr.rel @p3 .LBB2_48-.Ltmp39, $3  }
0x29c: {  	_ =	sdelay $0x1  }
0x29d: {  	s0 =	sadd.s32 $0x10, s0  }
0x29e: {  	s2 =	sadd.s32 $0x10, s2;
	[tilespmem:s0+$0x0] =	vst v10  }
.LBB2_49:
0x29f: {  	p3 =	sge.u32 s21, s15  }
0x2a0: {  	v10 =	vmov s23;
	s23 =	sor.u32 $0x1, s21;
	s0 =	smul.u32 @!p3 $0x1900, s22  }
.Ltmp40:
0x2a1: {  	s1 =	simm.s32 @!p3 $0x0;
	s2 =	simm.s32 @!p3 $0x5980;
	(pc) =	sbr.rel @p0 .LBB2_50-.Ltmp40, $4  }
0x2a2: {  	[tilespmem:$0x1F980] =	vst v10;
	s3 =	smul.u32 @!p3 $0xC8, s22;
	s31 =	sshll.u32 s23, $0x5;
	s0 =	sadd.s32 @!p3 s7, s0  }
0x2a3: {  	[hbm4b:s0+s1] =	stream.linear.scatter @!p3 [tilespmem:s2], [sflag:$0x2], $0xC800, $0x38;
	[tilespmem:$0x1FA80] =	vst v63  }
0x2a4: {  	s22 =	sor.u32 s9, s31;
	s0 =	sadd.s32 @!p3 s14, s3;
	s2 =	simm.s32 @!p3 $0x1E980  }
0x2a5: {  	[hbm4b:s0+s1] =	stream.linear.scatter @!p3 [tilespmem:s2], [sflag:$0x2], $0x640, $0x38;
	[tilespmem:$0x1FA80] =	vst v63  }
.Ltmp41:
0x2a6: {  	(pc) =	sbr.rel @!p1 .LBB2_52-.Ltmp41, $3  }
0x2a7: {  	_ =	sdelay $0x1  }
0x2a8: {  	s2 =	simm.s32 $0x1000  }
0x2a9: {  	v10 =	vmov s22;
	s0 =	simm.s32 $0x0;
	s1 =	sadd.s32 $0xFFFFFFFF, s19;
	p3 =	por $0x0, $0x0;
	v11 =	vld [tilespmem:s2+$0x0]  }
0x2aa: {  	_ =	sdelay $0x3  }
0x2ab: {  	v12 =	vor.u32 s0, v4;
	v13 =	vshra.s32 v11, $0x14  }
0x2ac: {  	vm10 =	vlt.s32 v12, v9;
	vm11 =	veq.s32 v13, v10  }
0x2ad: {  	vm10 =	vmand vm10, vm11  }
0x2ae: {  	v60 =	vmpcnt.ones.xlane vm10;
	v61 =	vsel vm10, $0x1, v1  }
0x2af: {  	(xrf0) =	vadd.scan.msk.s32 $0xffff, v61  }
0x2b0: {  	(v2sf) =	vpush v60, $0x0;
	_ =	sdelay $0x1  }
0x2b1: {  	v62 =	vmov s0  }
0x2b2: {  	v12 =	vadd.s32 $0xFFFFFFFF, v62  }
0x2b3: {  	v12 =	vbroadcast v12, $0x0  }
0x2b4: {  	v13, _, _ =	vpop (xrf0)  }
0x2b5: {  	v12 =	vadd.s32 v13, v12  }
0x2b6: {  	v12 =	vnsel vm10, $0x0, v12;
	_ =	sdelay $0x2  }
0x2b7: {  	p1 =	sne.s32 s1, $0x1  }
.Ltmp42:
0x2b8: {  	v63 =	vshrl.u32 v11, $0xC;
	v11 =	vand.u32 $0xFFF, v11;
	(pc) =	sbr.rel @!p1 .LBB2_54-.Ltmp42, $4  }
0x2b9: {  	[tilespmem:v12+s4+$0x0] =	vst.idx.msk vm10, v11;
	v11 =	vand.u32 $0xFF, v63  }
0x2ba: {  	s12 =	simm.s32 $0x1010;
	[tilespmem:v12+s5+$0x0] =	vst.idx.msk vm10, v11  }
0x2bb: {  	s2 =	sadd.s32 $0xFFFFFFFF, s1;
	p3 =	por $0x1, $0x1;
	v11 =	vld [tilespmem:s12+$0x0]  }
0x2bc: {  	s1 =	simm.s32 $0x0;
	s11 =	simm.s32 $0x0;
	s18 =	spop (v2sf)  }
.LBB2_55:
0x2bd: {  	p1 =	sne.s32 s2, $0x1;
	s1 =	sadd.s32 s1, s18;
	s11 =	sadd.s32 $0x10, s11  }
0x2be: {  	s2 =	sadd.s32 $0xFFFFFFFF, s2;
	v12 =	vmov s1  }
0x2bf: {  	v12 =	vadd.s32 $0xFFFFFFFF, v12  }
0x2c0: {  	v13 =	vor.u32 s11, v4;
	v14 =	vshra.s32 v11, $0x14;
	v15 =	vshrl.u32 v11, $0xC  }
0x2c1: {  	vm10 =	vlt.s32 v13, v9;
	vm11 =	veq.s32 v14, v10  }
0x2c2: {  	vm10 =	vmand vm10, vm11  }
0x2c3: {  	v13 =	vsel vm10, $0x1, v1;
	v14 =	vmpcnt.ones.xlane vm10  }
0x2c4: {  	(xrf0) =	vadd.scan.msk.s32 $0xffff, v13  }
0x2c5: {  	(v2sf) =	vpush v14, $0x0;
	_ =	sdelay $0x3  }
0x2c6: {  	v12 =	vbroadcast v12, $0x0  }
0x2c7: {  	v13, _, _ =	vpop (xrf0)  }
0x2c8: {  	v12 =	vadd.s32 v13, v12  }
0x2c9: {  	v12 =	vnsel vm10, $0x0, v12;
	_ =	sdelay $0x3  }
.Ltmp43:
0x2ca: {  	v11 =	vand.u32 $0xFFF, v11;
	(pc) =	sbr.rel @p1 .LBB2_55-.Ltmp43, $4  }
0x2cb: {  	[tilespmem:v12+s4+$0x0] =	vst.idx.msk vm10, v11;
	v11 =	vand.u32 $0xFF, v15  }
0x2cc: {  	s12 =	sadd.s32 $0x10, s12;
	[tilespmem:v12+s5+$0x0] =	vst.idx.msk vm10, v11  }
0x2cd: {  	v11 =	vld [tilespmem:s12+$0x0]  }
0x2ce: {  	s18 =	spop (v2sf)  }
.LBB2_56:
0x2cf: {  	_ = 	snop  }
0x2d0: {  	s2 =	sadd.s32 @p3 $0x10, s11  }
0x2d1: {  	s0 =	smov.u32 @p3 s2  }
0x2d2: {  	v12 =	vor.u32 s0, v4;
	v13 =	vshra.s32 v11, $0x14  }
0x2d3: {  	vm10 =	vlt.s32 v12, v9;
	vm11 =	veq.s32 v13, v10  }
0x2d4: {  	vm10 =	vmand vm10, vm11  }
0x2d5: {  	v10 =	vmpcnt.ones.xlane vm10;
	_ =	sdelay $0x1  }
0x2d6: {  	(v2sf) =	vpush v10, $0x0  }
0x2d7: {  	v10 =	vsel vm10, $0x1, v1  }
0x2d8: {  	(xrf0) =	vadd.scan.msk.s32 $0xffff, v10  }
0x2d9: {  	s0 =	sadd.s32 @p3 s1, s18;
	s1 =	simm.s32 $0x0  }
0x2da: {  	s1 =	smov.u32 @p3 s0  }
0x2db: {  	v10 =	vmov s1  }
0x2dc: {  	v10 =	vadd.s32 $0xFFFFFFFF, v10  }
0x2dd: {  	v10 =	vbroadcast v10, $0x0  }
0x2de: {  	v62, _, _ =	vpop (xrf0)  }
0x2df: {  	v10 =	vadd.s32 v62, v10  }
0x2e0: {  	v10 =	vnsel vm10, $0x0, v10;
	_ =	sdelay $0x1  }
.Ltmp44:
0x2e1: {  	_ = 	snop;
	(pc) =	sbr.rel .LBB2_57-.Ltmp44, $4  }
0x2e2: {  	_ = 	snop  }
0x2e3: {  	v63 =	vshrl.u32 v11, $0xC;
	v11 =	vand.u32 $0xFFF, v11  }
0x2e4: {  	[tilespmem:v10+s4+$0x0] =	vst.idx.msk vm10, v11;
	v11 =	vand.u32 $0xFF, v63;
	s31 =	spop (v2sf)  }
0x2e5: {  	[tilespmem:v10+s5+$0x0] =	vst.idx.msk vm10, v11;
	vm10 =	vcmask $0x2F2C;
	s24 =	sadd.s32 s1, s31  }
.LBB2_50:
0x2e6: {  	s24 =	simm.s32 $0x0  }
.LBB2_57:
0x2e7: {  	s0 =	sadd.s32 $0x7, s24  }
0x2e8: {  	s1 =	sand.u32 $0x7, s0  }
0x2e9: {  	s2 =	sshra.s32 s0, $0x1F;
	p1 =	slt.s32 s0, $0x1;
	p3 =	sne.s32 s1, $0x0  }
0x2ea: {  	s31 =	sshrl.u32 s2, $0x1D;
	p1 =	por !p1, !p3  }
0x2eb: {  	s1 =	simm.s32 $0x1;
	s0 =	sadd.s32 s31, s0;
	p1 =	por !p1, !p1  }
0x2ec: {  	s0 =	sshra.s32 s0, $0x3;
	s1 =	simm.s32 @!p1 $0x0  }
0x2ed: {  	s0 =	ssub.s32 s0, s1  }
0x2ee: {  	p1 =	slt.s32 s0, $0x1  }
.Ltmp45:
0x2ef: {  	_ = 	snop;
	(pc) =	sbr.rel @p1 .LBB2_64-.Ltmp45, $1  }
0x2f0: {  	_ =	sdelay $0x3  }
0x2f1: {  	s1 =	smin.u32 s0, $0x2  }
0x2f2: {  	p3 =	sne.s32 s1, $0x1  }
.Ltmp46:
0x2f3: {  	_ = 	snop;
	(pc) =	sbr.rel @!p3 .LBB2_59-.Ltmp46, $3  }
0x2f4: {  	_ =	sdelay $0x1  }
0x2f5: {  	s2 =	simm.s32 $0x2080  }
0x2f6: {  	s0 =	simm.s32 $0x4980;
	p1 =	por $0x0, $0x0;
	v10 =	vld.msk [tilespmem:s2+$0x0], $0xff;
	s1 =	sadd.s32 $0xFFFFFFFF, s1  }
0x2f7: {  	_ =	sdelay $0x3  }
0x2f8: {  	v11 =	vshrl.u32 v10, $0x3  }
0x2f9: {  	v11 =	vmul.u32 $0x18, v11  }
0x2fa: {  	v10 =	vand.u32 $0x7, v10  }
0x2fb: {  	v10 =	vor.u32 v10, v11  }
0x2fc: {  	v10 =	vperm.xlane v10, v6;
	_ =	sdelay $0x1  }
0x2fd: {  	v10 =	vadd.s32 v7, v10;
	_ =	sdelay $0x2  }
0x2fe: {  	p3 =	sne.s32 s1, $0x1  }
.Ltmp47:
0x2ff: {  	s2 =	simm.s32 $0x4180;
	(pc) =	sbr.rel @!p3 .LBB2_61-.Ltmp47, $4  }
0x300: {  	[tilespmem:s2], [sflag:$0x1] =	stream.indirect_vreg.gather [hbm4b:s8+s6], $0x80, v10, vm9, $0xb8;
	[tilespmem:$0x1FA80] =	vst v63  }
0x301: {  	s2 =	simm.s32 $0x2088  }
0x302: {  	[tilespmem:s0], [sflag:$0x1] =	stream.indirect_vreg.gather [hbm4b:s10+s6], $0x80, v10, vm8, $0xb8;
	[tilespmem:$0x1FA80] =	vst v63  }
0x303: {  	s11 =	sadd.s32 $0xFFFFFFFF, s1;
	p1 =	por $0x1, $0x1;
	s1 =	simm.s32 $0x4980;
	v10 =	vld.msk [tilespmem:s2+$0x0], $0xff  }
.LBB2_62:
0x304: {  	p3 =	sne.s32 s11, $0x1;
	_ =	sdelay $0x3  }
0x305: {  	v11 =	vshrl.u32 v10, $0x3  }
0x306: {  	v11 =	vmul.u32 $0x18, v11  }
0x307: {  	v10 =	vand.u32 $0x7, v10  }
0x308: {  	v10 =	vor.u32 v10, v11  }
0x309: {  	v10 =	vperm.xlane v10, v6;
	_ =	sdelay $0x1  }
0x30a: {  	v10 =	vadd.s32 v7, v10;
	_ =	sdelay $0x2  }
0x30b: {  	s1 =	sadd.s32 $0xC00, s1  }
.Ltmp48:
0x30c: {  	s3 =	sadd.s32 $0xFFFFF800, s1;
	(pc) =	sbr.rel @p3 .LBB2_62-.Ltmp48, $4  }
0x30d: {  	[tilespmem:s3], [sflag:$0x1] =	stream.indirect_vreg.gather [hbm4b:s8+s6], $0x80, v10, vm9, $0xb8;
	[tilespmem:$0x1FA80] =	vst v63  }
0x30e: {  	s2 =	sadd.s32 $0x8, s2  }
0x30f: {  	[tilespmem:s1], [sflag:$0x1] =	stream.indirect_vreg.gather [hbm4b:s10+s6], $0x80, v10, vm8, $0xb8;
	[tilespmem:$0x1FA80] =	vst v63  }
0x310: {  	s11 =	sadd.s32 $0xFFFFFFFF, s11;
	v10 =	vld.msk [tilespmem:s2+$0x0], $0xff  }
.LBB2_63:
0x311: {  	_ =	sdelay $0x3  }
0x312: {  	v11 =	vshrl.u32 v10, $0x3  }
0x313: {  	v11 =	vmul.u32 $0x18, v11  }
0x314: {  	v10 =	vand.u32 $0x7, v10  }
0x315: {  	v10 =	vor.u32 v10, v11  }
0x316: {  	v10 =	vperm.xlane v10, v6;
	_ =	sdelay $0x1  }
0x317: {  	v10 =	vadd.s32 v7, v10;
	_ =	sdelay $0x1  }
0x318: {  	s1 =	sadd.s32 @p1 $0xC00, s1  }
0x319: {  	s0 =	smov.u32 @p1 s1  }
0x31a: {  	s1 =	sadd.s32 $0xFFFFF800, s0  }
0x31b: {  	[tilespmem:s1], [sflag:$0x1] =	stream.indirect_vreg.gather [hbm4b:s8+s6], $0x80, v10, vm9, $0xb8;
	[tilespmem:$0x1FA80] =	vst v63  }
0x31c: {  	_ = 	snop  }
0x31d: {  	[tilespmem:s0], [sflag:$0x1] =	stream.indirect_vreg.gather [hbm4b:s10+s6], $0x80, v10, vm8, $0xb8;
	[tilespmem:$0x1FA80] =	vst v63  }
.LBB2_64:
0x31e: {  	p1 =	sgt.u32 @!p2 s21, s15  }
0x31f: {  	p1 =	por p1, p2  }
0x320: {  	s0 =	simm.s32 @!p1 $0x3  }
0x321: {  	_ =	swait.ge @!p1 [sflag:s0], $0xC800  }
0x322: {  	[sflag:s0] =	ssyncset.done @!p1 $0x0  }
0x323: {  	[sflag:s0] =	ssyncadd.s32 @!p1 $0xFFFF3800  }
0x324: {  	_ =	swait.ge @!p1 [sflag:s0], $0x640  }
0x325: {  	[sflag:s0] =	ssyncset.done @!p1 $0x0  }
0x326: {  	[sflag:s0] =	ssyncadd.s32 @!p1 $0xFFFFF9C0  }
0x327: {  	v10 =	vld [tilespmem:$0x1FA00];
	_ =	sdelay $0x4  }
0x328: {  	(v2sf) =	vpush v10, $0x0;
	_ =	sdelay $0xe  }
0x329: {  	s1 =	spop (v2sf)  }
0x32a: {  	p1 =	slt.s32 s1, $0x101  }
.Ltmp49:
0x32b: {  	_ = 	snop;
	(pc) =	sbr.rel @p1 .LBB2_70-.Ltmp49, $2  }
0x32c: {  	_ =	sdelay $0x2  }
0x32d: {  	s2 =	simm.s32 $0x0  }
0x32e: {  	s0 =	sand.u32 $0xF800, s2;
	s1 =	sand.u32 $0x380, s2  }
0x32f: {  	s1 =	sor.u32 s1, s0  }
0x330: {  	s0 =	sadd.s32 $0x12180, s1;
	[tilespmem:s1+$0x12180] =	vst v8  }
0x331: {  	[tilespmem:s0+$0x10] =	vst v8  }
0x332: {  	[tilespmem:s0+$0x20] =	vst v8  }
0x333: {  	[tilespmem:s0+$0x30] =	vst v8  }
0x334: {  	[tilespmem:s0+$0x40] =	vst v8  }
0x335: {  	[tilespmem:s0+$0x50] =	vst v8  }
0x336: {  	[tilespmem:s0+$0x60] =	vst v8  }
0x337: {  	[tilespmem:s0+$0x70] =	vst v8  }
0x338: {  	[tilespmem:s0+$0x400] =	vst v8  }
0x339: {  	[tilespmem:s0+$0x410] =	vst v8  }
0x33a: {  	[tilespmem:s0+$0x420] =	vst v8  }
0x33b: {  	[tilespmem:s0+$0x430] =	vst v8  }
0x33c: {  	[tilespmem:s0+$0x440] =	vst v8  }
0x33d: {  	s3 =	sadd.s32 $0x100, s2;
	s1 =	sadd.s32 $0x80, s2;
	[tilespmem:s0+$0x450] =	vst v8  }
0x33e: {  	s11 =	sand.u32 $0xF800, s3;
	s2 =	sadd.s32 $0x100, s3;
	s12 =	sand.u32 $0x380, s1;
	[tilespmem:s0+$0x460] =	vst v8  }
.LBB2_66:
0x33f: {  	p1 =	sne.s32 s2, $0xC700;
	s3 =	sor.u32 s12, s11;
	[tilespmem:s0+$0x470] =	vst v8  }
0x340: {  	s0 =	sadd.s32 $0x12180, s3;
	[tilespmem:s3+$0x12180] =	vst v8  }
0x341: {  	[tilespmem:s0+$0x10] =	vst v8  }
0x342: {  	[tilespmem:s0+$0x20] =	vst v8  }
0x343: {  	[tilespmem:s0+$0x30] =	vst v8  }
0x344: {  	[tilespmem:s0+$0x40] =	vst v8  }
0x345: {  	[tilespmem:s0+$0x50] =	vst v8  }
0x346: {  	[tilespmem:s0+$0x60] =	vst v8  }
0x347: {  	[tilespmem:s0+$0x70] =	vst v8  }
0x348: {  	[tilespmem:s0+$0x400] =	vst v8  }
0x349: {  	[tilespmem:s0+$0x410] =	vst v8  }
.Ltmp50:
0x34a: {  	[tilespmem:s0+$0x420] =	vst v8;
	(pc) =	sbr.rel @p1 .LBB2_66-.Ltmp50, $4  }
0x34b: {  	[tilespmem:s0+$0x430] =	vst v8  }
0x34c: {  	[tilespmem:s0+$0x440] =	vst v8  }
0x34d: {  	s1 =	sadd.s32 $0x80, s1;
	[tilespmem:s0+$0x450] =	vst v8  }
0x34e: {  	s11 =	sand.u32 $0xF800, s2;
	s2 =	sadd.s32 $0x100, s2;
	s12 =	sand.u32 $0x380, s1;
	[tilespmem:s0+$0x460] =	vst v8  }
0x34f: {  	s1 =	sor.u32 s12, s11;
	[tilespmem:s0+$0x470] =	vst v8  }
0x350: {  	s31 =	sadd.s32 $0x12180, s1;
	[tilespmem:s1+$0x12180] =	vst v8  }
0x351: {  	[tilespmem:s31+$0x10] =	vst v8  }
0x352: {  	[tilespmem:s31+$0x20] =	vst v8  }
0x353: {  	[tilespmem:s31+$0x30] =	vst v8  }
0x354: {  	[tilespmem:s31+$0x40] =	vst v8  }
0x355: {  	[tilespmem:s31+$0x50] =	vst v8  }
0x356: {  	[tilespmem:s31+$0x60] =	vst v8  }
0x357: {  	[tilespmem:s31+$0x70] =	vst v8  }
0x358: {  	[tilespmem:s31+$0x400] =	vst v8  }
0x359: {  	[tilespmem:s31+$0x410] =	vst v8  }
0x35a: {  	[tilespmem:s31+$0x420] =	vst v8  }
0x35b: {  	[tilespmem:s31+$0x430] =	vst v8  }
0x35c: {  	[tilespmem:s31+$0x440] =	vst v8  }
0x35d: {  	[tilespmem:s31+$0x450] =	vst v8  }
0x35e: {  	[tilespmem:s31+$0x460] =	vst v8  }
0x35f: {  	s0 =	simm.s32 $0x40;
	s1 =	simm.s32 $0x0;
	[tilespmem:s31+$0x470] =	vst v8  }
.LBB2_68:
0x360: {  	p1 =	seq.s32 s0, $0x18C0;
	[tilespmem:s1+$0x1F000] =	vst v8;
	s1 =	smov.u32 s0;
	s0 =	sadd.s32 $0x40, s0  }
.Ltmp51:
0x361: {  	(pc) =	sbr.rel @!p1 .LBB2_68-.Ltmp51, $2  }
0x362: {  	_ =	sdelay $0x2  }
0x363: {  	s1 =	sshra.s32 s1, $0x2  }
.Ltmp52:
0x364: {  	(pc) =	sbr.rel .LBB2_74-.Ltmp52, $2  }
0x365: {  	_ =	sdelay $0x2  }
0x366: {  	[tilespmem:s1+$0x1F000] =	vst v8  }
.LBB2_70:
0x367: {  	s0 =	sadd.s32 $0xFFFFFFFF, s1  }
0x368: {  	p1 =	sgt.u32 s0, $0xFF  }
.Ltmp53:
0x369: {  	_ = 	snop;
	(pc) =	sbr.rel @p1 .LBB2_74-.Ltmp53, $2  }
0x36a: {  	_ =	sdelay $0x2  }
0x36b: {  	s0 =	simm.s32 $0x1F800  }
0x36c: {  	v10 =	vld [tilespmem:s0+$0x0];
	_ =	sdelay $0x4  }
0x36d: {  	(v2sf) =	vpush v10, $0x0;
	_ =	sdelay $0xe  }
0x36e: {  	s3 =	spop (v2sf)  }
0x36f: {  	p1 =	sne.s32 s1, $0x1;
	s2 =	sshll.u32 s3, $0x8;
	s4 =	sshll.u32 s3, $0x7  }
.Ltmp54:
0x370: {  	s2 =	sand.u32 $0xFFFFF800, s2;
	s4 =	sand.u32 $0x380, s4;
	(pc) =	sbr.rel @!p1 .LBB2_73-.Ltmp54, $4  }
0x371: {  	s4 =	sor.u32 s4, s2  }
0x372: {  	s2 =	sadd.s32 $0x12180, s4;
	[tilespmem:s4+$0x12180] =	vst v8  }
0x373: {  	s3 =	sshll.u32 s3, $0x3;
	[tilespmem:s2+$0x470] =	vst v8  }
0x374: {  	s1 =	sadd.s32 $0xFFFFFFFF, s1;
	v10 =	vadd.s32 s3, v4;
	[tilespmem:s2+$0x460] =	vst v8  }
.LBB2_72:
0x375: {  	p1 =	sne.s32 s1, $0x1;
	s1 =	sadd.s32 $0xFFFFFFFF, s1;
	[tilespmem:s2+$0x450] =	vst v8;
	s0 =	sadd.s32 $0x1, s0  }
0x376: {  	[tilespmem:s2+$0x440] =	vst v8  }
0x377: {  	[tilespmem:s2+$0x430] =	vst v8  }
0x378: {  	[tilespmem:s2+$0x420] =	vst v8  }
0x379: {  	[tilespmem:s2+$0x410] =	vst v8  }
0x37a: {  	[tilespmem:s2+$0x400] =	vst v8  }
0x37b: {  	[tilespmem:s2+$0x70] =	vst v8  }
0x37c: {  	[tilespmem:s2+$0x60] =	vst v8  }
0x37d: {  	[tilespmem:s2+$0x50] =	vst v8  }
0x37e: {  	[tilespmem:s2+$0x40] =	vst v8  }
0x37f: {  	[tilespmem:s2+$0x20] =	vst v8  }
0x380: {  	[tilespmem:s2+$0x10] =	vst v8  }
0x381: {  	[tilespmem:s2+$0x30] =	vst v8  }
0x382: {  	[tilespmem:v10+s17+$0x0] =	vst.idx.msk $0xff, v8  }
0x383: {  	v10 =	vld [tilespmem:s0+$0x0];
	_ =	sdelay $0x4  }
0x384: {  	(v2sf) =	vpush v10, $0x0;
	_ =	sdelay $0xe  }
0x385: {  	s2 =	spop (v2sf)  }
0x386: {  	s3 =	sshll.u32 s2, $0x8;
	s4 =	sshll.u32 s2, $0x7;
	s2 =	sshll.u32 s2, $0x3  }
.Ltmp55:
0x387: {  	s3 =	sand.u32 $0xFFFFF800, s3;
	s4 =	sand.u32 $0x380, s4;
	v10 =	vadd.s32 s2, v4;
	(pc) =	sbr.rel @p1 .LBB2_72-.Ltmp55, $4  }
0x388: {  	s3 =	sor.u32 s4, s3  }
0x389: {  	s2 =	sadd.s32 $0x12180, s3;
	[tilespmem:s3+$0x12180] =	vst v8  }
0x38a: {  	[tilespmem:s2+$0x470] =	vst v8  }
0x38b: {  	[tilespmem:s2+$0x460] =	vst v8  }
.LBB2_73:
0x38c: {  	[tilespmem:s2+$0x450] =	vst v8  }
0x38d: {  	[tilespmem:s2+$0x440] =	vst v8  }
0x38e: {  	[tilespmem:s2+$0x430] =	vst v8  }
0x38f: {  	[tilespmem:s2+$0x420] =	vst v8  }
0x390: {  	[tilespmem:s2+$0x410] =	vst v8  }
0x391: {  	[tilespmem:s2+$0x400] =	vst v8  }
0x392: {  	[tilespmem:s2+$0x70] =	vst v8  }
0x393: {  	[tilespmem:s2+$0x60] =	vst v8  }
0x394: {  	[tilespmem:s2+$0x50] =	vst v8  }
0x395: {  	[tilespmem:s2+$0x40] =	vst v8  }
0x396: {  	[tilespmem:s2+$0x20] =	vst v8  }
0x397: {  	[tilespmem:s2+$0x10] =	vst v8  }
0x398: {  	[tilespmem:s2+$0x30] =	vst v8  }
0x399: {  	[tilespmem:v10+s17+$0x0] =	vst.idx.msk $0xff, v8  }
.LBB2_74:
0x39a: {  	s0 =	sadd.s32 $0xF, s24  }
0x39b: {  	s1 =	sand.u32 $0xF, s0  }
0x39c: {  	s2 =	sshra.s32 s0, $0x1F;
	p1 =	slt.s32 s0, $0x1;
	p2 =	sne.s32 s1, $0x0  }
0x39d: {  	s31 =	sshrl.u32 s2, $0x1C;
	p1 =	por !p1, !p2  }
0x39e: {  	s1 =	simm.s32 $0x1;
	s0 =	sadd.s32 s31, s0;
	p1 =	por !p1, !p1  }
0x39f: {  	s0 =	sshra.s32 s0, $0x4;
	s1 =	simm.s32 @!p1 $0x0  }
0x3a0: {  	s21 =	ssub.s32 s0, s1  }
0x3a1: {  	p1 =	slt.s32 s21, $0x1  }
.Ltmp56:
0x3a2: {  	_ = 	snop;
	(pc) =	sbr.rel @p1 .LBB2_90-.Ltmp56, $1  }
0x3a3: {  	_ =	sdelay $0x3  }
.Ltmp57:
0x3a4: {  	(pc) =	sbr.rel .LBB2_76-.Ltmp57, $3  }
0x3a5: {  	_ =	sdelay $0x1  }
0x3a6: {  	s25 =	simm.s32 $0x0  }
0x3a7: {  	s26 =	simm.s32 $0x2080;
	s0 =	simm.s32 $0x3100;
	s29 =	smov.u32 s24  }
.LBB2_88:
0x3a8: {  	_ =	sdelay $0x3  }
0x3a9: {  	[tilespmem:v11+s17+$0x0] =	vst.idx.msk $0xff, v10  }
.LBB2_89:
0x3aa: {  	s25 =	sadd.s32 $0x1, s25  }
0x3ab: {  	p1 =	sne.s32 s25, s21  }
.Ltmp58:
0x3ac: {  	_ = 	snop;
	(pc) =	sbr.rel @!p1 .LBB2_90-.Ltmp58, $2  }
0x3ad: {  	_ =	sdelay $0x2  }
0x3ae: {  	s29 =	sadd.s32 $0xFFFFFFF0, s29;
	s26 =	sadd.s32 $0x10, s26;
	s0 =	sadd.s32 $0x10, s0  }
.LBB2_76:
0x3af: {  	s1 =	sshll.u32 s25, $0x4  }
0x3b0: {  	s1 =	ssub.s32 s24, s1  }
0x3b1: {  	p1 =	slt.s32 s1, $0x10;
	s2 =	smov.u32 s1  }
0x3b2: {  	s2 =	simm.s32 @!p1 $0x10  }
0x3b3: {  	s2 =	sadd.s32 $0x7, s2  }
0x3b4: {  	s3 =	sand.u32 $0x7, s2  }
0x3b5: {  	p2 =	slt.s32 s1, $0xFFFFFFFA;
	s31 =	sshra.s32 s2, $0x1F;
	p6 =	sne.s32 s3, $0x0  }
0x3b6: {  	s3 =	sshrl.u32 s31, $0x1D;
	p1 =	por !p2, !p6  }
0x3b7: {  	s2 =	sadd.s32 s3, s2;
	s3 =	simm.s32 $0x1;
	p1 =	por !p1, !p1  }
0x3b8: {  	s2 =	sshra.s32 s2, $0x3;
	s3 =	simm.s32 @!p1 $0x0  }
0x3b9: {  	p1 =	seq.s32 s25, $0x0;
	s2 =	ssub.s32 s2, s3  }
0x3ba: {  	p2 =	slt.s32 @!p1 s2, $0x1  }
0x3bb: {  	p1 =	por p1, p2  }
.Ltmp59:
0x3bc: {  	_ = 	snop;
	(pc) =	sbr.rel @p1 .LBB2_84-.Ltmp59, $2  }
0x3bd: {  	_ =	sdelay $0x2  }
0x3be: {  	s11 =	simm.s32 $0x4980  }
0x3bf: {  	p2 =	seq.s32 s2, $0x1  }
.Ltmp60:
0x3c0: {  	_ = 	snop;
	(pc) =	sbr.rel @p2 .LBB2_78-.Ltmp60, $2  }
0x3c1: {  	_ =	sdelay $0x2  }
0x3c2: {  	v10 =	vld.msk [tilespmem:s26+$0x0], $0xff;
	s12 =	sadd.s32 $0xFFFFFFFF, s2;
	p1 =	por $0x0, $0x0  }
0x3c3: {  	_ =	sdelay $0x3  }
0x3c4: {  	v11 =	vshrl.u32 v10, $0x3  }
0x3c5: {  	v11 =	vmul.u32 $0x18, v11  }
0x3c6: {  	v10 =	vand.u32 $0x7, v10  }
0x3c7: {  	v10 =	vor.u32 v10, v11  }
0x3c8: {  	v10 =	vperm.xlane v10, v6;
	_ =	sdelay $0x1  }
0x3c9: {  	v10 =	vadd.s32 v7, v10;
	_ =	sdelay $0x2  }
0x3ca: {  	p2 =	seq.s32 s12, $0x1  }
.Ltmp61:
0x3cb: {  	s3 =	sadd.s32 $0xFFFFF800, s11;
	(pc) =	sbr.rel @p2 .LBB2_80-.Ltmp61, $4  }
0x3cc: {  	[tilespmem:s3], [sflag:$0x1] =	stream.indirect_vreg.gather [hbm4b:s8+s6], $0x80, v10, vm9, $0xb8;
	[tilespmem:$0x1FA80] =	vst v63  }
0x3cd: {  	s18 =	sadd.s32 $0x8, s26  }
0x3ce: {  	[tilespmem:s11], [sflag:$0x1] =	stream.indirect_vreg.gather [hbm4b:s10+s6], $0x80, v10, vm8, $0xb8;
	[tilespmem:$0x1FA80] =	vst v63  }
0x3cf: {  	s28 =	sadd.s32 $0xFFFFFFFF, s12;
	p1 =	por $0x1, $0x1;
	s12 =	simm.s32 $0x4980;
	v10 =	vld.msk [tilespmem:s18+$0x0], $0xff  }
.LBB2_81:
0x3d0: {  	p2 =	seq.s32 s28, $0x1;
	_ =	sdelay $0x3  }
0x3d1: {  	v11 =	vshrl.u32 v10, $0x3  }
0x3d2: {  	v11 =	vmul.u32 $0x18, v11  }
0x3d3: {  	v10 =	vand.u32 $0x7, v10  }
0x3d4: {  	v10 =	vor.u32 v10, v11  }
0x3d5: {  	v10 =	vperm.xlane v10, v6;
	_ =	sdelay $0x1  }
0x3d6: {  	v10 =	vadd.s32 v7, v10;
	_ =	sdelay $0x2  }
0x3d7: {  	s12 =	sadd.s32 $0xC00, s12  }
.Ltmp62:
0x3d8: {  	s3 =	sadd.s32 $0xFFFFF800, s12;
	(pc) =	sbr.rel @!p2 .LBB2_81-.Ltmp62, $4  }
0x3d9: {  	[tilespmem:s3], [sflag:$0x1] =	stream.indirect_vreg.gather [hbm4b:s8+s6], $0x80, v10, vm9, $0xb8;
	[tilespmem:$0x1FA80] =	vst v63  }
0x3da: {  	s18 =	sadd.s32 $0x8, s18  }
0x3db: {  	[tilespmem:s12], [sflag:$0x1] =	stream.indirect_vreg.gather [hbm4b:s10+s6], $0x80, v10, vm8, $0xb8;
	[tilespmem:$0x1FA80] =	vst v63  }
0x3dc: {  	s28 =	sadd.s32 $0xFFFFFFFF, s28;
	v10 =	vld.msk [tilespmem:s18+$0x0], $0xff  }
.LBB2_82:
0x3dd: {  	_ =	sdelay $0x3  }
0x3de: {  	v11 =	vshrl.u32 v10, $0x3  }
0x3df: {  	v11 =	vmul.u32 $0x18, v11  }
0x3e0: {  	v10 =	vand.u32 $0x7, v10  }
0x3e1: {  	v10 =	vor.u32 v10, v11  }
0x3e2: {  	v10 =	vperm.xlane v10, v6;
	_ =	sdelay $0x1  }
0x3e3: {  	v10 =	vadd.s32 v7, v10;
	_ =	sdelay $0x1  }
0x3e4: {  	s3 =	sadd.s32 @p1 $0xC00, s12  }
.Ltmp63:
0x3e5: {  	s11 =	smov.u32 @p1 s3;
	(pc) =	sbr.rel .LBB2_83-.Ltmp63, $4  }
0x3e6: {  	s3 =	sadd.s32 $0xFFFFF800, s11  }
0x3e7: {  	[tilespmem:s3], [sflag:$0x1] =	stream.indirect_vreg.gather [hbm4b:s8+s6], $0x80, v10, vm9, $0xb8;
	[tilespmem:$0x1FA80] =	vst v63  }
0x3e8: {  	_ = 	snop  }
0x3e9: {  	[tilespmem:s11], [sflag:$0x1] =	stream.indirect_vreg.gather [hbm4b:s10+s6], $0x80, v10, vm8, $0xb8;
	[tilespmem:$0x1FA80] =	vst v63  }
.LBB2_84:
0x3ea: {  	p1 =	slt.s32 s2, $0x1  }
.Ltmp64:
0x3eb: {  	_ = 	snop;
	(pc) =	sbr.rel @p1 .LBB2_85-.Ltmp64, $1  }
0x3ec: {  	_ =	sdelay $0x3  }
.LBB2_83:
0x3ed: {  	p1 =	seq.s32 s2, $0x1  }
.Ltmp65:
0x3ee: {  	_ = 	snop;
	(pc) =	sbr.rel @!p1 .LBB2_83-.Ltmp65, $4  }
0x3ef: {  	_ = 	snop  }
0x3f0: {  	_ =	swait.ge [sflag:s13], $0xC00  }
0x3f1: {  	[sflag:s13] =	ssyncset.done $0x0  }
0x3f2: {  	s2 =	sadd.s32 $0xFFFFFFFF, s2;
	[sflag:s13] =	ssyncadd.s32 $0xFFFFF400  }
.LBB2_85:
0x3f3: {  	p1 =	sgt.s32 s1, $0x0  }
.Ltmp66:
0x3f4: {  	_ = 	snop;
	(pc) =	sbr.rel @!p1 .LBB2_89-.Ltmp66, $1  }
0x3f5: {  	_ =	sdelay $0x3  }
0x3f6: {  	v10 =	vld [tilespmem:s0+$0x0];
	_ =	sdelay $0x4  }
0x3f7: {  	(v2sf) =	vpush v10, $0x0;
	_ =	sdelay $0x6  }
0x3f8: {  	p1 =	sgt.s32 s29, $0x1;
	s1 =	smov.u32 s29  }
0x3f9: {  	s1 =	simm.s32 @!p1 $0x1  }
0x3fa: {  	s11 =	simm.s32 $0x0;
	s1 =	smin.u32 s1, $0x10  }
0x3fb: {  	s30 =	sshll.u32 s1, $0x7;
	s1 =	smul.u32 $0x3000, s11  }
0x3fc: {  	s31 =	simm.s32 $0x0  }
0x3fd: {  	s2 =	sand.u32 $0x380, s31;
	s1 =	sshra.s32 s1, $0x2  }
0x3fe: {  	s1 =	sor.u32 s2, s1  }
0x3ff: {  	v10 =	vld [tilespmem:s1+$0x4180]  }
0x400: {  	s12 =	spop (v2sf)  }
0x401: {  	s3 =	sshll.u32 s12, $0x8;
	s4 =	sshll.u32 s12, $0x7  }
0x402: {  	s3 =	sand.u32 $0xFFFFF800, s3;
	s4 =	sand.u32 $0x380, s4  }
0x403: {  	s3 =	sor.u32 s4, s3  }
0x404: {  	[tilespmem:s3+$0x12180] =	vst v10  }
0x405: {  	v10 =	vld [tilespmem:s1+$0x4190];
	_ =	sdelay $0x3  }
0x406: {  	s3 =	sadd.s32 $0x12180, s3  }
0x407: {  	[tilespmem:s3+$0x10] =	vst v10  }
0x408: {  	v10 =	vld [tilespmem:s1+$0x41A0];
	_ =	sdelay $0x4  }
0x409: {  	[tilespmem:s3+$0x20] =	vst v10  }
0x40a: {  	v10 =	vld [tilespmem:s1+$0x41B0];
	_ =	sdelay $0x4  }
0x40b: {  	[tilespmem:s3+$0x30] =	vst v10  }
0x40c: {  	v10 =	vld [tilespmem:s1+$0x41C0];
	_ =	sdelay $0x4  }
0x40d: {  	[tilespmem:s3+$0x40] =	vst v10  }
0x40e: {  	v10 =	vld [tilespmem:s1+$0x41D0];
	_ =	sdelay $0x4  }
0x40f: {  	[tilespmem:s3+$0x50] =	vst v10  }
0x410: {  	v10 =	vld [tilespmem:s1+$0x41E0];
	_ =	sdelay $0x4  }
0x411: {  	[tilespmem:s3+$0x60] =	vst v10  }
0x412: {  	v10 =	vld [tilespmem:s1+$0x41F0];
	_ =	sdelay $0x4  }
0x413: {  	[tilespmem:s3+$0x70] =	vst v10  }
0x414: {  	v10 =	vld [tilespmem:s1+$0x4580];
	_ =	sdelay $0x4  }
0x415: {  	[tilespmem:s3+$0x400] =	vst v10  }
0x416: {  	v10 =	vld [tilespmem:s1+$0x4590];
	_ =	sdelay $0x4  }
0x417: {  	[tilespmem:s3+$0x410] =	vst v10  }
0x418: {  	v10 =	vld [tilespmem:s1+$0x45A0];
	_ =	sdelay $0x4  }
0x419: {  	[tilespmem:s3+$0x420] =	vst v10  }
0x41a: {  	v10 =	vld [tilespmem:s1+$0x45B0];
	_ =	sdelay $0x4  }
0x41b: {  	[tilespmem:s3+$0x430] =	vst v10  }
0x41c: {  	v10 =	vld [tilespmem:s1+$0x45C0];
	_ =	sdelay $0x4  }
0x41d: {  	[tilespmem:s3+$0x440] =	vst v10  }
0x41e: {  	v10 =	vld [tilespmem:s1+$0x45D0];
	_ =	sdelay $0x4  }
0x41f: {  	[tilespmem:s3+$0x450] =	vst v10  }
0x420: {  	v10 =	vld [tilespmem:s1+$0x45E0];
	_ =	sdelay $0x4  }
0x421: {  	[tilespmem:s3+$0x460] =	vst v10  }
0x422: {  	v10 =	vld [tilespmem:s1+$0x45F0];
	_ =	sdelay $0x3  }
0x423: {  	p1 =	sne.s32 s30, $0x80  }
.Ltmp67:
0x424: {  	s18 =	sshll.u32 s12, $0x3;
	[tilespmem:s3+$0x470] =	vst v10;
	(pc) =	sbr.rel @!p1 .LBB2_88-.Ltmp67, $2  }
0x425: {  	v11 =	vadd.s32 s18, v4;
	v10 =	vld [tilespmem:s1+$0x4980];
	_ =	sdelay $0x2  }
0x426: {  	s28 =	smov.u32 s0;
	s2 =	simm.s32 $0x80  }
.LBB2_87:
0x427: {  	s31 =	sadd.s32 $0x1, s31  }
0x428: {  	[tilespmem:v11+s17+$0x0] =	vst.idx.msk $0xff, v10;
	s28 =	sadd.s32 $0x1, s28;
	s1 =	smov.u32 s2;
	s2 =	sadd.s32 $0x80, s2  }
0x429: {  	v10 =	vld [tilespmem:s28+$0x0];
	p1 =	sne.s32 s30, s2;
	_ =	sdelay $0x4  }
0x42a: {  	(v2sf) =	vpush v10, $0x0;
	_ =	sdelay $0x8  }
0x42b: {  	s3 =	sshrl.u32 s31, $0x3  }
0x42c: {  	s3 =	smul.u32 $0x3000, s3;
	_ =	sdelay $0x1  }
0x42d: {  	s1 =	sand.u32 $0x380, s1;
	s3 =	sshra.s32 s3, $0x2  }
0x42e: {  	s1 =	sor.u32 s1, s3  }
0x42f: {  	v10 =	vld [tilespmem:s1+$0x4180]  }
0x430: {  	s3 =	spop (v2sf)  }
0x431: {  	s4 =	sshll.u32 s3, $0x8;
	s5 =	sshll.u32 s3, $0x7;
	s11 =	sshll.u32 s3, $0x3  }
0x432: {  	s3 =	sand.u32 $0xFFFFF800, s4;
	s4 =	sand.u32 $0x380, s5  }
0x433: {  	s3 =	sor.u32 s4, s3  }
0x434: {  	[tilespmem:s3+$0x12180] =	vst v10  }
0x435: {  	v10 =	vld [tilespmem:s1+$0x4190];
	_ =	sdelay $0x3  }
0x436: {  	s12 =	sadd.s32 $0x12180, s3  }
0x437: {  	[tilespmem:s12+$0x10] =	vst v10  }
0x438: {  	v10 =	vld [tilespmem:s1+$0x41A0];
	_ =	sdelay $0x4  }
0x439: {  	[tilespmem:s12+$0x20] =	vst v10  }
0x43a: {  	v10 =	vld [tilespmem:s1+$0x41B0];
	_ =	sdelay $0x4  }
0x43b: {  	[tilespmem:s12+$0x30] =	vst v10  }
0x43c: {  	v10 =	vld [tilespmem:s1+$0x41C0];
	_ =	sdelay $0x4  }
0x43d: {  	[tilespmem:s12+$0x40] =	vst v10  }
0x43e: {  	v10 =	vld [tilespmem:s1+$0x41D0];
	_ =	sdelay $0x4  }
0x43f: {  	[tilespmem:s12+$0x50] =	vst v10  }
0x440: {  	v10 =	vld [tilespmem:s1+$0x41E0];
	_ =	sdelay $0x4  }
0x441: {  	[tilespmem:s12+$0x60] =	vst v10  }
0x442: {  	v10 =	vld [tilespmem:s1+$0x41F0];
	_ =	sdelay $0x4  }
0x443: {  	[tilespmem:s12+$0x70] =	vst v10  }
0x444: {  	v10 =	vld [tilespmem:s1+$0x4580];
	_ =	sdelay $0x4  }
0x445: {  	[tilespmem:s12+$0x400] =	vst v10  }
0x446: {  	v10 =	vld [tilespmem:s1+$0x4590];
	_ =	sdelay $0x4  }
0x447: {  	[tilespmem:s12+$0x410] =	vst v10  }
0x448: {  	v10 =	vld [tilespmem:s1+$0x45A0];
	_ =	sdelay $0x4  }
0x449: {  	[tilespmem:s12+$0x420] =	vst v10  }
0x44a: {  	v10 =	vld [tilespmem:s1+$0x45B0];
	_ =	sdelay $0x4  }
0x44b: {  	[tilespmem:s12+$0x430] =	vst v10  }
0x44c: {  	v10 =	vld [tilespmem:s1+$0x45C0];
	_ =	sdelay $0x4  }
0x44d: {  	[tilespmem:s12+$0x440] =	vst v10  }
0x44e: {  	v10 =	vld [tilespmem:s1+$0x45D0];
	_ =	sdelay $0x4  }
0x44f: {  	[tilespmem:s12+$0x450] =	vst v10  }
0x450: {  	v10 =	vld [tilespmem:s1+$0x45E0];
	_ =	sdelay $0x4  }
0x451: {  	[tilespmem:s12+$0x460] =	vst v10  }
0x452: {  	v10 =	vld [tilespmem:s1+$0x45F0];
	_ =	sdelay $0x1  }
.Ltmp68:
0x453: {  	(pc) =	sbr.rel @p1 .LBB2_87-.Ltmp68, $3  }
0x454: {  	_ =	sdelay $0x1  }
0x455: {  	[tilespmem:s12+$0x470] =	vst v10  }
0x456: {  	v11 =	vadd.s32 s11, v4;
	v10 =	vld [tilespmem:s1+$0x4980]  }
.Ltmp69:
0x457: {  	_ = 	snop;
	(pc) =	sbr.rel .LBB2_88-.Ltmp69, $1  }
0x458: {  	_ =	sdelay $0x3  }
.LBB2_78:
.Ltmp70:
0x459: {  	(pc) =	sbr.rel .LBB2_82-.Ltmp70, $2  }
0x45a: {  	_ =	sdelay $0x2  }
0x45b: {  	s12 =	simm.s32 $0x4980  }
.LBB2_80:
.Ltmp71:
0x45c: {  	(pc) =	sbr.rel .LBB2_82-.Ltmp71, $2  }
0x45d: {  	_ =	sdelay $0x2  }
0x45e: {  	s12 =	simm.s32 $0x4980  }
.LBB2_90:
0x45f: {  	p1 =	slt.s32 s24, $0x100;
	s0 =	smov.u32 s24  }
0x460: {  	s0 =	simm.s32 @!p1 $0x100  }
0x461: {  	s0 =	sadd.s32 $0xF, s0  }
0x462: {  	s1 =	sand.u32 $0xF, s0  }
0x463: {  	p2 =	slt.s32 s24, $0xFFFFFFF2;
	s31 =	sshra.s32 s0, $0x1F;
	p6 =	sne.s32 s1, $0x0  }
0x464: {  	s1 =	sshrl.u32 s31, $0x1C;
	p1 =	por !p2, !p6  }
0x465: {  	s0 =	sadd.s32 s1, s0;
	s1 =	simm.s32 $0x1;
	p1 =	por !p1, !p1  }
0x466: {  	s0 =	sshra.s32 s0, $0x4;
	s1 =	simm.s32 @!p1 $0x0  }
0x467: {  	s1 =	ssub.s32 s0, s1  }
0x468: {  	p1 =	slt.s32 s1, $0x1  }
.Ltmp72:
0x469: {  	_ = 	snop;
	(pc) =	sbr.rel @p1 .LBB2_93-.Ltmp72, $1  }
0x46a: {  	_ =	sdelay $0x3  }
0x46b: {  	s0 =	simm.s32 $0x3100  }
0x46c: {  	p1 =	sne.s32 s1, $0x1;
	v10 =	vld [tilespmem:s0+$0x0]  }
.Ltmp73:
0x46d: {  	_ = 	snop;
	(pc) =	sbr.rel @!p1 .LBB2_93-.Ltmp73, $3  }
0x46e: {  	_ =	sdelay $0x1  }
0x46f: {  	s0 =	simm.s32 $0x1F800  }
0x470: {  	s1 =	sadd.s32 $0xFFFFFFFF, s1;
	s2 =	simm.s32 $0x3110;
	[tilespmem:s0+$0x0] =	vst v10  }
.LBB2_92:
0x471: {  	v10 =	vld [tilespmem:s2+$0x0];
	p1 =	sne.s32 s1, $0x1;
	s1 =	sadd.s32 $0xFFFFFFFF, s1  }
.Ltmp74:
0x472: {  	(pc) =	sbr.rel @p1 .LBB2_92-.Ltmp74, $3  }
0x473: {  	_ =	sdelay $0x1  }
0x474: {  	s0 =	sadd.s32 $0x10, s0  }
0x475: {  	s2 =	sadd.s32 $0x10, s2;
	[tilespmem:s0+$0x0] =	vst v10  }
.Ltmp75:
0x476: {  	_ = 	snop;
	(pc) =	sbr.rel .LBB2_93-.Ltmp75, $1  }
0x477: {  	_ =	sdelay $0x3  }
.LBB2_8:
.Ltmp76:
0x478: {  	(pc) =	sbr.rel .LBB2_12-.Ltmp76, $2  }
0x479: {  	_ =	sdelay $0x2  }
0x47a: {  	s1 =	simm.s32 $0x0;
	s11 =	simm.s32 $0x0  }
.LBB2_15:
.Ltmp77:
0x47b: {  	(pc) =	sbr.rel .LBB2_19-.Ltmp77, $2  }
0x47c: {  	_ =	sdelay $0x2  }
0x47d: {  	s1 =	simm.s32 $0x4980  }
.LBB2_52:
.Ltmp78:
0x47e: {  	(pc) =	sbr.rel .LBB2_56-.Ltmp78, $2  }
0x47f: {  	_ =	sdelay $0x2  }
0x480: {  	s1 =	simm.s32 $0x0;
	s11 =	simm.s32 $0x0  }
.LBB2_59:
.Ltmp79:
0x481: {  	(pc) =	sbr.rel .LBB2_63-.Ltmp79, $2  }
0x482: {  	_ =	sdelay $0x2  }
0x483: {  	s1 =	simm.s32 $0x4980  }
.LBB2_10:
.Ltmp80:
0x484: {  	(pc) =	sbr.rel .LBB2_12-.Ltmp80, $2  }
0x485: {  	_ =	sdelay $0x2  }
0x486: {  	s1 =	simm.s32 $0x0;
	s11 =	simm.s32 $0x0  }
.LBB2_17:
.Ltmp81:
0x487: {  	(pc) =	sbr.rel .LBB2_19-.Ltmp81, $2  }
0x488: {  	_ =	sdelay $0x2  }
0x489: {  	s1 =	simm.s32 $0x4980  }
.LBB2_54:
.Ltmp82:
0x48a: {  	(pc) =	sbr.rel .LBB2_56-.Ltmp82, $2  }
0x48b: {  	_ =	sdelay $0x2  }
0x48c: {  	s1 =	simm.s32 $0x0;
	s11 =	simm.s32 $0x0  }
.LBB2_61:
.Ltmp83:
0x48d: {  	(pc) =	sbr.rel .LBB2_63-.Ltmp83, $2  }
0x48e: {  	_ =	sdelay $0x2  }
0x48f: {  	s1 =	simm.s32 $0x4980  }
.LBB2_95:
0x490: {  	_ =	sfence.sel $0x180000  }
0x491: {  	[bflag:$0x0] =	sbarrier.arrive $0xFFFF  }
0x492: {  	_ =	strace $0x90000047  }
0x493: {  	s0 =	stileid.u32;
	[bflag:$0x2] =	sbarrier.arrive $0xFFFF  }
0x494: {  	p0 =	sne.s32 s0, $0x0;
	s0 =	rddreg [dreg:$0x4]  }
0x495: {  	s0 =	sadd.s32 @!p0 $0x100000, s0  }
0x496: {  	[sflag:s0] =	ssyncadd.tile.s32 @!p0 $0x1;
	_ =	shalt  }
.Lfunc_end2:
_tile_overlayer_lowered:
.L_overlay_start_2:
0x497: {  	(tag) =	ssettag $0x2  }
0x498: {  	s0 =	rddreg [dreg:$0x0];
	s2 =	stileid.u32  }
0x499: {  	s1 =	rddreg [dreg:$0x1];
	p0 =	sne.s32 s2, $0x0  }
0x49a: {  	s3 =	rddreg [dreg:$0x2];
	[bflag:$0x3] =	sbarrier.arrive $0xFFFF;
	s2 =	simm.s32 @!p0 $0x1C04  }
0x49b: {  	[timem:s3], [sflag:s2] =	dma.local @!p0 [hbm:s0], s1  }
0x49c: {  	s0 =	simm.s32 @!p0 $0x4  }
0x49d: {  	_ =	swait.ge @!p0 [sflag:s0], s1  }
0x49e: {  	s1 =	ssub.s32 @!p0 $0x0, s1;
	[sflag:s0] =	ssyncset.done @!p0 $0x0  }
0x49f: {  	[sflag:s0] =	ssyncadd.s32 @!p0 s1  }
0x4a0: {  	[bflag:$0x3] =	sbarrier.arrive $0xFFFF  }
0x4a1: {  	_ =	shalt  }

</sc_bundles>
